<compile_context>
chip_gen: v7x
topology: tpu7x:2x2x1
jax: 0.10.2.dev20260603
libtpu: 0.0.44.dev20260713+nightly
codegen_flags: <defaults>
</compile_context>

<pallas_src>
import functools

import jax
import jax.numpy as jnp
from jax import lax
from jax.experimental import pallas as pl
from jax.experimental.pallas import tpu as pltpu
from jax.experimental.pallas import tpu_sc as plsc

BATCH = 4096
SEQ = 2050
NUM_BANDS = 16
BAND_ROWS = 2048 // NUM_BANDS
HALF = BATCH // 2
CHUNK = 8
CHUNKS = BAND_ROWS // CHUNK
VECS = HALF // 16
POS_CONST = (4, 1, 2, 3, 4, 1, 2, 3)


def _make_kernel():
    mesh = plsc.VectorSubcoreMesh(core_axis_name="c", subcore_axis_name="s")
    out = jax.ShapeDtypeStruct((SEQ, BATCH), jnp.int32)
    buf = pltpu.VMEM((CHUNK, HALF), jnp.int32)

    @functools.partial(
        pl.kernel,
        mesh=mesh,
        out_type=[out, out],
        scratch_types=[buf] * 7 + [pltpu.SemaphoreType.DMA((3,)),
                                   pltpu.SemaphoreType.DMA((2,))],
        compiler_params=pltpu.CompilerParams(needs_layout_passes=False),
    )
    def run(x_hbm, p_hbm, r_hbm, in0, in1, in2, p0, p1, r0, r1, si, so):
        ins, ps, rs = (in0, in1, in2), (p0, p1), (r0, r1)
        wid = lax.axis_index("s") * 2 + lax.axis_index("c")
        band = wid >> 1
        col0 = (wid & 1) * HALF
        row_base = band * BAND_ROWS
        zero = jnp.zeros((16,), jnp.int32)

        def in_cp(t, b):
            return pltpu.make_async_copy(
                x_hbm.at[pl.ds(row_base + t * CHUNK, CHUNK),
                         pl.ds(col0, HALF)],
                ins[b], si.at[b])

        def outp_cp(t, b):
            return pltpu.make_async_copy(
                ps[b], p_hbm.at[pl.ds(row_base + t * CHUNK, CHUNK),
                                pl.ds(col0, HALF)], so.at[b])

        def outr_cp(t, b):
            return pltpu.make_async_copy(
                rs[b], r_hbm.at[pl.ds(row_base + t * CHUNK, CHUNK),
                                pl.ds(col0, HALF)], so.at[b])

        def compute(bi, bp, bo):
            in_v, prev_v = ins[bi], ins[bp]
            p_v, r_v = ps[bo], rs[bo]

            @plsc.parallel_loop(0, VECS, unroll=4)
            def vec_body(i):
                off = i * 16
                xs = [in_v[rr, pl.ds(off, 16)] for rr in range(CHUNK)]
                xp5 = prev_v[5, pl.ds(off, 16)]
                rbt_a = jnp.where(xs[1] >= 2, xs[1], zero)
                rbt_b = jnp.where(xs[5] >= 2, xs[5], zero)
                rbt_c = jnp.where(xp5 >= 2, xp5, zero)
                for rr in range(CHUNK):
                    p_v[rr, pl.ds(off, 16)] = jnp.where(
                        xs[rr] >= 2, POS_CONST[rr], 0)
                r_v[0, pl.ds(off, 16)] = rbt_c
                r_v[1, pl.ds(off, 16)] = zero
                r_v[2, pl.ds(off, 16)] = rbt_a
                r_v[3, pl.ds(off, 16)] = rbt_a
                r_v[4, pl.ds(off, 16)] = rbt_a
                r_v[5, pl.ds(off, 16)] = zero
                r_v[6, pl.ds(off, 16)] = rbt_b
                r_v[7, pl.ds(off, 16)] = rbt_b

        prev_base = jnp.where(band == 0, 0, row_base - CHUNK)
        pltpu.async_copy(
            x_hbm.at[pl.ds(prev_base, CHUNK), pl.ds(col0, HALF)],
            ins[2], si.at[2]).wait()
        in_cp(0, 0).start()

        @pl.loop(0, 18, step=6)
        def _(ts):
            for b in range(6):
                t = ts + b
                bi, bo = b % 3, b % 2

                @pl.when(t < CHUNKS)
                def _():
                    @pl.when(t + 1 < CHUNKS)
                    def _():
                        in_cp(t + 1, (bi + 1) % 3).start()

                    in_cp(t, bi).wait()

                    @pl.when(t >= 2)
                    def _():
                        outp_cp(t - 2, bo).wait()
                        outr_cp(t - 2, bo).wait()

                    compute(bi, (bi + 2) % 3, bo)

                    @pl.when((band == 0) & (t == 0))
                    def _():
                        @plsc.parallel_loop(0, VECS, unroll=4)
                        def z0(i):
                            ps[0][0, pl.ds(i * 16, 16)] = zero
                            rs[0][0, pl.ds(i * 16, 16)] = zero

                    outp_cp(t, bo).start()
                    outr_cp(t, bo).start()

        outp_cp(CHUNKS - 2, 0).wait()
        outr_cp(CHUNKS - 2, 0).wait()
        outp_cp(CHUNKS - 1, 1).wait()
        outr_cp(CHUNKS - 1, 1).wait()

        @pl.when(band == NUM_BANDS - 1)
        def _():
            pltpu.async_copy(
                x_hbm.at[pl.ds(2048, 2), pl.ds(col0, HALF)],
                ins[1].at[pl.ds(0, 2)], si.at[1]).wait()

            @plsc.parallel_loop(0, VECS, unroll=4)
            def tail_body(i):
                off = i * 16
                x = ins[1][0, pl.ds(off, 16)]
                tok = ins[0][5, pl.ds(off, 16)]
                ps[0][0, pl.ds(off, 16)] = jnp.where(x >= 2, 4, 0)
                rs[0][0, pl.ds(off, 16)] = jnp.where(tok >= 2, tok, zero)
                ps[0][1, pl.ds(off, 16)] = zero
                rs[0][1, pl.ds(off, 16)] = zero
            pltpu.sync_copy(ps[0].at[pl.ds(0, 2)],
                            p_hbm.at[pl.ds(2048, 2), pl.ds(col0, HALF)])
            pltpu.sync_copy(rs[0].at[pl.ds(0, 2)],
                            r_hbm.at[pl.ds(2048, 2), pl.ds(col0, HALF)])

    return run


_RUN = _make_kernel()


def kernel(input_id_sequence):
    pt, rt = _RUN(input_id_sequence.T)
    return (pt.T, rt.T)

# --- scband reference (transcript-rebuilt; emitter-appended) ---
"""Pipeline reference for scband-pbaencoder-router-40029095199341 (READ-ONLY COPY).

The authoritative reference and input builder live on the scoring server;
editing this copy changes nothing except your own understanding.
"""

import jax, jax.numpy as jnp
import numpy as np

NUM_ITEMS = 512
NUM_POSITIONS = 4
EOS = 1
PAD = 0
BATCH = 4096
SEQ = NUM_ITEMS * NUM_POSITIONS + 2  # 2050
VOCAB = 100000


def setup_inputs(seed: int = 0) -> dict:
    key = jax.random.key(seed)
    input_id_sequence = jax.random.randint(key, (BATCH, SEQ), 0, VOCAB, dtype=jnp.int32)
    return {"input_id_sequence": input_id_sequence}


def reference(input_id_sequence):
    batch_size, seq_length = input_id_sequence.shape
    # pre_generated_position_index: [0, (1..num_positions) repeated num_items, 0]
    pre = jnp.concatenate([
        jnp.zeros((1,), dtype=jnp.int32),
        jnp.tile(jnp.arange(NUM_POSITIONS, dtype=jnp.int32) + 1, NUM_ITEMS),
        jnp.zeros((1,), dtype=jnp.int32),
    ])
    behavior_indices = jnp.arange(0, NUM_ITEMS * NUM_POSITIONS, NUM_POSITIONS, dtype=jnp.int32) + 1

    # position index, zeroed at pad/eos positions (scatter-overwrite by boolean mask)
    position_index = jnp.tile(pre[None, :], (batch_size, 1))
    mask = (input_id_sequence == PAD) | (input_id_sequence == EOS)
    position_index = jnp.where(mask, jnp.zeros_like(position_index), position_index)

    # gather behavior tokens at behavior_indices columns
    behavior_tokens = jnp.take(input_id_sequence, behavior_indices, axis=1)
    repeat_behavior_tokens = jnp.repeat(behavior_tokens, NUM_POSITIONS, axis=1)
    zcol = jnp.zeros((batch_size, 1), dtype=repeat_behavior_tokens.dtype)
    repeat_behavior_tokens = jnp.concatenate([zcol, repeat_behavior_tokens, zcol], axis=1)
    # scatter-overwrite: zero out the behavior-token columns themselves
    repeat_behavior_tokens = repeat_behavior_tokens.at[:, behavior_indices].set(0)
    # zero out eos tokens
    repeat_behavior_tokens = jnp.where(repeat_behavior_tokens == EOS,
                                       jnp.zeros_like(repeat_behavior_tokens),
                                       repeat_behavior_tokens)
    return (position_index, repeat_behavior_tokens)

if __name__ == "__main__":
    import jax
    _d = setup_inputs()
    print(jax.jit(kernel)(*tuple(_d.values())))

</pallas_src>

<mosaic_0001>
#map = affine_map<(d0, d1) -> (0, 0)>
module attributes {stable_mosaic.version = 14 : i64} {
  func.func @run(%arg0: i32, %arg1: i32, %arg2: memref<2050x4096xi32, #tpu.memory_space<hbm>>, %arg3: memref<2050x4096xi32, #tpu.memory_space<hbm>>, %arg4: memref<2050x4096xi32, #tpu.memory_space<hbm>>, %arg5: memref<8x2048xi32, #tpu.memory_space<vmem>>, %arg6: memref<8x2048xi32, #tpu.memory_space<vmem>>, %arg7: memref<8x2048xi32, #tpu.memory_space<vmem>>, %arg8: memref<8x2048xi32, #tpu.memory_space<vmem>>, %arg9: memref<8x2048xi32, #tpu.memory_space<vmem>>, %arg10: memref<8x2048xi32, #tpu.memory_space<vmem>>, %arg11: memref<8x2048xi32, #tpu.memory_space<vmem>>, %arg12: memref<3x!tpu.dma_semaphore, #tpu.memory_space<semaphore_mem>>, %arg13: memref<2x!tpu.dma_semaphore, #tpu.memory_space<semaphore_mem>>) attributes {dimension_semantics = [#tpu.dimension_semantics<core_parallel>, #tpu.dimension_semantics<subcore_parallel>], iteration_bounds = array<i64: 2, 16>, scalar_prefetch = 0 : i64, scratch_operands = 9 : i64, tpu.core_type = #tpu.core_type<sc_vector_subcore>, window_params = [{transform_indices = #map}, {transform_indices = #map}, {transform_indices = #map}]} {
    %mul3A = arith.constant 2 : i32
    %mul3A_0 = arith.muli %arg1, %mul3A : i32
    %add3A = arith.addi %mul3A_0, %arg0 : i32
    %shift_right_arithmetic3A = arith.constant 1 : i32
    %shift_right_arithmetic3A_1 = arith.shrsi %add3A, %shift_right_arithmetic3A : i32
    %and3A = arith.constant 1 : i32
    %and3A_2 = arith.andi %add3A, %and3A : i32
    %mul3A_3 = arith.constant 2048 : i32
    %mul3A_4 = arith.muli %and3A_2, %mul3A_3 : i32
    %mul3A_5 = arith.constant 128 : i32
    %mul3A_6 = arith.muli %shift_right_arithmetic3A_1, %mul3A_5 : i32
    %broadcast_in_dim3A = arith.constant 0 : i32
    %broadcast_in_dim3A_7 = vector.broadcast %broadcast_in_dim3A : i32 to vector<16xi32>
    %eq3A = arith.constant 0 : i32
    %eq3A_8 = arith.cmpi eq, %shift_right_arithmetic3A_1, %eq3A : i32
    %sub3A = arith.constant 8 : i32
    %sub3A_9 = arith.subi %mul3A_6, %sub3A : i32
    %jit3A = arith.constant 0 : i32
    %select_n3A = arith.select %eq3A_8, %jit3A, %sub3A_9 : i32
    %dma_start3A = arith.constant 2 : i32
    %dma_start3A_10 = tpu.memref_slice %arg2[%select_n3A, %mul3A_4] : memref<2050x4096xi32, #tpu.memory_space<hbm>> -> memref<8x2048xi32, #tpu.memory_space<hbm>>
    %dma_start3A_11 = tpu.memref_slice %arg12[%dma_start3A] : memref<3x!tpu.dma_semaphore, #tpu.memory_space<semaphore_mem>> -> memref<1x!tpu.dma_semaphore, #tpu.memory_space<semaphore_mem>>
    %dma_start3A_12 = tpu.memref_squeeze %dma_start3A_11 : memref<1x!tpu.dma_semaphore, #tpu.memory_space<semaphore_mem>> -> memref<!tpu.dma_semaphore, #tpu.memory_space<semaphore_mem>>
    %dma_start3A_13 = tpu.memref_slice %arg2[%select_n3A, %mul3A_4] : memref<2050x4096xi32, #tpu.memory_space<hbm>> -> memref<8x2048xi32, #tpu.memory_space<hbm>>
    tpu.enqueue_dma source(%dma_start3A_13 : memref<8x2048xi32, #tpu.memory_space<hbm>>) target(%arg7 : memref<8x2048xi32, #tpu.memory_space<vmem>>) target_semaphore(%dma_start3A_12 : memref<!tpu.dma_semaphore, #tpu.memory_space<semaphore_mem>>)
    %dma_wait3A = arith.constant 2 : i32
    %dma_wait3A_14 = tpu.memref_slice %arg2[%select_n3A, %mul3A_4] : memref<2050x4096xi32, #tpu.memory_space<hbm>> -> memref<8x2048xi32, #tpu.memory_space<hbm>>
    %dma_wait3A_15 = tpu.memref_slice %arg12[%dma_wait3A] : memref<3x!tpu.dma_semaphore, #tpu.memory_space<semaphore_mem>> -> memref<1x!tpu.dma_semaphore, #tpu.memory_space<semaphore_mem>>
    %dma_wait3A_16 = tpu.memref_squeeze %dma_wait3A_15 : memref<1x!tpu.dma_semaphore, #tpu.memory_space<semaphore_mem>> -> memref<!tpu.dma_semaphore, #tpu.memory_space<semaphore_mem>>
    %dma_wait3A_17 = tpu.memref_slice %arg2[%select_n3A, %mul3A_4] : memref<2050x4096xi32, #tpu.memory_space<hbm>> -> memref<8x2048xi32, #tpu.memory_space<hbm>>
    tpu.wait_dma2 semaphore(%dma_wait3A_16 : memref<!tpu.dma_semaphore, #tpu.memory_space<semaphore_mem>>) src(%dma_wait3A_17 : memref<8x2048xi32, #tpu.memory_space<hbm>>) dst(%arg7 : memref<8x2048xi32, #tpu.memory_space<vmem>>)
    %add3A_18 = arith.constant 0 : i32
    %add3A_19 = arith.addi %mul3A_6, %add3A_18 : i32
    %dma_start3A_20 = arith.constant 0 : i32
    %dma_start3A_21 = tpu.memref_slice %arg2[%add3A_19, %mul3A_4] : memref<2050x4096xi32, #tpu.memory_space<hbm>> -> memref<8x2048xi32, #tpu.memory_space<hbm>>
    %dma_start3A_22 = tpu.memref_slice %arg12[%dma_start3A_20] : memref<3x!tpu.dma_semaphore, #tpu.memory_space<semaphore_mem>> -> memref<1x!tpu.dma_semaphore, #tpu.memory_space<semaphore_mem>>
    %dma_start3A_23 = tpu.memref_squeeze %dma_start3A_22 : memref<1x!tpu.dma_semaphore, #tpu.memory_space<semaphore_mem>> -> memref<!tpu.dma_semaphore, #tpu.memory_space<semaphore_mem>>
    %dma_start3A_24 = tpu.memref_slice %arg2[%add3A_19, %mul3A_4] : memref<2050x4096xi32, #tpu.memory_space<hbm>> -> memref<8x2048xi32, #tpu.memory_space<hbm>>
    tpu.enqueue_dma source(%dma_start3A_24 : memref<8x2048xi32, #tpu.memory_space<hbm>>) target(%arg5 : memref<8x2048xi32, #tpu.memory_space<vmem>>) target_semaphore(%dma_start3A_23 : memref<!tpu.dma_semaphore, #tpu.memory_space<semaphore_mem>>)
    %scan3A = arith.constant 0 : i32
    %scan3A_25 = arith.constant 3 : i32
    %scan3A_26 = arith.addi %scan3A, %scan3A_25 : i32
    %scan3A_27 = arith.constant 1 : i32
    scf.for %scan3A_60 = %scan3A to %scan3A_26 step %scan3A_27  : i32 {
      %mul3A_61 = arith.constant 6 : i32
      %mul3A_62 = arith.muli %scan3A_60, %mul3A_61 : i32
      %add3A_63 = arith.constant 0 : i32
      %add3A_64 = arith.addi %add3A_63, %mul3A_62 : i32
      %add3A_65 = arith.constant 0 : i32
      %add3A_66 = arith.addi %add3A_64, %add3A_65 : i32
      %lt3A = arith.constant 16 : i32
      %lt3A_67 = arith.cmpi slt, %add3A_66, %lt3A : i32
      %convert_element_type3A_68 = arith.extui %lt3A_67 : i1 to i32
      %cond3A_69 = arith.constant 0 : i32
      %cond3A_70 = arith.cmpi ne, %convert_element_type3A_68, %cond3A_69 : i32
      scf.if %cond3A_70 {
        %add3A_106 = arith.constant 1 : i32
        %add3A_107 = arith.addi %add3A_66, %add3A_106 : i32
        %lt3A_108 = arith.constant 16 : i32
        %lt3A_109 = arith.cmpi slt, %add3A_107, %lt3A_108 : i32
        %convert_element_type3A_110 = arith.extui %lt3A_109 : i1 to i32
        %cond3A_111 = arith.constant 0 : i32
        %cond3A_112 = arith.cmpi ne, %convert_element_type3A_110, %cond3A_111 : i32
        scf.if %cond3A_112 {
          %add3A_151 = arith.constant 1 : i32
          %add3A_152 = arith.addi %add3A_66, %add3A_151 : i32
          %mul3A_153 = arith.constant 8 : i32
          %mul3A_154 = arith.muli %add3A_152, %mul3A_153 : i32
          %add3A_155 = arith.addi %mul3A_6, %mul3A_154 : i32
          %dma_start3A_156 = arith.constant 1 : i32
          %dma_start3A_157 = tpu.memref_slice %arg2[%add3A_155, %mul3A_4] : memref<2050x4096xi32, #tpu.memory_space<hbm>> -> memref<8x2048xi32, #tpu.memory_space<hbm>>
          %dma_start3A_158 = tpu.memref_slice %arg12[%dma_start3A_156] : memref<3x!tpu.dma_semaphore, #tpu.memory_space<semaphore_mem>> -> memref<1x!tpu.dma_semaphore, #tpu.memory_space<semaphore_mem>>
          %dma_start3A_159 = tpu.memref_squeeze %dma_start3A_158 : memref<1x!tpu.dma_semaphore, #tpu.memory_space<semaphore_mem>> -> memref<!tpu.dma_semaphore, #tpu.memory_space<semaphore_mem>>
          %dma_start3A_160 = tpu.memref_slice %arg2[%add3A_155, %mul3A_4] : memref<2050x4096xi32, #tpu.memory_space<hbm>> -> memref<8x2048xi32, #tpu.memory_space<hbm>>
          tpu.enqueue_dma source(%dma_start3A_160 : memref<8x2048xi32, #tpu.memory_space<hbm>>) target(%arg6 : memref<8x2048xi32, #tpu.memory_space<vmem>>) target_semaphore(%dma_start3A_159 : memref<!tpu.dma_semaphore, #tpu.memory_space<semaphore_mem>>)
        } else {
        }
        %mul3A_113 = arith.constant 8 : i32
        %mul3A_114 = arith.muli %add3A_66, %mul3A_113 : i32
        %add3A_115 = arith.addi %mul3A_6, %mul3A_114 : i32
        %dma_wait3A_116 = arith.constant 0 : i32
        %dma_wait3A_117 = tpu.memref_slice %arg2[%add3A_115, %mul3A_4] : memref<2050x4096xi32, #tpu.memory_space<hbm>> -> memref<8x2048xi32, #tpu.memory_space<hbm>>
        %dma_wait3A_118 = tpu.memref_slice %arg12[%dma_wait3A_116] : memref<3x!tpu.dma_semaphore, #tpu.memory_space<semaphore_mem>> -> memref<1x!tpu.dma_semaphore, #tpu.memory_space<semaphore_mem>>
        %dma_wait3A_119 = tpu.memref_squeeze %dma_wait3A_118 : memref<1x!tpu.dma_semaphore, #tpu.memory_space<semaphore_mem>> -> memref<!tpu.dma_semaphore, #tpu.memory_space<semaphore_mem>>
        %dma_wait3A_120 = tpu.memref_slice %arg2[%add3A_115, %mul3A_4] : memref<2050x4096xi32, #tpu.memory_space<hbm>> -> memref<8x2048xi32, #tpu.memory_space<hbm>>
        tpu.wait_dma2 semaphore(%dma_wait3A_119 : memref<!tpu.dma_semaphore, #tpu.memory_space<semaphore_mem>>) src(%dma_wait3A_120 : memref<8x2048xi32, #tpu.memory_space<hbm>>) dst(%arg5 : memref<8x2048xi32, #tpu.memory_space<vmem>>)
        %ge3A = arith.constant 2 : i32
        %ge3A_121 = arith.cmpi sge, %add3A_66, %ge3A : i32
        %convert_element_type3A_122 = arith.extui %ge3A_121 : i1 to i32
        %cond3A_123 = arith.constant 0 : i32
        %cond3A_124 = arith.cmpi ne, %convert_element_type3A_122, %cond3A_123 : i32
        scf.if %cond3A_124 {
          %sub3A_151 = arith.constant 2 : i32
          %sub3A_152 = arith.subi %add3A_66, %sub3A_151 : i32
          %mul3A_153 = arith.constant 8 : i32
          %mul3A_154 = arith.muli %sub3A_152, %mul3A_153 : i32
          %add3A_155 = arith.addi %mul3A_6, %mul3A_154 : i32
          %dma_wait3A_156 = arith.constant 0 : i32
          %dma_wait3A_157 = tpu.memref_slice %arg3[%add3A_155, %mul3A_4] : memref<2050x4096xi32, #tpu.memory_space<hbm>> -> memref<8x2048xi32, #tpu.memory_space<hbm>>
          %dma_wait3A_158 = tpu.memref_slice %arg13[%dma_wait3A_156] : memref<2x!tpu.dma_semaphore, #tpu.memory_space<semaphore_mem>> -> memref<1x!tpu.dma_semaphore, #tpu.memory_space<semaphore_mem>>
          %dma_wait3A_159 = tpu.memref_squeeze %dma_wait3A_158 : memref<1x!tpu.dma_semaphore, #tpu.memory_space<semaphore_mem>> -> memref<!tpu.dma_semaphore, #tpu.memory_space<semaphore_mem>>
          %dma_wait3A_160 = tpu.memref_slice %arg3[%add3A_155, %mul3A_4] : memref<2050x4096xi32, #tpu.memory_space<hbm>> -> memref<8x2048xi32, #tpu.memory_space<hbm>>
          tpu.wait_dma2 semaphore(%dma_wait3A_159 : memref<!tpu.dma_semaphore, #tpu.memory_space<semaphore_mem>>) src(%arg8 : memref<8x2048xi32, #tpu.memory_space<vmem>>) dst(%dma_wait3A_160 : memref<8x2048xi32, #tpu.memory_space<hbm>>)
          %sub3A_161 = arith.constant 2 : i32
          %sub3A_162 = arith.subi %add3A_66, %sub3A_161 : i32
          %mul3A_163 = arith.constant 8 : i32
          %mul3A_164 = arith.muli %sub3A_162, %mul3A_163 : i32
          %add3A_165 = arith.addi %mul3A_6, %mul3A_164 : i32
          %dma_wait3A_166 = arith.constant 0 : i32
          %dma_wait3A_167 = tpu.memref_slice %arg4[%add3A_165, %mul3A_4] : memref<2050x4096xi32, #tpu.memory_space<hbm>> -> memref<8x2048xi32, #tpu.memory_space<hbm>>
          %dma_wait3A_168 = tpu.memref_slice %arg13[%dma_wait3A_166] : memref<2x!tpu.dma_semaphore, #tpu.memory_space<semaphore_mem>> -> memref<1x!tpu.dma_semaphore, #tpu.memory_space<semaphore_mem>>
          %dma_wait3A_169 = tpu.memref_squeeze %dma_wait3A_168 : memref<1x!tpu.dma_semaphore, #tpu.memory_space<semaphore_mem>> -> memref<!tpu.dma_semaphore, #tpu.memory_space<semaphore_mem>>
          %dma_wait3A_170 = tpu.memref_slice %arg4[%add3A_165, %mul3A_4] : memref<2050x4096xi32, #tpu.memory_space<hbm>> -> memref<8x2048xi32, #tpu.memory_space<hbm>>
          tpu.wait_dma2 semaphore(%dma_wait3A_169 : memref<!tpu.dma_semaphore, #tpu.memory_space<semaphore_mem>>) src(%arg10 : memref<8x2048xi32, #tpu.memory_space<vmem>>) dst(%dma_wait3A_170 : memref<8x2048xi32, #tpu.memory_space<hbm>>)
        } else {
        }
        %parallel_loop3A = arith.constant 0 : i32
        %parallel_loop3A_125 = arith.constant 128 : i32
        %parallel_loop3A_126 = arith.constant 1 : i32
        scf.for %parallel_loop3A_151 = %parallel_loop3A to %parallel_loop3A_125 step %parallel_loop3A_126  : i32 {
          %parallel_loop3A_152 = arith.constant 16 : i32
          %parallel_loop3A_153 = arith.muli %parallel_loop3A_151, %parallel_loop3A_152 : i32
          %parallel_loop3A_154 = arith.constant 0 : i32
          %parallel_loop3A_155 = arith.index_cast %parallel_loop3A_154 : i32 to index
          %parallel_loop3A_156 = arith.index_cast %parallel_loop3A_153 : i32 to index
          %parallel_loop3A_157 = tpu.vector_load %arg5[%parallel_loop3A_155, %parallel_loop3A_156] {strides = array<i32>} : memref<8x2048xi32, #tpu.memory_space<vmem>>, vector<16xi32>,
          %parallel_loop3A_158 = arith.constant 1 : i32
          %parallel_loop3A_159 = arith.index_cast %parallel_loop3A_158 : i32 to index
          %parallel_loop3A_160 = arith.index_cast %parallel_loop3A_153 : i32 to index
          %parallel_loop3A_161 = tpu.vector_load %arg5[%parallel_loop3A_159, %parallel_loop3A_160] {strides = array<i32>} : memref<8x2048xi32, #tpu.memory_space<vmem>>, vector<16xi32>,
          %parallel_loop3A_162 = arith.constant 2 : i32
          %parallel_loop3A_163 = arith.index_cast %parallel_loop3A_162 : i32 to index
          %parallel_loop3A_164 = arith.index_cast %parallel_loop3A_153 : i32 to index
          %parallel_loop3A_165 = tpu.vector_load %arg5[%parallel_loop3A_163, %parallel_loop3A_164] {strides = array<i32>} : memref<8x2048xi32, #tpu.memory_space<vmem>>, vector<16xi32>,
          %parallel_loop3A_166 = arith.constant 3 : i32
          %parallel_loop3A_167 = arith.index_cast %parallel_loop3A_166 : i32 to index
          %parallel_loop3A_168 = arith.index_cast %parallel_loop3A_153 : i32 to index
          %parallel_loop3A_169 = tpu.vector_load %arg5[%parallel_loop3A_167, %parallel_loop3A_168] {strides = array<i32>} : memref<8x2048xi32, #tpu.memory_space<vmem>>, vector<16xi32>,
          %parallel_loop3A_170 = arith.constant 4 : i32
          %parallel_loop3A_171 = arith.index_cast %parallel_loop3A_170 : i32 to index
          %parallel_loop3A_172 = arith.index_cast %parallel_loop3A_153 : i32 to index
          %parallel_loop3A_173 = tpu.vector_load %arg5[%parallel_loop3A_171, %parallel_loop3A_172] {strides = array<i32>} : memref<8x2048xi32, #tpu.memory_space<vmem>>, vector<16xi32>,
          %parallel_loop3A_174 = arith.constant 5 : i32
          %parallel_loop3A_175 = arith.index_cast %parallel_loop3A_174 : i32 to index
          %parallel_loop3A_176 = arith.index_cast %parallel_loop3A_153 : i32 to index
          %parallel_loop3A_177 = tpu.vector_load %arg5[%parallel_loop3A_175, %parallel_loop3A_176] {strides = array<i32>} : memref<8x2048xi32, #tpu.memory_space<vmem>>, vector<16xi32>,
          %parallel_loop3A_178 = arith.constant 6 : i32
          %parallel_loop3A_179 = arith.index_cast %parallel_loop3A_178 : i32 to index
          %parallel_loop3A_180 = arith.index_cast %parallel_loop3A_153 : i32 to index
          %parallel_loop3A_181 = tpu.vector_load %arg5[%parallel_loop3A_179, %parallel_loop3A_180] {strides = array<i32>} : memref<8x2048xi32, #tpu.memory_space<vmem>>, vector<16xi32>,
          %parallel_loop3A_182 = arith.constant 7 : i32
          %parallel_loop3A_183 = arith.index_cast %parallel_loop3A_182 : i32 to index
          %parallel_loop3A_184 = arith.index_cast %parallel_loop3A_153 : i32 to index
          %parallel_loop3A_185 = tpu.vector_load %arg5[%parallel_loop3A_183, %parallel_loop3A_184] {strides = array<i32>} : memref<8x2048xi32, #tpu.memory_space<vmem>>, vector<16xi32>,
          %parallel_loop3A_186 = arith.constant 5 : i32
          %parallel_loop3A_187 = arith.index_cast %parallel_loop3A_186 : i32 to index
          %parallel_loop3A_188 = arith.index_cast %parallel_loop3A_153 : i32 to index
          %parallel_loop3A_189 = tpu.vector_load %arg7[%parallel_loop3A_187, %parallel_loop3A_188] {strides = array<i32>} : memref<8x2048xi32, #tpu.memory_space<vmem>>, vector<16xi32>,
          %parallel_loop3A_190 = arith.constant 2 : i32
          %parallel_loop3A_191 = vector.broadcast %parallel_loop3A_190 : i32 to vector<16xi32>
          %parallel_loop3A_192 = arith.cmpi sge, %parallel_loop3A_161, %parallel_loop3A_191 : vector<16xi32>
          %parallel_loop3A_193 = arith.select %parallel_loop3A_192, %parallel_loop3A_161, %broadcast_in_dim3A_7 : vector<16xi1>, vector<16xi32>
          %parallel_loop3A_194 = arith.constant 2 : i32
          %parallel_loop3A_195 = vector.broadcast %parallel_loop3A_194 : i32 to vector<16xi32>
          %parallel_loop3A_196 = arith.cmpi sge, %parallel_loop3A_177, %parallel_loop3A_195 : vector<16xi32>
          %parallel_loop3A_197 = arith.select %parallel_loop3A_196, %parallel_loop3A_177, %broadcast_in_dim3A_7 : vector<16xi1>, vector<16xi32>
          %parallel_loop3A_198 = arith.constant 2 : i32
          %parallel_loop3A_199 = vector.broadcast %parallel_loop3A_198 : i32 to vector<16xi32>
          %parallel_loop3A_200 = arith.cmpi sge, %parallel_loop3A_189, %parallel_loop3A_199 : vector<16xi32>
          %parallel_loop3A_201 = arith.select %parallel_loop3A_200, %parallel_loop3A_189, %broadcast_in_dim3A_7 : vector<16xi1>, vector<16xi32>
          %parallel_loop3A_202 = arith.constant 2 : i32
          %parallel_loop3A_203 = vector.broadcast %parallel_loop3A_202 : i32 to vector<16xi32>
          %parallel_loop3A_204 = arith.cmpi sge, %parallel_loop3A_157, %parallel_loop3A_203 : vector<16xi32>
          %parallel_loop3A_205 = arith.constant 4 : i32
          %parallel_loop3A_206 = arith.constant 0 : i32
          %parallel_loop3A_207 = vector.broadcast %parallel_loop3A_205 : i32 to vector<16xi32>
          %parallel_loop3A_208 = vector.broadcast %parallel_loop3A_206 : i32 to vector<16xi32>
          %parallel_loop3A_209 = arith.select %parallel_loop3A_204, %parallel_loop3A_207, %parallel_loop3A_208 : vector<16xi1>, vector<16xi32>
          %parallel_loop3A_210 = arith.constant 0 : i32
          %parallel_loop3A_211 = arith.index_cast %parallel_loop3A_210 : i32 to index
          %parallel_loop3A_212 = arith.index_cast %parallel_loop3A_153 : i32 to index
          %parallel_loop3A_213 = tpu.vector_load %arg8[%parallel_loop3A_211, %parallel_loop3A_212] {strides = array<i32>} : memref<8x2048xi32, #tpu.memory_space<vmem>>, vector<16xi32>,
          tpu.vector_store %arg8[%parallel_loop3A_211, %parallel_loop3A_212], %parallel_loop3A_209 {strides = array<i32>} : memref<8x2048xi32, #tpu.memory_space<vmem>>, vector<16xi32>,
          %parallel_loop3A_214 = arith.constant 2 : i32
          %parallel_loop3A_215 = vector.broadcast %parallel_loop3A_214 : i32 to vector<16xi32>
          %parallel_loop3A_216 = arith.cmpi sge, %parallel_loop3A_161, %parallel_loop3A_215 : vector<16xi32>
          %parallel_loop3A_217 = arith.constant 1 : i32
          %parallel_loop3A_218 = arith.constant 0 : i32
          %parallel_loop3A_219 = vector.broadcast %parallel_loop3A_217 : i32 to vector<16xi32>
          %parallel_loop3A_220 = vector.broadcast %parallel_loop3A_218 : i32 to vector<16xi32>
          %parallel_loop3A_221 = arith.select %parallel_loop3A_216, %parallel_loop3A_219, %parallel_loop3A_220 : vector<16xi1>, vector<16xi32>
          %parallel_loop3A_222 = arith.constant 1 : i32
          %parallel_loop3A_223 = arith.index_cast %parallel_loop3A_222 : i32 to index
          %parallel_loop3A_224 = arith.index_cast %parallel_loop3A_153 : i32 to index
          %parallel_loop3A_225 = tpu.vector_load %arg8[%parallel_loop3A_223, %parallel_loop3A_224] {strides = array<i32>} : memref<8x2048xi32, #tpu.memory_space<vmem>>, vector<16xi32>,
          tpu.vector_store %arg8[%parallel_loop3A_223, %parallel_loop3A_224], %parallel_loop3A_221 {strides = array<i32>} : memref<8x2048xi32, #tpu.memory_space<vmem>>, vector<16xi32>,
          %parallel_loop3A_226 = arith.constant 2 : i32
          %parallel_loop3A_227 = vector.broadcast %parallel_loop3A_226 : i32 to vector<16xi32>
          %parallel_loop3A_228 = arith.cmpi sge, %parallel_loop3A_165, %parallel_loop3A_227 : vector<16xi32>
          %parallel_loop3A_229 = arith.constant 2 : i32
          %parallel_loop3A_230 = arith.constant 0 : i32
          %parallel_loop3A_231 = vector.broadcast %parallel_loop3A_229 : i32 to vector<16xi32>
          %parallel_loop3A_232 = vector.broadcast %parallel_loop3A_230 : i32 to vector<16xi32>
          %parallel_loop3A_233 = arith.select %parallel_loop3A_228, %parallel_loop3A_231, %parallel_loop3A_232 : vector<16xi1>, vector<16xi32>
          %parallel_loop3A_234 = arith.constant 2 : i32
          %parallel_loop3A_235 = arith.index_cast %parallel_loop3A_234 : i32 to index
          %parallel_loop3A_236 = arith.index_cast %parallel_loop3A_153 : i32 to index
          %parallel_loop3A_237 = tpu.vector_load %arg8[%parallel_loop3A_235, %parallel_loop3A_236] {strides = array<i32>} : memref<8x2048xi32, #tpu.memory_space<vmem>>, vector<16xi32>,
          tpu.vector_store %arg8[%parallel_loop3A_235, %parallel_loop3A_236], %parallel_loop3A_233 {strides = array<i32>} : memref<8x2048xi32, #tpu.memory_space<vmem>>, vector<16xi32>,
          %parallel_loop3A_238 = arith.constant 2 : i32
          %parallel_loop3A_239 = vector.broadcast %parallel_loop3A_238 : i32 to vector<16xi32>
          %parallel_loop3A_240 = arith.cmpi sge, %parallel_loop3A_169, %parallel_loop3A_239 : vector<16xi32>
          %parallel_loop3A_241 = arith.constant 3 : i32
          %parallel_loop3A_242 = arith.constant 0 : i32
          %parallel_loop3A_243 = vector.broadcast %parallel_loop3A_241 : i32 to vector<16xi32>
          %parallel_loop3A_244 = vector.broadcast %parallel_loop3A_242 : i32 to vector<16xi32>
          %parallel_loop3A_245 = arith.select %parallel_loop3A_240, %parallel_loop3A_243, %parallel_loop3A_244 : vector<16xi1>, vector<16xi32>
          %parallel_loop3A_246 = arith.constant 3 : i32
          %parallel_loop3A_247 = arith.index_cast %parallel_loop3A_246 : i32 to index
          %parallel_loop3A_248 = arith.index_cast %parallel_loop3A_153 : i32 to index
          %parallel_loop3A_249 = tpu.vector_load %arg8[%parallel_loop3A_247, %parallel_loop3A_248] {strides = array<i32>} : memref<8x2048xi32, #tpu.memory_space<vmem>>, vector<16xi32>,
          tpu.vector_store %arg8[%parallel_loop3A_247, %parallel_loop3A_248], %parallel_loop3A_245 {strides = array<i32>} : memref<8x2048xi32, #tpu.memory_space<vmem>>, vector<16xi32>,
          %parallel_loop3A_250 = arith.constant 2 : i32
          %parallel_loop3A_251 = vector.broadcast %parallel_loop3A_250 : i32 to vector<16xi32>
          %parallel_loop3A_252 = arith.cmpi sge, %parallel_loop3A_173, %parallel_loop3A_251 : vector<16xi32>
          %parallel_loop3A_253 = arith.constant 4 : i32
          %parallel_loop3A_254 = arith.constant 0 : i32
          %parallel_loop3A_255 = vector.broadcast %parallel_loop3A_253 : i32 to vector<16xi32>
          %parallel_loop3A_256 = vector.broadcast %parallel_loop3A_254 : i32 to vector<16xi32>
          %parallel_loop3A_257 = arith.select %parallel_loop3A_252, %parallel_loop3A_255, %parallel_loop3A_256 : vector<16xi1>, vector<16xi32>
          %parallel_loop3A_258 = arith.constant 4 : i32
          %parallel_loop3A_259 = arith.index_cast %parallel_loop3A_258 : i32 to index
          %parallel_loop3A_260 = arith.index_cast %parallel_loop3A_153 : i32 to index
          %parallel_loop3A_261 = tpu.vector_load %arg8[%parallel_loop3A_259, %parallel_loop3A_260] {strides = array<i32>} : memref<8x2048xi32, #tpu.memory_space<vmem>>, vector<16xi32>,
          tpu.vector_store %arg8[%parallel_loop3A_259, %parallel_loop3A_260], %parallel_loop3A_257 {strides = array<i32>} : memref<8x2048xi32, #tpu.memory_space<vmem>>, vector<16xi32>,
          %parallel_loop3A_262 = arith.constant 2 : i32
          %parallel_loop3A_263 = vector.broadcast %parallel_loop3A_262 : i32 to vector<16xi32>
          %parallel_loop3A_264 = arith.cmpi sge, %parallel_loop3A_177, %parallel_loop3A_263 : vector<16xi32>
          %parallel_loop3A_265 = arith.constant 1 : i32
          %parallel_loop3A_266 = arith.constant 0 : i32
          %parallel_loop3A_267 = vector.broadcast %parallel_loop3A_265 : i32 to vector<16xi32>
          %parallel_loop3A_268 = vector.broadcast %parallel_loop3A_266 : i32 to vector<16xi32>
          %parallel_loop3A_269 = arith.select %parallel_loop3A_264, %parallel_loop3A_267, %parallel_loop3A_268 : vector<16xi1>, vector<16xi32>
          %parallel_loop3A_270 = arith.constant 5 : i32
          %parallel_loop3A_271 = arith.index_cast %parallel_loop3A_270 : i32 to index
          %parallel_loop3A_272 = arith.index_cast %parallel_loop3A_153 : i32 to index
          %parallel_loop3A_273 = tpu.vector_load %arg8[%parallel_loop3A_271, %parallel_loop3A_272] {strides = array<i32>} : memref<8x2048xi32, #tpu.memory_space<vmem>>, vector<16xi32>,
          tpu.vector_store %arg8[%parallel_loop3A_271, %parallel_loop3A_272], %parallel_loop3A_269 {strides = array<i32>} : memref<8x2048xi32, #tpu.memory_space<vmem>>, vector<16xi32>,
          %parallel_loop3A_274 = arith.constant 2 : i32
          %parallel_loop3A_275 = vector.broadcast %parallel_loop3A_274 : i32 to vector<16xi32>
          %parallel_loop3A_276 = arith.cmpi sge, %parallel_loop3A_181, %parallel_loop3A_275 : vector<16xi32>
          %parallel_loop3A_277 = arith.constant 2 : i32
          %parallel_loop3A_278 = arith.constant 0 : i32
          %parallel_loop3A_279 = vector.broadcast %parallel_loop3A_277 : i32 to vector<16xi32>
          %parallel_loop3A_280 = vector.broadcast %parallel_loop3A_278 : i32 to vector<16xi32>
          %parallel_loop3A_281 = arith.select %parallel_loop3A_276, %parallel_loop3A_279, %parallel_loop3A_280 : vector<16xi1>, vector<16xi32>
          %parallel_loop3A_282 = arith.constant 6 : i32
          %parallel_loop3A_283 = arith.index_cast %parallel_loop3A_282 : i32 to index
          %parallel_loop3A_284 = arith.index_cast %parallel_loop3A_153 : i32 to index
          %parallel_loop3A_285 = tpu.vector_load %arg8[%parallel_loop3A_283, %parallel_loop3A_284] {strides = array<i32>} : memref<8x2048xi32, #tpu.memory_space<vmem>>, vector<16xi32>,
          tpu.vector_store %arg8[%parallel_loop3A_283, %parallel_loop3A_284], %parallel_loop3A_281 {strides = array<i32>} : memref<8x2048xi32, #tpu.memory_space<vmem>>, vector<16xi32>,
          %parallel_loop3A_286 = arith.constant 2 : i32
          %parallel_loop3A_287 = vector.broadcast %parallel_loop3A_286 : i32 to vector<16xi32>
          %parallel_loop3A_288 = arith.cmpi sge, %parallel_loop3A_185, %parallel_loop3A_287 : vector<16xi32>
          %parallel_loop3A_289 = arith.constant 3 : i32
          %parallel_loop3A_290 = arith.constant 0 : i32
          %parallel_loop3A_291 = vector.broadcast %parallel_loop3A_289 : i32 to vector<16xi32>
          %parallel_loop3A_292 = vector.broadcast %parallel_loop3A_290 : i32 to vector<16xi32>
          %parallel_loop3A_293 = arith.select %parallel_loop3A_288, %parallel_loop3A_291, %parallel_loop3A_292 : vector<16xi1>, vector<16xi32>
          %parallel_loop3A_294 = arith.constant 7 : i32
          %parallel_loop3A_295 = arith.index_cast %parallel_loop3A_294 : i32 to index
          %parallel_loop3A_296 = arith.index_cast %parallel_loop3A_153 : i32 to index
          %parallel_loop3A_297 = tpu.vector_load %arg8[%parallel_loop3A_295, %parallel_loop3A_296] {strides = array<i32>} : memref<8x2048xi32, #tpu.memory_space<vmem>>, vector<16xi32>,
          tpu.vector_store %arg8[%parallel_loop3A_295, %parallel_loop3A_296], %parallel_loop3A_293 {strides = array<i32>} : memref<8x2048xi32, #tpu.memory_space<vmem>>, vector<16xi32>,
          %parallel_loop3A_298 = arith.constant 0 : i32
          %parallel_loop3A_299 = arith.index_cast %parallel_loop3A_298 : i32 to index
          %parallel_loop3A_300 = arith.index_cast %parallel_loop3A_153 : i32 to index
          %parallel_loop3A_301 = tpu.vector_load %arg10[%parallel_loop3A_299, %parallel_loop3A_300] {strides = array<i32>} : memref<8x2048xi32, #tpu.memory_space<vmem>>, vector<16xi32>,
          tpu.vector_store %arg10[%parallel_loop3A_299, %parallel_loop3A_300], %parallel_loop3A_201 {strides = array<i32>} : memref<8x2048xi32, #tpu.memory_space<vmem>>, vector<16xi32>,
          %parallel_loop3A_302 = arith.constant 1 : i32
          %parallel_loop3A_303 = arith.index_cast %parallel_loop3A_302 : i32 to index
          %parallel_loop3A_304 = arith.index_cast %parallel_loop3A_153 : i32 to index
          %parallel_loop3A_305 = tpu.vector_load %arg10[%parallel_loop3A_303, %parallel_loop3A_304] {strides = array<i32>} : memref<8x2048xi32, #tpu.memory_space<vmem>>, vector<16xi32>,
          tpu.vector_store %arg10[%parallel_loop3A_303, %parallel_loop3A_304], %broadcast_in_dim3A_7 {strides = array<i32>} : memref<8x2048xi32, #tpu.memory_space<vmem>>, vector<16xi32>,
          %parallel_loop3A_306 = arith.constant 2 : i32
          %parallel_loop3A_307 = arith.index_cast %parallel_loop3A_306 : i32 to index
          %parallel_loop3A_308 = arith.index_cast %parallel_loop3A_153 : i32 to index
          %parallel_loop3A_309 = tpu.vector_load %arg10[%parallel_loop3A_307, %parallel_loop3A_308] {strides = array<i32>} : memref<8x2048xi32, #tpu.memory_space<vmem>>, vector<16xi32>,
          tpu.vector_store %arg10[%parallel_loop3A_307, %parallel_loop3A_308], %parallel_loop3A_193 {strides = array<i32>} : memref<8x2048xi32, #tpu.memory_space<vmem>>, vector<16xi32>,
          %parallel_loop3A_310 = arith.constant 3 : i32
          %parallel_loop3A_311 = arith.index_cast %parallel_loop3A_310 : i32 to index
          %parallel_loop3A_312 = arith.index_cast %parallel_loop3A_153 : i32 to index
          %parallel_loop3A_313 = tpu.vector_load %arg10[%parallel_loop3A_311, %parallel_loop3A_312] {strides = array<i32>} : memref<8x2048xi32, #tpu.memory_space<vmem>>, vector<16xi32>,
          tpu.vector_store %arg10[%parallel_loop3A_311, %parallel_loop3A_312], %parallel_loop3A_193 {strides = array<i32>} : memref<8x2048xi32, #tpu.memory_space<vmem>>, vector<16xi32>,
          %parallel_loop3A_314 = arith.constant 4 : i32
          %parallel_loop3A_315 = arith.index_cast %parallel_loop3A_314 : i32 to index
          %parallel_loop3A_316 = arith.index_cast %parallel_loop3A_153 : i32 to index
          %parallel_loop3A_317 = tpu.vector_load %arg10[%parallel_loop3A_315, %parallel_loop3A_316] {strides = array<i32>} : memref<8x2048xi32, #tpu.memory_space<vmem>>, vector<16xi32>,
          tpu.vector_store %arg10[%parallel_loop3A_315, %parallel_loop3A_316], %parallel_loop3A_193 {strides = array<i32>} : memref<8x2048xi32, #tpu.memory_space<vmem>>, vector<16xi32>,
          %parallel_loop3A_318 = arith.constant 5 : i32
          %parallel_loop3A_319 = arith.index_cast %parallel_loop3A_318 : i32 to index
          %parallel_loop3A_320 = arith.index_cast %parallel_loop3A_153 : i32 to index
          %parallel_loop3A_321 = tpu.vector_load %arg10[%parallel_loop3A_319, %parallel_loop3A_320] {strides = array<i32>} : memref<8x2048xi32, #tpu.memory_space<vmem>>, vector<16xi32>,
          tpu.vector_store %arg10[%parallel_loop3A_319, %parallel_loop3A_320], %broadcast_in_dim3A_7 {strides = array<i32>} : memref<8x2048xi32, #tpu.memory_space<vmem>>, vector<16xi32>,
          %parallel_loop3A_322 = arith.constant 6 : i32
          %parallel_loop3A_323 = arith.index_cast %parallel_loop3A_322 : i32 to index
          %parallel_loop3A_324 = arith.index_cast %parallel_loop3A_153 : i32 to index
          %parallel_loop3A_325 = tpu.vector_load %arg10[%parallel_loop3A_323, %parallel_loop3A_324] {strides = array<i32>} : memref<8x2048xi32, #tpu.memory_space<vmem>>, vector<16xi32>,
          tpu.vector_store %arg10[%parallel_loop3A_323, %parallel_loop3A_324], %parallel_loop3A_197 {strides = array<i32>} : memref<8x2048xi32, #tpu.memory_space<vmem>>, vector<16xi32>,
          %parallel_loop3A_326 = arith.constant 7 : i32
          %parallel_loop3A_327 = arith.index_cast %parallel_loop3A_326 : i32 to index
          %parallel_loop3A_328 = arith.index_cast %parallel_loop3A_153 : i32 to index
          %parallel_loop3A_329 = tpu.vector_load %arg10[%parallel_loop3A_327, %parallel_loop3A_328] {strides = array<i32>} : memref<8x2048xi32, #tpu.memory_space<vmem>>, vector<16xi32>,
          tpu.vector_store %arg10[%parallel_loop3A_327, %parallel_loop3A_328], %parallel_loop3A_197 {strides = array<i32>} : memref<8x2048xi32, #tpu.memory_space<vmem>>, vector<16xi32>,
        } {sc.loop_unroll_factor = 4 : i64, sc.parallel_access}
        %eq3A_127 = arith.constant 0 : i32
        %eq3A_128 = arith.cmpi eq, %shift_right_arithmetic3A_1, %eq3A_127 : i32
        %eq3A_129 = arith.constant 0 : i32
        %eq3A_130 = arith.cmpi eq, %add3A_66, %eq3A_129 : i32
        %and3A_131 = arith.andi %eq3A_128, %eq3A_130 : i1
        %convert_element_type3A_132 = arith.extui %and3A_131 : i1 to i32
        %cond3A_133 = arith.constant 0 : i32
        %cond3A_134 = arith.cmpi ne, %convert_element_type3A_132, %cond3A_133 : i32
        scf.if %cond3A_134 {
          %parallel_loop3A_151 = arith.constant 0 : i32
          %parallel_loop3A_152 = arith.constant 128 : i32
          %parallel_loop3A_153 = arith.constant 1 : i32
          scf.for %parallel_loop3A_154 = %parallel_loop3A_151 to %parallel_loop3A_152 step %parallel_loop3A_153  : i32 {
            %parallel_loop3A_155 = arith.constant 16 : i32
            %parallel_loop3A_156 = arith.muli %parallel_loop3A_154, %parallel_loop3A_155 : i32
            %parallel_loop3A_157 = arith.constant 0 : i32
            %parallel_loop3A_158 = arith.index_cast %parallel_loop3A_157 : i32 to index
            %parallel_loop3A_159 = arith.index_cast %parallel_loop3A_156 : i32 to index
            %parallel_loop3A_160 = tpu.vector_load %arg8[%parallel_loop3A_158, %parallel_loop3A_159] {strides = array<i32>} : memref<8x2048xi32, #tpu.memory_space<vmem>>, vector<16xi32>,
            tpu.vector_store %arg8[%parallel_loop3A_158, %parallel_loop3A_159], %broadcast_in_dim3A_7 {strides = array<i32>} : memref<8x2048xi32, #tpu.memory_space<vmem>>, vector<16xi32>,
            %parallel_loop3A_161 = arith.constant 16 : i32
            %parallel_loop3A_162 = arith.muli %parallel_loop3A_154, %parallel_loop3A_161 : i32
            %parallel_loop3A_163 = arith.constant 0 : i32
            %parallel_loop3A_164 = arith.index_cast %parallel_loop3A_163 : i32 to index
            %parallel_loop3A_165 = arith.index_cast %parallel_loop3A_162 : i32 to index
            %parallel_loop3A_166 = tpu.vector_load %arg10[%parallel_loop3A_164, %parallel_loop3A_165] {strides = array<i32>} : memref<8x2048xi32, #tpu.memory_space<vmem>>, vector<16xi32>,
            tpu.vector_store %arg10[%parallel_loop3A_164, %parallel_loop3A_165], %broadcast_in_dim3A_7 {strides = array<i32>} : memref<8x2048xi32, #tpu.memory_space<vmem>>, vector<16xi32>,
          } {sc.loop_unroll_factor = 4 : i64, sc.parallel_access}
        } else {
        }
        %mul3A_135 = arith.constant 8 : i32
        %mul3A_136 = arith.muli %add3A_66, %mul3A_135 : i32
        %add3A_137 = arith.addi %mul3A_6, %mul3A_136 : i32
        %dma_start3A_138 = arith.constant 0 : i32
        %dma_start3A_139 = tpu.memref_slice %arg3[%add3A_137, %mul3A_4] : memref<2050x4096xi32, #tpu.memory_space<hbm>> -> memref<8x2048xi32, #tpu.memory_space<hbm>>
        %dma_start3A_140 = tpu.memref_slice %arg13[%dma_start3A_138] : memref<2x!tpu.dma_semaphore, #tpu.memory_space<semaphore_mem>> -> memref<1x!tpu.dma_semaphore, #tpu.memory_space<semaphore_mem>>
        %dma_start3A_141 = tpu.memref_squeeze %dma_start3A_140 : memref<1x!tpu.dma_semaphore, #tpu.memory_space<semaphore_mem>> -> memref<!tpu.dma_semaphore, #tpu.memory_space<semaphore_mem>>
        %dma_start3A_142 = tpu.memref_slice %arg3[%add3A_137, %mul3A_4] : memref<2050x4096xi32, #tpu.memory_space<hbm>> -> memref<8x2048xi32, #tpu.memory_space<hbm>>
        tpu.enqueue_dma source(%arg8 : memref<8x2048xi32, #tpu.memory_space<vmem>>) target(%dma_start3A_142 : memref<8x2048xi32, #tpu.memory_space<hbm>>) target_semaphore(%dma_start3A_141 : memref<!tpu.dma_semaphore, #tpu.memory_space<semaphore_mem>>)
        %mul3A_143 = arith.constant 8 : i32
        %mul3A_144 = arith.muli %add3A_66, %mul3A_143 : i32
        %add3A_145 = arith.addi %mul3A_6, %mul3A_144 : i32
        %dma_start3A_146 = arith.constant 0 : i32
        %dma_start3A_147 = tpu.memref_slice %arg4[%add3A_145, %mul3A_4] : memref<2050x4096xi32, #tpu.memory_space<hbm>> -> memref<8x2048xi32, #tpu.memory_space<hbm>>
        %dma_start3A_148 = tpu.memref_slice %arg13[%dma_start3A_146] : memref<2x!tpu.dma_semaphore, #tpu.memory_space<semaphore_mem>> -> memref<1x!tpu.dma_semaphore, #tpu.memory_space<semaphore_mem>>
        %dma_start3A_149 = tpu.memref_squeeze %dma_start3A_148 : memref<1x!tpu.dma_semaphore, #tpu.memory_space<semaphore_mem>> -> memref<!tpu.dma_semaphore, #tpu.memory_space<semaphore_mem>>
        %dma_start3A_150 = tpu.memref_slice %arg4[%add3A_145, %mul3A_4] : memref<2050x4096xi32, #tpu.memory_space<hbm>> -> memref<8x2048xi32, #tpu.memory_space<hbm>>
        tpu.enqueue_dma source(%arg10 : memref<8x2048xi32, #tpu.memory_space<vmem>>) target(%dma_start3A_150 : memref<8x2048xi32, #tpu.memory_space<hbm>>) target_semaphore(%dma_start3A_149 : memref<!tpu.dma_semaphore, #tpu.memory_space<semaphore_mem>>)
      } else {
      }
      %add3A_71 = arith.constant 1 : i32
      %add3A_72 = arith.addi %add3A_64, %add3A_71 : i32
      %lt3A_73 = arith.constant 16 : i32
      %lt3A_74 = arith.cmpi slt, %add3A_72, %lt3A_73 : i32
      %convert_element_type3A_75 = arith.extui %lt3A_74 : i1 to i32
      %cond3A_76 = arith.constant 0 : i32
      %cond3A_77 = arith.cmpi ne, %convert_element_type3A_75, %cond3A_76 : i32
      scf.if %cond3A_77 {
        %add3A_106 = arith.constant 1 : i32
        %add3A_107 = arith.addi %add3A_72, %add3A_106 : i32
        %lt3A_108 = arith.constant 16 : i32
        %lt3A_109 = arith.cmpi slt, %add3A_107, %lt3A_108 : i32
        %convert_element_type3A_110 = arith.extui %lt3A_109 : i1 to i32
        %cond3A_111 = arith.constant 0 : i32
        %cond3A_112 = arith.cmpi ne, %convert_element_type3A_110, %cond3A_111 : i32
        scf.if %cond3A_112 {
          %add3A_151 = arith.constant 1 : i32
          %add3A_152 = arith.addi %add3A_72, %add3A_151 : i32
          %mul3A_153 = arith.constant 8 : i32
          %mul3A_154 = arith.muli %add3A_152, %mul3A_153 : i32
          %add3A_155 = arith.addi %mul3A_6, %mul3A_154 : i32
          %dma_start3A_156 = arith.constant 2 : i32
          %dma_start3A_157 = tpu.memref_slice %arg2[%add3A_155, %mul3A_4] : memref<2050x4096xi32, #tpu.memory_space<hbm>> -> memref<8x2048xi32, #tpu.memory_space<hbm>>
          %dma_start3A_158 = tpu.memref_slice %arg12[%dma_start3A_156] : memref<3x!tpu.dma_semaphore, #tpu.memory_space<semaphore_mem>> -> memref<1x!tpu.dma_semaphore, #tpu.memory_space<semaphore_mem>>
          %dma_start3A_159 = tpu.memref_squeeze %dma_start3A_158 : memref<1x!tpu.dma_semaphore, #tpu.memory_space<semaphore_mem>> -> memref<!tpu.dma_semaphore, #tpu.memory_space<semaphore_mem>>
          %dma_start3A_160 = tpu.memref_slice %arg2[%add3A_155, %mul3A_4] : memref<2050x4096xi32, #tpu.memory_space<hbm>> -> memref<8x2048xi32, #tpu.memory_space<hbm>>
          tpu.enqueue_dma source(%dma_start3A_160 : memref<8x2048xi32, #tpu.memory_space<hbm>>) target(%arg7 : memref<8x2048xi32, #tpu.memory_space<vmem>>) target_semaphore(%dma_start3A_159 : memref<!tpu.dma_semaphore, #tpu.memory_space<semaphore_mem>>)
        } else {
        }
        %mul3A_113 = arith.constant 8 : i32
        %mul3A_114 = arith.muli %add3A_72, %mul3A_113 : i32
        %add3A_115 = arith.addi %mul3A_6, %mul3A_114 : i32
        %dma_wait3A_116 = arith.constant 1 : i32
        %dma_wait3A_117 = tpu.memref_slice %arg2[%add3A_115, %mul3A_4] : memref<2050x4096xi32, #tpu.memory_space<hbm>> -> memref<8x2048xi32, #tpu.memory_space<hbm>>
        %dma_wait3A_118 = tpu.memref_slice %arg12[%dma_wait3A_116] : memref<3x!tpu.dma_semaphore, #tpu.memory_space<semaphore_mem>> -> memref<1x!tpu.dma_semaphore, #tpu.memory_space<semaphore_mem>>
        %dma_wait3A_119 = tpu.memref_squeeze %dma_wait3A_118 : memref<1x!tpu.dma_semaphore, #tpu.memory_space<semaphore_mem>> -> memref<!tpu.dma_semaphore, #tpu.memory_space<semaphore_mem>>
        %dma_wait3A_120 = tpu.memref_slice %arg2[%add3A_115, %mul3A_4] : memref<2050x4096xi32, #tpu.memory_space<hbm>> -> memref<8x2048xi32, #tpu.memory_space<hbm>>
        tpu.wait_dma2 semaphore(%dma_wait3A_119 : memref<!tpu.dma_semaphore, #tpu.memory_space<semaphore_mem>>) src(%dma_wait3A_120 : memref<8x2048xi32, #tpu.memory_space<hbm>>) dst(%arg6 : memref<8x2048xi32, #tpu.memory_space<vmem>>)
        %ge3A = arith.constant 2 : i32
        %ge3A_121 = arith.cmpi sge, %add3A_72, %ge3A : i32
        %convert_element_type3A_122 = arith.extui %ge3A_121 : i1 to i32
        %cond3A_123 = arith.constant 0 : i32
        %cond3A_124 = arith.cmpi ne, %convert_element_type3A_122, %cond3A_123 : i32
        scf.if %cond3A_124 {
          %sub3A_151 = arith.constant 2 : i32
          %sub3A_152 = arith.subi %add3A_72, %sub3A_151 : i32
          %mul3A_153 = arith.constant 8 : i32
          %mul3A_154 = arith.muli %sub3A_152, %mul3A_153 : i32
          %add3A_155 = arith.addi %mul3A_6, %mul3A_154 : i32
          %dma_wait3A_156 = arith.constant 1 : i32
          %dma_wait3A_157 = tpu.memref_slice %arg3[%add3A_155, %mul3A_4] : memref<2050x4096xi32, #tpu.memory_space<hbm>> -> memref<8x2048xi32, #tpu.memory_space<hbm>>
          %dma_wait3A_158 = tpu.memref_slice %arg13[%dma_wait3A_156] : memref<2x!tpu.dma_semaphore, #tpu.memory_space<semaphore_mem>> -> memref<1x!tpu.dma_semaphore, #tpu.memory_space<semaphore_mem>>
          %dma_wait3A_159 = tpu.memref_squeeze %dma_wait3A_158 : memref<1x!tpu.dma_semaphore, #tpu.memory_space<semaphore_mem>> -> memref<!tpu.dma_semaphore, #tpu.memory_space<semaphore_mem>>
          %dma_wait3A_160 = tpu.memref_slice %arg3[%add3A_155, %mul3A_4] : memref<2050x4096xi32, #tpu.memory_space<hbm>> -> memref<8x2048xi32, #tpu.memory_space<hbm>>
          tpu.wait_dma2 semaphore(%dma_wait3A_159 : memref<!tpu.dma_semaphore, #tpu.memory_space<semaphore_mem>>) src(%arg9 : memref<8x2048xi32, #tpu.memory_space<vmem>>) dst(%dma_wait3A_160 : memref<8x2048xi32, #tpu.memory_space<hbm>>)
          %sub3A_161 = arith.constant 2 : i32
          %sub3A_162 = arith.subi %add3A_72, %sub3A_161 : i32
          %mul3A_163 = arith.constant 8 : i32
          %mul3A_164 = arith.muli %sub3A_162, %mul3A_163 : i32
          %add3A_165 = arith.addi %mul3A_6, %mul3A_164 : i32
          %dma_wait3A_166 = arith.constant 1 : i32
          %dma_wait3A_167 = tpu.memref_slice %arg4[%add3A_165, %mul3A_4] : memref<2050x4096xi32, #tpu.memory_space<hbm>> -> memref<8x2048xi32, #tpu.memory_space<hbm>>
          %dma_wait3A_168 = tpu.memref_slice %arg13[%dma_wait3A_166] : memref<2x!tpu.dma_semaphore, #tpu.memory_space<semaphore_mem>> -> memref<1x!tpu.dma_semaphore, #tpu.memory_space<semaphore_mem>>
          %dma_wait3A_169 = tpu.memref_squeeze %dma_wait3A_168 : memref<1x!tpu.dma_semaphore, #tpu.memory_space<semaphore_mem>> -> memref<!tpu.dma_semaphore, #tpu.memory_space<semaphore_mem>>
          %dma_wait3A_170 = tpu.memref_slice %arg4[%add3A_165, %mul3A_4] : memref<2050x4096xi32, #tpu.memory_space<hbm>> -> memref<8x2048xi32, #tpu.memory_space<hbm>>
          tpu.wait_dma2 semaphore(%dma_wait3A_169 : memref<!tpu.dma_semaphore, #tpu.memory_space<semaphore_mem>>) src(%arg11 : memref<8x2048xi32, #tpu.memory_space<vmem>>) dst(%dma_wait3A_170 : memref<8x2048xi32, #tpu.memory_space<hbm>>)
        } else {
        }
        %parallel_loop3A = arith.constant 0 : i32
        %parallel_loop3A_125 = arith.constant 128 : i32
        %parallel_loop3A_126 = arith.constant 1 : i32
        scf.for %parallel_loop3A_151 = %parallel_loop3A to %parallel_loop3A_125 step %parallel_loop3A_126  : i32 {
          %parallel_loop3A_152 = arith.constant 16 : i32
          %parallel_loop3A_153 = arith.muli %parallel_loop3A_151, %parallel_loop3A_152 : i32
          %parallel_loop3A_154 = arith.constant 0 : i32
          %parallel_loop3A_155 = arith.index_cast %parallel_loop3A_154 : i32 to index
          %parallel_loop3A_156 = arith.index_cast %parallel_loop3A_153 : i32 to index
          %parallel_loop3A_157 = tpu.vector_load %arg6[%parallel_loop3A_155, %parallel_loop3A_156] {strides = array<i32>} : memref<8x2048xi32, #tpu.memory_space<vmem>>, vector<16xi32>,
          %parallel_loop3A_158 = arith.constant 1 : i32
          %parallel_loop3A_159 = arith.index_cast %parallel_loop3A_158 : i32 to index
          %parallel_loop3A_160 = arith.index_cast %parallel_loop3A_153 : i32 to index
          %parallel_loop3A_161 = tpu.vector_load %arg6[%parallel_loop3A_159, %parallel_loop3A_160] {strides = array<i32>} : memref<8x2048xi32, #tpu.memory_space<vmem>>, vector<16xi32>,
          %parallel_loop3A_162 = arith.constant 2 : i32
          %parallel_loop3A_163 = arith.index_cast %parallel_loop3A_162 : i32 to index
          %parallel_loop3A_164 = arith.index_cast %parallel_loop3A_153 : i32 to index
          %parallel_loop3A_165 = tpu.vector_load %arg6[%parallel_loop3A_163, %parallel_loop3A_164] {strides = array<i32>} : memref<8x2048xi32, #tpu.memory_space<vmem>>, vector<16xi32>,
          %parallel_loop3A_166 = arith.constant 3 : i32
          %parallel_loop3A_167 = arith.index_cast %parallel_loop3A_166 : i32 to index
          %parallel_loop3A_168 = arith.index_cast %parallel_loop3A_153 : i32 to index
          %parallel_loop3A_169 = tpu.vector_load %arg6[%parallel_loop3A_167, %parallel_loop3A_168] {strides = array<i32>} : memref<8x2048xi32, #tpu.memory_space<vmem>>, vector<16xi32>,
          %parallel_loop3A_170 = arith.constant 4 : i32
          %parallel_loop3A_171 = arith.index_cast %parallel_loop3A_170 : i32 to index
          %parallel_loop3A_172 = arith.index_cast %parallel_loop3A_153 : i32 to index
          %parallel_loop3A_173 = tpu.vector_load %arg6[%parallel_loop3A_171, %parallel_loop3A_172] {strides = array<i32>} : memref<8x2048xi32, #tpu.memory_space<vmem>>, vector<16xi32>,
          %parallel_loop3A_174 = arith.constant 5 : i32
          %parallel_loop3A_175 = arith.index_cast %parallel_loop3A_174 : i32 to index
          %parallel_loop3A_176 = arith.index_cast %parallel_loop3A_153 : i32 to index
          %parallel_loop3A_177 = tpu.vector_load %arg6[%parallel_loop3A_175, %parallel_loop3A_176] {strides = array<i32>} : memref<8x2048xi32, #tpu.memory_space<vmem>>, vector<16xi32>,
          %parallel_loop3A_178 = arith.constant 6 : i32
          %parallel_loop3A_179 = arith.index_cast %parallel_loop3A_178 : i32 to index
          %parallel_loop3A_180 = arith.index_cast %parallel_loop3A_153 : i32 to index
          %parallel_loop3A_181 = tpu.vector_load %arg6[%parallel_loop3A_179, %parallel_loop3A_180] {strides = array<i32>} : memref<8x2048xi32, #tpu.memory_space<vmem>>, vector<16xi32>,
          %parallel_loop3A_182 = arith.constant 7 : i32
          %parallel_loop3A_183 = arith.index_cast %parallel_loop3A_182 : i32 to index
          %parallel_loop3A_184 = arith.index_cast %parallel_loop3A_153 : i32 to index
          %parallel_loop3A_185 = tpu.vector_load %arg6[%parallel_loop3A_183, %parallel_loop3A_184] {strides = array<i32>} : memref<8x2048xi32, #tpu.memory_space<vmem>>, vector<16xi32>,
          %parallel_loop3A_186 = arith.constant 5 : i32
          %parallel_loop3A_187 = arith.index_cast %parallel_loop3A_186 : i32 to index
          %parallel_loop3A_188 = arith.index_cast %parallel_loop3A_153 : i32 to index
          %parallel_loop3A_189 = tpu.vector_load %arg5[%parallel_loop3A_187, %parallel_loop3A_188] {strides = array<i32>} : memref<8x2048xi32, #tpu.memory_space<vmem>>, vector<16xi32>,
          %parallel_loop3A_190 = arith.constant 2 : i32
          %parallel_loop3A_191 = vector.broadcast %parallel_loop3A_190 : i32 to vector<16xi32>
          %parallel_loop3A_192 = arith.cmpi sge, %parallel_loop3A_161, %parallel_loop3A_191 : vector<16xi32>
          %parallel_loop3A_193 = arith.select %parallel_loop3A_192, %parallel_loop3A_161, %broadcast_in_dim3A_7 : vector<16xi1>, vector<16xi32>
          %parallel_loop3A_194 = arith.constant 2 : i32
          %parallel_loop3A_195 = vector.broadcast %parallel_loop3A_194 : i32 to vector<16xi32>
          %parallel_loop3A_196 = arith.cmpi sge, %parallel_loop3A_177, %parallel_loop3A_195 : vector<16xi32>
          %parallel_loop3A_197 = arith.select %parallel_loop3A_196, %parallel_loop3A_177, %broadcast_in_dim3A_7 : vector<16xi1>, vector<16xi32>
          %parallel_loop3A_198 = arith.constant 2 : i32
          %parallel_loop3A_199 = vector.broadcast %parallel_loop3A_198 : i32 to vector<16xi32>
          %parallel_loop3A_200 = arith.cmpi sge, %parallel_loop3A_189, %parallel_loop3A_199 : vector<16xi32>
          %parallel_loop3A_201 = arith.select %parallel_loop3A_200, %parallel_loop3A_189, %broadcast_in_dim3A_7 : vector<16xi1>, vector<16xi32>
          %parallel_loop3A_202 = arith.constant 2 : i32
          %parallel_loop3A_203 = vector.broadcast %parallel_loop3A_202 : i32 to vector<16xi32>
          %parallel_loop3A_204 = arith.cmpi sge, %parallel_loop3A_157, %parallel_loop3A_203 : vector<16xi32>
          %parallel_loop3A_205 = arith.constant 4 : i32
          %parallel_loop3A_206 = arith.constant 0 : i32
          %parallel_loop3A_207 = vector.broadcast %parallel_loop3A_205 : i32 to vector<16xi32>
          %parallel_loop3A_208 = vector.broadcast %parallel_loop3A_206 : i32 to vector<16xi32>
          %parallel_loop3A_209 = arith.select %parallel_loop3A_204, %parallel_loop3A_207, %parallel_loop3A_208 : vector<16xi1>, vector<16xi32>
          %parallel_loop3A_210 = arith.constant 0 : i32
          %parallel_loop3A_211 = arith.index_cast %parallel_loop3A_210 : i32 to index
          %parallel_loop3A_212 = arith.index_cast %parallel_loop3A_153 : i32 to index
          %parallel_loop3A_213 = tpu.vector_load %arg9[%parallel_loop3A_211, %parallel_loop3A_212] {strides = array<i32>} : memref<8x2048xi32, #tpu.memory_space<vmem>>, vector<16xi32>,
          tpu.vector_store %arg9[%parallel_loop3A_211, %parallel_loop3A_212], %parallel_loop3A_209 {strides = array<i32>} : memref<8x2048xi32, #tpu.memory_space<vmem>>, vector<16xi32>,
          %parallel_loop3A_214 = arith.constant 2 : i32
          %parallel_loop3A_215 = vector.broadcast %parallel_loop3A_214 : i32 to vector<16xi32>
          %parallel_loop3A_216 = arith.cmpi sge, %parallel_loop3A_161, %parallel_loop3A_215 : vector<16xi32>
          %parallel_loop3A_217 = arith.constant 1 : i32
          %parallel_loop3A_218 = arith.constant 0 : i32
          %parallel_loop3A_219 = vector.broadcast %parallel_loop3A_217 : i32 to vector<16xi32>
          %parallel_loop3A_220 = vector.broadcast %parallel_loop3A_218 : i32 to vector<16xi32>
          %parallel_loop3A_221 = arith.select %parallel_loop3A_216, %parallel_loop3A_219, %parallel_loop3A_220 : vector<16xi1>, vector<16xi32>
          %parallel_loop3A_222 = arith.constant 1 : i32
          %parallel_loop3A_223 = arith.index_cast %parallel_loop3A_222 : i32 to index
          %parallel_loop3A_224 = arith.index_cast %parallel_loop3A_153 : i32 to index
          %parallel_loop3A_225 = tpu.vector_load %arg9[%parallel_loop3A_223, %parallel_loop3A_224] {strides = array<i32>} : memref<8x2048xi32, #tpu.memory_space<vmem>>, vector<16xi32>,
          tpu.vector_store %arg9[%parallel_loop3A_223, %parallel_loop3A_224], %parallel_loop3A_221 {strides = array<i32>} : memref<8x2048xi32, #tpu.memory_space<vmem>>, vector<16xi32>,
          %parallel_loop3A_226 = arith.constant 2 : i32
          %parallel_loop3A_227 = vector.broadcast %parallel_loop3A_226 : i32 to vector<16xi32>
          %parallel_loop3A_228 = arith.cmpi sge, %parallel_loop3A_165, %parallel_loop3A_227 : vector<16xi32>
          %parallel_loop3A_229 = arith.constant 2 : i32
          %parallel_loop3A_230 = arith.constant 0 : i32
          %parallel_loop3A_231 = vector.broadcast %parallel_loop3A_229 : i32 to vector<16xi32>
          %parallel_loop3A_232 = vector.broadcast %parallel_loop3A_230 : i32 to vector<16xi32>
          %parallel_loop3A_233 = arith.select %parallel_loop3A_228, %parallel_loop3A_231, %parallel_loop3A_232 : vector<16xi1>, vector<16xi32>
          %parallel_loop3A_234 = arith.constant 2 : i32
          %parallel_loop3A_235 = arith.index_cast %parallel_loop3A_234 : i32 to index
          %parallel_loop3A_236 = arith.index_cast %parallel_loop3A_153 : i32 to index
          %parallel_loop3A_237 = tpu.vector_load %arg9[%parallel_loop3A_235, %parallel_loop3A_236] {strides = array<i32>} : memref<8x2048xi32, #tpu.memory_space<vmem>>, vector<16xi32>,
          tpu.vector_store %arg9[%parallel_loop3A_235, %parallel_loop3A_236], %parallel_loop3A_233 {strides = array<i32>} : memref<8x2048xi32, #tpu.memory_space<vmem>>, vector<16xi32>,
          %parallel_loop3A_238 = arith.constant 2 : i32
          %parallel_loop3A_239 = vector.broadcast %parallel_loop3A_238 : i32 to vector<16xi32>
          %parallel_loop3A_240 = arith.cmpi sge, %parallel_loop3A_169, %parallel_loop3A_239 : vector<16xi32>
          %parallel_loop3A_241 = arith.constant 3 : i32
          %parallel_loop3A_242 = arith.constant 0 : i32
          %parallel_loop3A_243 = vector.broadcast %parallel_loop3A_241 : i32 to vector<16xi32>
          %parallel_loop3A_244 = vector.broadcast %parallel_loop3A_242 : i32 to vector<16xi32>
          %parallel_loop3A_245 = arith.select %parallel_loop3A_240, %parallel_loop3A_243, %parallel_loop3A_244 : vector<16xi1>, vector<16xi32>
          %parallel_loop3A_246 = arith.constant 3 : i32
          %parallel_loop3A_247 = arith.index_cast %parallel_loop3A_246 : i32 to index
          %parallel_loop3A_248 = arith.index_cast %parallel_loop3A_153 : i32 to index
          %parallel_loop3A_249 = tpu.vector_load %arg9[%parallel_loop3A_247, %parallel_loop3A_248] {strides = array<i32>} : memref<8x2048xi32, #tpu.memory_space<vmem>>, vector<16xi32>,
          tpu.vector_store %arg9[%parallel_loop3A_247, %parallel_loop3A_248], %parallel_loop3A_245 {strides = array<i32>} : memref<8x2048xi32, #tpu.memory_space<vmem>>, vector<16xi32>,
          %parallel_loop3A_250 = arith.constant 2 : i32
          %parallel_loop3A_251 = vector.broadcast %parallel_loop3A_250 : i32 to vector<16xi32>
          %parallel_loop3A_252 = arith.cmpi sge, %parallel_loop3A_173, %parallel_loop3A_251 : vector<16xi32>
          %parallel_loop3A_253 = arith.constant 4 : i32
          %parallel_loop3A_254 = arith.constant 0 : i32
          %parallel_loop3A_255 = vector.broadcast %parallel_loop3A_253 : i32 to vector<16xi32>
          %parallel_loop3A_256 = vector.broadcast %parallel_loop3A_254 : i32 to vector<16xi32>
          %parallel_loop3A_257 = arith.select %parallel_loop3A_252, %parallel_loop3A_255, %parallel_loop3A_256 : vector<16xi1>, vector<16xi32>
          %parallel_loop3A_258 = arith.constant 4 : i32
          %parallel_loop3A_259 = arith.index_cast %parallel_loop3A_258 : i32 to index
          %parallel_loop3A_260 = arith.index_cast %parallel_loop3A_153 : i32 to index
          %parallel_loop3A_261 = tpu.vector_load %arg9[%parallel_loop3A_259, %parallel_loop3A_260] {strides = array<i32>} : memref<8x2048xi32, #tpu.memory_space<vmem>>, vector<16xi32>,
          tpu.vector_store %arg9[%parallel_loop3A_259, %parallel_loop3A_260], %parallel_loop3A_257 {strides = array<i32>} : memref<8x2048xi32, #tpu.memory_space<vmem>>, vector<16xi32>,
          %parallel_loop3A_262 = arith.constant 2 : i32
          %parallel_loop3A_263 = vector.broadcast %parallel_loop3A_262 : i32 to vector<16xi32>
          %parallel_loop3A_264 = arith.cmpi sge, %parallel_loop3A_177, %parallel_loop3A_263 : vector<16xi32>
          %parallel_loop3A_265 = arith.constant 1 : i32
          %parallel_loop3A_266 = arith.constant 0 : i32
          %parallel_loop3A_267 = vector.broadcast %parallel_loop3A_265 : i32 to vector<16xi32>
          %parallel_loop3A_268 = vector.broadcast %parallel_loop3A_266 : i32 to vector<16xi32>
          %parallel_loop3A_269 = arith.select %parallel_loop3A_264, %parallel_loop3A_267, %parallel_loop3A_268 : vector<16xi1>, vector<16xi32>
          %parallel_loop3A_270 = arith.constant 5 : i32
          %parallel_loop3A_271 = arith.index_cast %parallel_loop3A_270 : i32 to index
          %parallel_loop3A_272 = arith.index_cast %parallel_loop3A_153 : i32 to index
          %parallel_loop3A_273 = tpu.vector_load %arg9[%parallel_loop3A_271, %parallel_loop3A_272] {strides = array<i32>} : memref<8x2048xi32, #tpu.memory_space<vmem>>, vector<16xi32>,
          tpu.vector_store %arg9[%parallel_loop3A_271, %parallel_loop3A_272], %parallel_loop3A_269 {strides = array<i32>} : memref<8x2048xi32, #tpu.memory_space<vmem>>, vector<16xi32>,
          %parallel_loop3A_274 = arith.constant 2 : i32
          %parallel_loop3A_275 = vector.broadcast %parallel_loop3A_274 : i32 to vector<16xi32>
          %parallel_loop3A_276 = arith.cmpi sge, %parallel_loop3A_181, %parallel_loop3A_275 : vector<16xi32>
          %parallel_loop3A_277 = arith.constant 2 : i32
          %parallel_loop3A_278 = arith.constant 0 : i32
          %parallel_loop3A_279 = vector.broadcast %parallel_loop3A_277 : i32 to vector<16xi32>
          %parallel_loop3A_280 = vector.broadcast %parallel_loop3A_278 : i32 to vector<16xi32>
          %parallel_loop3A_281 = arith.select %parallel_loop3A_276, %parallel_loop3A_279, %parallel_loop3A_280 : vector<16xi1>, vector<16xi32>
          %parallel_loop3A_282 = arith.constant 6 : i32
          %parallel_loop3A_283 = arith.index_cast %parallel_loop3A_282 : i32 to index
          %parallel_loop3A_284 = arith.index_cast %parallel_loop3A_153 : i32 to index
          %parallel_loop3A_285 = tpu.vector_load %arg9[%parallel_loop3A_283, %parallel_loop3A_284] {strides = array<i32>} : memref<8x2048xi32, #tpu.memory_space<vmem>>, vector<16xi32>,
          tpu.vector_store %arg9[%parallel_loop3A_283, %parallel_loop3A_284], %parallel_loop3A_281 {strides = array<i32>} : memref<8x2048xi32, #tpu.memory_space<vmem>>, vector<16xi32>,
          %parallel_loop3A_286 = arith.constant 2 : i32
          %parallel_loop3A_287 = vector.broadcast %parallel_loop3A_286 : i32 to vector<16xi32>
          %parallel_loop3A_288 = arith.cmpi sge, %parallel_loop3A_185, %parallel_loop3A_287 : vector<16xi32>
          %parallel_loop3A_289 = arith.constant 3 : i32
          %parallel_loop3A_290 = arith.constant 0 : i32
          %parallel_loop3A_291 = vector.broadcast %parallel_loop3A_289 : i32 to vector<16xi32>
          %parallel_loop3A_292 = vector.broadcast %parallel_loop3A_290 : i32 to vector<16xi32>
          %parallel_loop3A_293 = arith.select %parallel_loop3A_288, %parallel_loop3A_291, %parallel_loop3A_292 : vector<16xi1>, vector<16xi32>
          %parallel_loop3A_294 = arith.constant 7 : i32
          %parallel_loop3A_295 = arith.index_cast %parallel_loop3A_294 : i32 to index
          %parallel_loop3A_296 = arith.index_cast %parallel_loop3A_153 : i32 to index
          %parallel_loop3A_297 = tpu.vector_load %arg9[%parallel_loop3A_295, %parallel_loop3A_296] {strides = array<i32>} : memref<8x2048xi32, #tpu.memory_space<vmem>>, vector<16xi32>,
          tpu.vector_store %arg9[%parallel_loop3A_295, %parallel_loop3A_296], %parallel_loop3A_293 {strides = array<i32>} : memref<8x2048xi32, #tpu.memory_space<vmem>>, vector<16xi32>,
          %parallel_loop3A_298 = arith.constant 0 : i32
          %parallel_loop3A_299 = arith.index_cast %parallel_loop3A_298 : i32 to index
          %parallel_loop3A_300 = arith.index_cast %parallel_loop3A_153 : i32 to index
          %parallel_loop3A_301 = tpu.vector_load %arg11[%parallel_loop3A_299, %parallel_loop3A_300] {strides = array<i32>} : memref<8x2048xi32, #tpu.memory_space<vmem>>, vector<16xi32>,
          tpu.vector_store %arg11[%parallel_loop3A_299, %parallel_loop3A_300], %parallel_loop3A_201 {strides = array<i32>} : memref<8x2048xi32, #tpu.memory_space<vmem>>, vector<16xi32>,
          %parallel_loop3A_302 = arith.constant 1 : i32
          %parallel_loop3A_303 = arith.index_cast %parallel_loop3A_302 : i32 to index
          %parallel_loop3A_304 = arith.index_cast %parallel_loop3A_153 : i32 to index
          %parallel_loop3A_305 = tpu.vector_load %arg11[%parallel_loop3A_303, %parallel_loop3A_304] {strides = array<i32>} : memref<8x2048xi32, #tpu.memory_space<vmem>>, vector<16xi32>,
          tpu.vector_store %arg11[%parallel_loop3A_303, %parallel_loop3A_304], %broadcast_in_dim3A_7 {strides = array<i32>} : memref<8x2048xi32, #tpu.memory_space<vmem>>, vector<16xi32>,
          %parallel_loop3A_306 = arith.constant 2 : i32
          %parallel_loop3A_307 = arith.index_cast %parallel_loop3A_306 : i32 to index
          %parallel_loop3A_308 = arith.index_cast %parallel_loop3A_153 : i32 to index
          %parallel_loop3A_309 = tpu.vector_load %arg11[%parallel_loop3A_307, %parallel_loop3A_308] {strides = array<i32>} : memref<8x2048xi32, #tpu.memory_space<vmem>>, vector<16xi32>,
          tpu.vector_store %arg11[%parallel_loop3A_307, %parallel_loop3A_308], %parallel_loop3A_193 {strides = array<i32>} : memref<8x2048xi32, #tpu.memory_space<vmem>>, vector<16xi32>,
          %parallel_loop3A_310 = arith.constant 3 : i32
          %parallel_loop3A_311 = arith.index_cast %parallel_loop3A_310 : i32 to index
          %parallel_loop3A_312 = arith.index_cast %parallel_loop3A_153 : i32 to index
          %parallel_loop3A_313 = tpu.vector_load %arg11[%parallel_loop3A_311, %parallel_loop3A_312] {strides = array<i32>} : memref<8x2048xi32, #tpu.memory_space<vmem>>, vector<16xi32>,
          tpu.vector_store %arg11[%parallel_loop3A_311, %parallel_loop3A_312], %parallel_loop3A_193 {strides = array<i32>} : memref<8x2048xi32, #tpu.memory_space<vmem>>, vector<16xi32>,
          %parallel_loop3A_314 = arith.constant 4 : i32
          %parallel_loop3A_315 = arith.index_cast %parallel_loop3A_314 : i32 to index
          %parallel_loop3A_316 = arith.index_cast %parallel_loop3A_153 : i32 to index
          %parallel_loop3A_317 = tpu.vector_load %arg11[%parallel_loop3A_315, %parallel_loop3A_316] {strides = array<i32>} : memref<8x2048xi32, #tpu.memory_space<vmem>>, vector<16xi32>,
          tpu.vector_store %arg11[%parallel_loop3A_315, %parallel_loop3A_316], %parallel_loop3A_193 {strides = array<i32>} : memref<8x2048xi32, #tpu.memory_space<vmem>>, vector<16xi32>,
          %parallel_loop3A_318 = arith.constant 5 : i32
          %parallel_loop3A_319 = arith.index_cast %parallel_loop3A_318 : i32 to index
          %parallel_loop3A_320 = arith.index_cast %parallel_loop3A_153 : i32 to index
          %parallel_loop3A_321 = tpu.vector_load %arg11[%parallel_loop3A_319, %parallel_loop3A_320] {strides = array<i32>} : memref<8x2048xi32, #tpu.memory_space<vmem>>, vector<16xi32>,
          tpu.vector_store %arg11[%parallel_loop3A_319, %parallel_loop3A_320], %broadcast_in_dim3A_7 {strides = array<i32>} : memref<8x2048xi32, #tpu.memory_space<vmem>>, vector<16xi32>,
          %parallel_loop3A_322 = arith.constant 6 : i32
          %parallel_loop3A_323 = arith.index_cast %parallel_loop3A_322 : i32 to index
          %parallel_loop3A_324 = arith.index_cast %parallel_loop3A_153 : i32 to index
          %parallel_loop3A_325 = tpu.vector_load %arg11[%parallel_loop3A_323, %parallel_loop3A_324] {strides = array<i32>} : memref<8x2048xi32, #tpu.memory_space<vmem>>, vector<16xi32>,
          tpu.vector_store %arg11[%parallel_loop3A_323, %parallel_loop3A_324], %parallel_loop3A_197 {strides = array<i32>} : memref<8x2048xi32, #tpu.memory_space<vmem>>, vector<16xi32>,
          %parallel_loop3A_326 = arith.constant 7 : i32
          %parallel_loop3A_327 = arith.index_cast %parallel_loop3A_326 : i32 to index
          %parallel_loop3A_328 = arith.index_cast %parallel_loop3A_153 : i32 to index
          %parallel_loop3A_329 = tpu.vector_load %arg11[%parallel_loop3A_327, %parallel_loop3A_328] {strides = array<i32>} : memref<8x2048xi32, #tpu.memory_space<vmem>>, vector<16xi32>,
          tpu.vector_store %arg11[%parallel_loop3A_327, %parallel_loop3A_328], %parallel_loop3A_197 {strides = array<i32>} : memref<8x2048xi32, #tpu.memory_space<vmem>>, vector<16xi32>,
        } {sc.loop_unroll_factor = 4 : i64, sc.parallel_access}
        %eq3A_127 = arith.constant 0 : i32
        %eq3A_128 = arith.cmpi eq, %shift_right_arithmetic3A_1, %eq3A_127 : i32
        %eq3A_129 = arith.constant 0 : i32
        %eq3A_130 = arith.cmpi eq, %add3A_72, %eq3A_129 : i32
        %and3A_131 = arith.andi %eq3A_128, %eq3A_130 : i1
        %convert_element_type3A_132 = arith.extui %and3A_131 : i1 to i32
        %cond3A_133 = arith.constant 0 : i32
        %cond3A_134 = arith.cmpi ne, %convert_element_type3A_132, %cond3A_133 : i32
        scf.if %cond3A_134 {
          %parallel_loop3A_151 = arith.constant 0 : i32
          %parallel_loop3A_152 = arith.constant 128 : i32
          %parallel_loop3A_153 = arith.constant 1 : i32
          scf.for %parallel_loop3A_154 = %parallel_loop3A_151 to %parallel_loop3A_152 step %parallel_loop3A_153  : i32 {
            %parallel_loop3A_155 = arith.constant 16 : i32
            %parallel_loop3A_156 = arith.muli %parallel_loop3A_154, %parallel_loop3A_155 : i32
            %parallel_loop3A_157 = arith.constant 0 : i32
            %parallel_loop3A_158 = arith.index_cast %parallel_loop3A_157 : i32 to index
            %parallel_loop3A_159 = arith.index_cast %parallel_loop3A_156 : i32 to index
            %parallel_loop3A_160 = tpu.vector_load %arg8[%parallel_loop3A_158, %parallel_loop3A_159] {strides = array<i32>} : memref<8x2048xi32, #tpu.memory_space<vmem>>, vector<16xi32>,
            tpu.vector_store %arg8[%parallel_loop3A_158, %parallel_loop3A_159], %broadcast_in_dim3A_7 {strides = array<i32>} : memref<8x2048xi32, #tpu.memory_space<vmem>>, vector<16xi32>,
            %parallel_loop3A_161 = arith.constant 16 : i32
            %parallel_loop3A_162 = arith.muli %parallel_loop3A_154, %parallel_loop3A_161 : i32
            %parallel_loop3A_163 = arith.constant 0 : i32
            %parallel_loop3A_164 = arith.index_cast %parallel_loop3A_163 : i32 to index
            %parallel_loop3A_165 = arith.index_cast %parallel_loop3A_162 : i32 to index
            %parallel_loop3A_166 = tpu.vector_load %arg10[%parallel_loop3A_164, %parallel_loop3A_165] {strides = array<i32>} : memref<8x2048xi32, #tpu.memory_space<vmem>>, vector<16xi32>,
            tpu.vector_store %arg10[%parallel_loop3A_164, %parallel_loop3A_165], %broadcast_in_dim3A_7 {strides = array<i32>} : memref<8x2048xi32, #tpu.memory_space<vmem>>, vector<16xi32>,
          } {sc.loop_unroll_factor = 4 : i64, sc.parallel_access}
        } else {
        }
        %mul3A_135 = arith.constant 8 : i32
        %mul3A_136 = arith.muli %add3A_72, %mul3A_135 : i32
        %add3A_137 = arith.addi %mul3A_6, %mul3A_136 : i32
        %dma_start3A_138 = arith.constant 1 : i32
        %dma_start3A_139 = tpu.memref_slice %arg3[%add3A_137, %mul3A_4] : memref<2050x4096xi32, #tpu.memory_space<hbm>> -> memref<8x2048xi32, #tpu.memory_space<hbm>>
        %dma_start3A_140 = tpu.memref_slice %arg13[%dma_start3A_138] : memref<2x!tpu.dma_semaphore, #tpu.memory_space<semaphore_mem>> -> memref<1x!tpu.dma_semaphore, #tpu.memory_space<semaphore_mem>>
        %dma_start3A_141 = tpu.memref_squeeze %dma_start3A_140 : memref<1x!tpu.dma_semaphore, #tpu.memory_space<semaphore_mem>> -> memref<!tpu.dma_semaphore, #tpu.memory_space<semaphore_mem>>
        %dma_start3A_142 = tpu.memref_slice %arg3[%add3A_137, %mul3A_4] : memref<2050x4096xi32, #tpu.memory_space<hbm>> -> memref<8x2048xi32, #tpu.memory_space<hbm>>
        tpu.enqueue_dma source(%arg9 : memref<8x2048xi32, #tpu.memory_space<vmem>>) target(%dma_start3A_142 : memref<8x2048xi32, #tpu.memory_space<hbm>>) target_semaphore(%dma_start3A_141 : memref<!tpu.dma_semaphore, #tpu.memory_space<semaphore_mem>>)
        %mul3A_143 = arith.constant 8 : i32
        %mul3A_144 = arith.muli %add3A_72, %mul3A_143 : i32
        %add3A_145 = arith.addi %mul3A_6, %mul3A_144 : i32
        %dma_start3A_146 = arith.constant 1 : i32
        %dma_start3A_147 = tpu.memref_slice %arg4[%add3A_145, %mul3A_4] : memref<2050x4096xi32, #tpu.memory_space<hbm>> -> memref<8x2048xi32, #tpu.memory_space<hbm>>
        %dma_start3A_148 = tpu.memref_slice %arg13[%dma_start3A_146] : memref<2x!tpu.dma_semaphore, #tpu.memory_space<semaphore_mem>> -> memref<1x!tpu.dma_semaphore, #tpu.memory_space<semaphore_mem>>
        %dma_start3A_149 = tpu.memref_squeeze %dma_start3A_148 : memref<1x!tpu.dma_semaphore, #tpu.memory_space<semaphore_mem>> -> memref<!tpu.dma_semaphore, #tpu.memory_space<semaphore_mem>>
        %dma_start3A_150 = tpu.memref_slice %arg4[%add3A_145, %mul3A_4] : memref<2050x4096xi32, #tpu.memory_space<hbm>> -> memref<8x2048xi32, #tpu.memory_space<hbm>>
        tpu.enqueue_dma source(%arg11 : memref<8x2048xi32, #tpu.memory_space<vmem>>) target(%dma_start3A_150 : memref<8x2048xi32, #tpu.memory_space<hbm>>) target_semaphore(%dma_start3A_149 : memref<!tpu.dma_semaphore, #tpu.memory_space<semaphore_mem>>)
      } else {
      }
      %add3A_78 = arith.constant 2 : i32
      %add3A_79 = arith.addi %add3A_64, %add3A_78 : i32
      %lt3A_80 = arith.constant 16 : i32
      %lt3A_81 = arith.cmpi slt, %add3A_79, %lt3A_80 : i32
      %convert_element_type3A_82 = arith.extui %lt3A_81 : i1 to i32
      %cond3A_83 = arith.constant 0 : i32
      %cond3A_84 = arith.cmpi ne, %convert_element_type3A_82, %cond3A_83 : i32
      scf.if %cond3A_84 {
        %add3A_106 = arith.constant 1 : i32
        %add3A_107 = arith.addi %add3A_79, %add3A_106 : i32
        %lt3A_108 = arith.constant 16 : i32
        %lt3A_109 = arith.cmpi slt, %add3A_107, %lt3A_108 : i32
        %convert_element_type3A_110 = arith.extui %lt3A_109 : i1 to i32
        %cond3A_111 = arith.constant 0 : i32
        %cond3A_112 = arith.cmpi ne, %convert_element_type3A_110, %cond3A_111 : i32
        scf.if %cond3A_112 {
          %add3A_151 = arith.constant 1 : i32
          %add3A_152 = arith.addi %add3A_79, %add3A_151 : i32
          %mul3A_153 = arith.constant 8 : i32
          %mul3A_154 = arith.muli %add3A_152, %mul3A_153 : i32
          %add3A_155 = arith.addi %mul3A_6, %mul3A_154 : i32
          %dma_start3A_156 = arith.constant 0 : i32
          %dma_start3A_157 = tpu.memref_slice %arg2[%add3A_155, %mul3A_4] : memref<2050x4096xi32, #tpu.memory_space<hbm>> -> memref<8x2048xi32, #tpu.memory_space<hbm>>
          %dma_start3A_158 = tpu.memref_slice %arg12[%dma_start3A_156] : memref<3x!tpu.dma_semaphore, #tpu.memory_space<semaphore_mem>> -> memref<1x!tpu.dma_semaphore, #tpu.memory_space<semaphore_mem>>
          %dma_start3A_159 = tpu.memref_squeeze %dma_start3A_158 : memref<1x!tpu.dma_semaphore, #tpu.memory_space<semaphore_mem>> -> memref<!tpu.dma_semaphore, #tpu.memory_space<semaphore_mem>>
          %dma_start3A_160 = tpu.memref_slice %arg2[%add3A_155, %mul3A_4] : memref<2050x4096xi32, #tpu.memory_space<hbm>> -> memref<8x2048xi32, #tpu.memory_space<hbm>>
          tpu.enqueue_dma source(%dma_start3A_160 : memref<8x2048xi32, #tpu.memory_space<hbm>>) target(%arg5 : memref<8x2048xi32, #tpu.memory_space<vmem>>) target_semaphore(%dma_start3A_159 : memref<!tpu.dma_semaphore, #tpu.memory_space<semaphore_mem>>)
        } else {
        }
        %mul3A_113 = arith.constant 8 : i32
        %mul3A_114 = arith.muli %add3A_79, %mul3A_113 : i32
        %add3A_115 = arith.addi %mul3A_6, %mul3A_114 : i32
        %dma_wait3A_116 = arith.constant 2 : i32
        %dma_wait3A_117 = tpu.memref_slice %arg2[%add3A_115, %mul3A_4] : memref<2050x4096xi32, #tpu.memory_space<hbm>> -> memref<8x2048xi32, #tpu.memory_space<hbm>>
        %dma_wait3A_118 = tpu.memref_slice %arg12[%dma_wait3A_116] : memref<3x!tpu.dma_semaphore, #tpu.memory_space<semaphore_mem>> -> memref<1x!tpu.dma_semaphore, #tpu.memory_space<semaphore_mem>>
        %dma_wait3A_119 = tpu.memref_squeeze %dma_wait3A_118 : memref<1x!tpu.dma_semaphore, #tpu.memory_space<semaphore_mem>> -> memref<!tpu.dma_semaphore, #tpu.memory_space<semaphore_mem>>
        %dma_wait3A_120 = tpu.memref_slice %arg2[%add3A_115, %mul3A_4] : memref<2050x4096xi32, #tpu.memory_space<hbm>> -> memref<8x2048xi32, #tpu.memory_space<hbm>>
        tpu.wait_dma2 semaphore(%dma_wait3A_119 : memref<!tpu.dma_semaphore, #tpu.memory_space<semaphore_mem>>) src(%dma_wait3A_120 : memref<8x2048xi32, #tpu.memory_space<hbm>>) dst(%arg7 : memref<8x2048xi32, #tpu.memory_space<vmem>>)
        %ge3A = arith.constant 2 : i32
        %ge3A_121 = arith.cmpi sge, %add3A_79, %ge3A : i32
        %convert_element_type3A_122 = arith.extui %ge3A_121 : i1 to i32
        %cond3A_123 = arith.constant 0 : i32
        %cond3A_124 = arith.cmpi ne, %convert_element_type3A_122, %cond3A_123 : i32
        scf.if %cond3A_124 {
          %sub3A_151 = arith.constant 2 : i32
          %sub3A_152 = arith.subi %add3A_79, %sub3A_151 : i32
          %mul3A_153 = arith.constant 8 : i32
          %mul3A_154 = arith.muli %sub3A_152, %mul3A_153 : i32
          %add3A_155 = arith.addi %mul3A_6, %mul3A_154 : i32
          %dma_wait3A_156 = arith.constant 0 : i32
          %dma_wait3A_157 = tpu.memref_slice %arg3[%add3A_155, %mul3A_4] : memref<2050x4096xi32, #tpu.memory_space<hbm>> -> memref<8x2048xi32, #tpu.memory_space<hbm>>
          %dma_wait3A_158 = tpu.memref_slice %arg13[%dma_wait3A_156] : memref<2x!tpu.dma_semaphore, #tpu.memory_space<semaphore_mem>> -> memref<1x!tpu.dma_semaphore, #tpu.memory_space<semaphore_mem>>
          %dma_wait3A_159 = tpu.memref_squeeze %dma_wait3A_158 : memref<1x!tpu.dma_semaphore, #tpu.memory_space<semaphore_mem>> -> memref<!tpu.dma_semaphore, #tpu.memory_space<semaphore_mem>>
          %dma_wait3A_160 = tpu.memref_slice %arg3[%add3A_155, %mul3A_4] : memref<2050x4096xi32, #tpu.memory_space<hbm>> -> memref<8x2048xi32, #tpu.memory_space<hbm>>
          tpu.wait_dma2 semaphore(%dma_wait3A_159 : memref<!tpu.dma_semaphore, #tpu.memory_space<semaphore_mem>>) src(%arg8 : memref<8x2048xi32, #tpu.memory_space<vmem>>) dst(%dma_wait3A_160 : memref<8x2048xi32, #tpu.memory_space<hbm>>)
          %sub3A_161 = arith.constant 2 : i32
          %sub3A_162 = arith.subi %add3A_79, %sub3A_161 : i32
          %mul3A_163 = arith.constant 8 : i32
          %mul3A_164 = arith.muli %sub3A_162, %mul3A_163 : i32
          %add3A_165 = arith.addi %mul3A_6, %mul3A_164 : i32
          %dma_wait3A_166 = arith.constant 0 : i32
          %dma_wait3A_167 = tpu.memref_slice %arg4[%add3A_165, %mul3A_4] : memref<2050x4096xi32, #tpu.memory_space<hbm>> -> memref<8x2048xi32, #tpu.memory_space<hbm>>
          %dma_wait3A_168 = tpu.memref_slice %arg13[%dma_wait3A_166] : memref<2x!tpu.dma_semaphore, #tpu.memory_space<semaphore_mem>> -> memref<1x!tpu.dma_semaphore, #tpu.memory_space<semaphore_mem>>
          %dma_wait3A_169 = tpu.memref_squeeze %dma_wait3A_168 : memref<1x!tpu.dma_semaphore, #tpu.memory_space<semaphore_mem>> -> memref<!tpu.dma_semaphore, #tpu.memory_space<semaphore_mem>>
          %dma_wait3A_170 = tpu.memref_slice %arg4[%add3A_165, %mul3A_4] : memref<2050x4096xi32, #tpu.memory_space<hbm>> -> memref<8x2048xi32, #tpu.memory_space<hbm>>
          tpu.wait_dma2 semaphore(%dma_wait3A_169 : memref<!tpu.dma_semaphore, #tpu.memory_space<semaphore_mem>>) src(%arg10 : memref<8x2048xi32, #tpu.memory_space<vmem>>) dst(%dma_wait3A_170 : memref<8x2048xi32, #tpu.memory_space<hbm>>)
        } else {
        }
        %parallel_loop3A = arith.constant 0 : i32
        %parallel_loop3A_125 = arith.constant 128 : i32
        %parallel_loop3A_126 = arith.constant 1 : i32
        scf.for %parallel_loop3A_151 = %parallel_loop3A to %parallel_loop3A_125 step %parallel_loop3A_126  : i32 {
          %parallel_loop3A_152 = arith.constant 16 : i32
          %parallel_loop3A_153 = arith.muli %parallel_loop3A_151, %parallel_loop3A_152 : i32
          %parallel_loop3A_154 = arith.constant 0 : i32
          %parallel_loop3A_155 = arith.index_cast %parallel_loop3A_154 : i32 to index
          %parallel_loop3A_156 = arith.index_cast %parallel_loop3A_153 : i32 to index
          %parallel_loop3A_157 = tpu.vector_load %arg7[%parallel_loop3A_155, %parallel_loop3A_156] {strides = array<i32>} : memref<8x2048xi32, #tpu.memory_space<vmem>>, vector<16xi32>,
          %parallel_loop3A_158 = arith.constant 1 : i32
          %parallel_loop3A_159 = arith.index_cast %parallel_loop3A_158 : i32 to index
          %parallel_loop3A_160 = arith.index_cast %parallel_loop3A_153 : i32 to index
          %parallel_loop3A_161 = tpu.vector_load %arg7[%parallel_loop3A_159, %parallel_loop3A_160] {strides = array<i32>} : memref<8x2048xi32, #tpu.memory_space<vmem>>, vector<16xi32>,
          %parallel_loop3A_162 = arith.constant 2 : i32
          %parallel_loop3A_163 = arith.index_cast %parallel_loop3A_162 : i32 to index
          %parallel_loop3A_164 = arith.index_cast %parallel_loop3A_153 : i32 to index
          %parallel_loop3A_165 = tpu.vector_load %arg7[%parallel_loop3A_163, %parallel_loop3A_164] {strides = array<i32>} : memref<8x2048xi32, #tpu.memory_space<vmem>>, vector<16xi32>,
          %parallel_loop3A_166 = arith.constant 3 : i32
          %parallel_loop3A_167 = arith.index_cast %parallel_loop3A_166 : i32 to index
          %parallel_loop3A_168 = arith.index_cast %parallel_loop3A_153 : i32 to index
          %parallel_loop3A_169 = tpu.vector_load %arg7[%parallel_loop3A_167, %parallel_loop3A_168] {strides = array<i32>} : memref<8x2048xi32, #tpu.memory_space<vmem>>, vector<16xi32>,
          %parallel_loop3A_170 = arith.constant 4 : i32
          %parallel_loop3A_171 = arith.index_cast %parallel_loop3A_170 : i32 to index
          %parallel_loop3A_172 = arith.index_cast %parallel_loop3A_153 : i32 to index
          %parallel_loop3A_173 = tpu.vector_load %arg7[%parallel_loop3A_171, %parallel_loop3A_172] {strides = array<i32>} : memref<8x2048xi32, #tpu.memory_space<vmem>>, vector<16xi32>,
          %parallel_loop3A_174 = arith.constant 5 : i32
          %parallel_loop3A_175 = arith.index_cast %parallel_loop3A_174 : i32 to index
          %parallel_loop3A_176 = arith.index_cast %parallel_loop3A_153 : i32 to index
          %parallel_loop3A_177 = tpu.vector_load %arg7[%parallel_loop3A_175, %parallel_loop3A_176] {strides = array<i32>} : memref<8x2048xi32, #tpu.memory_space<vmem>>, vector<16xi32>,
          %parallel_loop3A_178 = arith.constant 6 : i32
          %parallel_loop3A_179 = arith.index_cast %parallel_loop3A_178 : i32 to index
          %parallel_loop3A_180 = arith.index_cast %parallel_loop3A_153 : i32 to index
          %parallel_loop3A_181 = tpu.vector_load %arg7[%parallel_loop3A_179, %parallel_loop3A_180] {strides = array<i32>} : memref<8x2048xi32, #tpu.memory_space<vmem>>, vector<16xi32>,
          %parallel_loop3A_182 = arith.constant 7 : i32
          %parallel_loop3A_183 = arith.index_cast %parallel_loop3A_182 : i32 to index
          %parallel_loop3A_184 = arith.index_cast %parallel_loop3A_153 : i32 to index
          %parallel_loop3A_185 = tpu.vector_load %arg7[%parallel_loop3A_183, %parallel_loop3A_184] {strides = array<i32>} : memref<8x2048xi32, #tpu.memory_space<vmem>>, vector<16xi32>,
          %parallel_loop3A_186 = arith.constant 5 : i32
          %parallel_loop3A_187 = arith.index_cast %parallel_loop3A_186 : i32 to index
          %parallel_loop3A_188 = arith.index_cast %parallel_loop3A_153 : i32 to index
          %parallel_loop3A_189 = tpu.vector_load %arg6[%parallel_loop3A_187, %parallel_loop3A_188] {strides = array<i32>} : memref<8x2048xi32, #tpu.memory_space<vmem>>, vector<16xi32>,
          %parallel_loop3A_190 = arith.constant 2 : i32
          %parallel_loop3A_191 = vector.broadcast %parallel_loop3A_190 : i32 to vector<16xi32>
          %parallel_loop3A_192 = arith.cmpi sge, %parallel_loop3A_161, %parallel_loop3A_191 : vector<16xi32>
          %parallel_loop3A_193 = arith.select %parallel_loop3A_192, %parallel_loop3A_161, %broadcast_in_dim3A_7 : vector<16xi1>, vector<16xi32>
          %parallel_loop3A_194 = arith.constant 2 : i32
          %parallel_loop3A_195 = vector.broadcast %parallel_loop3A_194 : i32 to vector<16xi32>
          %parallel_loop3A_196 = arith.cmpi sge, %parallel_loop3A_177, %parallel_loop3A_195 : vector<16xi32>
          %parallel_loop3A_197 = arith.select %parallel_loop3A_196, %parallel_loop3A_177, %broadcast_in_dim3A_7 : vector<16xi1>, vector<16xi32>
          %parallel_loop3A_198 = arith.constant 2 : i32
          %parallel_loop3A_199 = vector.broadcast %parallel_loop3A_198 : i32 to vector<16xi32>
          %parallel_loop3A_200 = arith.cmpi sge, %parallel_loop3A_189, %parallel_loop3A_199 : vector<16xi32>
          %parallel_loop3A_201 = arith.select %parallel_loop3A_200, %parallel_loop3A_189, %broadcast_in_dim3A_7 : vector<16xi1>, vector<16xi32>
          %parallel_loop3A_202 = arith.constant 2 : i32
          %parallel_loop3A_203 = vector.broadcast %parallel_loop3A_202 : i32 to vector<16xi32>
          %parallel_loop3A_204 = arith.cmpi sge, %parallel_loop3A_157, %parallel_loop3A_203 : vector<16xi32>
          %parallel_loop3A_205 = arith.constant 4 : i32
          %parallel_loop3A_206 = arith.constant 0 : i32
          %parallel_loop3A_207 = vector.broadcast %parallel_loop3A_205 : i32 to vector<16xi32>
          %parallel_loop3A_208 = vector.broadcast %parallel_loop3A_206 : i32 to vector<16xi32>
          %parallel_loop3A_209 = arith.select %parallel_loop3A_204, %parallel_loop3A_207, %parallel_loop3A_208 : vector<16xi1>, vector<16xi32>
          %parallel_loop3A_210 = arith.constant 0 : i32
          %parallel_loop3A_211 = arith.index_cast %parallel_loop3A_210 : i32 to index
          %parallel_loop3A_212 = arith.index_cast %parallel_loop3A_153 : i32 to index
          %parallel_loop3A_213 = tpu.vector_load %arg8[%parallel_loop3A_211, %parallel_loop3A_212] {strides = array<i32>} : memref<8x2048xi32, #tpu.memory_space<vmem>>, vector<16xi32>,
          tpu.vector_store %arg8[%parallel_loop3A_211, %parallel_loop3A_212], %parallel_loop3A_209 {strides = array<i32>} : memref<8x2048xi32, #tpu.memory_space<vmem>>, vector<16xi32>,
          %parallel_loop3A_214 = arith.constant 2 : i32
          %parallel_loop3A_215 = vector.broadcast %parallel_loop3A_214 : i32 to vector<16xi32>
          %parallel_loop3A_216 = arith.cmpi sge, %parallel_loop3A_161, %parallel_loop3A_215 : vector<16xi32>
          %parallel_loop3A_217 = arith.constant 1 : i32
          %parallel_loop3A_218 = arith.constant 0 : i32
          %parallel_loop3A_219 = vector.broadcast %parallel_loop3A_217 : i32 to vector<16xi32>
          %parallel_loop3A_220 = vector.broadcast %parallel_loop3A_218 : i32 to vector<16xi32>
          %parallel_loop3A_221 = arith.select %parallel_loop3A_216, %parallel_loop3A_219, %parallel_loop3A_220 : vector<16xi1>, vector<16xi32>
          %parallel_loop3A_222 = arith.constant 1 : i32
          %parallel_loop3A_223 = arith.index_cast %parallel_loop3A_222 : i32 to index
          %parallel_loop3A_224 = arith.index_cast %parallel_loop3A_153 : i32 to index
          %parallel_loop3A_225 = tpu.vector_load %arg8[%parallel_loop3A_223, %parallel_loop3A_224] {strides = array<i32>} : memref<8x2048xi32, #tpu.memory_space<vmem>>, vector<16xi32>,
          tpu.vector_store %arg8[%parallel_loop3A_223, %parallel_loop3A_224], %parallel_loop3A_221 {strides = array<i32>} : memref<8x2048xi32, #tpu.memory_space<vmem>>, vector<16xi32>,
          %parallel_loop3A_226 = arith.constant 2 : i32
          %parallel_loop3A_227 = vector.broadcast %parallel_loop3A_226 : i32 to vector<16xi32>
          %parallel_loop3A_228 = arith.cmpi sge, %parallel_loop3A_165, %parallel_loop3A_227 : vector<16xi32>
          %parallel_loop3A_229 = arith.constant 2 : i32
          %parallel_loop3A_230 = arith.constant 0 : i32
          %parallel_loop3A_231 = vector.broadcast %parallel_loop3A_229 : i32 to vector<16xi32>
          %parallel_loop3A_232 = vector.broadcast %parallel_loop3A_230 : i32 to vector<16xi32>
          %parallel_loop3A_233 = arith.select %parallel_loop3A_228, %parallel_loop3A_231, %parallel_loop3A_232 : vector<16xi1>, vector<16xi32>
          %parallel_loop3A_234 = arith.constant 2 : i32
          %parallel_loop3A_235 = arith.index_cast %parallel_loop3A_234 : i32 to index
          %parallel_loop3A_236 = arith.index_cast %parallel_loop3A_153 : i32 to index
          %parallel_loop3A_237 = tpu.vector_load %arg8[%parallel_loop3A_235, %parallel_loop3A_236] {strides = array<i32>} : memref<8x2048xi32, #tpu.memory_space<vmem>>, vector<16xi32>,
          tpu.vector_store %arg8[%parallel_loop3A_235, %parallel_loop3A_236], %parallel_loop3A_233 {strides = array<i32>} : memref<8x2048xi32, #tpu.memory_space<vmem>>, vector<16xi32>,
          %parallel_loop3A_238 = arith.constant 2 : i32
          %parallel_loop3A_239 = vector.broadcast %parallel_loop3A_238 : i32 to vector<16xi32>
          %parallel_loop3A_240 = arith.cmpi sge, %parallel_loop3A_169, %parallel_loop3A_239 : vector<16xi32>
          %parallel_loop3A_241 = arith.constant 3 : i32
          %parallel_loop3A_242 = arith.constant 0 : i32
          %parallel_loop3A_243 = vector.broadcast %parallel_loop3A_241 : i32 to vector<16xi32>
          %parallel_loop3A_244 = vector.broadcast %parallel_loop3A_242 : i32 to vector<16xi32>
          %parallel_loop3A_245 = arith.select %parallel_loop3A_240, %parallel_loop3A_243, %parallel_loop3A_244 : vector<16xi1>, vector<16xi32>
          %parallel_loop3A_246 = arith.constant 3 : i32
          %parallel_loop3A_247 = arith.index_cast %parallel_loop3A_246 : i32 to index
          %parallel_loop3A_248 = arith.index_cast %parallel_loop3A_153 : i32 to index
          %parallel_loop3A_249 = tpu.vector_load %arg8[%parallel_loop3A_247, %parallel_loop3A_248] {strides = array<i32>} : memref<8x2048xi32, #tpu.memory_space<vmem>>, vector<16xi32>,
          tpu.vector_store %arg8[%parallel_loop3A_247, %parallel_loop3A_248], %parallel_loop3A_245 {strides = array<i32>} : memref<8x2048xi32, #tpu.memory_space<vmem>>, vector<16xi32>,
          %parallel_loop3A_250 = arith.constant 2 : i32
          %parallel_loop3A_251 = vector.broadcast %parallel_loop3A_250 : i32 to vector<16xi32>
          %parallel_loop3A_252 = arith.cmpi sge, %parallel_loop3A_173, %parallel_loop3A_251 : vector<16xi32>
          %parallel_loop3A_253 = arith.constant 4 : i32
          %parallel_loop3A_254 = arith.constant 0 : i32
          %parallel_loop3A_255 = vector.broadcast %parallel_loop3A_253 : i32 to vector<16xi32>
          %parallel_loop3A_256 = vector.broadcast %parallel_loop3A_254 : i32 to vector<16xi32>
          %parallel_loop3A_257 = arith.select %parallel_loop3A_252, %parallel_loop3A_255, %parallel_loop3A_256 : vector<16xi1>, vector<16xi32>
          %parallel_loop3A_258 = arith.constant 4 : i32
          %parallel_loop3A_259 = arith.index_cast %parallel_loop3A_258 : i32 to index
          %parallel_loop3A_260 = arith.index_cast %parallel_loop3A_153 : i32 to index
          %parallel_loop3A_261 = tpu.vector_load %arg8[%parallel_loop3A_259, %parallel_loop3A_260] {strides = array<i32>} : memref<8x2048xi32, #tpu.memory_space<vmem>>, vector<16xi32>,
          tpu.vector_store %arg8[%parallel_loop3A_259, %parallel_loop3A_260], %parallel_loop3A_257 {strides = array<i32>} : memref<8x2048xi32, #tpu.memory_space<vmem>>, vector<16xi32>,
          %parallel_loop3A_262 = arith.constant 2 : i32
          %parallel_loop3A_263 = vector.broadcast %parallel_loop3A_262 : i32 to vector<16xi32>
          %parallel_loop3A_264 = arith.cmpi sge, %parallel_loop3A_177, %parallel_loop3A_263 : vector<16xi32>
          %parallel_loop3A_265 = arith.constant 1 : i32
          %parallel_loop3A_266 = arith.constant 0 : i32
          %parallel_loop3A_267 = vector.broadcast %parallel_loop3A_265 : i32 to vector<16xi32>
          %parallel_loop3A_268 = vector.broadcast %parallel_loop3A_266 : i32 to vector<16xi32>
          %parallel_loop3A_269 = arith.select %parallel_loop3A_264, %parallel_loop3A_267, %parallel_loop3A_268 : vector<16xi1>, vector<16xi32>
          %parallel_loop3A_270 = arith.constant 5 : i32
          %parallel_loop3A_271 = arith.index_cast %parallel_loop3A_270 : i32 to index
          %parallel_loop3A_272 = arith.index_cast %parallel_loop3A_153 : i32 to index
          %parallel_loop3A_273 = tpu.vector_load %arg8[%parallel_loop3A_271, %parallel_loop3A_272] {strides = array<i32>} : memref<8x2048xi32, #tpu.memory_space<vmem>>, vector<16xi32>,
          tpu.vector_store %arg8[%parallel_loop3A_271, %parallel_loop3A_272], %parallel_loop3A_269 {strides = array<i32>} : memref<8x2048xi32, #tpu.memory_space<vmem>>, vector<16xi32>,
          %parallel_loop3A_274 = arith.constant 2 : i32
          %parallel_loop3A_275 = vector.broadcast %parallel_loop3A_274 : i32 to vector<16xi32>
          %parallel_loop3A_276 = arith.cmpi sge, %parallel_loop3A_181, %parallel_loop3A_275 : vector<16xi32>
          %parallel_loop3A_277 = arith.constant 2 : i32
          %parallel_loop3A_278 = arith.constant 0 : i32
          %parallel_loop3A_279 = vector.broadcast %parallel_loop3A_277 : i32 to vector<16xi32>
          %parallel_loop3A_280 = vector.broadcast %parallel_loop3A_278 : i32 to vector<16xi32>
          %parallel_loop3A_281 = arith.select %parallel_loop3A_276, %parallel_loop3A_279, %parallel_loop3A_280 : vector<16xi1>, vector<16xi32>
          %parallel_loop3A_282 = arith.constant 6 : i32
          %parallel_loop3A_283 = arith.index_cast %parallel_loop3A_282 : i32 to index
          %parallel_loop3A_284 = arith.index_cast %parallel_loop3A_153 : i32 to index
          %parallel_loop3A_285 = tpu.vector_load %arg8[%parallel_loop3A_283, %parallel_loop3A_284] {strides = array<i32>} : memref<8x2048xi32, #tpu.memory_space<vmem>>, vector<16xi32>,
          tpu.vector_store %arg8[%parallel_loop3A_283, %parallel_loop3A_284], %parallel_loop3A_281 {strides = array<i32>} : memref<8x2048xi32, #tpu.memory_space<vmem>>, vector<16xi32>,
          %parallel_loop3A_286 = arith.constant 2 : i32
          %parallel_loop3A_287 = vector.broadcast %parallel_loop3A_286 : i32 to vector<16xi32>
          %parallel_loop3A_288 = arith.cmpi sge, %parallel_loop3A_185, %parallel_loop3A_287 : vector<16xi32>
          %parallel_loop3A_289 = arith.constant 3 : i32
          %parallel_loop3A_290 = arith.constant 0 : i32
          %parallel_loop3A_291 = vector.broadcast %parallel_loop3A_289 : i32 to vector<16xi32>
          %parallel_loop3A_292 = vector.broadcast %parallel_loop3A_290 : i32 to vector<16xi32>
          %parallel_loop3A_293 = arith.select %parallel_loop3A_288, %parallel_loop3A_291, %parallel_loop3A_292 : vector<16xi1>, vector<16xi32>
          %parallel_loop3A_294 = arith.constant 7 : i32
          %parallel_loop3A_295 = arith.index_cast %parallel_loop3A_294 : i32 to index
          %parallel_loop3A_296 = arith.index_cast %parallel_loop3A_153 : i32 to index
          %parallel_loop3A_297 = tpu.vector_load %arg8[%parallel_loop3A_295, %parallel_loop3A_296] {strides = array<i32>} : memref<8x2048xi32, #tpu.memory_space<vmem>>, vector<16xi32>,
          tpu.vector_store %arg8[%parallel_loop3A_295, %parallel_loop3A_296], %parallel_loop3A_293 {strides = array<i32>} : memref<8x2048xi32, #tpu.memory_space<vmem>>, vector<16xi32>,
          %parallel_loop3A_298 = arith.constant 0 : i32
          %parallel_loop3A_299 = arith.index_cast %parallel_loop3A_298 : i32 to index
          %parallel_loop3A_300 = arith.index_cast %parallel_loop3A_153 : i32 to index
          %parallel_loop3A_301 = tpu.vector_load %arg10[%parallel_loop3A_299, %parallel_loop3A_300] {strides = array<i32>} : memref<8x2048xi32, #tpu.memory_space<vmem>>, vector<16xi32>,
          tpu.vector_store %arg10[%parallel_loop3A_299, %parallel_loop3A_300], %parallel_loop3A_201 {strides = array<i32>} : memref<8x2048xi32, #tpu.memory_space<vmem>>, vector<16xi32>,
          %parallel_loop3A_302 = arith.constant 1 : i32
          %parallel_loop3A_303 = arith.index_cast %parallel_loop3A_302 : i32 to index
          %parallel_loop3A_304 = arith.index_cast %parallel_loop3A_153 : i32 to index
          %parallel_loop3A_305 = tpu.vector_load %arg10[%parallel_loop3A_303, %parallel_loop3A_304] {strides = array<i32>} : memref<8x2048xi32, #tpu.memory_space<vmem>>, vector<16xi32>,
          tpu.vector_store %arg10[%parallel_loop3A_303, %parallel_loop3A_304], %broadcast_in_dim3A_7 {strides = array<i32>} : memref<8x2048xi32, #tpu.memory_space<vmem>>, vector<16xi32>,
          %parallel_loop3A_306 = arith.constant 2 : i32
          %parallel_loop3A_307 = arith.index_cast %parallel_loop3A_306 : i32 to index
          %parallel_loop3A_308 = arith.index_cast %parallel_loop3A_153 : i32 to index
          %parallel_loop3A_309 = tpu.vector_load %arg10[%parallel_loop3A_307, %parallel_loop3A_308] {strides = array<i32>} : memref<8x2048xi32, #tpu.memory_space<vmem>>, vector<16xi32>,
          tpu.vector_store %arg10[%parallel_loop3A_307, %parallel_loop3A_308], %parallel_loop3A_193 {strides = array<i32>} : memref<8x2048xi32, #tpu.memory_space<vmem>>, vector<16xi32>,
          %parallel_loop3A_310 = arith.constant 3 : i32
          %parallel_loop3A_311 = arith.index_cast %parallel_loop3A_310 : i32 to index
          %parallel_loop3A_312 = arith.index_cast %parallel_loop3A_153 : i32 to index
          %parallel_loop3A_313 = tpu.vector_load %arg10[%parallel_loop3A_311, %parallel_loop3A_312] {strides = array<i32>} : memref<8x2048xi32, #tpu.memory_space<vmem>>, vector<16xi32>,
          tpu.vector_store %arg10[%parallel_loop3A_311, %parallel_loop3A_312], %parallel_loop3A_193 {strides = array<i32>} : memref<8x2048xi32, #tpu.memory_space<vmem>>, vector<16xi32>,
          %parallel_loop3A_314 = arith.constant 4 : i32
          %parallel_loop3A_315 = arith.index_cast %parallel_loop3A_314 : i32 to index
          %parallel_loop3A_316 = arith.index_cast %parallel_loop3A_153 : i32 to index
          %parallel_loop3A_317 = tpu.vector_load %arg10[%parallel_loop3A_315, %parallel_loop3A_316] {strides = array<i32>} : memref<8x2048xi32, #tpu.memory_space<vmem>>, vector<16xi32>,
          tpu.vector_store %arg10[%parallel_loop3A_315, %parallel_loop3A_316], %parallel_loop3A_193 {strides = array<i32>} : memref<8x2048xi32, #tpu.memory_space<vmem>>, vector<16xi32>,
          %parallel_loop3A_318 = arith.constant 5 : i32
          %parallel_loop3A_319 = arith.index_cast %parallel_loop3A_318 : i32 to index
          %parallel_loop3A_320 = arith.index_cast %parallel_loop3A_153 : i32 to index
          %parallel_loop3A_321 = tpu.vector_load %arg10[%parallel_loop3A_319, %parallel_loop3A_320] {strides = array<i32>} : memref<8x2048xi32, #tpu.memory_space<vmem>>, vector<16xi32>,
          tpu.vector_store %arg10[%parallel_loop3A_319, %parallel_loop3A_320], %broadcast_in_dim3A_7 {strides = array<i32>} : memref<8x2048xi32, #tpu.memory_space<vmem>>, vector<16xi32>,
          %parallel_loop3A_322 = arith.constant 6 : i32
          %parallel_loop3A_323 = arith.index_cast %parallel_loop3A_322 : i32 to index
          %parallel_loop3A_324 = arith.index_cast %parallel_loop3A_153 : i32 to index
          %parallel_loop3A_325 = tpu.vector_load %arg10[%parallel_loop3A_323, %parallel_loop3A_324] {strides = array<i32>} : memref<8x2048xi32, #tpu.memory_space<vmem>>, vector<16xi32>,
          tpu.vector_store %arg10[%parallel_loop3A_323, %parallel_loop3A_324], %parallel_loop3A_197 {strides = array<i32>} : memref<8x2048xi32, #tpu.memory_space<vmem>>, vector<16xi32>,
          %parallel_loop3A_326 = arith.constant 7 : i32
          %parallel_loop3A_327 = arith.index_cast %parallel_loop3A_326 : i32 to index
          %parallel_loop3A_328 = arith.index_cast %parallel_loop3A_153 : i32 to index
          %parallel_loop3A_329 = tpu.vector_load %arg10[%parallel_loop3A_327, %parallel_loop3A_328] {strides = array<i32>} : memref<8x2048xi32, #tpu.memory_space<vmem>>, vector<16xi32>,
          tpu.vector_store %arg10[%parallel_loop3A_327, %parallel_loop3A_328], %parallel_loop3A_197 {strides = array<i32>} : memref<8x2048xi32, #tpu.memory_space<vmem>>, vector<16xi32>,
        } {sc.loop_unroll_factor = 4 : i64, sc.parallel_access}
        %eq3A_127 = arith.constant 0 : i32
        %eq3A_128 = arith.cmpi eq, %shift_right_arithmetic3A_1, %eq3A_127 : i32
        %eq3A_129 = arith.constant 0 : i32
        %eq3A_130 = arith.cmpi eq, %add3A_79, %eq3A_129 : i32
        %and3A_131 = arith.andi %eq3A_128, %eq3A_130 : i1
        %convert_element_type3A_132 = arith.extui %and3A_131 : i1 to i32
        %cond3A_133 = arith.constant 0 : i32
        %cond3A_134 = arith.cmpi ne, %convert_element_type3A_132, %cond3A_133 : i32
        scf.if %cond3A_134 {
          %parallel_loop3A_151 = arith.constant 0 : i32
          %parallel_loop3A_152 = arith.constant 128 : i32
          %parallel_loop3A_153 = arith.constant 1 : i32
          scf.for %parallel_loop3A_154 = %parallel_loop3A_151 to %parallel_loop3A_152 step %parallel_loop3A_153  : i32 {
            %parallel_loop3A_155 = arith.constant 16 : i32
            %parallel_loop3A_156 = arith.muli %parallel_loop3A_154, %parallel_loop3A_155 : i32
            %parallel_loop3A_157 = arith.constant 0 : i32
            %parallel_loop3A_158 = arith.index_cast %parallel_loop3A_157 : i32 to index
            %parallel_loop3A_159 = arith.index_cast %parallel_loop3A_156 : i32 to index
            %parallel_loop3A_160 = tpu.vector_load %arg8[%parallel_loop3A_158, %parallel_loop3A_159] {strides = array<i32>} : memref<8x2048xi32, #tpu.memory_space<vmem>>, vector<16xi32>,
            tpu.vector_store %arg8[%parallel_loop3A_158, %parallel_loop3A_159], %broadcast_in_dim3A_7 {strides = array<i32>} : memref<8x2048xi32, #tpu.memory_space<vmem>>, vector<16xi32>,
            %parallel_loop3A_161 = arith.constant 16 : i32
            %parallel_loop3A_162 = arith.muli %parallel_loop3A_154, %parallel_loop3A_161 : i32
            %parallel_loop3A_163 = arith.constant 0 : i32
            %parallel_loop3A_164 = arith.index_cast %parallel_loop3A_163 : i32 to index
            %parallel_loop3A_165 = arith.index_cast %parallel_loop3A_162 : i32 to index
            %parallel_loop3A_166 = tpu.vector_load %arg10[%parallel_loop3A_164, %parallel_loop3A_165] {strides = array<i32>} : memref<8x2048xi32, #tpu.memory_space<vmem>>, vector<16xi32>,
            tpu.vector_store %arg10[%parallel_loop3A_164, %parallel_loop3A_165], %broadcast_in_dim3A_7 {strides = array<i32>} : memref<8x2048xi32, #tpu.memory_space<vmem>>, vector<16xi32>,
          } {sc.loop_unroll_factor = 4 : i64, sc.parallel_access}
        } else {
        }
        %mul3A_135 = arith.constant 8 : i32
        %mul3A_136 = arith.muli %add3A_79, %mul3A_135 : i32
        %add3A_137 = arith.addi %mul3A_6, %mul3A_136 : i32
        %dma_start3A_138 = arith.constant 0 : i32
        %dma_start3A_139 = tpu.memref_slice %arg3[%add3A_137, %mul3A_4] : memref<2050x4096xi32, #tpu.memory_space<hbm>> -> memref<8x2048xi32, #tpu.memory_space<hbm>>
        %dma_start3A_140 = tpu.memref_slice %arg13[%dma_start3A_138] : memref<2x!tpu.dma_semaphore, #tpu.memory_space<semaphore_mem>> -> memref<1x!tpu.dma_semaphore, #tpu.memory_space<semaphore_mem>>
        %dma_start3A_141 = tpu.memref_squeeze %dma_start3A_140 : memref<1x!tpu.dma_semaphore, #tpu.memory_space<semaphore_mem>> -> memref<!tpu.dma_semaphore, #tpu.memory_space<semaphore_mem>>
        %dma_start3A_142 = tpu.memref_slice %arg3[%add3A_137, %mul3A_4] : memref<2050x4096xi32, #tpu.memory_space<hbm>> -> memref<8x2048xi32, #tpu.memory_space<hbm>>
        tpu.enqueue_dma source(%arg8 : memref<8x2048xi32, #tpu.memory_space<vmem>>) target(%dma_start3A_142 : memref<8x2048xi32, #tpu.memory_space<hbm>>) target_semaphore(%dma_start3A_141 : memref<!tpu.dma_semaphore, #tpu.memory_space<semaphore_mem>>)
        %mul3A_143 = arith.constant 8 : i32
        %mul3A_144 = arith.muli %add3A_79, %mul3A_143 : i32
        %add3A_145 = arith.addi %mul3A_6, %mul3A_144 : i32
        %dma_start3A_146 = arith.constant 0 : i32
        %dma_start3A_147 = tpu.memref_slice %arg4[%add3A_145, %mul3A_4] : memref<2050x4096xi32, #tpu.memory_space<hbm>> -> memref<8x2048xi32, #tpu.memory_space<hbm>>
        %dma_start3A_148 = tpu.memref_slice %arg13[%dma_start3A_146] : memref<2x!tpu.dma_semaphore, #tpu.memory_space<semaphore_mem>> -> memref<1x!tpu.dma_semaphore, #tpu.memory_space<semaphore_mem>>
        %dma_start3A_149 = tpu.memref_squeeze %dma_start3A_148 : memref<1x!tpu.dma_semaphore, #tpu.memory_space<semaphore_mem>> -> memref<!tpu.dma_semaphore, #tpu.memory_space<semaphore_mem>>
        %dma_start3A_150 = tpu.memref_slice %arg4[%add3A_145, %mul3A_4] : memref<2050x4096xi32, #tpu.memory_space<hbm>> -> memref<8x2048xi32, #tpu.memory_space<hbm>>
        tpu.enqueue_dma source(%arg10 : memref<8x2048xi32, #tpu.memory_space<vmem>>) target(%dma_start3A_150 : memref<8x2048xi32, #tpu.memory_space<hbm>>) target_semaphore(%dma_start3A_149 : memref<!tpu.dma_semaphore, #tpu.memory_space<semaphore_mem>>)
      } else {
      }
      %add3A_85 = arith.constant 3 : i32
      %add3A_86 = arith.addi %add3A_64, %add3A_85 : i32
      %lt3A_87 = arith.constant 16 : i32
      %lt3A_88 = arith.cmpi slt, %add3A_86, %lt3A_87 : i32
      %convert_element_type3A_89 = arith.extui %lt3A_88 : i1 to i32
      %cond3A_90 = arith.constant 0 : i32
      %cond3A_91 = arith.cmpi ne, %convert_element_type3A_89, %cond3A_90 : i32
      scf.if %cond3A_91 {
        %add3A_106 = arith.constant 1 : i32
        %add3A_107 = arith.addi %add3A_86, %add3A_106 : i32
        %lt3A_108 = arith.constant 16 : i32
        %lt3A_109 = arith.cmpi slt, %add3A_107, %lt3A_108 : i32
        %convert_element_type3A_110 = arith.extui %lt3A_109 : i1 to i32
        %cond3A_111 = arith.constant 0 : i32
        %cond3A_112 = arith.cmpi ne, %convert_element_type3A_110, %cond3A_111 : i32
        scf.if %cond3A_112 {
          %add3A_151 = arith.constant 1 : i32
          %add3A_152 = arith.addi %add3A_86, %add3A_151 : i32
          %mul3A_153 = arith.constant 8 : i32
          %mul3A_154 = arith.muli %add3A_152, %mul3A_153 : i32
          %add3A_155 = arith.addi %mul3A_6, %mul3A_154 : i32
          %dma_start3A_156 = arith.constant 1 : i32
          %dma_start3A_157 = tpu.memref_slice %arg2[%add3A_155, %mul3A_4] : memref<2050x4096xi32, #tpu.memory_space<hbm>> -> memref<8x2048xi32, #tpu.memory_space<hbm>>
          %dma_start3A_158 = tpu.memref_slice %arg12[%dma_start3A_156] : memref<3x!tpu.dma_semaphore, #tpu.memory_space<semaphore_mem>> -> memref<1x!tpu.dma_semaphore, #tpu.memory_space<semaphore_mem>>
          %dma_start3A_159 = tpu.memref_squeeze %dma_start3A_158 : memref<1x!tpu.dma_semaphore, #tpu.memory_space<semaphore_mem>> -> memref<!tpu.dma_semaphore, #tpu.memory_space<semaphore_mem>>
          %dma_start3A_160 = tpu.memref_slice %arg2[%add3A_155, %mul3A_4] : memref<2050x4096xi32, #tpu.memory_space<hbm>> -> memref<8x2048xi32, #tpu.memory_space<hbm>>
          tpu.enqueue_dma source(%dma_start3A_160 : memref<8x2048xi32, #tpu.memory_space<hbm>>) target(%arg6 : memref<8x2048xi32, #tpu.memory_space<vmem>>) target_semaphore(%dma_start3A_159 : memref<!tpu.dma_semaphore, #tpu.memory_space<semaphore_mem>>)
        } else {
        }
        %mul3A_113 = arith.constant 8 : i32
        %mul3A_114 = arith.muli %add3A_86, %mul3A_113 : i32
        %add3A_115 = arith.addi %mul3A_6, %mul3A_114 : i32
        %dma_wait3A_116 = arith.constant 0 : i32
        %dma_wait3A_117 = tpu.memref_slice %arg2[%add3A_115, %mul3A_4] : memref<2050x4096xi32, #tpu.memory_space<hbm>> -> memref<8x2048xi32, #tpu.memory_space<hbm>>
        %dma_wait3A_118 = tpu.memref_slice %arg12[%dma_wait3A_116] : memref<3x!tpu.dma_semaphore, #tpu.memory_space<semaphore_mem>> -> memref<1x!tpu.dma_semaphore, #tpu.memory_space<semaphore_mem>>
        %dma_wait3A_119 = tpu.memref_squeeze %dma_wait3A_118 : memref<1x!tpu.dma_semaphore, #tpu.memory_space<semaphore_mem>> -> memref<!tpu.dma_semaphore, #tpu.memory_space<semaphore_mem>>
        %dma_wait3A_120 = tpu.memref_slice %arg2[%add3A_115, %mul3A_4] : memref<2050x4096xi32, #tpu.memory_space<hbm>> -> memref<8x2048xi32, #tpu.memory_space<hbm>>
        tpu.wait_dma2 semaphore(%dma_wait3A_119 : memref<!tpu.dma_semaphore, #tpu.memory_space<semaphore_mem>>) src(%dma_wait3A_120 : memref<8x2048xi32, #tpu.memory_space<hbm>>) dst(%arg5 : memref<8x2048xi32, #tpu.memory_space<vmem>>)
        %ge3A = arith.constant 2 : i32
        %ge3A_121 = arith.cmpi sge, %add3A_86, %ge3A : i32
        %convert_element_type3A_122 = arith.extui %ge3A_121 : i1 to i32
        %cond3A_123 = arith.constant 0 : i32
        %cond3A_124 = arith.cmpi ne, %convert_element_type3A_122, %cond3A_123 : i32
        scf.if %cond3A_124 {
          %sub3A_151 = arith.constant 2 : i32
          %sub3A_152 = arith.subi %add3A_86, %sub3A_151 : i32
          %mul3A_153 = arith.constant 8 : i32
          %mul3A_154 = arith.muli %sub3A_152, %mul3A_153 : i32
          %add3A_155 = arith.addi %mul3A_6, %mul3A_154 : i32
          %dma_wait3A_156 = arith.constant 1 : i32
          %dma_wait3A_157 = tpu.memref_slice %arg3[%add3A_155, %mul3A_4] : memref<2050x4096xi32, #tpu.memory_space<hbm>> -> memref<8x2048xi32, #tpu.memory_space<hbm>>
          %dma_wait3A_158 = tpu.memref_slice %arg13[%dma_wait3A_156] : memref<2x!tpu.dma_semaphore, #tpu.memory_space<semaphore_mem>> -> memref<1x!tpu.dma_semaphore, #tpu.memory_space<semaphore_mem>>
          %dma_wait3A_159 = tpu.memref_squeeze %dma_wait3A_158 : memref<1x!tpu.dma_semaphore, #tpu.memory_space<semaphore_mem>> -> memref<!tpu.dma_semaphore, #tpu.memory_space<semaphore_mem>>
          %dma_wait3A_160 = tpu.memref_slice %arg3[%add3A_155, %mul3A_4] : memref<2050x4096xi32, #tpu.memory_space<hbm>> -> memref<8x2048xi32, #tpu.memory_space<hbm>>
          tpu.wait_dma2 semaphore(%dma_wait3A_159 : memref<!tpu.dma_semaphore, #tpu.memory_space<semaphore_mem>>) src(%arg9 : memref<8x2048xi32, #tpu.memory_space<vmem>>) dst(%dma_wait3A_160 : memref<8x2048xi32, #tpu.memory_space<hbm>>)
          %sub3A_161 = arith.constant 2 : i32
          %sub3A_162 = arith.subi %add3A_86, %sub3A_161 : i32
          %mul3A_163 = arith.constant 8 : i32
          %mul3A_164 = arith.muli %sub3A_162, %mul3A_163 : i32
          %add3A_165 = arith.addi %mul3A_6, %mul3A_164 : i32
          %dma_wait3A_166 = arith.constant 1 : i32
          %dma_wait3A_167 = tpu.memref_slice %arg4[%add3A_165, %mul3A_4] : memref<2050x4096xi32, #tpu.memory_space<hbm>> -> memref<8x2048xi32, #tpu.memory_space<hbm>>
          %dma_wait3A_168 = tpu.memref_slice %arg13[%dma_wait3A_166] : memref<2x!tpu.dma_semaphore, #tpu.memory_space<semaphore_mem>> -> memref<1x!tpu.dma_semaphore, #tpu.memory_space<semaphore_mem>>
          %dma_wait3A_169 = tpu.memref_squeeze %dma_wait3A_168 : memref<1x!tpu.dma_semaphore, #tpu.memory_space<semaphore_mem>> -> memref<!tpu.dma_semaphore, #tpu.memory_space<semaphore_mem>>
          %dma_wait3A_170 = tpu.memref_slice %arg4[%add3A_165, %mul3A_4] : memref<2050x4096xi32, #tpu.memory_space<hbm>> -> memref<8x2048xi32, #tpu.memory_space<hbm>>
          tpu.wait_dma2 semaphore(%dma_wait3A_169 : memref<!tpu.dma_semaphore, #tpu.memory_space<semaphore_mem>>) src(%arg11 : memref<8x2048xi32, #tpu.memory_space<vmem>>) dst(%dma_wait3A_170 : memref<8x2048xi32, #tpu.memory_space<hbm>>)
        } else {
        }
        %parallel_loop3A = arith.constant 0 : i32
        %parallel_loop3A_125 = arith.constant 128 : i32
        %parallel_loop3A_126 = arith.constant 1 : i32
        scf.for %parallel_loop3A_151 = %parallel_loop3A to %parallel_loop3A_125 step %parallel_loop3A_126  : i32 {
          %parallel_loop3A_152 = arith.constant 16 : i32
          %parallel_loop3A_153 = arith.muli %parallel_loop3A_151, %parallel_loop3A_152 : i32
          %parallel_loop3A_154 = arith.constant 0 : i32
          %parallel_loop3A_155 = arith.index_cast %parallel_loop3A_154 : i32 to index
          %parallel_loop3A_156 = arith.index_cast %parallel_loop3A_153 : i32 to index
          %parallel_loop3A_157 = tpu.vector_load %arg5[%parallel_loop3A_155, %parallel_loop3A_156] {strides = array<i32>} : memref<8x2048xi32, #tpu.memory_space<vmem>>, vector<16xi32>,
          %parallel_loop3A_158 = arith.constant 1 : i32
          %parallel_loop3A_159 = arith.index_cast %parallel_loop3A_158 : i32 to index
          %parallel_loop3A_160 = arith.index_cast %parallel_loop3A_153 : i32 to index
          %parallel_loop3A_161 = tpu.vector_load %arg5[%parallel_loop3A_159, %parallel_loop3A_160] {strides = array<i32>} : memref<8x2048xi32, #tpu.memory_space<vmem>>, vector<16xi32>,
          %parallel_loop3A_162 = arith.constant 2 : i32
          %parallel_loop3A_163 = arith.index_cast %parallel_loop3A_162 : i32 to index
          %parallel_loop3A_164 = arith.index_cast %parallel_loop3A_153 : i32 to index
          %parallel_loop3A_165 = tpu.vector_load %arg5[%parallel_loop3A_163, %parallel_loop3A_164] {strides = array<i32>} : memref<8x2048xi32, #tpu.memory_space<vmem>>, vector<16xi32>,
          %parallel_loop3A_166 = arith.constant 3 : i32
          %parallel_loop3A_167 = arith.index_cast %parallel_loop3A_166 : i32 to index
          %parallel_loop3A_168 = arith.index_cast %parallel_loop3A_153 : i32 to index
          %parallel_loop3A_169 = tpu.vector_load %arg5[%parallel_loop3A_167, %parallel_loop3A_168] {strides = array<i32>} : memref<8x2048xi32, #tpu.memory_space<vmem>>, vector<16xi32>,
          %parallel_loop3A_170 = arith.constant 4 : i32
          %parallel_loop3A_171 = arith.index_cast %parallel_loop3A_170 : i32 to index
          %parallel_loop3A_172 = arith.index_cast %parallel_loop3A_153 : i32 to index
          %parallel_loop3A_173 = tpu.vector_load %arg5[%parallel_loop3A_171, %parallel_loop3A_172] {strides = array<i32>} : memref<8x2048xi32, #tpu.memory_space<vmem>>, vector<16xi32>,
          %parallel_loop3A_174 = arith.constant 5 : i32
          %parallel_loop3A_175 = arith.index_cast %parallel_loop3A_174 : i32 to index
          %parallel_loop3A_176 = arith.index_cast %parallel_loop3A_153 : i32 to index
          %parallel_loop3A_177 = tpu.vector_load %arg5[%parallel_loop3A_175, %parallel_loop3A_176] {strides = array<i32>} : memref<8x2048xi32, #tpu.memory_space<vmem>>, vector<16xi32>,
          %parallel_loop3A_178 = arith.constant 6 : i32
          %parallel_loop3A_179 = arith.index_cast %parallel_loop3A_178 : i32 to index
          %parallel_loop3A_180 = arith.index_cast %parallel_loop3A_153 : i32 to index
          %parallel_loop3A_181 = tpu.vector_load %arg5[%parallel_loop3A_179, %parallel_loop3A_180] {strides = array<i32>} : memref<8x2048xi32, #tpu.memory_space<vmem>>, vector<16xi32>,
          %parallel_loop3A_182 = arith.constant 7 : i32
          %parallel_loop3A_183 = arith.index_cast %parallel_loop3A_182 : i32 to index
          %parallel_loop3A_184 = arith.index_cast %parallel_loop3A_153 : i32 to index
          %parallel_loop3A_185 = tpu.vector_load %arg5[%parallel_loop3A_183, %parallel_loop3A_184] {strides = array<i32>} : memref<8x2048xi32, #tpu.memory_space<vmem>>, vector<16xi32>,
          %parallel_loop3A_186 = arith.constant 5 : i32
          %parallel_loop3A_187 = arith.index_cast %parallel_loop3A_186 : i32 to index
          %parallel_loop3A_188 = arith.index_cast %parallel_loop3A_153 : i32 to index
          %parallel_loop3A_189 = tpu.vector_load %arg7[%parallel_loop3A_187, %parallel_loop3A_188] {strides = array<i32>} : memref<8x2048xi32, #tpu.memory_space<vmem>>, vector<16xi32>,
          %parallel_loop3A_190 = arith.constant 2 : i32
          %parallel_loop3A_191 = vector.broadcast %parallel_loop3A_190 : i32 to vector<16xi32>
          %parallel_loop3A_192 = arith.cmpi sge, %parallel_loop3A_161, %parallel_loop3A_191 : vector<16xi32>
          %parallel_loop3A_193 = arith.select %parallel_loop3A_192, %parallel_loop3A_161, %broadcast_in_dim3A_7 : vector<16xi1>, vector<16xi32>
          %parallel_loop3A_194 = arith.constant 2 : i32
          %parallel_loop3A_195 = vector.broadcast %parallel_loop3A_194 : i32 to vector<16xi32>
          %parallel_loop3A_196 = arith.cmpi sge, %parallel_loop3A_177, %parallel_loop3A_195 : vector<16xi32>
          %parallel_loop3A_197 = arith.select %parallel_loop3A_196, %parallel_loop3A_177, %broadcast_in_dim3A_7 : vector<16xi1>, vector<16xi32>
          %parallel_loop3A_198 = arith.constant 2 : i32
          %parallel_loop3A_199 = vector.broadcast %parallel_loop3A_198 : i32 to vector<16xi32>
          %parallel_loop3A_200 = arith.cmpi sge, %parallel_loop3A_189, %parallel_loop3A_199 : vector<16xi32>
          %parallel_loop3A_201 = arith.select %parallel_loop3A_200, %parallel_loop3A_189, %broadcast_in_dim3A_7 : vector<16xi1>, vector<16xi32>
          %parallel_loop3A_202 = arith.constant 2 : i32
          %parallel_loop3A_203 = vector.broadcast %parallel_loop3A_202 : i32 to vector<16xi32>
          %parallel_loop3A_204 = arith.cmpi sge, %parallel_loop3A_157, %parallel_loop3A_203 : vector<16xi32>
          %parallel_loop3A_205 = arith.constant 4 : i32
          %parallel_loop3A_206 = arith.constant 0 : i32
          %parallel_loop3A_207 = vector.broadcast %parallel_loop3A_205 : i32 to vector<16xi32>
          %parallel_loop3A_208 = vector.broadcast %parallel_loop3A_206 : i32 to vector<16xi32>
          %parallel_loop3A_209 = arith.select %parallel_loop3A_204, %parallel_loop3A_207, %parallel_loop3A_208 : vector<16xi1>, vector<16xi32>
          %parallel_loop3A_210 = arith.constant 0 : i32
          %parallel_loop3A_211 = arith.index_cast %parallel_loop3A_210 : i32 to index
          %parallel_loop3A_212 = arith.index_cast %parallel_loop3A_153 : i32 to index
          %parallel_loop3A_213 = tpu.vector_load %arg9[%parallel_loop3A_211, %parallel_loop3A_212] {strides = array<i32>} : memref<8x2048xi32, #tpu.memory_space<vmem>>, vector<16xi32>,
          tpu.vector_store %arg9[%parallel_loop3A_211, %parallel_loop3A_212], %parallel_loop3A_209 {strides = array<i32>} : memref<8x2048xi32, #tpu.memory_space<vmem>>, vector<16xi32>,
          %parallel_loop3A_214 = arith.constant 2 : i32
          %parallel_loop3A_215 = vector.broadcast %parallel_loop3A_214 : i32 to vector<16xi32>
          %parallel_loop3A_216 = arith.cmpi sge, %parallel_loop3A_161, %parallel_loop3A_215 : vector<16xi32>
          %parallel_loop3A_217 = arith.constant 1 : i32
          %parallel_loop3A_218 = arith.constant 0 : i32
          %parallel_loop3A_219 = vector.broadcast %parallel_loop3A_217 : i32 to vector<16xi32>
          %parallel_loop3A_220 = vector.broadcast %parallel_loop3A_218 : i32 to vector<16xi32>
          %parallel_loop3A_221 = arith.select %parallel_loop3A_216, %parallel_loop3A_219, %parallel_loop3A_220 : vector<16xi1>, vector<16xi32>
          %parallel_loop3A_222 = arith.constant 1 : i32
          %parallel_loop3A_223 = arith.index_cast %parallel_loop3A_222 : i32 to index
          %parallel_loop3A_224 = arith.index_cast %parallel_loop3A_153 : i32 to index
          %parallel_loop3A_225 = tpu.vector_load %arg9[%parallel_loop3A_223, %parallel_loop3A_224] {strides = array<i32>} : memref<8x2048xi32, #tpu.memory_space<vmem>>, vector<16xi32>,
          tpu.vector_store %arg9[%parallel_loop3A_223, %parallel_loop3A_224], %parallel_loop3A_221 {strides = array<i32>} : memref<8x2048xi32, #tpu.memory_space<vmem>>, vector<16xi32>,
          %parallel_loop3A_226 = arith.constant 2 : i32
          %parallel_loop3A_227 = vector.broadcast %parallel_loop3A_226 : i32 to vector<16xi32>
          %parallel_loop3A_228 = arith.cmpi sge, %parallel_loop3A_165, %parallel_loop3A_227 : vector<16xi32>
          %parallel_loop3A_229 = arith.constant 2 : i32
          %parallel_loop3A_230 = arith.constant 0 : i32
          %parallel_loop3A_231 = vector.broadcast %parallel_loop3A_229 : i32 to vector<16xi32>
          %parallel_loop3A_232 = vector.broadcast %parallel_loop3A_230 : i32 to vector<16xi32>
          %parallel_loop3A_233 = arith.select %parallel_loop3A_228, %parallel_loop3A_231, %parallel_loop3A_232 : vector<16xi1>, vector<16xi32>
          %parallel_loop3A_234 = arith.constant 2 : i32
          %parallel_loop3A_235 = arith.index_cast %parallel_loop3A_234 : i32 to index
          %parallel_loop3A_236 = arith.index_cast %parallel_loop3A_153 : i32 to index
          %parallel_loop3A_237 = tpu.vector_load %arg9[%parallel_loop3A_235, %parallel_loop3A_236] {strides = array<i32>} : memref<8x2048xi32, #tpu.memory_space<vmem>>, vector<16xi32>,
          tpu.vector_store %arg9[%parallel_loop3A_235, %parallel_loop3A_236], %parallel_loop3A_233 {strides = array<i32>} : memref<8x2048xi32, #tpu.memory_space<vmem>>, vector<16xi32>,
          %parallel_loop3A_238 = arith.constant 2 : i32
          %parallel_loop3A_239 = vector.broadcast %parallel_loop3A_238 : i32 to vector<16xi32>
          %parallel_loop3A_240 = arith.cmpi sge, %parallel_loop3A_169, %parallel_loop3A_239 : vector<16xi32>
          %parallel_loop3A_241 = arith.constant 3 : i32
          %parallel_loop3A_242 = arith.constant 0 : i32
          %parallel_loop3A_243 = vector.broadcast %parallel_loop3A_241 : i32 to vector<16xi32>
          %parallel_loop3A_244 = vector.broadcast %parallel_loop3A_242 : i32 to vector<16xi32>
          %parallel_loop3A_245 = arith.select %parallel_loop3A_240, %parallel_loop3A_243, %parallel_loop3A_244 : vector<16xi1>, vector<16xi32>
          %parallel_loop3A_246 = arith.constant 3 : i32
          %parallel_loop3A_247 = arith.index_cast %parallel_loop3A_246 : i32 to index
          %parallel_loop3A_248 = arith.index_cast %parallel_loop3A_153 : i32 to index
          %parallel_loop3A_249 = tpu.vector_load %arg9[%parallel_loop3A_247, %parallel_loop3A_248] {strides = array<i32>} : memref<8x2048xi32, #tpu.memory_space<vmem>>, vector<16xi32>,
          tpu.vector_store %arg9[%parallel_loop3A_247, %parallel_loop3A_248], %parallel_loop3A_245 {strides = array<i32>} : memref<8x2048xi32, #tpu.memory_space<vmem>>, vector<16xi32>,
          %parallel_loop3A_250 = arith.constant 2 : i32
          %parallel_loop3A_251 = vector.broadcast %parallel_loop3A_250 : i32 to vector<16xi32>
          %parallel_loop3A_252 = arith.cmpi sge, %parallel_loop3A_173, %parallel_loop3A_251 : vector<16xi32>
          %parallel_loop3A_253 = arith.constant 4 : i32
          %parallel_loop3A_254 = arith.constant 0 : i32
          %parallel_loop3A_255 = vector.broadcast %parallel_loop3A_253 : i32 to vector<16xi32>
          %parallel_loop3A_256 = vector.broadcast %parallel_loop3A_254 : i32 to vector<16xi32>
          %parallel_loop3A_257 = arith.select %parallel_loop3A_252, %parallel_loop3A_255, %parallel_loop3A_256 : vector<16xi1>, vector<16xi32>
          %parallel_loop3A_258 = arith.constant 4 : i32
          %parallel_loop3A_259 = arith.index_cast %parallel_loop3A_258 : i32 to index
          %parallel_loop3A_260 = arith.index_cast %parallel_loop3A_153 : i32 to index
          %parallel_loop3A_261 = tpu.vector_load %arg9[%parallel_loop3A_259, %parallel_loop3A_260] {strides = array<i32>} : memref<8x2048xi32, #tpu.memory_space<vmem>>, vector<16xi32>,
          tpu.vector_store %arg9[%parallel_loop3A_259, %parallel_loop3A_260], %parallel_loop3A_257 {strides = array<i32>} : memref<8x2048xi32, #tpu.memory_space<vmem>>, vector<16xi32>,
          %parallel_loop3A_262 = arith.constant 2 : i32
          %parallel_loop3A_263 = vector.broadcast %parallel_loop3A_262 : i32 to vector<16xi32>
          %parallel_loop3A_264 = arith.cmpi sge, %parallel_loop3A_177, %parallel_loop3A_263 : vector<16xi32>
          %parallel_loop3A_265 = arith.constant 1 : i32
          %parallel_loop3A_266 = arith.constant 0 : i32
          %parallel_loop3A_267 = vector.broadcast %parallel_loop3A_265 : i32 to vector<16xi32>
          %parallel_loop3A_268 = vector.broadcast %parallel_loop3A_266 : i32 to vector<16xi32>
          %parallel_loop3A_269 = arith.select %parallel_loop3A_264, %parallel_loop3A_267, %parallel_loop3A_268 : vector<16xi1>, vector<16xi32>
          %parallel_loop3A_270 = arith.constant 5 : i32
          %parallel_loop3A_271 = arith.index_cast %parallel_loop3A_270 : i32 to index
          %parallel_loop3A_272 = arith.index_cast %parallel_loop3A_153 : i32 to index
          %parallel_loop3A_273 = tpu.vector_load %arg9[%parallel_loop3A_271, %parallel_loop3A_272] {strides = array<i32>} : memref<8x2048xi32, #tpu.memory_space<vmem>>, vector<16xi32>,
          tpu.vector_store %arg9[%parallel_loop3A_271, %parallel_loop3A_272], %parallel_loop3A_269 {strides = array<i32>} : memref<8x2048xi32, #tpu.memory_space<vmem>>, vector<16xi32>,
          %parallel_loop3A_274 = arith.constant 2 : i32
          %parallel_loop3A_275 = vector.broadcast %parallel_loop3A_274 : i32 to vector<16xi32>
          %parallel_loop3A_276 = arith.cmpi sge, %parallel_loop3A_181, %parallel_loop3A_275 : vector<16xi32>
          %parallel_loop3A_277 = arith.constant 2 : i32
          %parallel_loop3A_278 = arith.constant 0 : i32
          %parallel_loop3A_279 = vector.broadcast %parallel_loop3A_277 : i32 to vector<16xi32>
          %parallel_loop3A_280 = vector.broadcast %parallel_loop3A_278 : i32 to vector<16xi32>
          %parallel_loop3A_281 = arith.select %parallel_loop3A_276, %parallel_loop3A_279, %parallel_loop3A_280 : vector<16xi1>, vector<16xi32>
          %parallel_loop3A_282 = arith.constant 6 : i32
          %parallel_loop3A_283 = arith.index_cast %parallel_loop3A_282 : i32 to index
          %parallel_loop3A_284 = arith.index_cast %parallel_loop3A_153 : i32 to index
          %parallel_loop3A_285 = tpu.vector_load %arg9[%parallel_loop3A_283, %parallel_loop3A_284] {strides = array<i32>} : memref<8x2048xi32, #tpu.memory_space<vmem>>, vector<16xi32>,
          tpu.vector_store %arg9[%parallel_loop3A_283, %parallel_loop3A_284], %parallel_loop3A_281 {strides = array<i32>} : memref<8x2048xi32, #tpu.memory_space<vmem>>, vector<16xi32>,
          %parallel_loop3A_286 = arith.constant 2 : i32
          %parallel_loop3A_287 = vector.broadcast %parallel_loop3A_286 : i32 to vector<16xi32>
          %parallel_loop3A_288 = arith.cmpi sge, %parallel_loop3A_185, %parallel_loop3A_287 : vector<16xi32>
          %parallel_loop3A_289 = arith.constant 3 : i32
          %parallel_loop3A_290 = arith.constant 0 : i32
          %parallel_loop3A_291 = vector.broadcast %parallel_loop3A_289 : i32 to vector<16xi32>
          %parallel_loop3A_292 = vector.broadcast %parallel_loop3A_290 : i32 to vector<16xi32>
          %parallel_loop3A_293 = arith.select %parallel_loop3A_288, %parallel_loop3A_291, %parallel_loop3A_292 : vector<16xi1>, vector<16xi32>
          %parallel_loop3A_294 = arith.constant 7 : i32
          %parallel_loop3A_295 = arith.index_cast %parallel_loop3A_294 : i32 to index
          %parallel_loop3A_296 = arith.index_cast %parallel_loop3A_153 : i32 to index
          %parallel_loop3A_297 = tpu.vector_load %arg9[%parallel_loop3A_295, %parallel_loop3A_296] {strides = array<i32>} : memref<8x2048xi32, #tpu.memory_space<vmem>>, vector<16xi32>,
          tpu.vector_store %arg9[%parallel_loop3A_295, %parallel_loop3A_296], %parallel_loop3A_293 {strides = array<i32>} : memref<8x2048xi32, #tpu.memory_space<vmem>>, vector<16xi32>,
          %parallel_loop3A_298 = arith.constant 0 : i32
          %parallel_loop3A_299 = arith.index_cast %parallel_loop3A_298 : i32 to index
          %parallel_loop3A_300 = arith.index_cast %parallel_loop3A_153 : i32 to index
          %parallel_loop3A_301 = tpu.vector_load %arg11[%parallel_loop3A_299, %parallel_loop3A_300] {strides = array<i32>} : memref<8x2048xi32, #tpu.memory_space<vmem>>, vector<16xi32>,
          tpu.vector_store %arg11[%parallel_loop3A_299, %parallel_loop3A_300], %parallel_loop3A_201 {strides = array<i32>} : memref<8x2048xi32, #tpu.memory_space<vmem>>, vector<16xi32>,
          %parallel_loop3A_302 = arith.constant 1 : i32
          %parallel_loop3A_303 = arith.index_cast %parallel_loop3A_302 : i32 to index
          %parallel_loop3A_304 = arith.index_cast %parallel_loop3A_153 : i32 to index
          %parallel_loop3A_305 = tpu.vector_load %arg11[%parallel_loop3A_303, %parallel_loop3A_304] {strides = array<i32>} : memref<8x2048xi32, #tpu.memory_space<vmem>>, vector<16xi32>,
          tpu.vector_store %arg11[%parallel_loop3A_303, %parallel_loop3A_304], %broadcast_in_dim3A_7 {strides = array<i32>} : memref<8x2048xi32, #tpu.memory_space<vmem>>, vector<16xi32>,
          %parallel_loop3A_306 = arith.constant 2 : i32
          %parallel_loop3A_307 = arith.index_cast %parallel_loop3A_306 : i32 to index
          %parallel_loop3A_308 = arith.index_cast %parallel_loop3A_153 : i32 to index
          %parallel_loop3A_309 = tpu.vector_load %arg11[%parallel_loop3A_307, %parallel_loop3A_308] {strides = array<i32>} : memref<8x2048xi32, #tpu.memory_space<vmem>>, vector<16xi32>,
          tpu.vector_store %arg11[%parallel_loop3A_307, %parallel_loop3A_308], %parallel_loop3A_193 {strides = array<i32>} : memref<8x2048xi32, #tpu.memory_space<vmem>>, vector<16xi32>,
          %parallel_loop3A_310 = arith.constant 3 : i32
          %parallel_loop3A_311 = arith.index_cast %parallel_loop3A_310 : i32 to index
          %parallel_loop3A_312 = arith.index_cast %parallel_loop3A_153 : i32 to index
          %parallel_loop3A_313 = tpu.vector_load %arg11[%parallel_loop3A_311, %parallel_loop3A_312] {strides = array<i32>} : memref<8x2048xi32, #tpu.memory_space<vmem>>, vector<16xi32>,
          tpu.vector_store %arg11[%parallel_loop3A_311, %parallel_loop3A_312], %parallel_loop3A_193 {strides = array<i32>} : memref<8x2048xi32, #tpu.memory_space<vmem>>, vector<16xi32>,
          %parallel_loop3A_314 = arith.constant 4 : i32
          %parallel_loop3A_315 = arith.index_cast %parallel_loop3A_314 : i32 to index
          %parallel_loop3A_316 = arith.index_cast %parallel_loop3A_153 : i32 to index
          %parallel_loop3A_317 = tpu.vector_load %arg11[%parallel_loop3A_315, %parallel_loop3A_316] {strides = array<i32>} : memref<8x2048xi32, #tpu.memory_space<vmem>>, vector<16xi32>,
          tpu.vector_store %arg11[%parallel_loop3A_315, %parallel_loop3A_316], %parallel_loop3A_193 {strides = array<i32>} : memref<8x2048xi32, #tpu.memory_space<vmem>>, vector<16xi32>,
          %parallel_loop3A_318 = arith.constant 5 : i32
          %parallel_loop3A_319 = arith.index_cast %parallel_loop3A_318 : i32 to index
          %parallel_loop3A_320 = arith.index_cast %parallel_loop3A_153 : i32 to index
          %parallel_loop3A_321 = tpu.vector_load %arg11[%parallel_loop3A_319, %parallel_loop3A_320] {strides = array<i32>} : memref<8x2048xi32, #tpu.memory_space<vmem>>, vector<16xi32>,
          tpu.vector_store %arg11[%parallel_loop3A_319, %parallel_loop3A_320], %broadcast_in_dim3A_7 {strides = array<i32>} : memref<8x2048xi32, #tpu.memory_space<vmem>>, vector<16xi32>,
          %parallel_loop3A_322 = arith.constant 6 : i32
          %parallel_loop3A_323 = arith.index_cast %parallel_loop3A_322 : i32 to index
          %parallel_loop3A_324 = arith.index_cast %parallel_loop3A_153 : i32 to index
          %parallel_loop3A_325 = tpu.vector_load %arg11[%parallel_loop3A_323, %parallel_loop3A_324] {strides = array<i32>} : memref<8x2048xi32, #tpu.memory_space<vmem>>, vector<16xi32>,
          tpu.vector_store %arg11[%parallel_loop3A_323, %parallel_loop3A_324], %parallel_loop3A_197 {strides = array<i32>} : memref<8x2048xi32, #tpu.memory_space<vmem>>, vector<16xi32>,
          %parallel_loop3A_326 = arith.constant 7 : i32
          %parallel_loop3A_327 = arith.index_cast %parallel_loop3A_326 : i32 to index
          %parallel_loop3A_328 = arith.index_cast %parallel_loop3A_153 : i32 to index
          %parallel_loop3A_329 = tpu.vector_load %arg11[%parallel_loop3A_327, %parallel_loop3A_328] {strides = array<i32>} : memref<8x2048xi32, #tpu.memory_space<vmem>>, vector<16xi32>,
          tpu.vector_store %arg11[%parallel_loop3A_327, %parallel_loop3A_328], %parallel_loop3A_197 {strides = array<i32>} : memref<8x2048xi32, #tpu.memory_space<vmem>>, vector<16xi32>,
        } {sc.loop_unroll_factor = 4 : i64, sc.parallel_access}
        %eq3A_127 = arith.constant 0 : i32
        %eq3A_128 = arith.cmpi eq, %shift_right_arithmetic3A_1, %eq3A_127 : i32
        %eq3A_129 = arith.constant 0 : i32
        %eq3A_130 = arith.cmpi eq, %add3A_86, %eq3A_129 : i32
        %and3A_131 = arith.andi %eq3A_128, %eq3A_130 : i1
        %convert_element_type3A_132 = arith.extui %and3A_131 : i1 to i32
        %cond3A_133 = arith.constant 0 : i32
        %cond3A_134 = arith.cmpi ne, %convert_element_type3A_132, %cond3A_133 : i32
        scf.if %cond3A_134 {
          %parallel_loop3A_151 = arith.constant 0 : i32
          %parallel_loop3A_152 = arith.constant 128 : i32
          %parallel_loop3A_153 = arith.constant 1 : i32
          scf.for %parallel_loop3A_154 = %parallel_loop3A_151 to %parallel_loop3A_152 step %parallel_loop3A_153  : i32 {
            %parallel_loop3A_155 = arith.constant 16 : i32
            %parallel_loop3A_156 = arith.muli %parallel_loop3A_154, %parallel_loop3A_155 : i32
            %parallel_loop3A_157 = arith.constant 0 : i32
            %parallel_loop3A_158 = arith.index_cast %parallel_loop3A_157 : i32 to index
            %parallel_loop3A_159 = arith.index_cast %parallel_loop3A_156 : i32 to index
            %parallel_loop3A_160 = tpu.vector_load %arg8[%parallel_loop3A_158, %parallel_loop3A_159] {strides = array<i32>} : memref<8x2048xi32, #tpu.memory_space<vmem>>, vector<16xi32>,
            tpu.vector_store %arg8[%parallel_loop3A_158, %parallel_loop3A_159], %broadcast_in_dim3A_7 {strides = array<i32>} : memref<8x2048xi32, #tpu.memory_space<vmem>>, vector<16xi32>,
            %parallel_loop3A_161 = arith.constant 16 : i32
            %parallel_loop3A_162 = arith.muli %parallel_loop3A_154, %parallel_loop3A_161 : i32
            %parallel_loop3A_163 = arith.constant 0 : i32
            %parallel_loop3A_164 = arith.index_cast %parallel_loop3A_163 : i32 to index
            %parallel_loop3A_165 = arith.index_cast %parallel_loop3A_162 : i32 to index
            %parallel_loop3A_166 = tpu.vector_load %arg10[%parallel_loop3A_164, %parallel_loop3A_165] {strides = array<i32>} : memref<8x2048xi32, #tpu.memory_space<vmem>>, vector<16xi32>,
            tpu.vector_store %arg10[%parallel_loop3A_164, %parallel_loop3A_165], %broadcast_in_dim3A_7 {strides = array<i32>} : memref<8x2048xi32, #tpu.memory_space<vmem>>, vector<16xi32>,
          } {sc.loop_unroll_factor = 4 : i64, sc.parallel_access}
        } else {
        }
        %mul3A_135 = arith.constant 8 : i32
        %mul3A_136 = arith.muli %add3A_86, %mul3A_135 : i32
        %add3A_137 = arith.addi %mul3A_6, %mul3A_136 : i32
        %dma_start3A_138 = arith.constant 1 : i32
        %dma_start3A_139 = tpu.memref_slice %arg3[%add3A_137, %mul3A_4] : memref<2050x4096xi32, #tpu.memory_space<hbm>> -> memref<8x2048xi32, #tpu.memory_space<hbm>>
        %dma_start3A_140 = tpu.memref_slice %arg13[%dma_start3A_138] : memref<2x!tpu.dma_semaphore, #tpu.memory_space<semaphore_mem>> -> memref<1x!tpu.dma_semaphore, #tpu.memory_space<semaphore_mem>>
        %dma_start3A_141 = tpu.memref_squeeze %dma_start3A_140 : memref<1x!tpu.dma_semaphore, #tpu.memory_space<semaphore_mem>> -> memref<!tpu.dma_semaphore, #tpu.memory_space<semaphore_mem>>
        %dma_start3A_142 = tpu.memref_slice %arg3[%add3A_137, %mul3A_4] : memref<2050x4096xi32, #tpu.memory_space<hbm>> -> memref<8x2048xi32, #tpu.memory_space<hbm>>
        tpu.enqueue_dma source(%arg9 : memref<8x2048xi32, #tpu.memory_space<vmem>>) target(%dma_start3A_142 : memref<8x2048xi32, #tpu.memory_space<hbm>>) target_semaphore(%dma_start3A_141 : memref<!tpu.dma_semaphore, #tpu.memory_space<semaphore_mem>>)
        %mul3A_143 = arith.constant 8 : i32
        %mul3A_144 = arith.muli %add3A_86, %mul3A_143 : i32
        %add3A_145 = arith.addi %mul3A_6, %mul3A_144 : i32
        %dma_start3A_146 = arith.constant 1 : i32
        %dma_start3A_147 = tpu.memref_slice %arg4[%add3A_145, %mul3A_4] : memref<2050x4096xi32, #tpu.memory_space<hbm>> -> memref<8x2048xi32, #tpu.memory_space<hbm>>
        %dma_start3A_148 = tpu.memref_slice %arg13[%dma_start3A_146] : memref<2x!tpu.dma_semaphore, #tpu.memory_space<semaphore_mem>> -> memref<1x!tpu.dma_semaphore, #tpu.memory_space<semaphore_mem>>
        %dma_start3A_149 = tpu.memref_squeeze %dma_start3A_148 : memref<1x!tpu.dma_semaphore, #tpu.memory_space<semaphore_mem>> -> memref<!tpu.dma_semaphore, #tpu.memory_space<semaphore_mem>>
        %dma_start3A_150 = tpu.memref_slice %arg4[%add3A_145, %mul3A_4] : memref<2050x4096xi32, #tpu.memory_space<hbm>> -> memref<8x2048xi32, #tpu.memory_space<hbm>>
        tpu.enqueue_dma source(%arg11 : memref<8x2048xi32, #tpu.memory_space<vmem>>) target(%dma_start3A_150 : memref<8x2048xi32, #tpu.memory_space<hbm>>) target_semaphore(%dma_start3A_149 : memref<!tpu.dma_semaphore, #tpu.memory_space<semaphore_mem>>)
      } else {
      }
      %add3A_92 = arith.constant 4 : i32
      %add3A_93 = arith.addi %add3A_64, %add3A_92 : i32
      %lt3A_94 = arith.constant 16 : i32
      %lt3A_95 = arith.cmpi slt, %add3A_93, %lt3A_94 : i32
      %convert_element_type3A_96 = arith.extui %lt3A_95 : i1 to i32
      %cond3A_97 = arith.constant 0 : i32
      %cond3A_98 = arith.cmpi ne, %convert_element_type3A_96, %cond3A_97 : i32
      scf.if %cond3A_98 {
        %add3A_106 = arith.constant 1 : i32
        %add3A_107 = arith.addi %add3A_93, %add3A_106 : i32
        %lt3A_108 = arith.constant 16 : i32
        %lt3A_109 = arith.cmpi slt, %add3A_107, %lt3A_108 : i32
        %convert_element_type3A_110 = arith.extui %lt3A_109 : i1 to i32
        %cond3A_111 = arith.constant 0 : i32
        %cond3A_112 = arith.cmpi ne, %convert_element_type3A_110, %cond3A_111 : i32
        scf.if %cond3A_112 {
          %add3A_151 = arith.constant 1 : i32
          %add3A_152 = arith.addi %add3A_93, %add3A_151 : i32
          %mul3A_153 = arith.constant 8 : i32
          %mul3A_154 = arith.muli %add3A_152, %mul3A_153 : i32
          %add3A_155 = arith.addi %mul3A_6, %mul3A_154 : i32
          %dma_start3A_156 = arith.constant 2 : i32
          %dma_start3A_157 = tpu.memref_slice %arg2[%add3A_155, %mul3A_4] : memref<2050x4096xi32, #tpu.memory_space<hbm>> -> memref<8x2048xi32, #tpu.memory_space<hbm>>
          %dma_start3A_158 = tpu.memref_slice %arg12[%dma_start3A_156] : memref<3x!tpu.dma_semaphore, #tpu.memory_space<semaphore_mem>> -> memref<1x!tpu.dma_semaphore, #tpu.memory_space<semaphore_mem>>
          %dma_start3A_159 = tpu.memref_squeeze %dma_start3A_158 : memref<1x!tpu.dma_semaphore, #tpu.memory_space<semaphore_mem>> -> memref<!tpu.dma_semaphore, #tpu.memory_space<semaphore_mem>>
          %dma_start3A_160 = tpu.memref_slice %arg2[%add3A_155, %mul3A_4] : memref<2050x4096xi32, #tpu.memory_space<hbm>> -> memref<8x2048xi32, #tpu.memory_space<hbm>>
          tpu.enqueue_dma source(%dma_start3A_160 : memref<8x2048xi32, #tpu.memory_space<hbm>>) target(%arg7 : memref<8x2048xi32, #tpu.memory_space<vmem>>) target_semaphore(%dma_start3A_159 : memref<!tpu.dma_semaphore, #tpu.memory_space<semaphore_mem>>)
        } else {
        }
        %mul3A_113 = arith.constant 8 : i32
        %mul3A_114 = arith.muli %add3A_93, %mul3A_113 : i32
        %add3A_115 = arith.addi %mul3A_6, %mul3A_114 : i32
        %dma_wait3A_116 = arith.constant 1 : i32
        %dma_wait3A_117 = tpu.memref_slice %arg2[%add3A_115, %mul3A_4] : memref<2050x4096xi32, #tpu.memory_space<hbm>> -> memref<8x2048xi32, #tpu.memory_space<hbm>>
        %dma_wait3A_118 = tpu.memref_slice %arg12[%dma_wait3A_116] : memref<3x!tpu.dma_semaphore, #tpu.memory_space<semaphore_mem>> -> memref<1x!tpu.dma_semaphore, #tpu.memory_space<semaphore_mem>>
        %dma_wait3A_119 = tpu.memref_squeeze %dma_wait3A_118 : memref<1x!tpu.dma_semaphore, #tpu.memory_space<semaphore_mem>> -> memref<!tpu.dma_semaphore, #tpu.memory_space<semaphore_mem>>
        %dma_wait3A_120 = tpu.memref_slice %arg2[%add3A_115, %mul3A_4] : memref<2050x4096xi32, #tpu.memory_space<hbm>> -> memref<8x2048xi32, #tpu.memory_space<hbm>>
        tpu.wait_dma2 semaphore(%dma_wait3A_119 : memref<!tpu.dma_semaphore, #tpu.memory_space<semaphore_mem>>) src(%dma_wait3A_120 : memref<8x2048xi32, #tpu.memory_space<hbm>>) dst(%arg6 : memref<8x2048xi32, #tpu.memory_space<vmem>>)
        %ge3A = arith.constant 2 : i32
        %ge3A_121 = arith.cmpi sge, %add3A_93, %ge3A : i32
        %convert_element_type3A_122 = arith.extui %ge3A_121 : i1 to i32
        %cond3A_123 = arith.constant 0 : i32
        %cond3A_124 = arith.cmpi ne, %convert_element_type3A_122, %cond3A_123 : i32
        scf.if %cond3A_124 {
          %sub3A_151 = arith.constant 2 : i32
          %sub3A_152 = arith.subi %add3A_93, %sub3A_151 : i32
          %mul3A_153 = arith.constant 8 : i32
          %mul3A_154 = arith.muli %sub3A_152, %mul3A_153 : i32
          %add3A_155 = arith.addi %mul3A_6, %mul3A_154 : i32
          %dma_wait3A_156 = arith.constant 0 : i32
          %dma_wait3A_157 = tpu.memref_slice %arg3[%add3A_155, %mul3A_4] : memref<2050x4096xi32, #tpu.memory_space<hbm>> -> memref<8x2048xi32, #tpu.memory_space<hbm>>
          %dma_wait3A_158 = tpu.memref_slice %arg13[%dma_wait3A_156] : memref<2x!tpu.dma_semaphore, #tpu.memory_space<semaphore_mem>> -> memref<1x!tpu.dma_semaphore, #tpu.memory_space<semaphore_mem>>
          %dma_wait3A_159 = tpu.memref_squeeze %dma_wait3A_158 : memref<1x!tpu.dma_semaphore, #tpu.memory_space<semaphore_mem>> -> memref<!tpu.dma_semaphore, #tpu.memory_space<semaphore_mem>>
          %dma_wait3A_160 = tpu.memref_slice %arg3[%add3A_155, %mul3A_4] : memref<2050x4096xi32, #tpu.memory_space<hbm>> -> memref<8x2048xi32, #tpu.memory_space<hbm>>
          tpu.wait_dma2 semaphore(%dma_wait3A_159 : memref<!tpu.dma_semaphore, #tpu.memory_space<semaphore_mem>>) src(%arg8 : memref<8x2048xi32, #tpu.memory_space<vmem>>) dst(%dma_wait3A_160 : memref<8x2048xi32, #tpu.memory_space<hbm>>)
          %sub3A_161 = arith.constant 2 : i32
          %sub3A_162 = arith.subi %add3A_93, %sub3A_161 : i32
          %mul3A_163 = arith.constant 8 : i32
          %mul3A_164 = arith.muli %sub3A_162, %mul3A_163 : i32
          %add3A_165 = arith.addi %mul3A_6, %mul3A_164 : i32
          %dma_wait3A_166 = arith.constant 0 : i32
          %dma_wait3A_167 = tpu.memref_slice %arg4[%add3A_165, %mul3A_4] : memref<2050x4096xi32, #tpu.memory_space<hbm>> -> memref<8x2048xi32, #tpu.memory_space<hbm>>
          %dma_wait3A_168 = tpu.memref_slice %arg13[%dma_wait3A_166] : memref<2x!tpu.dma_semaphore, #tpu.memory_space<semaphore_mem>> -> memref<1x!tpu.dma_semaphore, #tpu.memory_space<semaphore_mem>>
          %dma_wait3A_169 = tpu.memref_squeeze %dma_wait3A_168 : memref<1x!tpu.dma_semaphore, #tpu.memory_space<semaphore_mem>> -> memref<!tpu.dma_semaphore, #tpu.memory_space<semaphore_mem>>
          %dma_wait3A_170 = tpu.memref_slice %arg4[%add3A_165, %mul3A_4] : memref<2050x4096xi32, #tpu.memory_space<hbm>> -> memref<8x2048xi32, #tpu.memory_space<hbm>>
          tpu.wait_dma2 semaphore(%dma_wait3A_169 : memref<!tpu.dma_semaphore, #tpu.memory_space<semaphore_mem>>) src(%arg10 : memref<8x2048xi32, #tpu.memory_space<vmem>>) dst(%dma_wait3A_170 : memref<8x2048xi32, #tpu.memory_space<hbm>>)
        } else {
        }
        %parallel_loop3A = arith.constant 0 : i32
        %parallel_loop3A_125 = arith.constant 128 : i32
        %parallel_loop3A_126 = arith.constant 1 : i32
        scf.for %parallel_loop3A_151 = %parallel_loop3A to %parallel_loop3A_125 step %parallel_loop3A_126  : i32 {
          %parallel_loop3A_152 = arith.constant 16 : i32
          %parallel_loop3A_153 = arith.muli %parallel_loop3A_151, %parallel_loop3A_152 : i32
          %parallel_loop3A_154 = arith.constant 0 : i32
          %parallel_loop3A_155 = arith.index_cast %parallel_loop3A_154 : i32 to index
          %parallel_loop3A_156 = arith.index_cast %parallel_loop3A_153 : i32 to index
          %parallel_loop3A_157 = tpu.vector_load %arg6[%parallel_loop3A_155, %parallel_loop3A_156] {strides = array<i32>} : memref<8x2048xi32, #tpu.memory_space<vmem>>, vector<16xi32>,
          %parallel_loop3A_158 = arith.constant 1 : i32
          %parallel_loop3A_159 = arith.index_cast %parallel_loop3A_158 : i32 to index
          %parallel_loop3A_160 = arith.index_cast %parallel_loop3A_153 : i32 to index
          %parallel_loop3A_161 = tpu.vector_load %arg6[%parallel_loop3A_159, %parallel_loop3A_160] {strides = array<i32>} : memref<8x2048xi32, #tpu.memory_space<vmem>>, vector<16xi32>,
          %parallel_loop3A_162 = arith.constant 2 : i32
          %parallel_loop3A_163 = arith.index_cast %parallel_loop3A_162 : i32 to index
          %parallel_loop3A_164 = arith.index_cast %parallel_loop3A_153 : i32 to index
          %parallel_loop3A_165 = tpu.vector_load %arg6[%parallel_loop3A_163, %parallel_loop3A_164] {strides = array<i32>} : memref<8x2048xi32, #tpu.memory_space<vmem>>, vector<16xi32>,
          %parallel_loop3A_166 = arith.constant 3 : i32
          %parallel_loop3A_167 = arith.index_cast %parallel_loop3A_166 : i32 to index
          %parallel_loop3A_168 = arith.index_cast %parallel_loop3A_153 : i32 to index
          %parallel_loop3A_169 = tpu.vector_load %arg6[%parallel_loop3A_167, %parallel_loop3A_168] {strides = array<i32>} : memref<8x2048xi32, #tpu.memory_space<vmem>>, vector<16xi32>,
          %parallel_loop3A_170 = arith.constant 4 : i32
          %parallel_loop3A_171 = arith.index_cast %parallel_loop3A_170 : i32 to index
          %parallel_loop3A_172 = arith.index_cast %parallel_loop3A_153 : i32 to index
          %parallel_loop3A_173 = tpu.vector_load %arg6[%parallel_loop3A_171, %parallel_loop3A_172] {strides = array<i32>} : memref<8x2048xi32, #tpu.memory_space<vmem>>, vector<16xi32>,
          %parallel_loop3A_174 = arith.constant 5 : i32
          %parallel_loop3A_175 = arith.index_cast %parallel_loop3A_174 : i32 to index
          %parallel_loop3A_176 = arith.index_cast %parallel_loop3A_153 : i32 to index
          %parallel_loop3A_177 = tpu.vector_load %arg6[%parallel_loop3A_175, %parallel_loop3A_176] {strides = array<i32>} : memref<8x2048xi32, #tpu.memory_space<vmem>>, vector<16xi32>,
          %parallel_loop3A_178 = arith.constant 6 : i32
          %parallel_loop3A_179 = arith.index_cast %parallel_loop3A_178 : i32 to index
          %parallel_loop3A_180 = arith.index_cast %parallel_loop3A_153 : i32 to index
          %parallel_loop3A_181 = tpu.vector_load %arg6[%parallel_loop3A_179, %parallel_loop3A_180] {strides = array<i32>} : memref<8x2048xi32, #tpu.memory_space<vmem>>, vector<16xi32>,
          %parallel_loop3A_182 = arith.constant 7 : i32
          %parallel_loop3A_183 = arith.index_cast %parallel_loop3A_182 : i32 to index
          %parallel_loop3A_184 = arith.index_cast %parallel_loop3A_153 : i32 to index
          %parallel_loop3A_185 = tpu.vector_load %arg6[%parallel_loop3A_183, %parallel_loop3A_184] {strides = array<i32>} : memref<8x2048xi32, #tpu.memory_space<vmem>>, vector<16xi32>,
          %parallel_loop3A_186 = arith.constant 5 : i32
          %parallel_loop3A_187 = arith.index_cast %parallel_loop3A_186 : i32 to index
          %parallel_loop3A_188 = arith.index_cast %parallel_loop3A_153 : i32 to index
          %parallel_loop3A_189 = tpu.vector_load %arg5[%parallel_loop3A_187, %parallel_loop3A_188] {strides = array<i32>} : memref<8x2048xi32, #tpu.memory_space<vmem>>, vector<16xi32>,
          %parallel_loop3A_190 = arith.constant 2 : i32
          %parallel_loop3A_191 = vector.broadcast %parallel_loop3A_190 : i32 to vector<16xi32>
          %parallel_loop3A_192 = arith.cmpi sge, %parallel_loop3A_161, %parallel_loop3A_191 : vector<16xi32>
          %parallel_loop3A_193 = arith.select %parallel_loop3A_192, %parallel_loop3A_161, %broadcast_in_dim3A_7 : vector<16xi1>, vector<16xi32>
          %parallel_loop3A_194 = arith.constant 2 : i32
          %parallel_loop3A_195 = vector.broadcast %parallel_loop3A_194 : i32 to vector<16xi32>
          %parallel_loop3A_196 = arith.cmpi sge, %parallel_loop3A_177, %parallel_loop3A_195 : vector<16xi32>
          %parallel_loop3A_197 = arith.select %parallel_loop3A_196, %parallel_loop3A_177, %broadcast_in_dim3A_7 : vector<16xi1>, vector<16xi32>
          %parallel_loop3A_198 = arith.constant 2 : i32
          %parallel_loop3A_199 = vector.broadcast %parallel_loop3A_198 : i32 to vector<16xi32>
          %parallel_loop3A_200 = arith.cmpi sge, %parallel_loop3A_189, %parallel_loop3A_199 : vector<16xi32>
          %parallel_loop3A_201 = arith.select %parallel_loop3A_200, %parallel_loop3A_189, %broadcast_in_dim3A_7 : vector<16xi1>, vector<16xi32>
          %parallel_loop3A_202 = arith.constant 2 : i32
          %parallel_loop3A_203 = vector.broadcast %parallel_loop3A_202 : i32 to vector<16xi32>
          %parallel_loop3A_204 = arith.cmpi sge, %parallel_loop3A_157, %parallel_loop3A_203 : vector<16xi32>
          %parallel_loop3A_205 = arith.constant 4 : i32
          %parallel_loop3A_206 = arith.constant 0 : i32
          %parallel_loop3A_207 = vector.broadcast %parallel_loop3A_205 : i32 to vector<16xi32>
          %parallel_loop3A_208 = vector.broadcast %parallel_loop3A_206 : i32 to vector<16xi32>
          %parallel_loop3A_209 = arith.select %parallel_loop3A_204, %parallel_loop3A_207, %parallel_loop3A_208 : vector<16xi1>, vector<16xi32>
          %parallel_loop3A_210 = arith.constant 0 : i32
          %parallel_loop3A_211 = arith.index_cast %parallel_loop3A_210 : i32 to index
          %parallel_loop3A_212 = arith.index_cast %parallel_loop3A_153 : i32 to index
          %parallel_loop3A_213 = tpu.vector_load %arg8[%parallel_loop3A_211, %parallel_loop3A_212] {strides = array<i32>} : memref<8x2048xi32, #tpu.memory_space<vmem>>, vector<16xi32>,
          tpu.vector_store %arg8[%parallel_loop3A_211, %parallel_loop3A_212], %parallel_loop3A_209 {strides = array<i32>} : memref<8x2048xi32, #tpu.memory_space<vmem>>, vector<16xi32>,
          %parallel_loop3A_214 = arith.constant 2 : i32
          %parallel_loop3A_215 = vector.broadcast %parallel_loop3A_214 : i32 to vector<16xi32>
          %parallel_loop3A_216 = arith.cmpi sge, %parallel_loop3A_161, %parallel_loop3A_215 : vector<16xi32>
          %parallel_loop3A_217 = arith.constant 1 : i32
          %parallel_loop3A_218 = arith.constant 0 : i32
          %parallel_loop3A_219 = vector.broadcast %parallel_loop3A_217 : i32 to vector<16xi32>
          %parallel_loop3A_220 = vector.broadcast %parallel_loop3A_218 : i32 to vector<16xi32>
          %parallel_loop3A_221 = arith.select %parallel_loop3A_216, %parallel_loop3A_219, %parallel_loop3A_220 : vector<16xi1>, vector<16xi32>
          %parallel_loop3A_222 = arith.constant 1 : i32
          %parallel_loop3A_223 = arith.index_cast %parallel_loop3A_222 : i32 to index
          %parallel_loop3A_224 = arith.index_cast %parallel_loop3A_153 : i32 to index
          %parallel_loop3A_225 = tpu.vector_load %arg8[%parallel_loop3A_223, %parallel_loop3A_224] {strides = array<i32>} : memref<8x2048xi32, #tpu.memory_space<vmem>>, vector<16xi32>,
          tpu.vector_store %arg8[%parallel_loop3A_223, %parallel_loop3A_224], %parallel_loop3A_221 {strides = array<i32>} : memref<8x2048xi32, #tpu.memory_space<vmem>>, vector<16xi32>,
          %parallel_loop3A_226 = arith.constant 2 : i32
          %parallel_loop3A_227 = vector.broadcast %parallel_loop3A_226 : i32 to vector<16xi32>
          %parallel_loop3A_228 = arith.cmpi sge, %parallel_loop3A_165, %parallel_loop3A_227 : vector<16xi32>
          %parallel_loop3A_229 = arith.constant 2 : i32
          %parallel_loop3A_230 = arith.constant 0 : i32
          %parallel_loop3A_231 = vector.broadcast %parallel_loop3A_229 : i32 to vector<16xi32>
          %parallel_loop3A_232 = vector.broadcast %parallel_loop3A_230 : i32 to vector<16xi32>
          %parallel_loop3A_233 = arith.select %parallel_loop3A_228, %parallel_loop3A_231, %parallel_loop3A_232 : vector<16xi1>, vector<16xi32>
          %parallel_loop3A_234 = arith.constant 2 : i32
          %parallel_loop3A_235 = arith.index_cast %parallel_loop3A_234 : i32 to index
          %parallel_loop3A_236 = arith.index_cast %parallel_loop3A_153 : i32 to index
          %parallel_loop3A_237 = tpu.vector_load %arg8[%parallel_loop3A_235, %parallel_loop3A_236] {strides = array<i32>} : memref<8x2048xi32, #tpu.memory_space<vmem>>, vector<16xi32>,
          tpu.vector_store %arg8[%parallel_loop3A_235, %parallel_loop3A_236], %parallel_loop3A_233 {strides = array<i32>} : memref<8x2048xi32, #tpu.memory_space<vmem>>, vector<16xi32>,
          %parallel_loop3A_238 = arith.constant 2 : i32
          %parallel_loop3A_239 = vector.broadcast %parallel_loop3A_238 : i32 to vector<16xi32>
          %parallel_loop3A_240 = arith.cmpi sge, %parallel_loop3A_169, %parallel_loop3A_239 : vector<16xi32>
          %parallel_loop3A_241 = arith.constant 3 : i32
          %parallel_loop3A_242 = arith.constant 0 : i32
          %parallel_loop3A_243 = vector.broadcast %parallel_loop3A_241 : i32 to vector<16xi32>
          %parallel_loop3A_244 = vector.broadcast %parallel_loop3A_242 : i32 to vector<16xi32>
          %parallel_loop3A_245 = arith.select %parallel_loop3A_240, %parallel_loop3A_243, %parallel_loop3A_244 : vector<16xi1>, vector<16xi32>
          %parallel_loop3A_246 = arith.constant 3 : i32
          %parallel_loop3A_247 = arith.index_cast %parallel_loop3A_246 : i32 to index
          %parallel_loop3A_248 = arith.index_cast %parallel_loop3A_153 : i32 to index
          %parallel_loop3A_249 = tpu.vector_load %arg8[%parallel_loop3A_247, %parallel_loop3A_248] {strides = array<i32>} : memref<8x2048xi32, #tpu.memory_space<vmem>>, vector<16xi32>,
          tpu.vector_store %arg8[%parallel_loop3A_247, %parallel_loop3A_248], %parallel_loop3A_245 {strides = array<i32>} : memref<8x2048xi32, #tpu.memory_space<vmem>>, vector<16xi32>,
          %parallel_loop3A_250 = arith.constant 2 : i32
          %parallel_loop3A_251 = vector.broadcast %parallel_loop3A_250 : i32 to vector<16xi32>
          %parallel_loop3A_252 = arith.cmpi sge, %parallel_loop3A_173, %parallel_loop3A_251 : vector<16xi32>
          %parallel_loop3A_253 = arith.constant 4 : i32
          %parallel_loop3A_254 = arith.constant 0 : i32
          %parallel_loop3A_255 = vector.broadcast %parallel_loop3A_253 : i32 to vector<16xi32>
          %parallel_loop3A_256 = vector.broadcast %parallel_loop3A_254 : i32 to vector<16xi32>
          %parallel_loop3A_257 = arith.select %parallel_loop3A_252, %parallel_loop3A_255, %parallel_loop3A_256 : vector<16xi1>, vector<16xi32>
          %parallel_loop3A_258 = arith.constant 4 : i32
          %parallel_loop3A_259 = arith.index_cast %parallel_loop3A_258 : i32 to index
          %parallel_loop3A_260 = arith.index_cast %parallel_loop3A_153 : i32 to index
          %parallel_loop3A_261 = tpu.vector_load %arg8[%parallel_loop3A_259, %parallel_loop3A_260] {strides = array<i32>} : memref<8x2048xi32, #tpu.memory_space<vmem>>, vector<16xi32>,
          tpu.vector_store %arg8[%parallel_loop3A_259, %parallel_loop3A_260], %parallel_loop3A_257 {strides = array<i32>} : memref<8x2048xi32, #tpu.memory_space<vmem>>, vector<16xi32>,
          %parallel_loop3A_262 = arith.constant 2 : i32
          %parallel_loop3A_263 = vector.broadcast %parallel_loop3A_262 : i32 to vector<16xi32>
          %parallel_loop3A_264 = arith.cmpi sge, %parallel_loop3A_177, %parallel_loop3A_263 : vector<16xi32>
          %parallel_loop3A_265 = arith.constant 1 : i32
          %parallel_loop3A_266 = arith.constant 0 : i32
          %parallel_loop3A_267 = vector.broadcast %parallel_loop3A_265 : i32 to vector<16xi32>
          %parallel_loop3A_268 = vector.broadcast %parallel_loop3A_266 : i32 to vector<16xi32>
          %parallel_loop3A_269 = arith.select %parallel_loop3A_264, %parallel_loop3A_267, %parallel_loop3A_268 : vector<16xi1>, vector<16xi32>
          %parallel_loop3A_270 = arith.constant 5 : i32
          %parallel_loop3A_271 = arith.index_cast %parallel_loop3A_270 : i32 to index
          %parallel_loop3A_272 = arith.index_cast %parallel_loop3A_153 : i32 to index
          %parallel_loop3A_273 = tpu.vector_load %arg8[%parallel_loop3A_271, %parallel_loop3A_272] {strides = array<i32>} : memref<8x2048xi32, #tpu.memory_space<vmem>>, vector<16xi32>,
          tpu.vector_store %arg8[%parallel_loop3A_271, %parallel_loop3A_272], %parallel_loop3A_269 {strides = array<i32>} : memref<8x2048xi32, #tpu.memory_space<vmem>>, vector<16xi32>,
          %parallel_loop3A_274 = arith.constant 2 : i32
          %parallel_loop3A_275 = vector.broadcast %parallel_loop3A_274 : i32 to vector<16xi32>
          %parallel_loop3A_276 = arith.cmpi sge, %parallel_loop3A_181, %parallel_loop3A_275 : vector<16xi32>
          %parallel_loop3A_277 = arith.constant 2 : i32
          %parallel_loop3A_278 = arith.constant 0 : i32
          %parallel_loop3A_279 = vector.broadcast %parallel_loop3A_277 : i32 to vector<16xi32>
          %parallel_loop3A_280 = vector.broadcast %parallel_loop3A_278 : i32 to vector<16xi32>
          %parallel_loop3A_281 = arith.select %parallel_loop3A_276, %parallel_loop3A_279, %parallel_loop3A_280 : vector<16xi1>, vector<16xi32>
          %parallel_loop3A_282 = arith.constant 6 : i32
          %parallel_loop3A_283 = arith.index_cast %parallel_loop3A_282 : i32 to index
          %parallel_loop3A_284 = arith.index_cast %parallel_loop3A_153 : i32 to index
          %parallel_loop3A_285 = tpu.vector_load %arg8[%parallel_loop3A_283, %parallel_loop3A_284] {strides = array<i32>} : memref<8x2048xi32, #tpu.memory_space<vmem>>, vector<16xi32>,
          tpu.vector_store %arg8[%parallel_loop3A_283, %parallel_loop3A_284], %parallel_loop3A_281 {strides = array<i32>} : memref<8x2048xi32, #tpu.memory_space<vmem>>, vector<16xi32>,
          %parallel_loop3A_286 = arith.constant 2 : i32
          %parallel_loop3A_287 = vector.broadcast %parallel_loop3A_286 : i32 to vector<16xi32>
          %parallel_loop3A_288 = arith.cmpi sge, %parallel_loop3A_185, %parallel_loop3A_287 : vector<16xi32>
          %parallel_loop3A_289 = arith.constant 3 : i32
          %parallel_loop3A_290 = arith.constant 0 : i32
          %parallel_loop3A_291 = vector.broadcast %parallel_loop3A_289 : i32 to vector<16xi32>
          %parallel_loop3A_292 = vector.broadcast %parallel_loop3A_290 : i32 to vector<16xi32>
          %parallel_loop3A_293 = arith.select %parallel_loop3A_288, %parallel_loop3A_291, %parallel_loop3A_292 : vector<16xi1>, vector<16xi32>
          %parallel_loop3A_294 = arith.constant 7 : i32
          %parallel_loop3A_295 = arith.index_cast %parallel_loop3A_294 : i32 to index
          %parallel_loop3A_296 = arith.index_cast %parallel_loop3A_153 : i32 to index
          %parallel_loop3A_297 = tpu.vector_load %arg8[%parallel_loop3A_295, %parallel_loop3A_296] {strides = array<i32>} : memref<8x2048xi32, #tpu.memory_space<vmem>>, vector<16xi32>,
          tpu.vector_store %arg8[%parallel_loop3A_295, %parallel_loop3A_296], %parallel_loop3A_293 {strides = array<i32>} : memref<8x2048xi32, #tpu.memory_space<vmem>>, vector<16xi32>,
          %parallel_loop3A_298 = arith.constant 0 : i32
          %parallel_loop3A_299 = arith.index_cast %parallel_loop3A_298 : i32 to index
          %parallel_loop3A_300 = arith.index_cast %parallel_loop3A_153 : i32 to index
          %parallel_loop3A_301 = tpu.vector_load %arg10[%parallel_loop3A_299, %parallel_loop3A_300] {strides = array<i32>} : memref<8x2048xi32, #tpu.memory_space<vmem>>, vector<16xi32>,
          tpu.vector_store %arg10[%parallel_loop3A_299, %parallel_loop3A_300], %parallel_loop3A_201 {strides = array<i32>} : memref<8x2048xi32, #tpu.memory_space<vmem>>, vector<16xi32>,
          %parallel_loop3A_302 = arith.constant 1 : i32
          %parallel_loop3A_303 = arith.index_cast %parallel_loop3A_302 : i32 to index
          %parallel_loop3A_304 = arith.index_cast %parallel_loop3A_153 : i32 to index
          %parallel_loop3A_305 = tpu.vector_load %arg10[%parallel_loop3A_303, %parallel_loop3A_304] {strides = array<i32>} : memref<8x2048xi32, #tpu.memory_space<vmem>>, vector<16xi32>,
          tpu.vector_store %arg10[%parallel_loop3A_303, %parallel_loop3A_304], %broadcast_in_dim3A_7 {strides = array<i32>} : memref<8x2048xi32, #tpu.memory_space<vmem>>, vector<16xi32>,
          %parallel_loop3A_306 = arith.constant 2 : i32
          %parallel_loop3A_307 = arith.index_cast %parallel_loop3A_306 : i32 to index
          %parallel_loop3A_308 = arith.index_cast %parallel_loop3A_153 : i32 to index
          %parallel_loop3A_309 = tpu.vector_load %arg10[%parallel_loop3A_307, %parallel_loop3A_308] {strides = array<i32>} : memref<8x2048xi32, #tpu.memory_space<vmem>>, vector<16xi32>,
          tpu.vector_store %arg10[%parallel_loop3A_307, %parallel_loop3A_308], %parallel_loop3A_193 {strides = array<i32>} : memref<8x2048xi32, #tpu.memory_space<vmem>>, vector<16xi32>,
          %parallel_loop3A_310 = arith.constant 3 : i32
          %parallel_loop3A_311 = arith.index_cast %parallel_loop3A_310 : i32 to index
          %parallel_loop3A_312 = arith.index_cast %parallel_loop3A_153 : i32 to index
          %parallel_loop3A_313 = tpu.vector_load %arg10[%parallel_loop3A_311, %parallel_loop3A_312] {strides = array<i32>} : memref<8x2048xi32, #tpu.memory_space<vmem>>, vector<16xi32>,
          tpu.vector_store %arg10[%parallel_loop3A_311, %parallel_loop3A_312], %parallel_loop3A_193 {strides = array<i32>} : memref<8x2048xi32, #tpu.memory_space<vmem>>, vector<16xi32>,
          %parallel_loop3A_314 = arith.constant 4 : i32
          %parallel_loop3A_315 = arith.index_cast %parallel_loop3A_314 : i32 to index
          %parallel_loop3A_316 = arith.index_cast %parallel_loop3A_153 : i32 to index
          %parallel_loop3A_317 = tpu.vector_load %arg10[%parallel_loop3A_315, %parallel_loop3A_316] {strides = array<i32>} : memref<8x2048xi32, #tpu.memory_space<vmem>>, vector<16xi32>,
          tpu.vector_store %arg10[%parallel_loop3A_315, %parallel_loop3A_316], %parallel_loop3A_193 {strides = array<i32>} : memref<8x2048xi32, #tpu.memory_space<vmem>>, vector<16xi32>,
          %parallel_loop3A_318 = arith.constant 5 : i32
          %parallel_loop3A_319 = arith.index_cast %parallel_loop3A_318 : i32 to index
          %parallel_loop3A_320 = arith.index_cast %parallel_loop3A_153 : i32 to index
          %parallel_loop3A_321 = tpu.vector_load %arg10[%parallel_loop3A_319, %parallel_loop3A_320] {strides = array<i32>} : memref<8x2048xi32, #tpu.memory_space<vmem>>, vector<16xi32>,
          tpu.vector_store %arg10[%parallel_loop3A_319, %parallel_loop3A_320], %broadcast_in_dim3A_7 {strides = array<i32>} : memref<8x2048xi32, #tpu.memory_space<vmem>>, vector<16xi32>,
          %parallel_loop3A_322 = arith.constant 6 : i32
          %parallel_loop3A_323 = arith.index_cast %parallel_loop3A_322 : i32 to index
          %parallel_loop3A_324 = arith.index_cast %parallel_loop3A_153 : i32 to index
          %parallel_loop3A_325 = tpu.vector_load %arg10[%parallel_loop3A_323, %parallel_loop3A_324] {strides = array<i32>} : memref<8x2048xi32, #tpu.memory_space<vmem>>, vector<16xi32>,
          tpu.vector_store %arg10[%parallel_loop3A_323, %parallel_loop3A_324], %parallel_loop3A_197 {strides = array<i32>} : memref<8x2048xi32, #tpu.memory_space<vmem>>, vector<16xi32>,
          %parallel_loop3A_326 = arith.constant 7 : i32
          %parallel_loop3A_327 = arith.index_cast %parallel_loop3A_326 : i32 to index
          %parallel_loop3A_328 = arith.index_cast %parallel_loop3A_153 : i32 to index
          %parallel_loop3A_329 = tpu.vector_load %arg10[%parallel_loop3A_327, %parallel_loop3A_328] {strides = array<i32>} : memref<8x2048xi32, #tpu.memory_space<vmem>>, vector<16xi32>,
          tpu.vector_store %arg10[%parallel_loop3A_327, %parallel_loop3A_328], %parallel_loop3A_197 {strides = array<i32>} : memref<8x2048xi32, #tpu.memory_space<vmem>>, vector<16xi32>,
        } {sc.loop_unroll_factor = 4 : i64, sc.parallel_access}
        %eq3A_127 = arith.constant 0 : i32
        %eq3A_128 = arith.cmpi eq, %shift_right_arithmetic3A_1, %eq3A_127 : i32
        %eq3A_129 = arith.constant 0 : i32
        %eq3A_130 = arith.cmpi eq, %add3A_93, %eq3A_129 : i32
        %and3A_131 = arith.andi %eq3A_128, %eq3A_130 : i1
        %convert_element_type3A_132 = arith.extui %and3A_131 : i1 to i32
        %cond3A_133 = arith.constant 0 : i32
        %cond3A_134 = arith.cmpi ne, %convert_element_type3A_132, %cond3A_133 : i32
        scf.if %cond3A_134 {
          %parallel_loop3A_151 = arith.constant 0 : i32
          %parallel_loop3A_152 = arith.constant 128 : i32
          %parallel_loop3A_153 = arith.constant 1 : i32
          scf.for %parallel_loop3A_154 = %parallel_loop3A_151 to %parallel_loop3A_152 step %parallel_loop3A_153  : i32 {
            %parallel_loop3A_155 = arith.constant 16 : i32
            %parallel_loop3A_156 = arith.muli %parallel_loop3A_154, %parallel_loop3A_155 : i32
            %parallel_loop3A_157 = arith.constant 0 : i32
            %parallel_loop3A_158 = arith.index_cast %parallel_loop3A_157 : i32 to index
            %parallel_loop3A_159 = arith.index_cast %parallel_loop3A_156 : i32 to index
            %parallel_loop3A_160 = tpu.vector_load %arg8[%parallel_loop3A_158, %parallel_loop3A_159] {strides = array<i32>} : memref<8x2048xi32, #tpu.memory_space<vmem>>, vector<16xi32>,
            tpu.vector_store %arg8[%parallel_loop3A_158, %parallel_loop3A_159], %broadcast_in_dim3A_7 {strides = array<i32>} : memref<8x2048xi32, #tpu.memory_space<vmem>>, vector<16xi32>,
            %parallel_loop3A_161 = arith.constant 16 : i32
            %parallel_loop3A_162 = arith.muli %parallel_loop3A_154, %parallel_loop3A_161 : i32
            %parallel_loop3A_163 = arith.constant 0 : i32
            %parallel_loop3A_164 = arith.index_cast %parallel_loop3A_163 : i32 to index
            %parallel_loop3A_165 = arith.index_cast %parallel_loop3A_162 : i32 to index
            %parallel_loop3A_166 = tpu.vector_load %arg10[%parallel_loop3A_164, %parallel_loop3A_165] {strides = array<i32>} : memref<8x2048xi32, #tpu.memory_space<vmem>>, vector<16xi32>,
            tpu.vector_store %arg10[%parallel_loop3A_164, %parallel_loop3A_165], %broadcast_in_dim3A_7 {strides = array<i32>} : memref<8x2048xi32, #tpu.memory_space<vmem>>, vector<16xi32>,
          } {sc.loop_unroll_factor = 4 : i64, sc.parallel_access}
        } else {
        }
        %mul3A_135 = arith.constant 8 : i32
        %mul3A_136 = arith.muli %add3A_93, %mul3A_135 : i32
        %add3A_137 = arith.addi %mul3A_6, %mul3A_136 : i32
        %dma_start3A_138 = arith.constant 0 : i32
        %dma_start3A_139 = tpu.memref_slice %arg3[%add3A_137, %mul3A_4] : memref<2050x4096xi32, #tpu.memory_space<hbm>> -> memref<8x2048xi32, #tpu.memory_space<hbm>>
        %dma_start3A_140 = tpu.memref_slice %arg13[%dma_start3A_138] : memref<2x!tpu.dma_semaphore, #tpu.memory_space<semaphore_mem>> -> memref<1x!tpu.dma_semaphore, #tpu.memory_space<semaphore_mem>>
        %dma_start3A_141 = tpu.memref_squeeze %dma_start3A_140 : memref<1x!tpu.dma_semaphore, #tpu.memory_space<semaphore_mem>> -> memref<!tpu.dma_semaphore, #tpu.memory_space<semaphore_mem>>
        %dma_start3A_142 = tpu.memref_slice %arg3[%add3A_137, %mul3A_4] : memref<2050x4096xi32, #tpu.memory_space<hbm>> -> memref<8x2048xi32, #tpu.memory_space<hbm>>
        tpu.enqueue_dma source(%arg8 : memref<8x2048xi32, #tpu.memory_space<vmem>>) target(%dma_start3A_142 : memref<8x2048xi32, #tpu.memory_space<hbm>>) target_semaphore(%dma_start3A_141 : memref<!tpu.dma_semaphore, #tpu.memory_space<semaphore_mem>>)
        %mul3A_143 = arith.constant 8 : i32
        %mul3A_144 = arith.muli %add3A_93, %mul3A_143 : i32
        %add3A_145 = arith.addi %mul3A_6, %mul3A_144 : i32
        %dma_start3A_146 = arith.constant 0 : i32
        %dma_start3A_147 = tpu.memref_slice %arg4[%add3A_145, %mul3A_4] : memref<2050x4096xi32, #tpu.memory_space<hbm>> -> memref<8x2048xi32, #tpu.memory_space<hbm>>
        %dma_start3A_148 = tpu.memref_slice %arg13[%dma_start3A_146] : memref<2x!tpu.dma_semaphore, #tpu.memory_space<semaphore_mem>> -> memref<1x!tpu.dma_semaphore, #tpu.memory_space<semaphore_mem>>
        %dma_start3A_149 = tpu.memref_squeeze %dma_start3A_148 : memref<1x!tpu.dma_semaphore, #tpu.memory_space<semaphore_mem>> -> memref<!tpu.dma_semaphore, #tpu.memory_space<semaphore_mem>>
        %dma_start3A_150 = tpu.memref_slice %arg4[%add3A_145, %mul3A_4] : memref<2050x4096xi32, #tpu.memory_space<hbm>> -> memref<8x2048xi32, #tpu.memory_space<hbm>>
        tpu.enqueue_dma source(%arg10 : memref<8x2048xi32, #tpu.memory_space<vmem>>) target(%dma_start3A_150 : memref<8x2048xi32, #tpu.memory_space<hbm>>) target_semaphore(%dma_start3A_149 : memref<!tpu.dma_semaphore, #tpu.memory_space<semaphore_mem>>)
      } else {
      }
      %add3A_99 = arith.constant 5 : i32
      %add3A_100 = arith.addi %add3A_64, %add3A_99 : i32
      %lt3A_101 = arith.constant 16 : i32
      %lt3A_102 = arith.cmpi slt, %add3A_100, %lt3A_101 : i32
      %convert_element_type3A_103 = arith.extui %lt3A_102 : i1 to i32
      %cond3A_104 = arith.constant 0 : i32
      %cond3A_105 = arith.cmpi ne, %convert_element_type3A_103, %cond3A_104 : i32
      scf.if %cond3A_105 {
        %add3A_106 = arith.constant 1 : i32
        %add3A_107 = arith.addi %add3A_100, %add3A_106 : i32
        %lt3A_108 = arith.constant 16 : i32
        %lt3A_109 = arith.cmpi slt, %add3A_107, %lt3A_108 : i32
        %convert_element_type3A_110 = arith.extui %lt3A_109 : i1 to i32
        %cond3A_111 = arith.constant 0 : i32
        %cond3A_112 = arith.cmpi ne, %convert_element_type3A_110, %cond3A_111 : i32
        scf.if %cond3A_112 {
          %add3A_151 = arith.constant 1 : i32
          %add3A_152 = arith.addi %add3A_100, %add3A_151 : i32
          %mul3A_153 = arith.constant 8 : i32
          %mul3A_154 = arith.muli %add3A_152, %mul3A_153 : i32
          %add3A_155 = arith.addi %mul3A_6, %mul3A_154 : i32
          %dma_start3A_156 = arith.constant 0 : i32
          %dma_start3A_157 = tpu.memref_slice %arg2[%add3A_155, %mul3A_4] : memref<2050x4096xi32, #tpu.memory_space<hbm>> -> memref<8x2048xi32, #tpu.memory_space<hbm>>
          %dma_start3A_158 = tpu.memref_slice %arg12[%dma_start3A_156] : memref<3x!tpu.dma_semaphore, #tpu.memory_space<semaphore_mem>> -> memref<1x!tpu.dma_semaphore, #tpu.memory_space<semaphore_mem>>
          %dma_start3A_159 = tpu.memref_squeeze %dma_start3A_158 : memref<1x!tpu.dma_semaphore, #tpu.memory_space<semaphore_mem>> -> memref<!tpu.dma_semaphore, #tpu.memory_space<semaphore_mem>>
          %dma_start3A_160 = tpu.memref_slice %arg2[%add3A_155, %mul3A_4] : memref<2050x4096xi32, #tpu.memory_space<hbm>> -> memref<8x2048xi32, #tpu.memory_space<hbm>>
          tpu.enqueue_dma source(%dma_start3A_160 : memref<8x2048xi32, #tpu.memory_space<hbm>>) target(%arg5 : memref<8x2048xi32, #tpu.memory_space<vmem>>) target_semaphore(%dma_start3A_159 : memref<!tpu.dma_semaphore, #tpu.memory_space<semaphore_mem>>)
        } else {
        }
        %mul3A_113 = arith.constant 8 : i32
        %mul3A_114 = arith.muli %add3A_100, %mul3A_113 : i32
        %add3A_115 = arith.addi %mul3A_6, %mul3A_114 : i32
        %dma_wait3A_116 = arith.constant 2 : i32
        %dma_wait3A_117 = tpu.memref_slice %arg2[%add3A_115, %mul3A_4] : memref<2050x4096xi32, #tpu.memory_space<hbm>> -> memref<8x2048xi32, #tpu.memory_space<hbm>>
        %dma_wait3A_118 = tpu.memref_slice %arg12[%dma_wait3A_116] : memref<3x!tpu.dma_semaphore, #tpu.memory_space<semaphore_mem>> -> memref<1x!tpu.dma_semaphore, #tpu.memory_space<semaphore_mem>>
        %dma_wait3A_119 = tpu.memref_squeeze %dma_wait3A_118 : memref<1x!tpu.dma_semaphore, #tpu.memory_space<semaphore_mem>> -> memref<!tpu.dma_semaphore, #tpu.memory_space<semaphore_mem>>
        %dma_wait3A_120 = tpu.memref_slice %arg2[%add3A_115, %mul3A_4] : memref<2050x4096xi32, #tpu.memory_space<hbm>> -> memref<8x2048xi32, #tpu.memory_space<hbm>>
        tpu.wait_dma2 semaphore(%dma_wait3A_119 : memref<!tpu.dma_semaphore, #tpu.memory_space<semaphore_mem>>) src(%dma_wait3A_120 : memref<8x2048xi32, #tpu.memory_space<hbm>>) dst(%arg7 : memref<8x2048xi32, #tpu.memory_space<vmem>>)
        %ge3A = arith.constant 2 : i32
        %ge3A_121 = arith.cmpi sge, %add3A_100, %ge3A : i32
        %convert_element_type3A_122 = arith.extui %ge3A_121 : i1 to i32
        %cond3A_123 = arith.constant 0 : i32
        %cond3A_124 = arith.cmpi ne, %convert_element_type3A_122, %cond3A_123 : i32
        scf.if %cond3A_124 {
          %sub3A_151 = arith.constant 2 : i32
          %sub3A_152 = arith.subi %add3A_100, %sub3A_151 : i32
          %mul3A_153 = arith.constant 8 : i32
          %mul3A_154 = arith.muli %sub3A_152, %mul3A_153 : i32
          %add3A_155 = arith.addi %mul3A_6, %mul3A_154 : i32
          %dma_wait3A_156 = arith.constant 1 : i32
          %dma_wait3A_157 = tpu.memref_slice %arg3[%add3A_155, %mul3A_4] : memref<2050x4096xi32, #tpu.memory_space<hbm>> -> memref<8x2048xi32, #tpu.memory_space<hbm>>
          %dma_wait3A_158 = tpu.memref_slice %arg13[%dma_wait3A_156] : memref<2x!tpu.dma_semaphore, #tpu.memory_space<semaphore_mem>> -> memref<1x!tpu.dma_semaphore, #tpu.memory_space<semaphore_mem>>
          %dma_wait3A_159 = tpu.memref_squeeze %dma_wait3A_158 : memref<1x!tpu.dma_semaphore, #tpu.memory_space<semaphore_mem>> -> memref<!tpu.dma_semaphore, #tpu.memory_space<semaphore_mem>>
          %dma_wait3A_160 = tpu.memref_slice %arg3[%add3A_155, %mul3A_4] : memref<2050x4096xi32, #tpu.memory_space<hbm>> -> memref<8x2048xi32, #tpu.memory_space<hbm>>
          tpu.wait_dma2 semaphore(%dma_wait3A_159 : memref<!tpu.dma_semaphore, #tpu.memory_space<semaphore_mem>>) src(%arg9 : memref<8x2048xi32, #tpu.memory_space<vmem>>) dst(%dma_wait3A_160 : memref<8x2048xi32, #tpu.memory_space<hbm>>)
          %sub3A_161 = arith.constant 2 : i32
          %sub3A_162 = arith.subi %add3A_100, %sub3A_161 : i32
          %mul3A_163 = arith.constant 8 : i32
          %mul3A_164 = arith.muli %sub3A_162, %mul3A_163 : i32
          %add3A_165 = arith.addi %mul3A_6, %mul3A_164 : i32
          %dma_wait3A_166 = arith.constant 1 : i32
          %dma_wait3A_167 = tpu.memref_slice %arg4[%add3A_165, %mul3A_4] : memref<2050x4096xi32, #tpu.memory_space<hbm>> -> memref<8x2048xi32, #tpu.memory_space<hbm>>
          %dma_wait3A_168 = tpu.memref_slice %arg13[%dma_wait3A_166] : memref<2x!tpu.dma_semaphore, #tpu.memory_space<semaphore_mem>> -> memref<1x!tpu.dma_semaphore, #tpu.memory_space<semaphore_mem>>
          %dma_wait3A_169 = tpu.memref_squeeze %dma_wait3A_168 : memref<1x!tpu.dma_semaphore, #tpu.memory_space<semaphore_mem>> -> memref<!tpu.dma_semaphore, #tpu.memory_space<semaphore_mem>>
          %dma_wait3A_170 = tpu.memref_slice %arg4[%add3A_165, %mul3A_4] : memref<2050x4096xi32, #tpu.memory_space<hbm>> -> memref<8x2048xi32, #tpu.memory_space<hbm>>
          tpu.wait_dma2 semaphore(%dma_wait3A_169 : memref<!tpu.dma_semaphore, #tpu.memory_space<semaphore_mem>>) src(%arg11 : memref<8x2048xi32, #tpu.memory_space<vmem>>) dst(%dma_wait3A_170 : memref<8x2048xi32, #tpu.memory_space<hbm>>)
        } else {
        }
        %parallel_loop3A = arith.constant 0 : i32
        %parallel_loop3A_125 = arith.constant 128 : i32
        %parallel_loop3A_126 = arith.constant 1 : i32
        scf.for %parallel_loop3A_151 = %parallel_loop3A to %parallel_loop3A_125 step %parallel_loop3A_126  : i32 {
          %parallel_loop3A_152 = arith.constant 16 : i32
          %parallel_loop3A_153 = arith.muli %parallel_loop3A_151, %parallel_loop3A_152 : i32
          %parallel_loop3A_154 = arith.constant 0 : i32
          %parallel_loop3A_155 = arith.index_cast %parallel_loop3A_154 : i32 to index
          %parallel_loop3A_156 = arith.index_cast %parallel_loop3A_153 : i32 to index
          %parallel_loop3A_157 = tpu.vector_load %arg7[%parallel_loop3A_155, %parallel_loop3A_156] {strides = array<i32>} : memref<8x2048xi32, #tpu.memory_space<vmem>>, vector<16xi32>,
          %parallel_loop3A_158 = arith.constant 1 : i32
          %parallel_loop3A_159 = arith.index_cast %parallel_loop3A_158 : i32 to index
          %parallel_loop3A_160 = arith.index_cast %parallel_loop3A_153 : i32 to index
          %parallel_loop3A_161 = tpu.vector_load %arg7[%parallel_loop3A_159, %parallel_loop3A_160] {strides = array<i32>} : memref<8x2048xi32, #tpu.memory_space<vmem>>, vector<16xi32>,
          %parallel_loop3A_162 = arith.constant 2 : i32
          %parallel_loop3A_163 = arith.index_cast %parallel_loop3A_162 : i32 to index
          %parallel_loop3A_164 = arith.index_cast %parallel_loop3A_153 : i32 to index
          %parallel_loop3A_165 = tpu.vector_load %arg7[%parallel_loop3A_163, %parallel_loop3A_164] {strides = array<i32>} : memref<8x2048xi32, #tpu.memory_space<vmem>>, vector<16xi32>,
          %parallel_loop3A_166 = arith.constant 3 : i32
          %parallel_loop3A_167 = arith.index_cast %parallel_loop3A_166 : i32 to index
          %parallel_loop3A_168 = arith.index_cast %parallel_loop3A_153 : i32 to index
          %parallel_loop3A_169 = tpu.vector_load %arg7[%parallel_loop3A_167, %parallel_loop3A_168] {strides = array<i32>} : memref<8x2048xi32, #tpu.memory_space<vmem>>, vector<16xi32>,
          %parallel_loop3A_170 = arith.constant 4 : i32
          %parallel_loop3A_171 = arith.index_cast %parallel_loop3A_170 : i32 to index
          %parallel_loop3A_172 = arith.index_cast %parallel_loop3A_153 : i32 to index
          %parallel_loop3A_173 = tpu.vector_load %arg7[%parallel_loop3A_171, %parallel_loop3A_172] {strides = array<i32>} : memref<8x2048xi32, #tpu.memory_space<vmem>>, vector<16xi32>,
          %parallel_loop3A_174 = arith.constant 5 : i32
          %parallel_loop3A_175 = arith.index_cast %parallel_loop3A_174 : i32 to index
          %parallel_loop3A_176 = arith.index_cast %parallel_loop3A_153 : i32 to index
          %parallel_loop3A_177 = tpu.vector_load %arg7[%parallel_loop3A_175, %parallel_loop3A_176] {strides = array<i32>} : memref<8x2048xi32, #tpu.memory_space<vmem>>, vector<16xi32>,
          %parallel_loop3A_178 = arith.constant 6 : i32
          %parallel_loop3A_179 = arith.index_cast %parallel_loop3A_178 : i32 to index
          %parallel_loop3A_180 = arith.index_cast %parallel_loop3A_153 : i32 to index
          %parallel_loop3A_181 = tpu.vector_load %arg7[%parallel_loop3A_179, %parallel_loop3A_180] {strides = array<i32>} : memref<8x2048xi32, #tpu.memory_space<vmem>>, vector<16xi32>,
          %parallel_loop3A_182 = arith.constant 7 : i32
          %parallel_loop3A_183 = arith.index_cast %parallel_loop3A_182 : i32 to index
          %parallel_loop3A_184 = arith.index_cast %parallel_loop3A_153 : i32 to index
          %parallel_loop3A_185 = tpu.vector_load %arg7[%parallel_loop3A_183, %parallel_loop3A_184] {strides = array<i32>} : memref<8x2048xi32, #tpu.memory_space<vmem>>, vector<16xi32>,
          %parallel_loop3A_186 = arith.constant 5 : i32
          %parallel_loop3A_187 = arith.index_cast %parallel_loop3A_186 : i32 to index
          %parallel_loop3A_188 = arith.index_cast %parallel_loop3A_153 : i32 to index
          %parallel_loop3A_189 = tpu.vector_load %arg6[%parallel_loop3A_187, %parallel_loop3A_188] {strides = array<i32>} : memref<8x2048xi32, #tpu.memory_space<vmem>>, vector<16xi32>,
          %parallel_loop3A_190 = arith.constant 2 : i32
          %parallel_loop3A_191 = vector.broadcast %parallel_loop3A_190 : i32 to vector<16xi32>
          %parallel_loop3A_192 = arith.cmpi sge, %parallel_loop3A_161, %parallel_loop3A_191 : vector<16xi32>
          %parallel_loop3A_193 = arith.select %parallel_loop3A_192, %parallel_loop3A_161, %broadcast_in_dim3A_7 : vector<16xi1>, vector<16xi32>
          %parallel_loop3A_194 = arith.constant 2 : i32
          %parallel_loop3A_195 = vector.broadcast %parallel_loop3A_194 : i32 to vector<16xi32>
          %parallel_loop3A_196 = arith.cmpi sge, %parallel_loop3A_177, %parallel_loop3A_195 : vector<16xi32>
          %parallel_loop3A_197 = arith.select %parallel_loop3A_196, %parallel_loop3A_177, %broadcast_in_dim3A_7 : vector<16xi1>, vector<16xi32>
          %parallel_loop3A_198 = arith.constant 2 : i32
          %parallel_loop3A_199 = vector.broadcast %parallel_loop3A_198 : i32 to vector<16xi32>
          %parallel_loop3A_200 = arith.cmpi sge, %parallel_loop3A_189, %parallel_loop3A_199 : vector<16xi32>
          %parallel_loop3A_201 = arith.select %parallel_loop3A_200, %parallel_loop3A_189, %broadcast_in_dim3A_7 : vector<16xi1>, vector<16xi32>
          %parallel_loop3A_202 = arith.constant 2 : i32
          %parallel_loop3A_203 = vector.broadcast %parallel_loop3A_202 : i32 to vector<16xi32>
          %parallel_loop3A_204 = arith.cmpi sge, %parallel_loop3A_157, %parallel_loop3A_203 : vector<16xi32>
          %parallel_loop3A_205 = arith.constant 4 : i32
          %parallel_loop3A_206 = arith.constant 0 : i32
          %parallel_loop3A_207 = vector.broadcast %parallel_loop3A_205 : i32 to vector<16xi32>
          %parallel_loop3A_208 = vector.broadcast %parallel_loop3A_206 : i32 to vector<16xi32>
          %parallel_loop3A_209 = arith.select %parallel_loop3A_204, %parallel_loop3A_207, %parallel_loop3A_208 : vector<16xi1>, vector<16xi32>
          %parallel_loop3A_210 = arith.constant 0 : i32
          %parallel_loop3A_211 = arith.index_cast %parallel_loop3A_210 : i32 to index
          %parallel_loop3A_212 = arith.index_cast %parallel_loop3A_153 : i32 to index
          %parallel_loop3A_213 = tpu.vector_load %arg9[%parallel_loop3A_211, %parallel_loop3A_212] {strides = array<i32>} : memref<8x2048xi32, #tpu.memory_space<vmem>>, vector<16xi32>,
          tpu.vector_store %arg9[%parallel_loop3A_211, %parallel_loop3A_212], %parallel_loop3A_209 {strides = array<i32>} : memref<8x2048xi32, #tpu.memory_space<vmem>>, vector<16xi32>,
          %parallel_loop3A_214 = arith.constant 2 : i32
          %parallel_loop3A_215 = vector.broadcast %parallel_loop3A_214 : i32 to vector<16xi32>
          %parallel_loop3A_216 = arith.cmpi sge, %parallel_loop3A_161, %parallel_loop3A_215 : vector<16xi32>
          %parallel_loop3A_217 = arith.constant 1 : i32
          %parallel_loop3A_218 = arith.constant 0 : i32
          %parallel_loop3A_219 = vector.broadcast %parallel_loop3A_217 : i32 to vector<16xi32>
          %parallel_loop3A_220 = vector.broadcast %parallel_loop3A_218 : i32 to vector<16xi32>
          %parallel_loop3A_221 = arith.select %parallel_loop3A_216, %parallel_loop3A_219, %parallel_loop3A_220 : vector<16xi1>, vector<16xi32>
          %parallel_loop3A_222 = arith.constant 1 : i32
          %parallel_loop3A_223 = arith.index_cast %parallel_loop3A_222 : i32 to index
          %parallel_loop3A_224 = arith.index_cast %parallel_loop3A_153 : i32 to index
          %parallel_loop3A_225 = tpu.vector_load %arg9[%parallel_loop3A_223, %parallel_loop3A_224] {strides = array<i32>} : memref<8x2048xi32, #tpu.memory_space<vmem>>, vector<16xi32>,
          tpu.vector_store %arg9[%parallel_loop3A_223, %parallel_loop3A_224], %parallel_loop3A_221 {strides = array<i32>} : memref<8x2048xi32, #tpu.memory_space<vmem>>, vector<16xi32>,
          %parallel_loop3A_226 = arith.constant 2 : i32
          %parallel_loop3A_227 = vector.broadcast %parallel_loop3A_226 : i32 to vector<16xi32>
          %parallel_loop3A_228 = arith.cmpi sge, %parallel_loop3A_165, %parallel_loop3A_227 : vector<16xi32>
          %parallel_loop3A_229 = arith.constant 2 : i32
          %parallel_loop3A_230 = arith.constant 0 : i32
          %parallel_loop3A_231 = vector.broadcast %parallel_loop3A_229 : i32 to vector<16xi32>
          %parallel_loop3A_232 = vector.broadcast %parallel_loop3A_230 : i32 to vector<16xi32>
          %parallel_loop3A_233 = arith.select %parallel_loop3A_228, %parallel_loop3A_231, %parallel_loop3A_232 : vector<16xi1>, vector<16xi32>
          %parallel_loop3A_234 = arith.constant 2 : i32
          %parallel_loop3A_235 = arith.index_cast %parallel_loop3A_234 : i32 to index
          %parallel_loop3A_236 = arith.index_cast %parallel_loop3A_153 : i32 to index
          %parallel_loop3A_237 = tpu.vector_load %arg9[%parallel_loop3A_235, %parallel_loop3A_236] {strides = array<i32>} : memref<8x2048xi32, #tpu.memory_space<vmem>>, vector<16xi32>,
          tpu.vector_store %arg9[%parallel_loop3A_235, %parallel_loop3A_236], %parallel_loop3A_233 {strides = array<i32>} : memref<8x2048xi32, #tpu.memory_space<vmem>>, vector<16xi32>,
          %parallel_loop3A_238 = arith.constant 2 : i32
          %parallel_loop3A_239 = vector.broadcast %parallel_loop3A_238 : i32 to vector<16xi32>
          %parallel_loop3A_240 = arith.cmpi sge, %parallel_loop3A_169, %parallel_loop3A_239 : vector<16xi32>
          %parallel_loop3A_241 = arith.constant 3 : i32
          %parallel_loop3A_242 = arith.constant 0 : i32
          %parallel_loop3A_243 = vector.broadcast %parallel_loop3A_241 : i32 to vector<16xi32>
          %parallel_loop3A_244 = vector.broadcast %parallel_loop3A_242 : i32 to vector<16xi32>
          %parallel_loop3A_245 = arith.select %parallel_loop3A_240, %parallel_loop3A_243, %parallel_loop3A_244 : vector<16xi1>, vector<16xi32>
          %parallel_loop3A_246 = arith.constant 3 : i32
          %parallel_loop3A_247 = arith.index_cast %parallel_loop3A_246 : i32 to index
          %parallel_loop3A_248 = arith.index_cast %parallel_loop3A_153 : i32 to index
          %parallel_loop3A_249 = tpu.vector_load %arg9[%parallel_loop3A_247, %parallel_loop3A_248] {strides = array<i32>} : memref<8x2048xi32, #tpu.memory_space<vmem>>, vector<16xi32>,
          tpu.vector_store %arg9[%parallel_loop3A_247, %parallel_loop3A_248], %parallel_loop3A_245 {strides = array<i32>} : memref<8x2048xi32, #tpu.memory_space<vmem>>, vector<16xi32>,
          %parallel_loop3A_250 = arith.constant 2 : i32
          %parallel_loop3A_251 = vector.broadcast %parallel_loop3A_250 : i32 to vector<16xi32>
          %parallel_loop3A_252 = arith.cmpi sge, %parallel_loop3A_173, %parallel_loop3A_251 : vector<16xi32>
          %parallel_loop3A_253 = arith.constant 4 : i32
          %parallel_loop3A_254 = arith.constant 0 : i32
          %parallel_loop3A_255 = vector.broadcast %parallel_loop3A_253 : i32 to vector<16xi32>
          %parallel_loop3A_256 = vector.broadcast %parallel_loop3A_254 : i32 to vector<16xi32>
          %parallel_loop3A_257 = arith.select %parallel_loop3A_252, %parallel_loop3A_255, %parallel_loop3A_256 : vector<16xi1>, vector<16xi32>
          %parallel_loop3A_258 = arith.constant 4 : i32
          %parallel_loop3A_259 = arith.index_cast %parallel_loop3A_258 : i32 to index
          %parallel_loop3A_260 = arith.index_cast %parallel_loop3A_153 : i32 to index
          %parallel_loop3A_261 = tpu.vector_load %arg9[%parallel_loop3A_259, %parallel_loop3A_260] {strides = array<i32>} : memref<8x2048xi32, #tpu.memory_space<vmem>>, vector<16xi32>,
          tpu.vector_store %arg9[%parallel_loop3A_259, %parallel_loop3A_260], %parallel_loop3A_257 {strides = array<i32>} : memref<8x2048xi32, #tpu.memory_space<vmem>>, vector<16xi32>,
          %parallel_loop3A_262 = arith.constant 2 : i32
          %parallel_loop3A_263 = vector.broadcast %parallel_loop3A_262 : i32 to vector<16xi32>
          %parallel_loop3A_264 = arith.cmpi sge, %parallel_loop3A_177, %parallel_loop3A_263 : vector<16xi32>
          %parallel_loop3A_265 = arith.constant 1 : i32
          %parallel_loop3A_266 = arith.constant 0 : i32
          %parallel_loop3A_267 = vector.broadcast %parallel_loop3A_265 : i32 to vector<16xi32>
          %parallel_loop3A_268 = vector.broadcast %parallel_loop3A_266 : i32 to vector<16xi32>
          %parallel_loop3A_269 = arith.select %parallel_loop3A_264, %parallel_loop3A_267, %parallel_loop3A_268 : vector<16xi1>, vector<16xi32>
          %parallel_loop3A_270 = arith.constant 5 : i32
          %parallel_loop3A_271 = arith.index_cast %parallel_loop3A_270 : i32 to index
          %parallel_loop3A_272 = arith.index_cast %parallel_loop3A_153 : i32 to index
          %parallel_loop3A_273 = tpu.vector_load %arg9[%parallel_loop3A_271, %parallel_loop3A_272] {strides = array<i32>} : memref<8x2048xi32, #tpu.memory_space<vmem>>, vector<16xi32>,
          tpu.vector_store %arg9[%parallel_loop3A_271, %parallel_loop3A_272], %parallel_loop3A_269 {strides = array<i32>} : memref<8x2048xi32, #tpu.memory_space<vmem>>, vector<16xi32>,
          %parallel_loop3A_274 = arith.constant 2 : i32
          %parallel_loop3A_275 = vector.broadcast %parallel_loop3A_274 : i32 to vector<16xi32>
          %parallel_loop3A_276 = arith.cmpi sge, %parallel_loop3A_181, %parallel_loop3A_275 : vector<16xi32>
          %parallel_loop3A_277 = arith.constant 2 : i32
          %parallel_loop3A_278 = arith.constant 0 : i32
          %parallel_loop3A_279 = vector.broadcast %parallel_loop3A_277 : i32 to vector<16xi32>
          %parallel_loop3A_280 = vector.broadcast %parallel_loop3A_278 : i32 to vector<16xi32>
          %parallel_loop3A_281 = arith.select %parallel_loop3A_276, %parallel_loop3A_279, %parallel_loop3A_280 : vector<16xi1>, vector<16xi32>
          %parallel_loop3A_282 = arith.constant 6 : i32
          %parallel_loop3A_283 = arith.index_cast %parallel_loop3A_282 : i32 to index
          %parallel_loop3A_284 = arith.index_cast %parallel_loop3A_153 : i32 to index
          %parallel_loop3A_285 = tpu.vector_load %arg9[%parallel_loop3A_283, %parallel_loop3A_284] {strides = array<i32>} : memref<8x2048xi32, #tpu.memory_space<vmem>>, vector<16xi32>,
          tpu.vector_store %arg9[%parallel_loop3A_283, %parallel_loop3A_284], %parallel_loop3A_281 {strides = array<i32>} : memref<8x2048xi32, #tpu.memory_space<vmem>>, vector<16xi32>,
          %parallel_loop3A_286 = arith.constant 2 : i32
          %parallel_loop3A_287 = vector.broadcast %parallel_loop3A_286 : i32 to vector<16xi32>
          %parallel_loop3A_288 = arith.cmpi sge, %parallel_loop3A_185, %parallel_loop3A_287 : vector<16xi32>
          %parallel_loop3A_289 = arith.constant 3 : i32
          %parallel_loop3A_290 = arith.constant 0 : i32
          %parallel_loop3A_291 = vector.broadcast %parallel_loop3A_289 : i32 to vector<16xi32>
          %parallel_loop3A_292 = vector.broadcast %parallel_loop3A_290 : i32 to vector<16xi32>
          %parallel_loop3A_293 = arith.select %parallel_loop3A_288, %parallel_loop3A_291, %parallel_loop3A_292 : vector<16xi1>, vector<16xi32>
          %parallel_loop3A_294 = arith.constant 7 : i32
          %parallel_loop3A_295 = arith.index_cast %parallel_loop3A_294 : i32 to index
          %parallel_loop3A_296 = arith.index_cast %parallel_loop3A_153 : i32 to index
          %parallel_loop3A_297 = tpu.vector_load %arg9[%parallel_loop3A_295, %parallel_loop3A_296] {strides = array<i32>} : memref<8x2048xi32, #tpu.memory_space<vmem>>, vector<16xi32>,
          tpu.vector_store %arg9[%parallel_loop3A_295, %parallel_loop3A_296], %parallel_loop3A_293 {strides = array<i32>} : memref<8x2048xi32, #tpu.memory_space<vmem>>, vector<16xi32>,
          %parallel_loop3A_298 = arith.constant 0 : i32
          %parallel_loop3A_299 = arith.index_cast %parallel_loop3A_298 : i32 to index
          %parallel_loop3A_300 = arith.index_cast %parallel_loop3A_153 : i32 to index
          %parallel_loop3A_301 = tpu.vector_load %arg11[%parallel_loop3A_299, %parallel_loop3A_300] {strides = array<i32>} : memref<8x2048xi32, #tpu.memory_space<vmem>>, vector<16xi32>,
          tpu.vector_store %arg11[%parallel_loop3A_299, %parallel_loop3A_300], %parallel_loop3A_201 {strides = array<i32>} : memref<8x2048xi32, #tpu.memory_space<vmem>>, vector<16xi32>,
          %parallel_loop3A_302 = arith.constant 1 : i32
          %parallel_loop3A_303 = arith.index_cast %parallel_loop3A_302 : i32 to index
          %parallel_loop3A_304 = arith.index_cast %parallel_loop3A_153 : i32 to index
          %parallel_loop3A_305 = tpu.vector_load %arg11[%parallel_loop3A_303, %parallel_loop3A_304] {strides = array<i32>} : memref<8x2048xi32, #tpu.memory_space<vmem>>, vector<16xi32>,
          tpu.vector_store %arg11[%parallel_loop3A_303, %parallel_loop3A_304], %broadcast_in_dim3A_7 {strides = array<i32>} : memref<8x2048xi32, #tpu.memory_space<vmem>>, vector<16xi32>,
          %parallel_loop3A_306 = arith.constant 2 : i32
          %parallel_loop3A_307 = arith.index_cast %parallel_loop3A_306 : i32 to index
          %parallel_loop3A_308 = arith.index_cast %parallel_loop3A_153 : i32 to index
          %parallel_loop3A_309 = tpu.vector_load %arg11[%parallel_loop3A_307, %parallel_loop3A_308] {strides = array<i32>} : memref<8x2048xi32, #tpu.memory_space<vmem>>, vector<16xi32>,
          tpu.vector_store %arg11[%parallel_loop3A_307, %parallel_loop3A_308], %parallel_loop3A_193 {strides = array<i32>} : memref<8x2048xi32, #tpu.memory_space<vmem>>, vector<16xi32>,
          %parallel_loop3A_310 = arith.constant 3 : i32
          %parallel_loop3A_311 = arith.index_cast %parallel_loop3A_310 : i32 to index
          %parallel_loop3A_312 = arith.index_cast %parallel_loop3A_153 : i32 to index
          %parallel_loop3A_313 = tpu.vector_load %arg11[%parallel_loop3A_311, %parallel_loop3A_312] {strides = array<i32>} : memref<8x2048xi32, #tpu.memory_space<vmem>>, vector<16xi32>,
          tpu.vector_store %arg11[%parallel_loop3A_311, %parallel_loop3A_312], %parallel_loop3A_193 {strides = array<i32>} : memref<8x2048xi32, #tpu.memory_space<vmem>>, vector<16xi32>,
          %parallel_loop3A_314 = arith.constant 4 : i32
          %parallel_loop3A_315 = arith.index_cast %parallel_loop3A_314 : i32 to index
          %parallel_loop3A_316 = arith.index_cast %parallel_loop3A_153 : i32 to index
          %parallel_loop3A_317 = tpu.vector_load %arg11[%parallel_loop3A_315, %parallel_loop3A_316] {strides = array<i32>} : memref<8x2048xi32, #tpu.memory_space<vmem>>, vector<16xi32>,
          tpu.vector_store %arg11[%parallel_loop3A_315, %parallel_loop3A_316], %parallel_loop3A_193 {strides = array<i32>} : memref<8x2048xi32, #tpu.memory_space<vmem>>, vector<16xi32>,
          %parallel_loop3A_318 = arith.constant 5 : i32
          %parallel_loop3A_319 = arith.index_cast %parallel_loop3A_318 : i32 to index
          %parallel_loop3A_320 = arith.index_cast %parallel_loop3A_153 : i32 to index
          %parallel_loop3A_321 = tpu.vector_load %arg11[%parallel_loop3A_319, %parallel_loop3A_320] {strides = array<i32>} : memref<8x2048xi32, #tpu.memory_space<vmem>>, vector<16xi32>,
          tpu.vector_store %arg11[%parallel_loop3A_319, %parallel_loop3A_320], %broadcast_in_dim3A_7 {strides = array<i32>} : memref<8x2048xi32, #tpu.memory_space<vmem>>, vector<16xi32>,
          %parallel_loop3A_322 = arith.constant 6 : i32
          %parallel_loop3A_323 = arith.index_cast %parallel_loop3A_322 : i32 to index
          %parallel_loop3A_324 = arith.index_cast %parallel_loop3A_153 : i32 to index
          %parallel_loop3A_325 = tpu.vector_load %arg11[%parallel_loop3A_323, %parallel_loop3A_324] {strides = array<i32>} : memref<8x2048xi32, #tpu.memory_space<vmem>>, vector<16xi32>,
          tpu.vector_store %arg11[%parallel_loop3A_323, %parallel_loop3A_324], %parallel_loop3A_197 {strides = array<i32>} : memref<8x2048xi32, #tpu.memory_space<vmem>>, vector<16xi32>,
          %parallel_loop3A_326 = arith.constant 7 : i32
          %parallel_loop3A_327 = arith.index_cast %parallel_loop3A_326 : i32 to index
          %parallel_loop3A_328 = arith.index_cast %parallel_loop3A_153 : i32 to index
          %parallel_loop3A_329 = tpu.vector_load %arg11[%parallel_loop3A_327, %parallel_loop3A_328] {strides = array<i32>} : memref<8x2048xi32, #tpu.memory_space<vmem>>, vector<16xi32>,
          tpu.vector_store %arg11[%parallel_loop3A_327, %parallel_loop3A_328], %parallel_loop3A_197 {strides = array<i32>} : memref<8x2048xi32, #tpu.memory_space<vmem>>, vector<16xi32>,
        } {sc.loop_unroll_factor = 4 : i64, sc.parallel_access}
        %eq3A_127 = arith.constant 0 : i32
        %eq3A_128 = arith.cmpi eq, %shift_right_arithmetic3A_1, %eq3A_127 : i32
        %eq3A_129 = arith.constant 0 : i32
        %eq3A_130 = arith.cmpi eq, %add3A_100, %eq3A_129 : i32
        %and3A_131 = arith.andi %eq3A_128, %eq3A_130 : i1
        %convert_element_type3A_132 = arith.extui %and3A_131 : i1 to i32
        %cond3A_133 = arith.constant 0 : i32
        %cond3A_134 = arith.cmpi ne, %convert_element_type3A_132, %cond3A_133 : i32
        scf.if %cond3A_134 {
          %parallel_loop3A_151 = arith.constant 0 : i32
          %parallel_loop3A_152 = arith.constant 128 : i32
          %parallel_loop3A_153 = arith.constant 1 : i32
          scf.for %parallel_loop3A_154 = %parallel_loop3A_151 to %parallel_loop3A_152 step %parallel_loop3A_153  : i32 {
            %parallel_loop3A_155 = arith.constant 16 : i32
            %parallel_loop3A_156 = arith.muli %parallel_loop3A_154, %parallel_loop3A_155 : i32
            %parallel_loop3A_157 = arith.constant 0 : i32
            %parallel_loop3A_158 = arith.index_cast %parallel_loop3A_157 : i32 to index
            %parallel_loop3A_159 = arith.index_cast %parallel_loop3A_156 : i32 to index
            %parallel_loop3A_160 = tpu.vector_load %arg8[%parallel_loop3A_158, %parallel_loop3A_159] {strides = array<i32>} : memref<8x2048xi32, #tpu.memory_space<vmem>>, vector<16xi32>,
            tpu.vector_store %arg8[%parallel_loop3A_158, %parallel_loop3A_159], %broadcast_in_dim3A_7 {strides = array<i32>} : memref<8x2048xi32, #tpu.memory_space<vmem>>, vector<16xi32>,
            %parallel_loop3A_161 = arith.constant 16 : i32
            %parallel_loop3A_162 = arith.muli %parallel_loop3A_154, %parallel_loop3A_161 : i32
            %parallel_loop3A_163 = arith.constant 0 : i32
            %parallel_loop3A_164 = arith.index_cast %parallel_loop3A_163 : i32 to index
            %parallel_loop3A_165 = arith.index_cast %parallel_loop3A_162 : i32 to index
            %parallel_loop3A_166 = tpu.vector_load %arg10[%parallel_loop3A_164, %parallel_loop3A_165] {strides = array<i32>} : memref<8x2048xi32, #tpu.memory_space<vmem>>, vector<16xi32>,
            tpu.vector_store %arg10[%parallel_loop3A_164, %parallel_loop3A_165], %broadcast_in_dim3A_7 {strides = array<i32>} : memref<8x2048xi32, #tpu.memory_space<vmem>>, vector<16xi32>,
          } {sc.loop_unroll_factor = 4 : i64, sc.parallel_access}
        } else {
        }
        %mul3A_135 = arith.constant 8 : i32
        %mul3A_136 = arith.muli %add3A_100, %mul3A_135 : i32
        %add3A_137 = arith.addi %mul3A_6, %mul3A_136 : i32
        %dma_start3A_138 = arith.constant 1 : i32
        %dma_start3A_139 = tpu.memref_slice %arg3[%add3A_137, %mul3A_4] : memref<2050x4096xi32, #tpu.memory_space<hbm>> -> memref<8x2048xi32, #tpu.memory_space<hbm>>
        %dma_start3A_140 = tpu.memref_slice %arg13[%dma_start3A_138] : memref<2x!tpu.dma_semaphore, #tpu.memory_space<semaphore_mem>> -> memref<1x!tpu.dma_semaphore, #tpu.memory_space<semaphore_mem>>
        %dma_start3A_141 = tpu.memref_squeeze %dma_start3A_140 : memref<1x!tpu.dma_semaphore, #tpu.memory_space<semaphore_mem>> -> memref<!tpu.dma_semaphore, #tpu.memory_space<semaphore_mem>>
        %dma_start3A_142 = tpu.memref_slice %arg3[%add3A_137, %mul3A_4] : memref<2050x4096xi32, #tpu.memory_space<hbm>> -> memref<8x2048xi32, #tpu.memory_space<hbm>>
        tpu.enqueue_dma source(%arg9 : memref<8x2048xi32, #tpu.memory_space<vmem>>) target(%dma_start3A_142 : memref<8x2048xi32, #tpu.memory_space<hbm>>) target_semaphore(%dma_start3A_141 : memref<!tpu.dma_semaphore, #tpu.memory_space<semaphore_mem>>)
        %mul3A_143 = arith.constant 8 : i32
        %mul3A_144 = arith.muli %add3A_100, %mul3A_143 : i32
        %add3A_145 = arith.addi %mul3A_6, %mul3A_144 : i32
        %dma_start3A_146 = arith.constant 1 : i32
        %dma_start3A_147 = tpu.memref_slice %arg4[%add3A_145, %mul3A_4] : memref<2050x4096xi32, #tpu.memory_space<hbm>> -> memref<8x2048xi32, #tpu.memory_space<hbm>>
        %dma_start3A_148 = tpu.memref_slice %arg13[%dma_start3A_146] : memref<2x!tpu.dma_semaphore, #tpu.memory_space<semaphore_mem>> -> memref<1x!tpu.dma_semaphore, #tpu.memory_space<semaphore_mem>>
        %dma_start3A_149 = tpu.memref_squeeze %dma_start3A_148 : memref<1x!tpu.dma_semaphore, #tpu.memory_space<semaphore_mem>> -> memref<!tpu.dma_semaphore, #tpu.memory_space<semaphore_mem>>
        %dma_start3A_150 = tpu.memref_slice %arg4[%add3A_145, %mul3A_4] : memref<2050x4096xi32, #tpu.memory_space<hbm>> -> memref<8x2048xi32, #tpu.memory_space<hbm>>
        tpu.enqueue_dma source(%arg11 : memref<8x2048xi32, #tpu.memory_space<vmem>>) target(%dma_start3A_150 : memref<8x2048xi32, #tpu.memory_space<hbm>>) target_semaphore(%dma_start3A_149 : memref<!tpu.dma_semaphore, #tpu.memory_space<semaphore_mem>>)
      } else {
      }
    }
    %scan3A_28 = arith.constant 3 : i32
    %add3A_29 = arith.constant 112 : i32
    %add3A_30 = arith.addi %mul3A_6, %add3A_29 : i32
    %dma_wait3A_31 = arith.constant 0 : i32
    %dma_wait3A_32 = tpu.memref_slice %arg3[%add3A_30, %mul3A_4] : memref<2050x4096xi32, #tpu.memory_space<hbm>> -> memref<8x2048xi32, #tpu.memory_space<hbm>>
    %dma_wait3A_33 = tpu.memref_slice %arg13[%dma_wait3A_31] : memref<2x!tpu.dma_semaphore, #tpu.memory_space<semaphore_mem>> -> memref<1x!tpu.dma_semaphore, #tpu.memory_space<semaphore_mem>>
    %dma_wait3A_34 = tpu.memref_squeeze %dma_wait3A_33 : memref<1x!tpu.dma_semaphore, #tpu.memory_space<semaphore_mem>> -> memref<!tpu.dma_semaphore, #tpu.memory_space<semaphore_mem>>
    %dma_wait3A_35 = tpu.memref_slice %arg3[%add3A_30, %mul3A_4] : memref<2050x4096xi32, #tpu.memory_space<hbm>> -> memref<8x2048xi32, #tpu.memory_space<hbm>>
    tpu.wait_dma2 semaphore(%dma_wait3A_34 : memref<!tpu.dma_semaphore, #tpu.memory_space<semaphore_mem>>) src(%arg8 : memref<8x2048xi32, #tpu.memory_space<vmem>>) dst(%dma_wait3A_35 : memref<8x2048xi32, #tpu.memory_space<hbm>>)
    %add3A_36 = arith.constant 112 : i32
    %add3A_37 = arith.addi %mul3A_6, %add3A_36 : i32
    %dma_wait3A_38 = arith.constant 0 : i32
    %dma_wait3A_39 = tpu.memref_slice %arg4[%add3A_37, %mul3A_4] : memref<2050x4096xi32, #tpu.memory_space<hbm>> -> memref<8x2048xi32, #tpu.memory_space<hbm>>
    %dma_wait3A_40 = tpu.memref_slice %arg13[%dma_wait3A_38] : memref<2x!tpu.dma_semaphore, #tpu.memory_space<semaphore_mem>> -> memref<1x!tpu.dma_semaphore, #tpu.memory_space<semaphore_mem>>
    %dma_wait3A_41 = tpu.memref_squeeze %dma_wait3A_40 : memref<1x!tpu.dma_semaphore, #tpu.memory_space<semaphore_mem>> -> memref<!tpu.dma_semaphore, #tpu.memory_space<semaphore_mem>>
    %dma_wait3A_42 = tpu.memref_slice %arg4[%add3A_37, %mul3A_4] : memref<2050x4096xi32, #tpu.memory_space<hbm>> -> memref<8x2048xi32, #tpu.memory_space<hbm>>
    tpu.wait_dma2 semaphore(%dma_wait3A_41 : memref<!tpu.dma_semaphore, #tpu.memory_space<semaphore_mem>>) src(%arg10 : memref<8x2048xi32, #tpu.memory_space<vmem>>) dst(%dma_wait3A_42 : memref<8x2048xi32, #tpu.memory_space<hbm>>)
    %add3A_43 = arith.constant 120 : i32
    %add3A_44 = arith.addi %mul3A_6, %add3A_43 : i32
    %dma_wait3A_45 = arith.constant 1 : i32
    %dma_wait3A_46 = tpu.memref_slice %arg3[%add3A_44, %mul3A_4] : memref<2050x4096xi32, #tpu.memory_space<hbm>> -> memref<8x2048xi32, #tpu.memory_space<hbm>>
    %dma_wait3A_47 = tpu.memref_slice %arg13[%dma_wait3A_45] : memref<2x!tpu.dma_semaphore, #tpu.memory_space<semaphore_mem>> -> memref<1x!tpu.dma_semaphore, #tpu.memory_space<semaphore_mem>>
    %dma_wait3A_48 = tpu.memref_squeeze %dma_wait3A_47 : memref<1x!tpu.dma_semaphore, #tpu.memory_space<semaphore_mem>> -> memref<!tpu.dma_semaphore, #tpu.memory_space<semaphore_mem>>
    %dma_wait3A_49 = tpu.memref_slice %arg3[%add3A_44, %mul3A_4] : memref<2050x4096xi32, #tpu.memory_space<hbm>> -> memref<8x2048xi32, #tpu.memory_space<hbm>>
    tpu.wait_dma2 semaphore(%dma_wait3A_48 : memref<!tpu.dma_semaphore, #tpu.memory_space<semaphore_mem>>) src(%arg9 : memref<8x2048xi32, #tpu.memory_space<vmem>>) dst(%dma_wait3A_49 : memref<8x2048xi32, #tpu.memory_space<hbm>>)
    %add3A_50 = arith.constant 120 : i32
    %add3A_51 = arith.addi %mul3A_6, %add3A_50 : i32
    %dma_wait3A_52 = arith.constant 1 : i32
    %dma_wait3A_53 = tpu.memref_slice %arg4[%add3A_51, %mul3A_4] : memref<2050x4096xi32, #tpu.memory_space<hbm>> -> memref<8x2048xi32, #tpu.memory_space<hbm>>
    %dma_wait3A_54 = tpu.memref_slice %arg13[%dma_wait3A_52] : memref<2x!tpu.dma_semaphore, #tpu.memory_space<semaphore_mem>> -> memref<1x!tpu.dma_semaphore, #tpu.memory_space<semaphore_mem>>
    %dma_wait3A_55 = tpu.memref_squeeze %dma_wait3A_54 : memref<1x!tpu.dma_semaphore, #tpu.memory_space<semaphore_mem>> -> memref<!tpu.dma_semaphore, #tpu.memory_space<semaphore_mem>>
    %dma_wait3A_56 = tpu.memref_slice %arg4[%add3A_51, %mul3A_4] : memref<2050x4096xi32, #tpu.memory_space<hbm>> -> memref<8x2048xi32, #tpu.memory_space<hbm>>
    tpu.wait_dma2 semaphore(%dma_wait3A_55 : memref<!tpu.dma_semaphore, #tpu.memory_space<semaphore_mem>>) src(%arg11 : memref<8x2048xi32, #tpu.memory_space<vmem>>) dst(%dma_wait3A_56 : memref<8x2048xi32, #tpu.memory_space<hbm>>)
    %eq3A_57 = arith.constant 15 : i32
    %eq3A_58 = arith.cmpi eq, %shift_right_arithmetic3A_1, %eq3A_57 : i32
    %convert_element_type3A = arith.extui %eq3A_58 : i1 to i32
    %cond3A = arith.constant 0 : i32
    %cond3A_59 = arith.cmpi ne, %convert_element_type3A, %cond3A : i32
    scf.if %cond3A_59 {
      %dma_start3A_60 = arith.constant 1 : i32
      %dma_start3A_61 = arith.constant 0 : i32
      %dma_start3A_62 = arith.constant 0 : i32
      %dma_start3A_63 = tpu.memref_slice %arg6[%dma_start3A_61, %dma_start3A_62] : memref<8x2048xi32, #tpu.memory_space<vmem>> -> memref<2x2048xi32, #tpu.memory_space<vmem>>
      %dma_start3A_64 = arith.constant 2048 : i32
      %dma_start3A_65 = tpu.memref_slice %arg2[%dma_start3A_64, %mul3A_4] : memref<2050x4096xi32, #tpu.memory_space<hbm>> -> memref<2x2048xi32, #tpu.memory_space<hbm>>
      %dma_start3A_66 = tpu.memref_slice %arg12[%dma_start3A_60] : memref<3x!tpu.dma_semaphore, #tpu.memory_space<semaphore_mem>> -> memref<1x!tpu.dma_semaphore, #tpu.memory_space<semaphore_mem>>
      %dma_start3A_67 = tpu.memref_squeeze %dma_start3A_66 : memref<1x!tpu.dma_semaphore, #tpu.memory_space<semaphore_mem>> -> memref<!tpu.dma_semaphore, #tpu.memory_space<semaphore_mem>>
      %dma_start3A_68 = arith.constant 0 : i32
      %dma_start3A_69 = arith.constant 0 : i32
      %dma_start3A_70 = tpu.memref_slice %arg6[%dma_start3A_68, %dma_start3A_69] : memref<8x2048xi32, #tpu.memory_space<vmem>> -> memref<2x2048xi32, #tpu.memory_space<vmem>>
      %dma_start3A_71 = arith.constant 2048 : i32
      %dma_start3A_72 = tpu.memref_slice %arg2[%dma_start3A_71, %mul3A_4] : memref<2050x4096xi32, #tpu.memory_space<hbm>> -> memref<2x2048xi32, #tpu.memory_space<hbm>>
      tpu.enqueue_dma source(%dma_start3A_72 : memref<2x2048xi32, #tpu.memory_space<hbm>>) target(%dma_start3A_70 : memref<2x2048xi32, #tpu.memory_space<vmem>>) target_semaphore(%dma_start3A_67 : memref<!tpu.dma_semaphore, #tpu.memory_space<semaphore_mem>>)
      %dma_wait3A_73 = arith.constant 1 : i32
      %dma_wait3A_74 = arith.constant 0 : i32
      %dma_wait3A_75 = arith.constant 0 : i32
      %dma_wait3A_76 = tpu.memref_slice %arg6[%dma_wait3A_74, %dma_wait3A_75] : memref<8x2048xi32, #tpu.memory_space<vmem>> -> memref<2x2048xi32, #tpu.memory_space<vmem>>
      %dma_wait3A_77 = arith.constant 2048 : i32
      %dma_wait3A_78 = tpu.memref_slice %arg2[%dma_wait3A_77, %mul3A_4] : memref<2050x4096xi32, #tpu.memory_space<hbm>> -> memref<2x2048xi32, #tpu.memory_space<hbm>>
      %dma_wait3A_79 = tpu.memref_slice %arg12[%dma_wait3A_73] : memref<3x!tpu.dma_semaphore, #tpu.memory_space<semaphore_mem>> -> memref<1x!tpu.dma_semaphore, #tpu.memory_space<semaphore_mem>>
      %dma_wait3A_80 = tpu.memref_squeeze %dma_wait3A_79 : memref<1x!tpu.dma_semaphore, #tpu.memory_space<semaphore_mem>> -> memref<!tpu.dma_semaphore, #tpu.memory_space<semaphore_mem>>
      %dma_wait3A_81 = arith.constant 0 : i32
      %dma_wait3A_82 = arith.constant 0 : i32
      %dma_wait3A_83 = tpu.memref_slice %arg6[%dma_wait3A_81, %dma_wait3A_82] : memref<8x2048xi32, #tpu.memory_space<vmem>> -> memref<2x2048xi32, #tpu.memory_space<vmem>>
      %dma_wait3A_84 = arith.constant 2048 : i32
      %dma_wait3A_85 = tpu.memref_slice %arg2[%dma_wait3A_84, %mul3A_4] : memref<2050x4096xi32, #tpu.memory_space<hbm>> -> memref<2x2048xi32, #tpu.memory_space<hbm>>
      tpu.wait_dma2 semaphore(%dma_wait3A_80 : memref<!tpu.dma_semaphore, #tpu.memory_space<semaphore_mem>>) src(%dma_wait3A_85 : memref<2x2048xi32, #tpu.memory_space<hbm>>) dst(%dma_wait3A_83 : memref<2x2048xi32, #tpu.memory_space<vmem>>)
      %parallel_loop3A = arith.constant 0 : i32
      %parallel_loop3A_86 = arith.constant 128 : i32
      %parallel_loop3A_87 = arith.constant 1 : i32
      scf.for %parallel_loop3A_88 = %parallel_loop3A to %parallel_loop3A_86 step %parallel_loop3A_87  : i32 {
        %parallel_loop3A_89 = arith.constant 16 : i32
        %parallel_loop3A_90 = arith.muli %parallel_loop3A_88, %parallel_loop3A_89 : i32
        %parallel_loop3A_91 = arith.constant 0 : i32
        %parallel_loop3A_92 = arith.index_cast %parallel_loop3A_91 : i32 to index
        %parallel_loop3A_93 = arith.index_cast %parallel_loop3A_90 : i32 to index
        %parallel_loop3A_94 = tpu.vector_load %arg6[%parallel_loop3A_92, %parallel_loop3A_93] {strides = array<i32>} : memref<8x2048xi32, #tpu.memory_space<vmem>>, vector<16xi32>,
        %parallel_loop3A_95 = arith.constant 5 : i32
        %parallel_loop3A_96 = arith.index_cast %parallel_loop3A_95 : i32 to index
        %parallel_loop3A_97 = arith.index_cast %parallel_loop3A_90 : i32 to index
        %parallel_loop3A_98 = tpu.vector_load %arg5[%parallel_loop3A_96, %parallel_loop3A_97] {strides = array<i32>} : memref<8x2048xi32, #tpu.memory_space<vmem>>, vector<16xi32>,
        %parallel_loop3A_99 = arith.constant 2 : i32
        %parallel_loop3A_100 = vector.broadcast %parallel_loop3A_99 : i32 to vector<16xi32>
        %parallel_loop3A_101 = arith.cmpi sge, %parallel_loop3A_94, %parallel_loop3A_100 : vector<16xi32>
        %parallel_loop3A_102 = arith.constant 4 : i32
        %parallel_loop3A_103 = arith.constant 0 : i32
        %parallel_loop3A_104 = vector.broadcast %parallel_loop3A_102 : i32 to vector<16xi32>
        %parallel_loop3A_105 = vector.broadcast %parallel_loop3A_103 : i32 to vector<16xi32>
        %parallel_loop3A_106 = arith.select %parallel_loop3A_101, %parallel_loop3A_104, %parallel_loop3A_105 : vector<16xi1>, vector<16xi32>
        %parallel_loop3A_107 = arith.constant 0 : i32
        %parallel_loop3A_108 = arith.index_cast %parallel_loop3A_107 : i32 to index
        %parallel_loop3A_109 = arith.index_cast %parallel_loop3A_90 : i32 to index
        %parallel_loop3A_110 = tpu.vector_load %arg8[%parallel_loop3A_108, %parallel_loop3A_109] {strides = array<i32>} : memref<8x2048xi32, #tpu.memory_space<vmem>>, vector<16xi32>,
        tpu.vector_store %arg8[%parallel_loop3A_108, %parallel_loop3A_109], %parallel_loop3A_106 {strides = array<i32>} : memref<8x2048xi32, #tpu.memory_space<vmem>>, vector<16xi32>,
        %parallel_loop3A_111 = arith.constant 2 : i32
        %parallel_loop3A_112 = vector.broadcast %parallel_loop3A_111 : i32 to vector<16xi32>
        %parallel_loop3A_113 = arith.cmpi sge, %parallel_loop3A_98, %parallel_loop3A_112 : vector<16xi32>
        %parallel_loop3A_114 = arith.select %parallel_loop3A_113, %parallel_loop3A_98, %broadcast_in_dim3A_7 : vector<16xi1>, vector<16xi32>
        %parallel_loop3A_115 = arith.constant 0 : i32
        %parallel_loop3A_116 = arith.index_cast %parallel_loop3A_115 : i32 to index
        %parallel_loop3A_117 = arith.index_cast %parallel_loop3A_90 : i32 to index
        %parallel_loop3A_118 = tpu.vector_load %arg10[%parallel_loop3A_116, %parallel_loop3A_117] {strides = array<i32>} : memref<8x2048xi32, #tpu.memory_space<vmem>>, vector<16xi32>,
        tpu.vector_store %arg10[%parallel_loop3A_116, %parallel_loop3A_117], %parallel_loop3A_114 {strides = array<i32>} : memref<8x2048xi32, #tpu.memory_space<vmem>>, vector<16xi32>,
        %parallel_loop3A_119 = arith.constant 1 : i32
        %parallel_loop3A_120 = arith.index_cast %parallel_loop3A_119 : i32 to index
        %parallel_loop3A_121 = arith.index_cast %parallel_loop3A_90 : i32 to index
        %parallel_loop3A_122 = tpu.vector_load %arg8[%parallel_loop3A_120, %parallel_loop3A_121] {strides = array<i32>} : memref<8x2048xi32, #tpu.memory_space<vmem>>, vector<16xi32>,
        tpu.vector_store %arg8[%parallel_loop3A_120, %parallel_loop3A_121], %broadcast_in_dim3A_7 {strides = array<i32>} : memref<8x2048xi32, #tpu.memory_space<vmem>>, vector<16xi32>,
        %parallel_loop3A_123 = arith.constant 1 : i32
        %parallel_loop3A_124 = arith.index_cast %parallel_loop3A_123 : i32 to index
        %parallel_loop3A_125 = arith.index_cast %parallel_loop3A_90 : i32 to index
        %parallel_loop3A_126 = tpu.vector_load %arg10[%parallel_loop3A_124, %parallel_loop3A_125] {strides = array<i32>} : memref<8x2048xi32, #tpu.memory_space<vmem>>, vector<16xi32>,
        tpu.vector_store %arg10[%parallel_loop3A_124, %parallel_loop3A_125], %broadcast_in_dim3A_7 {strides = array<i32>} : memref<8x2048xi32, #tpu.memory_space<vmem>>, vector<16xi32>,
      } {sc.loop_unroll_factor = 4 : i64, sc.parallel_access}
      "tpu.region"() ({
        %run_scoped3A = tpu.sem_alloc : memref<!tpu.dma_semaphore, #tpu.memory_space<semaphore_mem>>
        %dma_start3A_88 = arith.constant 0 : i32
        %dma_start3A_89 = arith.constant 0 : i32
        %dma_start3A_90 = tpu.memref_slice %arg8[%dma_start3A_88, %dma_start3A_89] : memref<8x2048xi32, #tpu.memory_space<vmem>> -> memref<2x2048xi32, #tpu.memory_space<vmem>>
        %dma_start3A_91 = arith.constant 2048 : i32
        %dma_start3A_92 = tpu.memref_slice %arg3[%dma_start3A_91, %mul3A_4] : memref<2050x4096xi32, #tpu.memory_space<hbm>> -> memref<2x2048xi32, #tpu.memory_space<hbm>>
        %dma_start3A_93 = arith.constant 2048 : i32
        %dma_start3A_94 = tpu.memref_slice %arg3[%dma_start3A_93, %mul3A_4] : memref<2050x4096xi32, #tpu.memory_space<hbm>> -> memref<2x2048xi32, #tpu.memory_space<hbm>>
        %dma_start3A_95 = arith.constant 0 : i32
        %dma_start3A_96 = arith.constant 0 : i32
        %dma_start3A_97 = tpu.memref_slice %arg8[%dma_start3A_95, %dma_start3A_96] : memref<8x2048xi32, #tpu.memory_space<vmem>> -> memref<2x2048xi32, #tpu.memory_space<vmem>>
        tpu.enqueue_dma source(%dma_start3A_97 : memref<2x2048xi32, #tpu.memory_space<vmem>>) target(%dma_start3A_94 : memref<2x2048xi32, #tpu.memory_space<hbm>>) target_semaphore(%run_scoped3A : memref<!tpu.dma_semaphore, #tpu.memory_space<semaphore_mem>>)
        %dma_wait3A_98 = arith.constant 0 : i32
        %dma_wait3A_99 = arith.constant 0 : i32
        %dma_wait3A_100 = tpu.memref_slice %arg8[%dma_wait3A_98, %dma_wait3A_99] : memref<8x2048xi32, #tpu.memory_space<vmem>> -> memref<2x2048xi32, #tpu.memory_space<vmem>>
        %dma_wait3A_101 = arith.constant 2048 : i32
        %dma_wait3A_102 = tpu.memref_slice %arg3[%dma_wait3A_101, %mul3A_4] : memref<2050x4096xi32, #tpu.memory_space<hbm>> -> memref<2x2048xi32, #tpu.memory_space<hbm>>
        %dma_wait3A_103 = arith.constant 2048 : i32
        %dma_wait3A_104 = tpu.memref_slice %arg3[%dma_wait3A_103, %mul3A_4] : memref<2050x4096xi32, #tpu.memory_space<hbm>> -> memref<2x2048xi32, #tpu.memory_space<hbm>>
        %dma_wait3A_105 = arith.constant 0 : i32
        %dma_wait3A_106 = arith.constant 0 : i32
        %dma_wait3A_107 = tpu.memref_slice %arg8[%dma_wait3A_105, %dma_wait3A_106] : memref<8x2048xi32, #tpu.memory_space<vmem>> -> memref<2x2048xi32, #tpu.memory_space<vmem>>
        tpu.wait_dma2 semaphore(%run_scoped3A : memref<!tpu.dma_semaphore, #tpu.memory_space<semaphore_mem>>) src(%dma_wait3A_107 : memref<2x2048xi32, #tpu.memory_space<vmem>>) dst(%dma_wait3A_104 : memref<2x2048xi32, #tpu.memory_space<hbm>>)
        tpu.yield
      }) : () -> ()
      "tpu.region"() ({
        %run_scoped3A = tpu.sem_alloc : memref<!tpu.dma_semaphore, #tpu.memory_space<semaphore_mem>>
        %dma_start3A_88 = arith.constant 0 : i32
        %dma_start3A_89 = arith.constant 0 : i32
        %dma_start3A_90 = tpu.memref_slice %arg10[%dma_start3A_88, %dma_start3A_89] : memref<8x2048xi32, #tpu.memory_space<vmem>> -> memref<2x2048xi32, #tpu.memory_space<vmem>>
        %dma_start3A_91 = arith.constant 2048 : i32
        %dma_start3A_92 = tpu.memref_slice %arg4[%dma_start3A_91, %mul3A_4] : memref<2050x4096xi32, #tpu.memory_space<hbm>> -> memref<2x2048xi32, #tpu.memory_space<hbm>>
        %dma_start3A_93 = arith.constant 2048 : i32
        %dma_start3A_94 = tpu.memref_slice %arg4[%dma_start3A_93, %mul3A_4] : memref<2050x4096xi32, #tpu.memory_space<hbm>> -> memref<2x2048xi32, #tpu.memory_space<hbm>>
        %dma_start3A_95 = arith.constant 0 : i32
        %dma_start3A_96 = arith.constant 0 : i32
        %dma_start3A_97 = tpu.memref_slice %arg10[%dma_start3A_95, %dma_start3A_96] : memref<8x2048xi32, #tpu.memory_space<vmem>> -> memref<2x2048xi32, #tpu.memory_space<vmem>>
        tpu.enqueue_dma source(%dma_start3A_97 : memref<2x2048xi32, #tpu.memory_space<vmem>>) target(%dma_start3A_94 : memref<2x2048xi32, #tpu.memory_space<hbm>>) target_semaphore(%run_scoped3A : memref<!tpu.dma_semaphore, #tpu.memory_space<semaphore_mem>>)
        %dma_wait3A_98 = arith.constant 0 : i32
        %dma_wait3A_99 = arith.constant 0 : i32
        %dma_wait3A_100 = tpu.memref_slice %arg10[%dma_wait3A_98, %dma_wait3A_99] : memref<8x2048xi32, #tpu.memory_space<vmem>> -> memref<2x2048xi32, #tpu.memory_space<vmem>>
        %dma_wait3A_101 = arith.constant 2048 : i32
        %dma_wait3A_102 = tpu.memref_slice %arg4[%dma_wait3A_101, %mul3A_4] : memref<2050x4096xi32, #tpu.memory_space<hbm>> -> memref<2x2048xi32, #tpu.memory_space<hbm>>
        %dma_wait3A_103 = arith.constant 2048 : i32
        %dma_wait3A_104 = tpu.memref_slice %arg4[%dma_wait3A_103, %mul3A_4] : memref<2050x4096xi32, #tpu.memory_space<hbm>> -> memref<2x2048xi32, #tpu.memory_space<hbm>>
        %dma_wait3A_105 = arith.constant 0 : i32
        %dma_wait3A_106 = arith.constant 0 : i32
        %dma_wait3A_107 = tpu.memref_slice %arg10[%dma_wait3A_105, %dma_wait3A_106] : memref<8x2048xi32, #tpu.memory_space<vmem>> -> memref<2x2048xi32, #tpu.memory_space<vmem>>
        tpu.wait_dma2 semaphore(%run_scoped3A : memref<!tpu.dma_semaphore, #tpu.memory_space<semaphore_mem>>) src(%dma_wait3A_107 : memref<2x2048xi32, #tpu.memory_space<vmem>>) dst(%dma_wait3A_104 : memref<2x2048xi32, #tpu.memory_space<hbm>>)
        tpu.yield
      }) : () -> ()
    } else {
    }
    return
  }
}

</mosaic_0001>

<sc_bundles>
// kernel: kernel.3.cloned.1.call-start
scs
__scs_entry_jumppad:
0x0: {  	(pc) =	sbr.rel $0x88, $3  }
0x1: {  	(tag) =	ssettag $0x0;
	lr =	simm.s32 $0x1  }
0x2: {  	[smem:$0x3FA0] =	sst lr;
	_ =	strace $0xD0000000  }
0x3: {  	_ = 	snop  }
0x4: {  	_ = 	snop  }
0x5: {  	_ = 	snop  }
0x6: {  	_ = 	snop  }
0x7: {  	_ = 	snop  }
__scs_overlays_trampoline_lowered:
0x8: {  	[smem:$0x3FAF] =	sst s0  }
0x9: {  	[smem:$0x3FB0] =	sst s1  }
0xa: {  	[smem:$0x3FB1] =	sst s2  }
0xb: {  	[smem:$0x3FB2] =	sst s3  }
0xc: {  	[smem:$0x3FB3] =	sst s4  }
0xd: {  	[smem:$0x3FB4] =	sst s5  }
0xe: {  	[smem:$0x3FB5] =	sst s6  }
0xf: {  	[smem:$0x3FB6] =	sst s7  }
0x10: {  	[smem:$0x3FB7] =	sst s8  }
0x11: {  	[smem:$0x3FB8] =	sst s9;
	s0 =	simm.s32 @!p0 $0x0  }
0x12: {  	s1 =	sld [smem:$0x3F9E];
	s0 =	simm.s32 @p0 $0x1  }
0x13: {  	[smem:$0x3FB9] =	sst s0;
	s0 =	simm.s32 @!p1 $0x0  }
0x14: {  	s2 =	sld [smem:$0x3F9D];
	s0 =	simm.s32 @p1 $0x1  }
0x15: {  	[smem:$0x3FBA] =	sst s0;
	s0 =	simm.s32 @!p2 $0x0  }
0x16: {  	s3 =	sld [smem:$0x3FDB];
	s0 =	simm.s32 @p2 $0x1  }
0x17: {  	s4 =	simm.s32 $0x1BF5;
	[smem:$0x3FBC] =	sst s0  }
0x18: {  	s0 =	sld [smem:$0x3F9F];
	_ =	swait.ge [sflag:s4], $0x0  }
0x19: {  	s7 =	sld [smem:$0x3FA0]  }
0x1a: {  	s8 =	sadd.s32 $0xFFFFE003, lr  }
0x1b: {  	s9 =	sadd.s32 $0xFFFFFEF7, lr;
	s5 =	simm.s32 $0xFFFFFFFF;
	p2 =	slt.u32 s8, $0xFFFFF086  }
0x1c: {  	p1 =	slt.u32 s9, $0xF7A;
	s5 =	simm.s32 @!p2 $0x0  }
0x1d: {  	s5 =	simm.s32 @p1 $0x1;
	p0 =	seq.s32 s7, s2  }
0x1e: {  	s7 =	smul.u32 @!p0 $0xF7A, s2;
	p2 =	seq.s32 @!p0 s5, $0x0  }
0x1f: {  	s9 =	smul.u32 $0xF7A, s1;
	s8 =	simm.s32 @!p0 $0x1BF5;
	p2 =	por !p2, p0  }
0x20: {  	[sflag:s8] =	ssyncset.s32 @!p0 $0xFFFFF086;
	s6 =	sadd.s32 @!p0 s3, s7;
	s7 =	simm.s32 @!p0 $0x108  }
0x21: {  	s3 =	sadd.s32 s3, s9;
	s6 =	sadd.s32 @!p0 $0x88, s6;
	s7 =	simm.s32 @p2 $0x1082  }
0x22: {  	[simem:s7], [sflag:s8] =	dma.local @!p0 [hbm:s6], $0xF7A  }
0x23: {  	s9 =	sor.u32 $0xD0000000, s2;
	s6 =	simm.s32 $0x108;
	_ =	swait.ge @!p0 [sflag:s8], $0x0  }
0x24: {  	s3 =	sadd.s32 $0x88, s3;
	s6 =	simm.s32 @!p1 $0x1082;
	[sflag:s4] =	ssyncset.s32 $0xFFFFF086  }
0x25: {  	[simem:s6], [sflag:s4] =	dma.local [hbm:s3], $0xF7A  }
0x26: {  	[smem:$0x3FA0] =	sst s1;
	(tag) =	ssettag s2;
	_ =	strace s9  }
0x27: {  	s1 =	sld [smem:$0x3FB0]  }
0x28: {  	s2 =	sld [smem:$0x3FB1]  }
0x29: {  	s4 =	sld [smem:$0x3FB3]  }
0x2a: {  	p0 =	seq.s32 s5, $0x0;
	s5 =	sld [smem:$0x3FB4]  }
0x2b: {  	s6 =	sld [smem:$0x3FB5]  }
0x2c: {  	s7 =	sld [smem:$0x3FB6]  }
0x2d: {  	s3 =	simm.s32 $0x108;
	s8 =	sld [smem:$0x3FB7]  }
0x2e: {  	s3 =	simm.s32 @!p0 $0x1082;
	s9 =	sld [smem:$0x3FB8]  }
0x2f: {  	lr =	sadd.s32 s0, s3;
	s0 =	sld [smem:$0x3FAF]  }
0x30: {  	s3 =	sld [smem:$0x3FB2]  }
0x31: {  	[smem:$0x3FBB] =	sst s10  }
0x32: {  	s10 =	sld [smem:$0x3FB9];
	_ =	sdelay $0x3  }
0x33: {  	p0 =	seq.s32 s10, $0x1;
	s10 =	sld [smem:$0x3FBB];
	_ =	sdelay $0x3  }
0x34: {  	[smem:$0x3FBB] =	sst s10  }
0x35: {  	s10 =	sld [smem:$0x3FBA];
	_ =	sdelay $0x3  }
0x36: {  	p1 =	seq.s32 s10, $0x1;
	s10 =	sld [smem:$0x3FBB];
	_ =	sdelay $0x3  }
0x37: {  	[smem:$0x3FBB] =	sst s10  }
0x38: {  	s10 =	sld [smem:$0x3FBC]  }
0x39: {  	_ = 	snop;
	(pc) =	sbr.ind lr, $3  }
0x3a: {  	_ = 	snop  }
0x3b: {  	_ = 	snop  }
0x3c: {  	p2 =	seq.s32 s10, $0x1;
	s10 =	sld [smem:$0x3FBB]  }
0x3d: {  	_ =	shalt  }
0x3e: {  	_ =	shalt  }
0x3f: {  	_ =	shalt  }
0x40: {  	_ =	shalt  }
0x41: {  	_ =	shalt  }
0x42: {  	_ =	shalt  }
0x43: {  	_ =	shalt  }
0x44: {  	_ =	shalt  }
0x45: {  	_ =	shalt  }
0x46: {  	_ =	shalt  }
0x47: {  	_ =	shalt  }
0x48: {  	_ =	shalt  }
0x49: {  	_ =	shalt  }
0x4a: {  	_ =	shalt  }
0x4b: {  	_ =	shalt  }
0x4c: {  	_ =	shalt  }
0x4d: {  	_ =	shalt  }
0x4e: {  	_ =	shalt  }
0x4f: {  	_ =	shalt  }
0x50: {  	_ =	shalt  }
0x51: {  	_ =	shalt  }
0x52: {  	_ =	shalt  }
0x53: {  	_ =	shalt  }
0x54: {  	_ =	shalt  }
0x55: {  	_ =	shalt  }
0x56: {  	_ =	shalt  }
0x57: {  	_ =	shalt  }
0x58: {  	_ =	shalt  }
0x59: {  	_ =	shalt  }
0x5a: {  	_ =	shalt  }
0x5b: {  	_ =	shalt  }
0x5c: {  	_ =	shalt  }
0x5d: {  	_ =	shalt  }
0x5e: {  	_ =	shalt  }
0x5f: {  	_ =	shalt  }
0x60: {  	_ =	shalt  }
0x61: {  	_ =	shalt  }
0x62: {  	_ =	shalt  }
0x63: {  	_ =	shalt  }
0x64: {  	_ =	shalt  }
0x65: {  	_ =	shalt  }
0x66: {  	_ =	shalt  }
0x67: {  	_ =	shalt  }
0x68: {  	_ =	shalt  }
0x69: {  	_ =	shalt  }
0x6a: {  	_ =	shalt  }
0x6b: {  	_ =	shalt  }
0x6c: {  	_ =	shalt  }
0x6d: {  	_ =	shalt  }
0x6e: {  	_ =	shalt  }
0x6f: {  	_ =	shalt  }
0x70: {  	_ =	shalt  }
0x71: {  	_ =	shalt  }
0x72: {  	_ =	shalt  }
0x73: {  	_ =	shalt  }
0x74: {  	_ =	shalt  }
0x75: {  	_ =	shalt  }
0x76: {  	_ =	shalt  }
0x77: {  	_ =	shalt  }
0x78: {  	_ =	shalt  }
0x79: {  	_ =	shalt  }
0x7a: {  	_ =	shalt  }
0x7b: {  	_ =	shalt  }
0x7c: {  	_ =	shalt  }
0x7d: {  	_ =	shalt  }
0x7e: {  	_ =	shalt  }
0x7f: {  	_ =	shalt  }
0x80: {  	_ =	shalt  }
0x81: {  	_ =	shalt  }
0x82: {  	_ =	shalt  }
0x83: {  	_ =	shalt  }
0x84: {  	_ =	shalt  }
0x85: {  	_ =	shalt  }
0x86: {  	_ =	shalt  }
0x87: {  	_ =	shalt  }
.Lfunc_end0:
.L_simem_size_0:
called_computation_lowered:
.L_overlay_start_0:
0x88: {  	s2 =	sld [smem:$0x3FD9]  }
0x89: {  	s3 =	sld [smem:$0x3FFE];
	_ =	sdelay $0x1  }
0x8a: {  	s1 =	srdreg.scid  }
0x8b: {  	s0 =	sand.u32 $0x1, s1  }
0x8c: {  	s15 =	sshll.u32 s0, $0xA;
	s2 =	sadd.s32 s3, s2  }
0x8d: {  	s2 =	sadd.s32 s2, s15  }
0x8e: {  	[smem:$0x3FC7] =	sst s2  }
0x8f: {  	_ = 	snop  }
0x90: {  	s2 =	sld [smem:$0x3FD0];
	_ =	sdelay $0x2  }
0x91: {  	s4 =	simm.s32 $0xA;
	s5 =	simm.s32 $0x10;
	s16 =	sld [smem:$0x3FC9]  }
0x92: {  	[smem:s5], [sflag:s4] =	dma.local [hbm:s2], $0x1  }
0x93: {  	_ =	swait.eq [sflag:s4], $0x1  }
0x94: {  	[sflag:s4] =	ssyncset.done $0x0  }
0x95: {  	s17 =	sld [smem:$0x10];
	[sflag:s4] =	ssyncadd.s32 $0xFFFFFFFF  }
0x96: {  	s18 =	sld [smem:$0x11];
	(tm) =	ssettm $0x1  }
0x97: {  	s19 =	sld [smem:$0x3FFB];
	_ =	sdelay $0x3  }
0x98: {  	_ =	strace s19  }
0x99: {  	s5 =	sld [smem:$0x3FFC];
	_ =	sdelay $0x3  }
0x9a: {  	_ =	strace s5  }
0x9b: {  	s5 =	sld [smem:$0x3FFD];
	_ =	sdelay $0x3  }
0x9c: {  	_ =	strace s5  }
0x9d: {  	_ =	strace $0x8FFFFFFF  }
0x9e: {  	s20 =	sld [smem:$0x3FDB];
	_ =	sdelay $0x1  }
0x9f: {  	s6 =	simm.s32 $_scs_section_size  }
0xa0: {  	s7 =	simm.s32 $_size__tile_overlayer_lowered;
	s8 =	simm.s32 $_tile_overlayer_lowered  }
0xa1: {  	s23 =	simm.s32 $0x1BFF;
	s22 =	sshll.u32 s8, $0x1;
	s5 =	sadd.s32 s6, s20  }
0xa2: {  	s9 =	simm.s32 $0x0;
	s21 =	sshll.u32 s7, $0x1;
	s7 =	sadd.s32 s22, s5  }
0xa3: {  	[timem:s9], [sflag:s23] =	dma.local [hbm:s7], s21  }
0xa4: {  	_ =	swait.ge [sflag:s23], s21  }
0xa5: {  	s6 =	ssub.s32 $0x0, s21;
	[sflag:s23] =	ssyncset.done $0x0  }
0xa6: {  	[sflag:s23] =	ssyncadd.s32 s6;
	_ =	sdelay $0x1  }
0xa7: {  	s24 =	simm.s32 $0x1B8B  }
0xa8: {  	_ =	swait.ge [sflag:s24], $0x1  }
0xa9: {  	[sflag:s24] =	ssyncset.done $0x0  }
0xaa: {  	s25 =	simm.s32 $0x1B8E;
	[sflag:s24] =	ssyncadd.s32 $0xFFFFFFFF  }
0xab: {  	s26 =	simm.s32 $execute0_lowered;
	[smem:$0x3FD2] =	sst s25  }
0xac: {  	s6 =	sshll.u32 s26, $0x1;
	_ =	strace $0x80000046;
	[dreg:$0x1] =	wrdreg $0xFFFFFFFF  }
0xad: {  	s28 =	simm.s32 $_size_execute0_lowered;
	s5 =	sadd.s32 s5, s6;
	[dreg:$0x0] =	wrdreg $0x0  }
0xae: {  	s6 =	sshll.u32 s28, $0x1;
	[dreg:$0x2] =	wrdreg s5  }
0xaf: {  	[dreg:$0x3] =	wrdreg s6  }
0xb0: {  	[dreg:$0x4] =	wrdreg $0xC0  }
0xb1: {  	_ =	task [dreg:s9], $0x5FFFF  }
0xb2: {  	[dreg:$0x1] =	wrdreg $0xFFFFFFFF  }
0xb3: {  	[dreg:$0x0] =	wrdreg $0x60  }
0xb4: {  	[dreg:$0x2] =	wrdreg s16  }
0xb5: {  	[dreg:$0x3] =	wrdreg s17  }
0xb6: {  	[dreg:$0x4] =	wrdreg s18  }
0xb7: {  	[dreg:$0x5] =	wrdreg $0x9  }
0xb8: {  	_ =	task.clear_ibuf [dreg:s9], $0x6FFFF;
	_ =	strace $0x90000046  }
0xb9: {  	s29 =	simm.s32 $0x9;
	_ =	strace $0x80000048  }
0xba: {  	_ =	swait.ge [sflag:s29], $0x1  }
0xbb: {  	[sflag:s29] =	ssyncadd.s32 $0xFFFFFFFF  }
0xbc: {  	_ =	strace $0x90000048  }
0xbd: {  	_ =	sfence  }
0xbe: {  	s30 =	sld [smem:$0x0];
	_ =	sdelay $0x2  }
0xbf: {  	s31 =	sshll.u32 s1, $0xD;
	s1 =	sshrl.u32 s1, $0x2  }
0xc0: {  	s3 =	sand.u32 $0x4000, s31;
	s1 =	sadd.s32 s1, s30  }
0xc1: {  	s0 =	sor.u32 s3, s0;
	s1 =	sshll.u32 s1, $0x11  }
0xc2: {  	s0 =	sor.u32 s1, s0  }
0xc3: {  	s0 =	sadd.s32 $0x8F2B, s0  }
0xc4: {  	[sflag:s0] =	ssyncadd.remote.s32 $0x1  }
0xc5: {  	_ =	sfence.sel $0xFFFF  }
0xc6: {  	[dreg:$0x0] =	wrdreg $0xFFFFFFFF;
	(pc) =	sbr.abs _section_cstart, $3  }
0xc7: {  	[dreg:$0x1] =	wrdreg $0xFFFFFFFF  }
0xc8: {  	_ =	task.clear_ibuf [dreg:s9], $0x2FFFF;
	_ =	strace $0x9FFFFFFF  }
0xc9: {  	(tm) =	ssettm $0x7FFFFFFF  }
tec
execute0_lowered:
.L_overlay_start_1:
0x0: {  	(tag) =	ssettag $0x1  }
0x1: {  	s5 =	rddreg [dreg:$0x0]  }
0x2: {  	s8 =	rddreg [dreg:$0x1]  }
0x3: {  	s9 =	rddreg [dreg:$0x2]  }
0x4: {  	s7 =	stileid.u32;
	s30 =	simm.s32 $0x0;
	s0 =	srdreg.scid  }
0x5: {  	s1 =	sshll.u32 s7, $0x13;
	s0 =	sand.u32 $0x1, s0;
	p0 =	seq.s32 s7, $0x0  }
0x6: {  	[smem:$0x7FF] =	sst s30;
	s2 =	sadd.s32 $0xFFFF8000, s1;
	s3 =	sshll.u32 s0, $0xE  }
0x7: {  	s4 =	ssub.s32 $0x2, s0;
	s0 =	sshll.u32 s0, $0xB;
	s2 =	simm.s32 @p0 $0x0  }
0x8: {  	s0 =	sor.u32 $0x100000, s0;
	s2 =	sor.u32 s3, s2;
	s3 =	sor.u32 s3, s1  }
0x9: {  	_ =	strace $0x80000047;
	s28 =	sadd.s32 s5, s0;
	[dreg:$0x4] =	wrdreg s3  }
0xa: {  	s29 =	sadd.s32 s8, s0;
	[dreg:$0xd] =	wrdreg s28  }
0xb: {  	s0 =	sadd.s32 s9, s0;
	[dreg:$0xe] =	wrdreg s29  }
0xc: {  	s21 =	sor.u32 $0x8000, s3;
	[dreg:$0xf] =	wrdreg s0  }
0xd: {  	s22 =	sor.u32 $0x10000, s3;
	[dreg:$0x7] =	wrdreg s21  }
0xe: {  	s23 =	sor.u32 $0x18000, s3;
	[dreg:$0x8] =	wrdreg s22  }
0xf: {  	s6 =	sshrl.u32 s4, $0x1;
	s24 =	sor.u32 $0x20000, s3;
	[dreg:$0x9] =	wrdreg s23  }
0x10: {  	s19 =	ssub.s32 s4, s6;
	s25 =	sor.u32 $0x28000, s3;
	[dreg:$0xa] =	wrdreg s24  }
.Ltmp0:
0x11: {  	s26 =	sor.u32 $0x30000, s3;
	[dreg:$0xb] =	wrdreg s25;
	(pc) =	sbr.rel .LBB2_1-.Ltmp0, $4  }
0x12: {  	s2 =	sshrl.u32 s2, $0x3;
	s31 =	smax.u32 s19, $0x1;
	[dreg:$0xc] =	wrdreg s26  }
0x13: {  	s20 =	sshrl.u32 s3, $0x3;
	s2 =	sadd.s32 s5, s2;
	[dreg:$0x10] =	wrdreg s31  }
0x14: {  	[dreg:$0x5] =	wrdreg s2;
	s2 =	sadd.s32 s5, s20  }
0x15: {  	v0 =	vimm.s32 $0x0;
	v1 =	vimm.s32 $0x2;
	p0 =	sne.s32 s7, $0xF;
	s1 =	simm.s32 $0x0;
	[dreg:$0x6] =	wrdreg s2  }
.LBB2_24:
0x16: {  	s1 =	sadd.s32 $0x1, s1;
	s0 =	rddreg [dreg:$0x10]  }
0x17: {  	p1 =	sne.s32 s1, s0  }
.Ltmp1:
0x18: {  	_ = 	snop;
	(pc) =	sbr.rel @!p1 .LBB2_25-.Ltmp1, $1  }
0x19: {  	_ =	sdelay $0x3  }
.LBB2_1:
0x1a: {  	[dreg:$0x11] =	wrdreg s1  }
0x1b: {  	s0 =	rddreg [dreg:$0x5];
	s28 =	simm.s32 $0x8000;
	s29 =	simm.s32 $0x3  }
0x1c: {  	[tilespmem:s28], [sflag:$0x3] =	stream.linear.gather [hbm4b:s0+s30], $0x4000, $0x38;
	[tilespmem:$0x1C000] =	vst v63  }
0x1d: {  	_ =	swait.ge [sflag:s29], $0x4000  }
0x1e: {  	[sflag:s29] =	ssyncset.done $0x0  }
0x1f: {  	s5 =	simm.s32 $0x0;
	s31 =	rddreg [dreg:$0x6];
	[sflag:s29] =	ssyncadd.s32 $0xFFFFC000  }
0x20: {  	[tilespmem:s30], [sflag:$0x1] =	stream.linear.gather [hbm4b:s31+s30], $0x4000, $0x38;
	[tilespmem:$0x1C000] =	vst v63  }
.LBB2_2:
0x21: {  	s8 =	smul.u32 $0x30000, s5  }
0x22: {  	s0 =	rddreg [dreg:$0x7]  }
0x23: {  	s0 =	sadd.s32 s8, s0  }
0x24: {  	s22 =	rddreg [dreg:$0x0];
	s18 =	sshrl.u32 s0, $0x3  }
0x25: {  	s1 =	simm.s32 $0x4000;
	s23 =	simm.s32 $0x1;
	s0 =	sadd.s32 s22, s18  }
0x26: {  	[tilespmem:s1], [sflag:$0x2] =	stream.linear.gather [hbm4b:s0+s30], $0x4000, $0x38;
	[tilespmem:$0x1C000] =	vst v63  }
0x27: {  	_ =	swait.ge [sflag:s23], $0x4000  }
0x28: {  	p1 =	seq.s32 s5, $0x0;
	[sflag:s23] =	ssyncset.done $0x0  }
0x29: {  	s0 =	simm.s32 @!p1 $0x4;
	[sflag:s23] =	ssyncadd.s32 $0xFFFFC000  }
0x2a: {  	_ =	swait.ge @!p1 [sflag:s0], $0x4000  }
0x2b: {  	[sflag:s0] =	ssyncset.done @!p1 $0x0  }
0x2c: {  	p2 =	por $0x0, $0x0;
	[sflag:s0] =	ssyncadd.s32 @!p1 $0xFFFFC000  }
0x2d: {  	s24 =	simm.s32 $0x0;
	s2 =	simm.s32 $0x1;
	_ =	swait.ge @!p1 [sflag:s0], $0x4000  }
0x2e: {  	s3 =	sand.u32 $0x40, s24;
	s1 =	sand.u32 $0x3C00, s24;
	[sflag:s0] =	ssyncset.done @!p1 $0x0  }
0x2f: {  	s2 =	simm.s32 @!p2 $0x0;
	s31 =	sor.u32 s3, s1;
	[sflag:s0] =	ssyncadd.s32 @!p1 $0xFFFFC000  }
0x30: {  	s25 =	sshll.u32 s2, $0x6;
	v3 =	vld [tilespmem:s31+$0x110]  }
0x31: {  	s26 =	sadd.s32 $0x0, s25;
	v4 =	vld [tilespmem:s31+$0x30]  }
0x32: {  	s29 =	sadd.s32 $0x10, s26;
	v6 =	vld [tilespmem:s31+$0x10]  }
0x33: {  	s15 =	sor.u32 $0x280, s29;
	v5 =	vld [tilespmem:s31+$0x190]  }
0x34: {  	s4 =	sadd.s32 $0x30, s26;
	v7 =	vld [tilespmem:s15+$0x8000]  }
0x35: {  	s0 =	sor.u32 $0x280, s4;
	v9 =	vld [tilespmem:s31+$0x90]  }
0x36: {  	v8 =	vld [tilespmem:s0+$0x8000]  }
0x37: {  	s13 =	sor.u32 $0x200, s29;
	v2 =	vld [tilespmem:s15+$0x0]  }
0x38: {  	v12 =	vld [tilespmem:s13+$0x0]  }
0x39: {  	s2 =	sor.u32 $0x300, s29;
	v10 =	vld [tilespmem:s31+$0x130];
	vm0 =	vlt.s32 v3, $0x2  }
0x3a: {  	s17 =	sor.u32 $0x380, s29;
	v11 =	vld [tilespmem:s2+$0x0];
	vm1 =	vgt.s32 v9, $0x1;
	v13 =	vsel vm0, $0x0, v1  }
0x3b: {  	s14 =	sor.u32 $0x200, s4;
	v3 =	vld [tilespmem:s17+$0x0];
	vm2 =	vgt.s32 v6, $0x1;
	v15 =	vsel vm1, $0x1, v0;
	[tilespmem:s31+$0xC110] =	vst v13  }
0x3c: {  	s16 =	sor.u32 $0x380, s4;
	v14 =	vld [tilespmem:s14+$0x0];
	vm0 =	vgt.s32 v5, $0x1;
	v50 =	vsel vm2, $0x4, v0;
	[tilespmem:s31+$0xC090] =	vst v15  }
0x3d: {  	s21 =	sor.u32 $0x300, s4;
	v49 =	vld [tilespmem:s16+$0x0];
	v6 =	vsel vm0, $0x3, v0;
	vm0 =	vgt.s32 v12, $0x1;
	[tilespmem:s31+$0xC010] =	vst v50  }
0x3e: {  	v51 =	vld [tilespmem:s21+$0x0];
	vm2 =	vlt.s32 v10, $0x2;
	[tilespmem:s31+$0xC190] =	vst v6;
	v6 =	vsel vm0, $0x4, v0  }
0x3f: {  	v52 =	vld [tilespmem:s31+$0x1B0];
	vm0 =	vgt.s32 v2, $0x1;
	[tilespmem:s13+$0xC000] =	vst v6;
	v6 =	vsel vm2, $0x0, v1  }
0x40: {  	v5 =	vld [tilespmem:s0+$0x0];
	v17 =	vsel vm0, $0x1, v0;
	vm2 =	vgt.s32 v4, $0x1;
	[tilespmem:s31+$0xC130] =	vst v6  }
0x41: {  	vm3 =	vlt.s32 v11, $0x2;
	[tilespmem:s15+$0xC000] =	vst v17;
	v4 =	vsel vm2, $0x4, v0  }
0x42: {  	vm2 =	vgt.s32 v3, $0x1;
	v3 =	vsel vm3, $0x0, v1;
	[tilespmem:s31+$0xC030] =	vst v4  }
0x43: {  	v10 =	vld [tilespmem:s31+$0xB0];
	v18 =	vsel vm2, $0x3, v0;
	[tilespmem:s2+$0xC000] =	vst v3  }
0x44: {  	s9 =	sor.u32 $0x380, s26;
	v16 =	vld [tilespmem:s31+$0x100];
	v4 =	vnsel vm1, $0x0, v9;
	[tilespmem:s17+$0xC000] =	vst v18  }
0x45: {  	v53 =	vld [tilespmem:s9+$0x0];
	vm1 =	vgt.s32 v52, $0x1;
	[tilespmem:s31+$0x14190] =	vst v4  }
0x46: {  	s11 =	sor.u32 $0x300, s26;
	v19 =	vld [tilespmem:s31+$0x0];
	vm5 =	vgt.s32 v49, $0x1;
	v9 =	vsel vm1, $0x3, v0;
	[tilespmem:s31+$0x14090] =	vst v0  }
0x47: {  	v54 =	vld [tilespmem:s11+$0x0];
	v13 =	vsel vm5, $0x3, v0;
	vm5 =	vgt.s32 v7, $0x1;
	[tilespmem:s31+$0xC1B0] =	vst v9  }
0x48: {  	s10 =	sor.u32 $0x280, s26;
	v7 =	vnsel vm5, $0x0, v7;
	v6 =	vld [tilespmem:s31+$0x80];
	vm1 =	vgt.s32 v10, $0x1;
	[tilespmem:s31+$0x14110] =	vst v4  }
0x49: {  	s19 =	sor.u32 $0x200, s26;
	v56 =	vld [tilespmem:s10+$0x8000];
	vm2 =	vlt.s32 v16, $0x2;
	v55 =	vsel vm1, $0x1, v0;
	[tilespmem:s31+$0x14010] =	vst v7  }
0x4a: {  	v57 =	vld [tilespmem:s19+$0x0];
	vm3 =	vgt.s32 v14, $0x1;
	v9 =	vsel vm2, $0x0, v1;
	[tilespmem:s31+$0xC0B0] =	vst v55  }
0x4b: {  	v3 =	vld [tilespmem:s10+$0x0];
	v58 =	vsel vm3, $0x4, v0;
	vm2 =	vgt.s32 v5, $0x1;
	[tilespmem:s31+$0xC100] =	vst v9  }
0x4c: {  	v11 =	vld [tilespmem:s31+$0x180];
	vm4 =	vlt.s32 v51, $0x2;
	v9 =	vsel vm2, $0x1, v0;
	[tilespmem:s14+$0xC000] =	vst v58  }
0x4d: {  	v12 =	vsel vm4, $0x0, v1;
	vm3 =	vgt.s32 v6, $0x1;
	[tilespmem:s0+$0xC000] =	vst v9  }
0x4e: {  	s30 =	sadd.s32 $0x20, s26;
	vm4 =	vgt.s32 v19, $0x1;
	v9 =	vsel vm3, $0x1, v0;
	[tilespmem:s21+$0xC000] =	vst v12  }
0x4f: {  	s1 =	sor.u32 $0x200, s30;
	[tilespmem:s31+$0xC080] =	vst v9;
	v9 =	vsel vm4, $0x4, v0  }
0x50: {  	v59 =	vld [tilespmem:s1+$0x0];
	vm4 =	vgt.s32 v8, $0x1;
	[tilespmem:s31+$0xC000] =	vst v9  }
0x51: {  	v8 =	vnsel vm4, $0x0, v8;
	[tilespmem:s16+$0xC000] =	vst v13;
	vm4 =	vgt.s32 v11, $0x1;
	v11 =	vld [tilespmem:s31+$0x20]  }
0x52: {  	v60 =	vld [tilespmem:s31+$0x120];
	[tilespmem:s31+$0x14030] =	vst v8  }
0x53: {  	v7 =	vnsel vm1, $0x0, v10;
	v8 =	vld [tilespmem:s31+$0x1A0];
	[tilespmem:s31+$0x140B0] =	vst v0  }
0x54: {  	s6 =	sor.u32 $0x380, s30;
	v61 =	vld [tilespmem:s31+$0xA0];
	v9 =	vsel vm4, $0x3, v0;
	vm4 =	vgt.s32 v57, $0x1;
	[tilespmem:s31+$0x14130] =	vst v7  }
0x55: {  	s3 =	sor.u32 $0x280, s30;
	v62 =	vld [tilespmem:s6+$0x0];
	[tilespmem:s31+$0xC180] =	vst v9;
	v9 =	vsel vm4, $0x4, v0  }
0x56: {  	s28 =	sor.u32 $0x300, s30;
	[tilespmem:s19+$0xC000] =	vst v9;
	v9 =	vld [tilespmem:s3+$0x0];
	vm1 =	vgt.s32 v11, $0x1  }
0x57: {  	v10 =	vld [tilespmem:s28+$0x0];
	[tilespmem:s31+$0x141B0] =	vst v7;
	vm4 =	vlt.s32 v60, $0x2;
	v11 =	vsel vm1, $0x4, v0  }
0x58: {  	v63 =	vld [tilespmem:s3+$0x8000];
	vm1 =	vgt.s32 v8, $0x1;
	v8 =	vsel vm4, $0x0, v1;
	[tilespmem:s31+$0xC020] =	vst v11  }
0x59: {  	vm5 =	vgt.s32 v61, $0x1;
	v11 =	vsel vm1, $0x3, v0;
	[tilespmem:s31+$0xC120] =	vst v8  }
0x5a: {  	vm1 =	vgt.s32 v59, $0x1;
	v8 =	vsel vm5, $0x1, v0;
	[tilespmem:s31+$0xC1A0] =	vst v11  }
0x5b: {  	v11 =	vsel vm1, $0x4, v0;
	vm4 =	vgt.s32 v9, $0x1;
	[tilespmem:s31+$0xC0A0] =	vst v8  }
0x5c: {  	vm1 =	vlt.s32 v10, $0x2;
	v8 =	vsel vm4, $0x1, v0;
	[tilespmem:s1+$0xC000] =	vst v11  }
0x5d: {  	vm6 =	vgt.s32 v62, $0x1;
	v10 =	vsel vm1, $0x0, v1;
	[tilespmem:s3+$0xC000] =	vst v8  }
0x5e: {  	vm1 =	vgt.s32 v63, $0x1;
	v8 =	vsel vm6, $0x3, v0;
	[tilespmem:s28+$0xC000] =	vst v10  }
0x5f: {  	v10 =	vnsel vm1, $0x0, v63;
	[tilespmem:s6+$0xC000] =	vst v8  }
0x60: {  	[tilespmem:s31+$0x14020] =	vst v10  }
0x61: {  	v8 =	vnsel vm5, $0x0, v61;
	[tilespmem:s31+$0x140A0] =	vst v0  }
0x62: {  	vm1 =	vgt.s32 v3, $0x1;
	[tilespmem:s31+$0x141A0] =	vst v8  }
0x63: {  	vm5 =	vlt.s32 v54, $0x2;
	v10 =	vsel vm1, $0x1, v0;
	[tilespmem:s31+$0x14120] =	vst v8  }
0x64: {  	[tilespmem:s10+$0xC000] =	vst v10;
	v10 =	vsel vm5, $0x0, v1;
	vm5 =	vgt.s32 v53, $0x1  }
0x65: {  	[tilespmem:s11+$0xC000] =	vst v10;
	v10 =	vsel vm5, $0x3, v0  }
0x66: {  	[tilespmem:s9+$0xC000] =	vst v10  }
0x67: {  	vm5 =	vgt.s32 v56, $0x1;
	[tilespmem:s31+$0x14080] =	vst v0  }
0x68: {  	v10 =	vnsel vm5, $0x0, v56;
	[dreg:$0x12] =	wrdreg s5  }
0x69: {  	s12 =	simm.s32 $0x40;
	p2 =	por !p2, !p2;
	[tilespmem:s31+$0x14000] =	vst v10  }
0x6a: {  	s26 =	smul.u32 $0x6, s5;
	s24 =	simm.s32 $0x200;
	s23 =	simm.s32 $0x0;
	v5 =	vnsel vm2, $0x0, v5;
	v6 =	vnsel vm3, $0x0, v6;
	[tilespmem:s1+$0x14000] =	vst v8  }
.LBB2_3:
0x6b: {  	s1 =	simm.s32 $0x1  }
0x6c: {  	s4 =	sand.u32 $0x40, s12;
	s25 =	sand.u32 $0x3C00, s24;
	[tilespmem:s31+$0x14180] =	vst v6;
	s1 =	simm.s32 @!p2 $0x0  }
0x6d: {  	s23 =	sadd.s32 $0x4, s23;
	v9 =	vnsel vm4, $0x0, v9;
	s1 =	sshll.u32 s1, $0x6;
	[tilespmem:s31+$0x14100] =	vst v6;
	s31 =	sor.u32 s4, s25  }
0x6e: {  	p3 =	slt.u32 s23, $0x7C;
	s25 =	sadd.s32 s1, s24;
	v8 =	vld [tilespmem:s31+$0x110];
	[tilespmem:s13+$0x14000] =	vst v4  }
0x6f: {  	s20 =	sor.u32 $0x200, s25;
	s1 =	sor.u32 $0x300, s25;
	s22 =	sadd.s32 $0x10, s25;
	v10 =	vld [tilespmem:s31+$0x30];
	[tilespmem:s3+$0x14000] =	vst v0  }
0x70: {  	s5 =	sadd.s32 $0x30, s25;
	v4 =	vld [tilespmem:s31+$0x10];
	s13 =	sor.u32 $0x200, s22;
	s3 =	sor.u32 $0x280, s22;
	[tilespmem:s14+$0x14000] =	vst v7  }
0x71: {  	s4 =	sadd.s32 $0x20, s25;
	s29 =	sor.u32 $0x300, s22;
	v7 =	vld [tilespmem:s31+$0x190];
	[tilespmem:s0+$0x14000] =	vst v0;
	s0 =	sor.u32 $0x280, s5  }
0x72: {  	v12 =	vnsel vm0, $0x0, v2;
	s22 =	sor.u32 $0x380, s22;
	s14 =	sor.u32 $0x200, s5;
	s30 =	sor.u32 $0x380, s5;
	v11 =	vld [tilespmem:s3+$0x8000];
	[tilespmem:s15+$0x14000] =	vst v0  }
0x73: {  	s7 =	sor.u32 $0x280, s25;
	s25 =	sor.u32 $0x380, s25;
	s15 =	smov.u32 s3;
	v13 =	vld [tilespmem:s31+$0x100];
	vm0 =	vlt.s32 v8, $0x2;
	[tilespmem:s2+$0x14000] =	vst v12  }
0x74: {  	s2 =	smov.u32 s29;
	v14 =	vld [tilespmem:s0+$0x8000];
	[tilespmem:s19+$0x14000] =	vst v6;
	s19 =	smov.u32 s20  }
0x75: {  	s3 =	sor.u32 $0x300, s5;
	v2 =	vld [tilespmem:s15+$0x0];
	vm2 =	vgt.s32 v4, $0x1;
	[tilespmem:s17+$0x14000] =	vst v12;
	s17 =	smov.u32 s22  }
0x76: {  	v12 =	vsel vm0, $0x0, v1;
	v4 =	vsel vm2, $0x4, v0;
	vm0 =	vgt.s32 v7, $0x1;
	v7 =	vld [tilespmem:s31+$0x130];
	[tilespmem:s28+$0x14000] =	vst v9  }
0x77: {  	v15 =	vld [tilespmem:s31+$0x90];
	vm2 =	vgt.s32 v11, $0x1;
	v16 =	vsel vm0, $0x3, v0;
	[tilespmem:s10+$0x14000] =	vst v0;
	s10 =	smov.u32 s7  }
0x78: {  	v17 =	vld [tilespmem:s2+$0x0];
	v8 =	vnsel vm2, $0x0, v11;
	[tilespmem:s6+$0x14000] =	vst v9  }
0x79: {  	v3 =	vnsel vm1, $0x0, v3;
	v9 =	vld [tilespmem:s17+$0x0];
	[tilespmem:s21+$0x14000] =	vst v5;
	s21 =	smov.u32 s3  }
0x7a: {  	v6 =	vld [tilespmem:s31+$0x80];
	vm0 =	vgt.s32 v2, $0x1;
	[tilespmem:s11+$0x14000] =	vst v3;
	s11 =	smov.u32 s1  }
0x7b: {  	v11 =	vld [tilespmem:s14+$0x0];
	[tilespmem:s9+$0x14000] =	vst v3;
	s9 =	smov.u32 s25  }
0x7c: {  	v3 =	vld [tilespmem:s13+$0x0];
	vm1 =	vgt.s32 v15, $0x1;
	[tilespmem:s16+$0x14000] =	vst v5;
	s16 =	smov.u32 s30  }
0x7d: {  	v5 =	vsel vm1, $0x1, v0;
	[tilespmem:s31+$0xC110] =	vst v12;
	vm3 =	vlt.s32 v17, $0x2;
	v12 =	vld [tilespmem:s0+$0x0]  }
0x7e: {  	v17 =	vld [tilespmem:s31+$0x180];
	[tilespmem:s31+$0xC090] =	vst v5;
	vm4 =	vgt.s32 v9, $0x1  }
0x7f: {  	vm2 =	vgt.s32 v6, $0x1;
	[tilespmem:s31+$0xC190] =	vst v16;
	v5 =	vld [tilespmem:s16+$0x0]  }
0x80: {  	vm5 =	vlt.s32 v13, $0x2;
	s6 =	sor.u32 $0x380, s4;
	v9 =	vld [tilespmem:s9+$0x0];
	[tilespmem:s31+$0xC010] =	vst v4  }
0x81: {  	s28 =	sor.u32 $0x300, s4;
	v13 =	vsel vm5, $0x0, v1;
	s3 =	sor.u32 $0x280, s4;
	s1 =	sor.u32 $0x200, s4;
	v16 =	vsel vm0, $0x1, v0;
	vm5 =	vgt.s32 v3, $0x1;
	v18 =	vld [tilespmem:s21+$0x0]  }
0x82: {  	v19 =	vsel vm2, $0x1, v0;
	v3 =	vsel vm5, $0x4, v0;
	v20 =	vld [tilespmem:s31+$0x1B0];
	vm5 =	vlt.s32 v7, $0x2  }
0x83: {  	v4 =	vnsel vm1, $0x0, v15;
	v15 =	vsel vm4, $0x3, v0;
	v7 =	vld [tilespmem:s31+$0x0];
	[tilespmem:s13+$0xC000] =	vst v3;
	v3 =	vsel vm5, $0x0, v1  }
0x84: {  	vm1 =	vgt.s32 v10, $0x1;
	vm4 =	vgt.s32 v17, $0x1;
	v17 =	vsel vm3, $0x0, v1;
	v21 =	vld [tilespmem:s31+$0xB0];
	[tilespmem:s31+$0xC130] =	vst v3  }
0x85: {  	vm5 =	vgt.s32 v14, $0x1;
	v3 =	vld [tilespmem:s10+$0x0];
	vm3 =	vgt.s32 v9, $0x1;
	[tilespmem:s15+$0xC000] =	vst v16;
	v9 =	vsel vm1, $0x4, v0  }
0x86: {  	v14 =	vnsel vm5, $0x0, v14;
	vm1 =	vgt.s32 v11, $0x1;
	v10 =	vld [tilespmem:s1+$0x0];
	[tilespmem:s31+$0xC030] =	vst v9;
	vm8 =	vlt.s32 v18, $0x2  }
0x87: {  	vm5 =	vgt.s32 v12, $0x1;
	v9 =	vsel vm1, $0x4, v0;
	[tilespmem:s2+$0xC000] =	vst v17;
	vm6 =	vgt.s32 v20, $0x1  }
0x88: {  	vm7 =	vgt.s32 v7, $0x1;
	[tilespmem:s17+$0xC000] =	vst v15;
	v7 =	vld [tilespmem:s31+$0x120];
	v11 =	vsel vm6, $0x3, v0;
	v15 =	vsel vm5, $0x1, v0  }
0x89: {  	vm9 =	vgt.s32 v5, $0x1;
	[tilespmem:s31+$0x14190] =	vst v4;
	v16 =	vld [tilespmem:s31+$0x1A0];
	vm6 =	vgt.s32 v21, $0x1  }
0x8a: {  	v18 =	vsel vm9, $0x3, v0;
	v17 =	vld [tilespmem:s11+$0x0];
	vm1 =	vgt.s32 v3, $0x1;
	[tilespmem:s31+$0x14090] =	vst v0;
	v5 =	vsel vm6, $0x1, v0  }
0x8b: {  	v22 =	vsel vm7, $0x4, v0;
	v20 =	vld [tilespmem:s10+$0x8000];
	vm7 =	vgt.s32 v10, $0x1;
	[tilespmem:s31+$0xC1B0] =	vst v11  }
0x8c: {  	v10 =	vld [tilespmem:s19+$0x0];
	[tilespmem:s31+$0xC0B0] =	vst v5  }
0x8d: {  	v5 =	vsel vm8, $0x0, v1;
	[tilespmem:s31+$0xC100] =	vst v13;
	v11 =	vld [tilespmem:s31+$0xA0]  }
0x8e: {  	v13 =	vld [tilespmem:s6+$0x0];
	[tilespmem:s14+$0xC000] =	vst v9  }
0x8f: {  	v23 =	vld [tilespmem:s3+$0x8000];
	[tilespmem:s0+$0xC000] =	vst v15  }
0x90: {  	vm9 =	vgt.s32 v16, $0x1;
	vm8 =	vgt.s32 v20, $0x1;
	v15 =	vld [tilespmem:s28+$0x0];
	[tilespmem:s21+$0xC000] =	vst v5  }
0x91: {  	vm10 =	vlt.s32 v7, $0x2;
	v16 =	vsel vm9, $0x3, v0;
	v5 =	vnsel vm5, $0x0, v12;
	[tilespmem:s31+$0xC080] =	vst v19  }
0x92: {  	v12 =	vsel vm4, $0x3, v0;
	v19 =	vsel vm10, $0x0, v1;
	[tilespmem:s31+$0x14110] =	vst v4;
	vm5 =	vgt.s32 v11, $0x1  }
0x93: {  	vm4 =	vgt.s32 v10, $0x1;
	[tilespmem:s31+$0xC000] =	vst v22;
	v10 =	vsel vm5, $0x1, v0;
	vm9 =	vgt.s32 v13, $0x1  }
0x94: {  	v13 =	vnsel vm8, $0x0, v20;
	v20 =	vsel vm4, $0x4, v0;
	v9 =	vld [tilespmem:s3+$0x0];
	vm4 =	vgt.s32 v23, $0x1;
	[tilespmem:s16+$0xC000] =	vst v18  }
0x95: {  	v7 =	vnsel vm6, $0x0, v21;
	v18 =	vld [tilespmem:s31+$0x20];
	v22 =	vnsel vm4, $0x0, v23;
	vm4 =	vlt.s32 v15, $0x2;
	[tilespmem:s31+$0x14030] =	vst v14  }
0x96: {  	v14 =	vsel vm4, $0x0, v1;
	[tilespmem:s31+$0x140B0] =	vst v0  }
0x97: {  	[tilespmem:s31+$0xC180] =	vst v12  }
0x98: {  	v12 =	vsel vm9, $0x3, v0;
	[tilespmem:s31+$0x14010] =	vst v8;
	v8 =	vsel vm7, $0x4, v0  }
0x99: {  	[tilespmem:s19+$0xC000] =	vst v20;
	vm4 =	vgt.s32 v9, $0x1  }
0x9a: {  	vm6 =	vgt.s32 v18, $0x1;
	v15 =	vsel vm4, $0x1, v0;
	[tilespmem:s31+$0x14130] =	vst v7  }
0x9b: {  	v18 =	vsel vm6, $0x4, v0;
	[tilespmem:s31+$0x141B0] =	vst v7  }
0x9c: {  	[tilespmem:s31+$0xC020] =	vst v18  }
0x9d: {  	[tilespmem:s31+$0xC120] =	vst v19  }
0x9e: {  	[tilespmem:s31+$0xC1A0] =	vst v16  }
0x9f: {  	[tilespmem:s31+$0xC0A0] =	vst v10  }
0xa0: {  	[tilespmem:s1+$0xC000] =	vst v8  }
0xa1: {  	[tilespmem:s3+$0xC000] =	vst v15  }
0xa2: {  	[tilespmem:s28+$0xC000] =	vst v14  }
0xa3: {  	v8 =	vsel vm1, $0x1, v0;
	[tilespmem:s6+$0xC000] =	vst v12  }
0xa4: {  	[tilespmem:s31+$0x14020] =	vst v22  }
0xa5: {  	v10 =	vnsel vm5, $0x0, v11;
	[tilespmem:s31+$0x140A0] =	vst v0  }
0xa6: {  	vm5 =	vlt.s32 v17, $0x2;
	[tilespmem:s31+$0x141A0] =	vst v10  }
0xa7: {  	[tilespmem:s10+$0xC000] =	vst v8;
	v8 =	vsel vm5, $0x0, v1  }
0xa8: {  	[tilespmem:s11+$0xC000] =	vst v8  }
.Ltmp2:
0xa9: {  	v8 =	vsel vm3, $0x3, v0;
	[tilespmem:s31+$0x14120] =	vst v10;
	(pc) =	sbr.rel @p3 .LBB2_3-.Ltmp2, $4  }
0xaa: {  	[tilespmem:s9+$0xC000] =	vst v8  }
0xab: {  	[tilespmem:s31+$0x14080] =	vst v0  }
0xac: {  	[tilespmem:s31+$0x14000] =	vst v13  }
0xad: {  	s12 =	sadd.s32 $0x40, s12;
	p2 =	por !p2, !p2;
	s24 =	sadd.s32 $0x200, s24;
	v6 =	vnsel vm2, $0x0, v6;
	[tilespmem:s1+$0x14000] =	vst v10  }
0xae: {  	[tilespmem:s31+$0x14180] =	vst v6  }
0xaf: {  	[tilespmem:s31+$0x14100] =	vst v6  }
0xb0: {  	[tilespmem:s13+$0x14000] =	vst v4  }
0xb1: {  	[tilespmem:s3+$0x14000] =	vst v0  }
0xb2: {  	[tilespmem:s14+$0x14000] =	vst v7  }
0xb3: {  	[tilespmem:s0+$0x14000] =	vst v0  }
0xb4: {  	[tilespmem:s15+$0x14000] =	vst v0  }
0xb5: {  	v63 =	vnsel vm4, $0x0, v9;
	[tilespmem:s19+$0x14000] =	vst v6  }
0xb6: {  	v2 =	vnsel vm0, $0x0, v2;
	[tilespmem:s28+$0x14000] =	vst v63  }
0xb7: {  	s31 =	stileid.u32;
	[tilespmem:s2+$0x14000] =	vst v2  }
0xb8: {  	s0 =	sor.u32 s31, s26;
	[tilespmem:s10+$0x14000] =	vst v0  }
0xb9: {  	[tilespmem:s6+$0x14000] =	vst v63;
	p2 =	sne.s32 s0, $0x0  }
.Ltmp3:
0xba: {  	[tilespmem:s21+$0x14000] =	vst v5;
	(pc) =	sbr.rel @p2 .LBB2_8-.Ltmp3, $4  }
0xbb: {  	[tilespmem:s17+$0x14000] =	vst v2  }
0xbc: {  	v2 =	vnsel vm1, $0x0, v3;
	[tilespmem:s16+$0x14000] =	vst v5  }
0xbd: {  	[tilespmem:s11+$0x14000] =	vst v2  }
0xbe: {  	s6 =	simm.s32 $0x0;
	[tilespmem:s9+$0x14000] =	vst v2  }
0xbf: {  	s0 =	simm.s32 $0x0  }
0xc0: {  	s1 =	sand.u32 $0x40, s0;
	s0 =	sand.u32 $0x3C00, s0  }
0xc1: {  	s0 =	sor.u32 s1, s0  }
0xc2: {  	[tilespmem:s0+$0x14030] =	vst v0  }
0xc3: {  	[tilespmem:s0+$0xC000] =	vst v0  }
0xc4: {  	[tilespmem:s0+$0x14000] =	vst v0  }
0xc5: {  	[tilespmem:s0+$0xC010] =	vst v0  }
0xc6: {  	[tilespmem:s0+$0x14010] =	vst v0  }
0xc7: {  	s2 =	simm.s32 $0x200;
	s3 =	simm.s32 $0x40;
	s1 =	simm.s32 $0x0;
	[tilespmem:s0+$0xC020] =	vst v0  }
.LBB2_6:
0xc8: {  	s4 =	sand.u32 $0x40, s3;
	s5 =	sand.u32 $0x3C00, s2;
	s1 =	sadd.s32 $0x4, s1;
	[tilespmem:s0+$0x14020] =	vst v0  }
0xc9: {  	p2 =	slt.u32 s1, $0x7C;
	[tilespmem:s0+$0xC030] =	vst v0;
	s0 =	sor.u32 s4, s5  }
0xca: {  	[tilespmem:s0+$0x14030] =	vst v0  }
.Ltmp4:
0xcb: {  	[tilespmem:s0+$0xC000] =	vst v0;
	(pc) =	sbr.rel @p2 .LBB2_6-.Ltmp4, $4  }
0xcc: {  	[tilespmem:s0+$0x14000] =	vst v0  }
0xcd: {  	[tilespmem:s0+$0xC010] =	vst v0  }
0xce: {  	[tilespmem:s0+$0x14010] =	vst v0  }
0xcf: {  	s2 =	sadd.s32 $0x200, s2;
	s3 =	sadd.s32 $0x40, s3;
	[tilespmem:s0+$0xC020] =	vst v0  }
0xd0: {  	[tilespmem:s0+$0x14020] =	vst v0  }
0xd1: {  	[tilespmem:s0+$0xC030] =	vst v0  }
.LBB2_8:
0xd2: {  	s0 =	rddreg [dreg:$0x4]  }
0xd3: {  	s0 =	sadd.s32 s0, s8  }
0xd4: {  	s1 =	rddreg [dreg:$0x1];
	s0 =	sshrl.u32 s0, $0x3  }
0xd5: {  	s2 =	simm.s32 $0xC000;
	s19 =	rddreg [dreg:$0x2];
	s1 =	sadd.s32 s1, s0  }
0xd6: {  	[hbm4b:s1+s6] =	stream.linear.scatter [tilespmem:s2], [sflag:$0x4], $0x4000, $0x38;
	[tilespmem:$0x1C000] =	vst v63  }
0xd7: {  	s20 =	simm.s32 $0x14000;
	s21 =	rddreg [dreg:$0x8];
	s0 =	sadd.s32 s19, s0  }
0xd8: {  	[hbm4b:s0+s6] =	stream.linear.scatter [tilespmem:s20], [sflag:$0x4], $0x4000, $0x38;
	[tilespmem:$0x1C000] =	vst v63  }
0xd9: {  	s0 =	sadd.s32 s8, s21  }
0xda: {  	s22 =	rddreg [dreg:$0x0];
	s31 =	sshrl.u32 s0, $0x3  }
0xdb: {  	s23 =	simm.s32 $0x8000;
	s24 =	simm.s32 $0x2;
	s0 =	sadd.s32 s22, s31  }
0xdc: {  	[tilespmem:s23], [sflag:$0x3] =	stream.linear.gather [hbm4b:s0+s6], $0x4000, $0x38;
	[tilespmem:$0x1C000] =	vst v63  }
0xdd: {  	_ =	swait.ge [sflag:s24], $0x4000  }
0xde: {  	[sflag:s24] =	ssyncset.done $0x0  }
0xdf: {  	s0 =	simm.s32 @!p1 $0x5;
	[sflag:s24] =	ssyncadd.s32 $0xFFFFC000  }
0xe0: {  	_ =	swait.ge @!p1 [sflag:s0], $0x4000  }
0xe1: {  	[sflag:s0] =	ssyncset.done @!p1 $0x0  }
0xe2: {  	[sflag:s0] =	ssyncadd.s32 @!p1 $0xFFFFC000  }
0xe3: {  	s25 =	simm.s32 $0x0;
	_ =	swait.ge @!p1 [sflag:s0], $0x4000  }
0xe4: {  	s3 =	sand.u32 $0x40, s25;
	s1 =	sand.u32 $0x3C00, s25;
	[sflag:s0] =	ssyncset.done @!p1 $0x0  }
0xe5: {  	[sflag:s0] =	ssyncadd.s32 @!p1 $0xFFFFC000;
	s0 =	sor.u32 s3, s1  }
0xe6: {  	v3 =	vld [tilespmem:s0+$0x4110]  }
0xe7: {  	v4 =	vld [tilespmem:s0+$0x4030]  }
0xe8: {  	p2 =	por $0x0, $0x0;
	s2 =	simm.s32 $0x1;
	v6 =	vld [tilespmem:s0+$0x4010]  }
0xe9: {  	s2 =	simm.s32 @!p2 $0x0;
	v5 =	vld [tilespmem:s0+$0x4190]  }
0xea: {  	s26 =	sshll.u32 s2, $0x6;
	v9 =	vld [tilespmem:s0+$0x4090]  }
0xeb: {  	s1 =	sadd.s32 $0x0, s26;
	v10 =	vld [tilespmem:s0+$0x4130]  }
0xec: {  	s29 =	sadd.s32 $0x10, s1;
	v52 =	vld [tilespmem:s0+$0x41B0]  }
0xed: {  	s30 =	sadd.s32 $0x30, s1;
	v53 =	vld [tilespmem:s0+$0x40B0];
	s16 =	sor.u32 $0x280, s29  }
0xee: {  	s15 =	sor.u32 $0x280, s30;
	v7 =	vld [tilespmem:s16+$0x0]  }
0xef: {  	v8 =	vld [tilespmem:s15+$0x0]  }
0xf0: {  	s14 =	sor.u32 $0x200, s29;
	v2 =	vld [tilespmem:s16+$0x4000]  }
0xf1: {  	s21 =	sor.u32 $0x300, s29;
	v12 =	vld [tilespmem:s14+$0x4000];
	vm0 =	vlt.s32 v3, $0x2  }
0xf2: {  	s17 =	sor.u32 $0x380, s29;
	v11 =	vld [tilespmem:s21+$0x4000];
	vm1 =	vgt.s32 v9, $0x1;
	v13 =	vsel vm0, $0x0, v1  }
0xf3: {  	s9 =	sor.u32 $0x200, s30;
	v3 =	vld [tilespmem:s17+$0x4000];
	vm2 =	vgt.s32 v6, $0x1;
	v15 =	vsel vm1, $0x1, v0;
	[tilespmem:s0+$0x10110] =	vst v13  }
0xf4: {  	s2 =	sor.u32 $0x380, s30;
	v14 =	vld [tilespmem:s9+$0x4000];
	vm0 =	vgt.s32 v5, $0x1;
	v51 =	vsel vm2, $0x4, v0;
	[tilespmem:s0+$0x10090] =	vst v15  }
0xf5: {  	v50 =	vld [tilespmem:s2+$0x4000];
	vm2 =	vlt.s32 v10, $0x2;
	v6 =	vsel vm0, $0x3, v0;
	[tilespmem:s0+$0x10010] =	vst v51  }
0xf6: {  	s13 =	sor.u32 $0x300, s30;
	v5 =	vld [tilespmem:s15+$0x4000];
	vm0 =	vgt.s32 v12, $0x1;
	v10 =	vsel vm2, $0x0, v1;
	[tilespmem:s0+$0x10190] =	vst v6  }
0xf7: {  	vm2 =	vgt.s32 v4, $0x1;
	v6 =	vld [tilespmem:s13+$0x4000];
	v12 =	vsel vm0, $0x4, v0;
	[tilespmem:s0+$0x10130] =	vst v10  }
0xf8: {  	vm0 =	vgt.s32 v2, $0x1;
	v4 =	vsel vm2, $0x4, v0;
	[tilespmem:s14+$0x10000] =	vst v12  }
0xf9: {  	vm3 =	vlt.s32 v11, $0x2;
	v17 =	vsel vm0, $0x1, v0;
	[tilespmem:s0+$0x10030] =	vst v4;
	v4 =	vnsel vm1, $0x0, v9  }
0xfa: {  	v16 =	vld [tilespmem:s0+$0x4100];
	vm1 =	vgt.s32 v52, $0x1;
	[tilespmem:s16+$0x10000] =	vst v17;
	vm2 =	vgt.s32 v3, $0x1;
	v3 =	vsel vm3, $0x0, v1  }
0xfb: {  	s10 =	sor.u32 $0x380, s1;
	v19 =	vld [tilespmem:s0+$0x4000];
	v9 =	vsel vm1, $0x3, v0;
	[tilespmem:s21+$0x10000] =	vst v3  }
0xfc: {  	s19 =	sor.u32 $0x300, s1;
	v54 =	vld [tilespmem:s10+$0x4000];
	vm1 =	vgt.s32 v53, $0x1;
	v18 =	vsel vm2, $0x3, v0;
	[tilespmem:s0+$0x101B0] =	vst v9  }
0xfd: {  	s11 =	sor.u32 $0x280, s1;
	v55 =	vld [tilespmem:s19+$0x4000];
	v56 =	vsel vm1, $0x1, v0;
	[tilespmem:s17+$0x10000] =	vst v18  }
0xfe: {  	v57 =	vld [tilespmem:s11+$0x0];
	[tilespmem:s0+$0x100B0] =	vst v56  }
0xff: {  	s6 =	sor.u32 $0x200, s1;
	v10 =	vld [tilespmem:s0+$0x4080];
	vm2 =	vlt.s32 v16, $0x2;
	[tilespmem:s0+$0x18190] =	vst v4  }
0x100: {  	v58 =	vld [tilespmem:s6+$0x4000];
	vm3 =	vgt.s32 v14, $0x1;
	v9 =	vsel vm2, $0x0, v1;
	[tilespmem:s0+$0x18090] =	vst v0  }
0x101: {  	v3 =	vld [tilespmem:s11+$0x4000];
	v59 =	vsel vm3, $0x4, v0;
	[tilespmem:s0+$0x10100] =	vst v9  }
0x102: {  	vm2 =	vgt.s32 v5, $0x1;
	[tilespmem:s9+$0x10000] =	vst v59  }
0x103: {  	vm4 =	vlt.s32 v6, $0x2;
	v6 =	vsel vm2, $0x1, v0;
	[tilespmem:s0+$0x18110] =	vst v4  }
0x104: {  	v11 =	vld [tilespmem:s0+$0x4180];
	vm3 =	vgt.s32 v10, $0x1;
	v9 =	vsel vm4, $0x0, v1;
	[tilespmem:s15+$0x10000] =	vst v6  }
0x105: {  	v6 =	vsel vm3, $0x1, v0;
	vm4 =	vgt.s32 v19, $0x1;
	[tilespmem:s13+$0x10000] =	vst v9  }
0x106: {  	vm5 =	vgt.s32 v50, $0x1;
	[tilespmem:s0+$0x10080] =	vst v6;
	v6 =	vsel vm4, $0x4, v0  }
0x107: {  	vm4 =	vgt.s32 v8, $0x1;
	v9 =	vsel vm5, $0x3, v0;
	[tilespmem:s0+$0x10000] =	vst v6  }
0x108: {  	v61 =	vld [tilespmem:s0+$0x40A0];
	v6 =	vnsel vm4, $0x0, v8;
	[tilespmem:s2+$0x10000] =	vst v9  }
0x109: {  	vm5 =	vgt.s32 v7, $0x1;
	vm4 =	vgt.s32 v11, $0x1;
	v11 =	vld [tilespmem:s0+$0x4020];
	[tilespmem:s0+$0x18030] =	vst v6  }
0x10a: {  	s4 =	sadd.s32 $0x20, s1;
	v8 =	vld [tilespmem:s0+$0x4120];
	v7 =	vnsel vm5, $0x0, v7;
	[tilespmem:s0+$0x180B0] =	vst v0  }
0x10b: {  	s1 =	sor.u32 $0x200, s4;
	v6 =	vld [tilespmem:s0+$0x41A0];
	v9 =	vsel vm4, $0x3, v0;
	[tilespmem:s0+$0x18010] =	vst v7  }
0x10c: {  	s26 =	sor.u32 $0x380, s4;
	v60 =	vld [tilespmem:s1+$0x4000];
	vm4 =	vgt.s32 v58, $0x1;
	v7 =	vnsel vm1, $0x0, v53;
	[tilespmem:s0+$0x10180] =	vst v9  }
0x10d: {  	s3 =	sor.u32 $0x280, s4;
	v62 =	vld [tilespmem:s26+$0x4000];
	v9 =	vsel vm4, $0x4, v0;
	[tilespmem:s0+$0x18130] =	vst v7  }
0x10e: {  	s28 =	sor.u32 $0x300, s4;
	[tilespmem:s6+$0x10000] =	vst v9;
	v9 =	vld [tilespmem:s3+$0x4000];
	vm1 =	vgt.s32 v11, $0x1  }
0x10f: {  	[tilespmem:s0+$0x181B0] =	vst v7;
	v11 =	vld [tilespmem:s28+$0x4000];
	vm4 =	vlt.s32 v8, $0x2;
	v8 =	vsel vm1, $0x4, v0  }
0x110: {  	v63 =	vld [tilespmem:s3+$0x0];
	vm1 =	vgt.s32 v6, $0x1;
	v6 =	vsel vm4, $0x0, v1;
	[tilespmem:s0+$0x10020] =	vst v8  }
0x111: {  	vm5 =	vgt.s32 v61, $0x1;
	v8 =	vsel vm1, $0x3, v0;
	[tilespmem:s0+$0x10120] =	vst v6  }
0x112: {  	vm1 =	vgt.s32 v60, $0x1;
	v6 =	vsel vm5, $0x1, v0;
	[tilespmem:s0+$0x101A0] =	vst v8  }
0x113: {  	v8 =	vsel vm1, $0x4, v0;
	vm4 =	vgt.s32 v9, $0x1;
	[tilespmem:s0+$0x100A0] =	vst v6  }
0x114: {  	v6 =	vsel vm4, $0x1, v0;
	[tilespmem:s1+$0x10000] =	vst v8;
	vm1 =	vlt.s32 v11, $0x2  }
0x115: {  	vm6 =	vgt.s32 v62, $0x1;
	[tilespmem:s3+$0x10000] =	vst v6;
	v8 =	vsel vm1, $0x0, v1  }
0x116: {  	v6 =	vsel vm6, $0x3, v0;
	vm1 =	vgt.s32 v63, $0x1;
	[tilespmem:s28+$0x10000] =	vst v8  }
0x117: {  	v8 =	vnsel vm1, $0x0, v63;
	[tilespmem:s26+$0x10000] =	vst v6  }
0x118: {  	vm1 =	vgt.s32 v3, $0x1;
	[tilespmem:s0+$0x18020] =	vst v8  }
0x119: {  	v6 =	vsel vm1, $0x1, v0;
	[tilespmem:s0+$0x180A0] =	vst v0  }
0x11a: {  	v8 =	vnsel vm5, $0x0, v61;
	[tilespmem:s11+$0x10000] =	vst v6  }
0x11b: {  	vm5 =	vlt.s32 v55, $0x2;
	[tilespmem:s0+$0x181A0] =	vst v8  }
0x11c: {  	v6 =	vsel vm5, $0x0, v1;
	[tilespmem:s0+$0x18120] =	vst v8  }
0x11d: {  	vm5 =	vgt.s32 v54, $0x1;
	[tilespmem:s19+$0x10000] =	vst v6  }
0x11e: {  	v6 =	vsel vm5, $0x3, v0;
	[tilespmem:s1+$0x18000] =	vst v8  }
0x11f: {  	vm5 =	vgt.s32 v57, $0x1;
	[tilespmem:s10+$0x10000] =	vst v6  }
0x120: {  	s12 =	simm.s32 $0x40;
	v6 =	vnsel vm5, $0x0, v57;
	[tilespmem:s0+$0x18080] =	vst v0  }
0x121: {  	s23 =	simm.s32 $0x0;
	s24 =	simm.s32 $0x200;
	p1 =	por !p2, !p2;
	v5 =	vnsel vm2, $0x0, v5;
	[tilespmem:s0+$0x18000] =	vst v6;
	v6 =	vnsel vm3, $0x0, v10  }
.LBB2_9:
0x122: {  	s1 =	simm.s32 $0x1  }
0x123: {  	s4 =	sand.u32 $0x40, s12;
	s5 =	sand.u32 $0x3C00, s24;
	[tilespmem:s0+$0x18180] =	vst v6;
	s1 =	simm.s32 @!p1 $0x0  }
0x124: {  	s23 =	sadd.s32 $0x4, s23;
	v9 =	vnsel vm4, $0x0, v9;
	s1 =	sshll.u32 s1, $0x6;
	[tilespmem:s0+$0x18100] =	vst v6;
	s0 =	sor.u32 s4, s5  }
0x125: {  	p2 =	slt.u32 s23, $0x7C;
	s5 =	sadd.s32 s1, s24;
	v8 =	vld [tilespmem:s0+$0x4110];
	[tilespmem:s14+$0x18000] =	vst v4  }
0x126: {  	s7 =	sor.u32 $0x200, s5;
	s1 =	sor.u32 $0x300, s5;
	s20 =	sadd.s32 $0x10, s5;
	v10 =	vld [tilespmem:s0+$0x4030];
	[tilespmem:s3+$0x18000] =	vst v0  }
0x127: {  	s22 =	sadd.s32 $0x30, s5;
	v4 =	vld [tilespmem:s0+$0x4010];
	s14 =	sor.u32 $0x200, s20;
	s3 =	sor.u32 $0x280, s20;
	[tilespmem:s9+$0x18000] =	vst v7  }
0x128: {  	s4 =	sadd.s32 $0x20, s5;
	s25 =	sor.u32 $0x300, s20;
	v7 =	vld [tilespmem:s0+$0x4190];
	[tilespmem:s15+$0x18000] =	vst v0;
	s15 =	sor.u32 $0x280, s22  }
0x129: {  	v12 =	vnsel vm0, $0x0, v2;
	s20 =	sor.u32 $0x380, s20;
	s9 =	sor.u32 $0x200, s22;
	s29 =	sor.u32 $0x380, s22;
	v11 =	vld [tilespmem:s3+$0x0];
	[tilespmem:s16+$0x18000] =	vst v0  }
0x12a: {  	s30 =	sor.u32 $0x280, s5;
	s5 =	sor.u32 $0x380, s5;
	s16 =	smov.u32 s3;
	v13 =	vld [tilespmem:s0+$0x4100];
	vm0 =	vlt.s32 v8, $0x2;
	[tilespmem:s21+$0x18000] =	vst v12  }
0x12b: {  	s21 =	smov.u32 s25;
	v14 =	vld [tilespmem:s15+$0x0];
	[tilespmem:s6+$0x18000] =	vst v6;
	s6 =	smov.u32 s7  }
0x12c: {  	s3 =	sor.u32 $0x300, s22;
	v2 =	vld [tilespmem:s16+$0x4000];
	vm2 =	vgt.s32 v4, $0x1;
	[tilespmem:s17+$0x18000] =	vst v12;
	s17 =	smov.u32 s20  }
0x12d: {  	v12 =	vsel vm0, $0x0, v1;
	v4 =	vsel vm2, $0x4, v0;
	vm0 =	vgt.s32 v7, $0x1;
	v7 =	vld [tilespmem:s0+$0x4130];
	[tilespmem:s28+$0x18000] =	vst v9  }
0x12e: {  	v15 =	vld [tilespmem:s0+$0x4090];
	vm2 =	vgt.s32 v11, $0x1;
	v16 =	vsel vm0, $0x3, v0;
	[tilespmem:s11+$0x18000] =	vst v0;
	s11 =	smov.u32 s30  }
0x12f: {  	v17 =	vld [tilespmem:s21+$0x4000];
	v8 =	vnsel vm2, $0x0, v11;
	[tilespmem:s26+$0x18000] =	vst v9  }
0x130: {  	v3 =	vnsel vm1, $0x0, v3;
	v9 =	vld [tilespmem:s17+$0x4000];
	[tilespmem:s13+$0x18000] =	vst v5;
	s13 =	smov.u32 s3  }
0x131: {  	v6 =	vld [tilespmem:s0+$0x4080];
	vm0 =	vgt.s32 v2, $0x1;
	[tilespmem:s19+$0x18000] =	vst v3;
	s19 =	smov.u32 s1  }
0x132: {  	v11 =	vld [tilespmem:s9+$0x4000];
	[tilespmem:s10+$0x18000] =	vst v3;
	s10 =	smov.u32 s5  }
0x133: {  	v3 =	vld [tilespmem:s14+$0x4000];
	vm1 =	vgt.s32 v15, $0x1;
	[tilespmem:s2+$0x18000] =	vst v5;
	s2 =	smov.u32 s29  }
0x134: {  	v5 =	vsel vm1, $0x1, v0;
	[tilespmem:s0+$0x10110] =	vst v12;
	vm3 =	vlt.s32 v17, $0x2;
	v12 =	vld [tilespmem:s15+$0x4000]  }
0x135: {  	v17 =	vld [tilespmem:s0+$0x4180];
	[tilespmem:s0+$0x10090] =	vst v5;
	vm4 =	vgt.s32 v9, $0x1  }
0x136: {  	vm2 =	vgt.s32 v6, $0x1;
	[tilespmem:s0+$0x10190] =	vst v16;
	v5 =	vld [tilespmem:s2+$0x4000]  }
0x137: {  	vm5 =	vlt.s32 v13, $0x2;
	s26 =	sor.u32 $0x380, s4;
	v9 =	vld [tilespmem:s10+$0x4000];
	[tilespmem:s0+$0x10010] =	vst v4  }
0x138: {  	s28 =	sor.u32 $0x300, s4;
	v13 =	vsel vm5, $0x0, v1;
	s3 =	sor.u32 $0x280, s4;
	s1 =	sor.u32 $0x200, s4;
	v16 =	vsel vm0, $0x1, v0;
	vm5 =	vgt.s32 v3, $0x1;
	v18 =	vld [tilespmem:s13+$0x4000]  }
0x139: {  	v19 =	vsel vm2, $0x1, v0;
	v3 =	vsel vm5, $0x4, v0;
	v20 =	vld [tilespmem:s0+$0x41B0];
	vm5 =	vlt.s32 v7, $0x2  }
0x13a: {  	v4 =	vnsel vm1, $0x0, v15;
	v15 =	vsel vm4, $0x3, v0;
	v7 =	vld [tilespmem:s0+$0x4000];
	[tilespmem:s14+$0x10000] =	vst v3;
	v3 =	vsel vm5, $0x0, v1  }
0x13b: {  	vm1 =	vgt.s32 v10, $0x1;
	vm4 =	vgt.s32 v17, $0x1;
	v17 =	vsel vm3, $0x0, v1;
	v21 =	vld [tilespmem:s0+$0x40B0];
	[tilespmem:s0+$0x10130] =	vst v3  }
0x13c: {  	vm5 =	vgt.s32 v14, $0x1;
	v3 =	vld [tilespmem:s11+$0x4000];
	vm3 =	vgt.s32 v9, $0x1;
	[tilespmem:s16+$0x10000] =	vst v16;
	v9 =	vsel vm1, $0x4, v0  }
0x13d: {  	v14 =	vnsel vm5, $0x0, v14;
	vm1 =	vgt.s32 v11, $0x1;
	v10 =	vld [tilespmem:s1+$0x4000];
	[tilespmem:s0+$0x10030] =	vst v9;
	vm8 =	vlt.s32 v18, $0x2  }
0x13e: {  	vm5 =	vgt.s32 v12, $0x1;
	v9 =	vsel vm1, $0x4, v0;
	[tilespmem:s21+$0x10000] =	vst v17;
	vm6 =	vgt.s32 v20, $0x1  }
0x13f: {  	vm7 =	vgt.s32 v7, $0x1;
	[tilespmem:s17+$0x10000] =	vst v15;
	v7 =	vld [tilespmem:s0+$0x4120];
	v11 =	vsel vm6, $0x3, v0;
	v15 =	vsel vm5, $0x1, v0  }
0x140: {  	vm9 =	vgt.s32 v5, $0x1;
	[tilespmem:s0+$0x18190] =	vst v4;
	v16 =	vld [tilespmem:s0+$0x41A0];
	vm6 =	vgt.s32 v21, $0x1  }
0x141: {  	v18 =	vsel vm9, $0x3, v0;
	v17 =	vld [tilespmem:s19+$0x4000];
	vm1 =	vgt.s32 v3, $0x1;
	[tilespmem:s0+$0x18090] =	vst v0;
	v5 =	vsel vm6, $0x1, v0  }
0x142: {  	v22 =	vsel vm7, $0x4, v0;
	v20 =	vld [tilespmem:s11+$0x0];
	vm7 =	vgt.s32 v10, $0x1;
	[tilespmem:s0+$0x101B0] =	vst v11  }
0x143: {  	v10 =	vld [tilespmem:s6+$0x4000];
	[tilespmem:s0+$0x100B0] =	vst v5  }
0x144: {  	v5 =	vsel vm8, $0x0, v1;
	[tilespmem:s0+$0x10100] =	vst v13;
	v11 =	vld [tilespmem:s0+$0x40A0]  }
0x145: {  	v13 =	vld [tilespmem:s26+$0x4000];
	[tilespmem:s9+$0x10000] =	vst v9  }
0x146: {  	v23 =	vld [tilespmem:s3+$0x0];
	[tilespmem:s15+$0x10000] =	vst v15  }
0x147: {  	vm9 =	vgt.s32 v16, $0x1;
	vm8 =	vgt.s32 v20, $0x1;
	v15 =	vld [tilespmem:s28+$0x4000];
	[tilespmem:s13+$0x10000] =	vst v5  }
0x148: {  	vm10 =	vlt.s32 v7, $0x2;
	v16 =	vsel vm9, $0x3, v0;
	v5 =	vnsel vm5, $0x0, v12;
	[tilespmem:s0+$0x10080] =	vst v19  }
0x149: {  	v12 =	vsel vm4, $0x3, v0;
	v19 =	vsel vm10, $0x0, v1;
	[tilespmem:s0+$0x18110] =	vst v4;
	vm5 =	vgt.s32 v11, $0x1  }
0x14a: {  	vm4 =	vgt.s32 v10, $0x1;
	[tilespmem:s0+$0x10000] =	vst v22;
	v10 =	vsel vm5, $0x1, v0;
	vm9 =	vgt.s32 v13, $0x1  }
0x14b: {  	v13 =	vnsel vm8, $0x0, v20;
	v20 =	vsel vm4, $0x4, v0;
	v9 =	vld [tilespmem:s3+$0x4000];
	vm4 =	vgt.s32 v23, $0x1;
	[tilespmem:s2+$0x10000] =	vst v18  }
0x14c: {  	v7 =	vnsel vm6, $0x0, v21;
	v18 =	vld [tilespmem:s0+$0x4020];
	v22 =	vnsel vm4, $0x0, v23;
	vm4 =	vlt.s32 v15, $0x2;
	[tilespmem:s0+$0x18030] =	vst v14  }
0x14d: {  	v14 =	vsel vm4, $0x0, v1;
	[tilespmem:s0+$0x180B0] =	vst v0  }
0x14e: {  	[tilespmem:s0+$0x10180] =	vst v12  }
0x14f: {  	v12 =	vsel vm9, $0x3, v0;
	[tilespmem:s0+$0x18010] =	vst v8;
	v8 =	vsel vm7, $0x4, v0  }
0x150: {  	[tilespmem:s6+$0x10000] =	vst v20;
	vm4 =	vgt.s32 v9, $0x1  }
0x151: {  	vm6 =	vgt.s32 v18, $0x1;
	v15 =	vsel vm4, $0x1, v0;
	[tilespmem:s0+$0x18130] =	vst v7  }
0x152: {  	v18 =	vsel vm6, $0x4, v0;
	[tilespmem:s0+$0x181B0] =	vst v7  }
0x153: {  	[tilespmem:s0+$0x10020] =	vst v18  }
0x154: {  	[tilespmem:s0+$0x10120] =	vst v19  }
0x155: {  	[tilespmem:s0+$0x101A0] =	vst v16  }
0x156: {  	[tilespmem:s0+$0x100A0] =	vst v10  }
0x157: {  	[tilespmem:s1+$0x10000] =	vst v8  }
0x158: {  	[tilespmem:s3+$0x10000] =	vst v15  }
0x159: {  	[tilespmem:s28+$0x10000] =	vst v14  }
0x15a: {  	v8 =	vsel vm1, $0x1, v0;
	[tilespmem:s26+$0x10000] =	vst v12  }
0x15b: {  	[tilespmem:s0+$0x18020] =	vst v22  }
0x15c: {  	v10 =	vnsel vm5, $0x0, v11;
	[tilespmem:s0+$0x180A0] =	vst v0  }
0x15d: {  	vm5 =	vlt.s32 v17, $0x2;
	[tilespmem:s0+$0x181A0] =	vst v10  }
0x15e: {  	[tilespmem:s11+$0x10000] =	vst v8;
	v8 =	vsel vm5, $0x0, v1  }
0x15f: {  	[tilespmem:s19+$0x10000] =	vst v8  }
.Ltmp5:
0x160: {  	v8 =	vsel vm3, $0x3, v0;
	[tilespmem:s0+$0x18120] =	vst v10;
	(pc) =	sbr.rel @p2 .LBB2_9-.Ltmp5, $4  }
0x161: {  	[tilespmem:s10+$0x10000] =	vst v8  }
0x162: {  	[tilespmem:s0+$0x18080] =	vst v0  }
0x163: {  	[tilespmem:s0+$0x18000] =	vst v13  }
0x164: {  	s12 =	sadd.s32 $0x40, s12;
	p1 =	por !p1, !p1;
	s24 =	sadd.s32 $0x200, s24;
	v6 =	vnsel vm2, $0x0, v6;
	[tilespmem:s1+$0x18000] =	vst v10  }
0x165: {  	[tilespmem:s0+$0x18180] =	vst v6  }
0x166: {  	[tilespmem:s0+$0x18100] =	vst v6  }
0x167: {  	[tilespmem:s14+$0x18000] =	vst v4  }
0x168: {  	[tilespmem:s3+$0x18000] =	vst v0  }
0x169: {  	[tilespmem:s9+$0x18000] =	vst v7  }
0x16a: {  	[tilespmem:s15+$0x18000] =	vst v0  }
0x16b: {  	[tilespmem:s16+$0x18000] =	vst v0  }
0x16c: {  	v4 =	vnsel vm4, $0x0, v9;
	[tilespmem:s6+$0x18000] =	vst v6  }
0x16d: {  	v2 =	vnsel vm0, $0x0, v2;
	[tilespmem:s28+$0x18000] =	vst v4  }
0x16e: {  	[tilespmem:s21+$0x18000] =	vst v2  }
0x16f: {  	[tilespmem:s11+$0x18000] =	vst v0  }
0x170: {  	[tilespmem:s26+$0x18000] =	vst v4  }
0x171: {  	[tilespmem:s13+$0x18000] =	vst v5  }
0x172: {  	[tilespmem:s17+$0x18000] =	vst v2  }
0x173: {  	v2 =	vnsel vm1, $0x0, v3;
	[tilespmem:s2+$0x18000] =	vst v5  }
0x174: {  	s1 =	simm.s32 $0x0;
	s16 =	rddreg [dreg:$0x1];
	[tilespmem:s19+$0x18000] =	vst v2  }
0x175: {  	s0 =	sadd.s32 s16, s18;
	s17 =	simm.s32 $0x10000;
	s19 =	rddreg [dreg:$0x2];
	[tilespmem:s10+$0x18000] =	vst v2  }
0x176: {  	[hbm4b:s0+s1] =	stream.linear.scatter [tilespmem:s17], [sflag:$0x5], $0x4000, $0x38;
	[tilespmem:$0x1C000] =	vst v63  }
0x177: {  	s20 =	simm.s32 $0x18000;
	s0 =	sadd.s32 s19, s18;
	s21 =	rddreg [dreg:$0x9]  }
0x178: {  	[hbm4b:s0+s1] =	stream.linear.scatter [tilespmem:s20], [sflag:$0x5], $0x4000, $0x38;
	[tilespmem:$0x1C000] =	vst v63  }
0x179: {  	s0 =	sadd.s32 s8, s21  }
0x17a: {  	s22 =	rddreg [dreg:$0x0];
	s18 =	sshrl.u32 s0, $0x3  }
0x17b: {  	s23 =	simm.s32 $0x3;
	s0 =	sadd.s32 s22, s18  }
0x17c: {  	[tilespmem:s1], [sflag:$0x1] =	stream.linear.gather [hbm4b:s0+s1], $0x4000, $0x38;
	[tilespmem:$0x1C000] =	vst v63  }
0x17d: {  	_ =	swait.ge [sflag:s23], $0x4000  }
0x17e: {  	[sflag:s23] =	ssyncset.done $0x0  }
0x17f: {  	s24 =	simm.s32 $0x4;
	[sflag:s23] =	ssyncadd.s32 $0xFFFFC000  }
0x180: {  	_ =	swait.ge [sflag:s24], $0x4000  }
0x181: {  	[sflag:s24] =	ssyncset.done $0x0  }
0x182: {  	[sflag:s24] =	ssyncadd.s32 $0xFFFFC000  }
0x183: {  	p1 =	por $0x0, $0x0;
	s25 =	sand.u32 $0x40, s1;
	_ =	swait.ge [sflag:s24], $0x4000  }
0x184: {  	s2 =	simm.s32 $0x1;
	s1 =	sand.u32 $0x3C00, s1;
	[sflag:s24] =	ssyncset.done $0x0  }
0x185: {  	s2 =	simm.s32 @!p1 $0x0;
	s0 =	sor.u32 s25, s1;
	[sflag:s24] =	ssyncadd.s32 $0xFFFFC000  }
0x186: {  	s26 =	sshll.u32 s2, $0x6;
	v3 =	vld [tilespmem:s0+$0x8110]  }
0x187: {  	s1 =	sadd.s32 $0x0, s26;
	v4 =	vld [tilespmem:s0+$0x8030]  }
0x188: {  	s29 =	sadd.s32 $0x10, s1;
	v6 =	vld [tilespmem:s0+$0x8010]  }
0x189: {  	s30 =	sadd.s32 $0x30, s1;
	s16 =	sor.u32 $0x280, s29;
	v5 =	vld [tilespmem:s0+$0x8190]  }
0x18a: {  	s15 =	sor.u32 $0x280, s30;
	v7 =	vld [tilespmem:s16+$0x4000]  }
0x18b: {  	v8 =	vld [tilespmem:s15+$0x4000]  }
0x18c: {  	v2 =	vld [tilespmem:s16+$0x8000]  }
0x18d: {  	v9 =	vld [tilespmem:s0+$0x8090]  }
0x18e: {  	s21 =	sor.u32 $0x300, s29;
	v10 =	vld [tilespmem:s0+$0x8130]  }
0x18f: {  	s14 =	sor.u32 $0x200, s29;
	v11 =	vld [tilespmem:s21+$0x8000]  }
0x190: {  	s9 =	sor.u32 $0x200, s30;
	v12 =	vld [tilespmem:s14+$0x8000]  }
0x191: {  	s17 =	sor.u32 $0x380, s30;
	v14 =	vld [tilespmem:s9+$0x8000];
	vm0 =	vlt.s32 v3, $0x2  }
0x192: {  	s2 =	sor.u32 $0x380, s29;
	v50 =	vld [tilespmem:s17+$0x8000];
	vm1 =	vgt.s32 v9, $0x1;
	v13 =	vsel vm0, $0x0, v1  }
0x193: {  	v3 =	vld [tilespmem:s2+$0x8000];
	vm2 =	vgt.s32 v6, $0x1;
	v15 =	vsel vm1, $0x1, v0;
	[tilespmem:s0+$0xC110] =	vst v13  }
0x194: {  	v52 =	vld [tilespmem:s0+$0x81B0];
	vm0 =	vgt.s32 v5, $0x1;
	v51 =	vsel vm2, $0x4, v0;
	[tilespmem:s0+$0xC090] =	vst v15  }
0x195: {  	v53 =	vld [tilespmem:s0+$0x80B0];
	vm2 =	vlt.s32 v10, $0x2;
	v6 =	vsel vm0, $0x3, v0;
	[tilespmem:s0+$0xC010] =	vst v51  }
0x196: {  	s13 =	sor.u32 $0x300, s30;
	v5 =	vld [tilespmem:s15+$0x8000];
	vm0 =	vgt.s32 v12, $0x1;
	v10 =	vsel vm2, $0x0, v1;
	[tilespmem:s0+$0xC190] =	vst v6  }
0x197: {  	vm2 =	vgt.s32 v4, $0x1;
	v6 =	vld [tilespmem:s13+$0x8000];
	v12 =	vsel vm0, $0x4, v0;
	[tilespmem:s0+$0xC130] =	vst v10  }
0x198: {  	vm0 =	vgt.s32 v2, $0x1;
	v4 =	vsel vm2, $0x4, v0;
	[tilespmem:s14+$0xC000] =	vst v12  }
0x199: {  	vm3 =	vlt.s32 v11, $0x2;
	v17 =	vsel vm0, $0x1, v0;
	[tilespmem:s0+$0xC030] =	vst v4;
	v4 =	vnsel vm1, $0x0, v9  }
0x19a: {  	s10 =	sor.u32 $0x380, s1;
	v16 =	vld [tilespmem:s0+$0x8100];
	vm1 =	vgt.s32 v52, $0x1;
	[tilespmem:s16+$0xC000] =	vst v17;
	vm2 =	vgt.s32 v3, $0x1;
	v3 =	vsel vm3, $0x0, v1  }
0x19b: {  	v54 =	vld [tilespmem:s10+$0x8000];
	v9 =	vsel vm1, $0x3, v0;
	[tilespmem:s21+$0xC000] =	vst v3  }
0x19c: {  	s19 =	sor.u32 $0x300, s1;
	v19 =	vld [tilespmem:s0+$0x8000];
	vm1 =	vgt.s32 v53, $0x1;
	v18 =	vsel vm2, $0x3, v0;
	[tilespmem:s0+$0xC1B0] =	vst v9  }
0x19d: {  	s11 =	sor.u32 $0x280, s1;
	v55 =	vld [tilespmem:s19+$0x8000];
	v56 =	vsel vm1, $0x1, v0;
	[tilespmem:s2+$0xC000] =	vst v18  }
0x19e: {  	v57 =	vld [tilespmem:s11+$0x4000];
	[tilespmem:s0+$0xC0B0] =	vst v56  }
0x19f: {  	s6 =	sor.u32 $0x200, s1;
	v10 =	vld [tilespmem:s0+$0x8080];
	vm2 =	vlt.s32 v16, $0x2;
	[tilespmem:s0+$0x14190] =	vst v4  }
0x1a0: {  	v58 =	vld [tilespmem:s6+$0x8000];
	vm3 =	vgt.s32 v14, $0x1;
	v9 =	vsel vm2, $0x0, v1;
	[tilespmem:s0+$0x14090] =	vst v0  }
0x1a1: {  	v3 =	vld [tilespmem:s11+$0x8000];
	v59 =	vsel vm3, $0x4, v0;
	[tilespmem:s0+$0xC100] =	vst v9  }
0x1a2: {  	vm2 =	vgt.s32 v5, $0x1;
	[tilespmem:s9+$0xC000] =	vst v59  }
0x1a3: {  	vm4 =	vlt.s32 v6, $0x2;
	v6 =	vsel vm2, $0x1, v0;
	[tilespmem:s0+$0x14110] =	vst v4  }
0x1a4: {  	v11 =	vld [tilespmem:s0+$0x8180];
	vm3 =	vgt.s32 v10, $0x1;
	v9 =	vsel vm4, $0x0, v1;
	[tilespmem:s15+$0xC000] =	vst v6  }
0x1a5: {  	v6 =	vsel vm3, $0x1, v0;
	vm4 =	vgt.s32 v19, $0x1;
	[tilespmem:s13+$0xC000] =	vst v9  }
0x1a6: {  	s4 =	sadd.s32 $0x20, s1;
	vm5 =	vgt.s32 v50, $0x1;
	[tilespmem:s0+$0xC080] =	vst v6;
	v6 =	vsel vm4, $0x4, v0  }
0x1a7: {  	s1 =	sor.u32 $0x200, s4;
	vm4 =	vgt.s32 v8, $0x1;
	v9 =	vsel vm5, $0x3, v0;
	[tilespmem:s0+$0xC000] =	vst v6  }
0x1a8: {  	v60 =	vld [tilespmem:s1+$0x8000];
	v6 =	vnsel vm4, $0x0, v8;
	[tilespmem:s17+$0xC000] =	vst v9  }
0x1a9: {  	vm5 =	vgt.s32 v7, $0x1;
	vm4 =	vgt.s32 v11, $0x1;
	v11 =	vld [tilespmem:s0+$0x8020];
	[tilespmem:s0+$0x14030] =	vst v6  }
0x1aa: {  	v8 =	vld [tilespmem:s0+$0x8120];
	v7 =	vnsel vm5, $0x0, v7;
	[tilespmem:s0+$0x140B0] =	vst v0  }
0x1ab: {  	v6 =	vld [tilespmem:s0+$0x81A0];
	v9 =	vsel vm4, $0x3, v0;
	[tilespmem:s0+$0x14010] =	vst v7  }
0x1ac: {  	s26 =	sor.u32 $0x380, s4;
	v61 =	vld [tilespmem:s0+$0x80A0];
	vm4 =	vgt.s32 v58, $0x1;
	v7 =	vnsel vm1, $0x0, v53;
	[tilespmem:s0+$0xC180] =	vst v9  }
0x1ad: {  	s3 =	sor.u32 $0x280, s4;
	v62 =	vld [tilespmem:s26+$0x8000];
	v9 =	vsel vm4, $0x4, v0;
	[tilespmem:s0+$0x14130] =	vst v7  }
0x1ae: {  	s28 =	sor.u32 $0x300, s4;
	[tilespmem:s6+$0xC000] =	vst v9;
	v9 =	vld [tilespmem:s3+$0x8000];
	vm1 =	vgt.s32 v11, $0x1  }
0x1af: {  	[tilespmem:s0+$0x141B0] =	vst v7;
	v11 =	vld [tilespmem:s28+$0x8000];
	vm4 =	vlt.s32 v8, $0x2;
	v8 =	vsel vm1, $0x4, v0  }
0x1b0: {  	v63 =	vld [tilespmem:s3+$0x4000];
	vm1 =	vgt.s32 v6, $0x1;
	v6 =	vsel vm4, $0x0, v1;
	[tilespmem:s0+$0xC020] =	vst v8  }
0x1b1: {  	vm5 =	vgt.s32 v61, $0x1;
	v8 =	vsel vm1, $0x3, v0;
	[tilespmem:s0+$0xC120] =	vst v6  }
0x1b2: {  	vm1 =	vgt.s32 v60, $0x1;
	v6 =	vsel vm5, $0x1, v0;
	[tilespmem:s0+$0xC1A0] =	vst v8  }
0x1b3: {  	v8 =	vsel vm1, $0x4, v0;
	vm4 =	vgt.s32 v9, $0x1;
	[tilespmem:s0+$0xC0A0] =	vst v6  }
0x1b4: {  	v6 =	vsel vm4, $0x1, v0;
	[tilespmem:s1+$0xC000] =	vst v8;
	vm1 =	vlt.s32 v11, $0x2  }
0x1b5: {  	vm6 =	vgt.s32 v62, $0x1;
	[tilespmem:s3+$0xC000] =	vst v6;
	v8 =	vsel vm1, $0x0, v1  }
0x1b6: {  	v6 =	vsel vm6, $0x3, v0;
	vm1 =	vgt.s32 v63, $0x1;
	[tilespmem:s28+$0xC000] =	vst v8  }
0x1b7: {  	v8 =	vnsel vm1, $0x0, v63;
	[tilespmem:s26+$0xC000] =	vst v6  }
0x1b8: {  	vm1 =	vgt.s32 v3, $0x1;
	[tilespmem:s0+$0x14020] =	vst v8  }
0x1b9: {  	v6 =	vsel vm1, $0x1, v0;
	[tilespmem:s0+$0x140A0] =	vst v0  }
0x1ba: {  	v8 =	vnsel vm5, $0x0, v61;
	[tilespmem:s11+$0xC000] =	vst v6  }
0x1bb: {  	vm5 =	vlt.s32 v55, $0x2;
	[tilespmem:s0+$0x141A0] =	vst v8  }
0x1bc: {  	v6 =	vsel vm5, $0x0, v1;
	[tilespmem:s0+$0x14120] =	vst v8  }
0x1bd: {  	vm5 =	vgt.s32 v54, $0x1;
	[tilespmem:s19+$0xC000] =	vst v6  }
0x1be: {  	v6 =	vsel vm5, $0x3, v0;
	[tilespmem:s1+$0x14000] =	vst v8  }
0x1bf: {  	vm5 =	vgt.s32 v57, $0x1;
	[tilespmem:s10+$0xC000] =	vst v6  }
0x1c0: {  	s12 =	simm.s32 $0x40;
	v6 =	vnsel vm5, $0x0, v57;
	[tilespmem:s0+$0x14080] =	vst v0  }
0x1c1: {  	p1 =	por !p1, !p1;
	s23 =	simm.s32 $0x0;
	s24 =	simm.s32 $0x200;
	v5 =	vnsel vm2, $0x0, v5;
	[tilespmem:s0+$0x14000] =	vst v6;
	v6 =	vnsel vm3, $0x0, v10  }
.LBB2_11:
0x1c2: {  	s1 =	simm.s32 $0x1  }
0x1c3: {  	s4 =	sand.u32 $0x40, s12;
	s5 =	sand.u32 $0x3C00, s24;
	[tilespmem:s0+$0x14180] =	vst v6;
	s1 =	simm.s32 @!p1 $0x0  }
0x1c4: {  	s23 =	sadd.s32 $0x4, s23;
	v9 =	vnsel vm4, $0x0, v9;
	s1 =	sshll.u32 s1, $0x6;
	[tilespmem:s0+$0x14100] =	vst v6;
	s0 =	sor.u32 s4, s5  }
0x1c5: {  	p2 =	slt.u32 s23, $0x7C;
	s5 =	sadd.s32 s1, s24;
	v8 =	vld [tilespmem:s0+$0x8110];
	[tilespmem:s14+$0x14000] =	vst v4  }
0x1c6: {  	s7 =	sor.u32 $0x200, s5;
	s1 =	sor.u32 $0x300, s5;
	s20 =	sadd.s32 $0x10, s5;
	v10 =	vld [tilespmem:s0+$0x8030];
	[tilespmem:s3+$0x14000] =	vst v0  }
0x1c7: {  	s22 =	sadd.s32 $0x30, s5;
	v4 =	vld [tilespmem:s0+$0x8010];
	s14 =	sor.u32 $0x200, s20;
	s3 =	sor.u32 $0x280, s20;
	[tilespmem:s9+$0x14000] =	vst v7  }
0x1c8: {  	s4 =	sadd.s32 $0x20, s5;
	s25 =	sor.u32 $0x300, s20;
	v7 =	vld [tilespmem:s0+$0x8190];
	[tilespmem:s15+$0x14000] =	vst v0;
	s15 =	sor.u32 $0x280, s22  }
0x1c9: {  	v12 =	vnsel vm0, $0x0, v2;
	s20 =	sor.u32 $0x380, s20;
	s9 =	sor.u32 $0x200, s22;
	s29 =	sor.u32 $0x380, s22;
	v11 =	vld [tilespmem:s3+$0x4000];
	[tilespmem:s16+$0x14000] =	vst v0  }
0x1ca: {  	s30 =	sor.u32 $0x280, s5;
	s5 =	sor.u32 $0x380, s5;
	s16 =	smov.u32 s3;
	v13 =	vld [tilespmem:s0+$0x8100];
	vm0 =	vlt.s32 v8, $0x2;
	[tilespmem:s21+$0x14000] =	vst v12  }
0x1cb: {  	s21 =	smov.u32 s25;
	v14 =	vld [tilespmem:s15+$0x4000];
	[tilespmem:s6+$0x14000] =	vst v6;
	s6 =	smov.u32 s7  }
0x1cc: {  	s3 =	sor.u32 $0x300, s22;
	v2 =	vld [tilespmem:s16+$0x8000];
	vm2 =	vgt.s32 v4, $0x1;
	[tilespmem:s2+$0x14000] =	vst v12;
	s2 =	smov.u32 s20  }
0x1cd: {  	v12 =	vsel vm0, $0x0, v1;
	v4 =	vsel vm2, $0x4, v0;
	vm0 =	vgt.s32 v7, $0x1;
	v7 =	vld [tilespmem:s0+$0x8130];
	[tilespmem:s28+$0x14000] =	vst v9  }
0x1ce: {  	v15 =	vld [tilespmem:s0+$0x8090];
	vm2 =	vgt.s32 v11, $0x1;
	v16 =	vsel vm0, $0x3, v0;
	[tilespmem:s11+$0x14000] =	vst v0;
	s11 =	smov.u32 s30  }
0x1cf: {  	v17 =	vld [tilespmem:s21+$0x8000];
	v8 =	vnsel vm2, $0x0, v11;
	[tilespmem:s26+$0x14000] =	vst v9  }
0x1d0: {  	v3 =	vnsel vm1, $0x0, v3;
	v9 =	vld [tilespmem:s2+$0x8000];
	[tilespmem:s13+$0x14000] =	vst v5;
	s13 =	smov.u32 s3  }
0x1d1: {  	v6 =	vld [tilespmem:s0+$0x8080];
	vm0 =	vgt.s32 v2, $0x1;
	[tilespmem:s19+$0x14000] =	vst v3;
	s19 =	smov.u32 s1  }
0x1d2: {  	v11 =	vld [tilespmem:s9+$0x8000];
	[tilespmem:s10+$0x14000] =	vst v3;
	s10 =	smov.u32 s5  }
0x1d3: {  	v3 =	vld [tilespmem:s14+$0x8000];
	vm1 =	vgt.s32 v15, $0x1;
	[tilespmem:s17+$0x14000] =	vst v5;
	s17 =	smov.u32 s29  }
0x1d4: {  	v5 =	vsel vm1, $0x1, v0;
	[tilespmem:s0+$0xC110] =	vst v12;
	vm3 =	vlt.s32 v17, $0x2;
	v12 =	vld [tilespmem:s15+$0x8000]  }
0x1d5: {  	v17 =	vld [tilespmem:s0+$0x8180];
	[tilespmem:s0+$0xC090] =	vst v5;
	vm4 =	vgt.s32 v9, $0x1  }
0x1d6: {  	vm2 =	vgt.s32 v6, $0x1;
	[tilespmem:s0+$0xC190] =	vst v16;
	v5 =	vld [tilespmem:s17+$0x8000]  }
0x1d7: {  	vm5 =	vlt.s32 v13, $0x2;
	s26 =	sor.u32 $0x380, s4;
	v9 =	vld [tilespmem:s10+$0x8000];
	[tilespmem:s0+$0xC010] =	vst v4  }
0x1d8: {  	s28 =	sor.u32 $0x300, s4;
	v13 =	vsel vm5, $0x0, v1;
	s3 =	sor.u32 $0x280, s4;
	s1 =	sor.u32 $0x200, s4;
	v16 =	vsel vm0, $0x1, v0;
	vm5 =	vgt.s32 v3, $0x1;
	v18 =	vld [tilespmem:s13+$0x8000]  }
0x1d9: {  	v19 =	vsel vm2, $0x1, v0;
	v3 =	vsel vm5, $0x4, v0;
	v20 =	vld [tilespmem:s0+$0x81B0];
	vm5 =	vlt.s32 v7, $0x2  }
0x1da: {  	v4 =	vnsel vm1, $0x0, v15;
	v15 =	vsel vm4, $0x3, v0;
	v7 =	vld [tilespmem:s0+$0x8000];
	[tilespmem:s14+$0xC000] =	vst v3;
	v3 =	vsel vm5, $0x0, v1  }
0x1db: {  	vm1 =	vgt.s32 v10, $0x1;
	vm4 =	vgt.s32 v17, $0x1;
	v17 =	vsel vm3, $0x0, v1;
	v21 =	vld [tilespmem:s0+$0x80B0];
	[tilespmem:s0+$0xC130] =	vst v3  }
0x1dc: {  	vm5 =	vgt.s32 v14, $0x1;
	v3 =	vld [tilespmem:s11+$0x8000];
	vm3 =	vgt.s32 v9, $0x1;
	[tilespmem:s16+$0xC000] =	vst v16;
	v9 =	vsel vm1, $0x4, v0  }
0x1dd: {  	v14 =	vnsel vm5, $0x0, v14;
	vm1 =	vgt.s32 v11, $0x1;
	v10 =	vld [tilespmem:s1+$0x8000];
	[tilespmem:s0+$0xC030] =	vst v9;
	vm8 =	vlt.s32 v18, $0x2  }
0x1de: {  	vm5 =	vgt.s32 v12, $0x1;
	v9 =	vsel vm1, $0x4, v0;
	[tilespmem:s21+$0xC000] =	vst v17;
	vm6 =	vgt.s32 v20, $0x1  }
0x1df: {  	vm7 =	vgt.s32 v7, $0x1;
	[tilespmem:s2+$0xC000] =	vst v15;
	v7 =	vld [tilespmem:s0+$0x8120];
	v11 =	vsel vm6, $0x3, v0;
	v15 =	vsel vm5, $0x1, v0  }
0x1e0: {  	vm9 =	vgt.s32 v5, $0x1;
	[tilespmem:s0+$0x14190] =	vst v4;
	v16 =	vld [tilespmem:s0+$0x81A0];
	vm6 =	vgt.s32 v21, $0x1  }
0x1e1: {  	v18 =	vsel vm9, $0x3, v0;
	v17 =	vld [tilespmem:s19+$0x8000];
	vm1 =	vgt.s32 v3, $0x1;
	[tilespmem:s0+$0x14090] =	vst v0;
	v5 =	vsel vm6, $0x1, v0  }
0x1e2: {  	v22 =	vsel vm7, $0x4, v0;
	v20 =	vld [tilespmem:s11+$0x4000];
	vm7 =	vgt.s32 v10, $0x1;
	[tilespmem:s0+$0xC1B0] =	vst v11  }
0x1e3: {  	v10 =	vld [tilespmem:s6+$0x8000];
	[tilespmem:s0+$0xC0B0] =	vst v5  }
0x1e4: {  	v5 =	vsel vm8, $0x0, v1;
	[tilespmem:s0+$0xC100] =	vst v13;
	v11 =	vld [tilespmem:s0+$0x80A0]  }
0x1e5: {  	v13 =	vld [tilespmem:s26+$0x8000];
	[tilespmem:s9+$0xC000] =	vst v9  }
0x1e6: {  	v23 =	vld [tilespmem:s3+$0x4000];
	[tilespmem:s15+$0xC000] =	vst v15  }
0x1e7: {  	vm9 =	vgt.s32 v16, $0x1;
	vm8 =	vgt.s32 v20, $0x1;
	v15 =	vld [tilespmem:s28+$0x8000];
	[tilespmem:s13+$0xC000] =	vst v5  }
0x1e8: {  	vm10 =	vlt.s32 v7, $0x2;
	v16 =	vsel vm9, $0x3, v0;
	v5 =	vnsel vm5, $0x0, v12;
	[tilespmem:s0+$0xC080] =	vst v19  }
0x1e9: {  	v12 =	vsel vm4, $0x3, v0;
	v19 =	vsel vm10, $0x0, v1;
	[tilespmem:s0+$0x14110] =	vst v4;
	vm5 =	vgt.s32 v11, $0x1  }
0x1ea: {  	vm4 =	vgt.s32 v10, $0x1;
	[tilespmem:s0+$0xC000] =	vst v22;
	v10 =	vsel vm5, $0x1, v0;
	vm9 =	vgt.s32 v13, $0x1  }
0x1eb: {  	v13 =	vnsel vm8, $0x0, v20;
	v20 =	vsel vm4, $0x4, v0;
	v9 =	vld [tilespmem:s3+$0x8000];
	vm4 =	vgt.s32 v23, $0x1;
	[tilespmem:s17+$0xC000] =	vst v18  }
0x1ec: {  	v7 =	vnsel vm6, $0x0, v21;
	v18 =	vld [tilespmem:s0+$0x8020];
	v22 =	vnsel vm4, $0x0, v23;
	vm4 =	vlt.s32 v15, $0x2;
	[tilespmem:s0+$0x14030] =	vst v14  }
0x1ed: {  	v14 =	vsel vm4, $0x0, v1;
	[tilespmem:s0+$0x140B0] =	vst v0  }
0x1ee: {  	[tilespmem:s0+$0xC180] =	vst v12  }
0x1ef: {  	v12 =	vsel vm9, $0x3, v0;
	[tilespmem:s0+$0x14010] =	vst v8;
	v8 =	vsel vm7, $0x4, v0  }
0x1f0: {  	[tilespmem:s6+$0xC000] =	vst v20;
	vm4 =	vgt.s32 v9, $0x1  }
0x1f1: {  	vm6 =	vgt.s32 v18, $0x1;
	v15 =	vsel vm4, $0x1, v0;
	[tilespmem:s0+$0x14130] =	vst v7  }
0x1f2: {  	v18 =	vsel vm6, $0x4, v0;
	[tilespmem:s0+$0x141B0] =	vst v7  }
0x1f3: {  	[tilespmem:s0+$0xC020] =	vst v18  }
0x1f4: {  	[tilespmem:s0+$0xC120] =	vst v19  }
0x1f5: {  	[tilespmem:s0+$0xC1A0] =	vst v16  }
0x1f6: {  	[tilespmem:s0+$0xC0A0] =	vst v10  }
0x1f7: {  	[tilespmem:s1+$0xC000] =	vst v8  }
0x1f8: {  	[tilespmem:s3+$0xC000] =	vst v15  }
0x1f9: {  	[tilespmem:s28+$0xC000] =	vst v14  }
0x1fa: {  	v8 =	vsel vm1, $0x1, v0;
	[tilespmem:s26+$0xC000] =	vst v12  }
0x1fb: {  	[tilespmem:s0+$0x14020] =	vst v22  }
0x1fc: {  	v10 =	vnsel vm5, $0x0, v11;
	[tilespmem:s0+$0x140A0] =	vst v0  }
0x1fd: {  	vm5 =	vlt.s32 v17, $0x2;
	[tilespmem:s0+$0x141A0] =	vst v10  }
0x1fe: {  	[tilespmem:s11+$0xC000] =	vst v8;
	v8 =	vsel vm5, $0x0, v1  }
0x1ff: {  	[tilespmem:s19+$0xC000] =	vst v8  }
.Ltmp6:
0x200: {  	v8 =	vsel vm3, $0x3, v0;
	[tilespmem:s0+$0x14120] =	vst v10;
	(pc) =	sbr.rel @p2 .LBB2_11-.Ltmp6, $4  }
0x201: {  	[tilespmem:s10+$0xC000] =	vst v8  }
0x202: {  	[tilespmem:s0+$0x14080] =	vst v0  }
0x203: {  	[tilespmem:s0+$0x14000] =	vst v13  }
0x204: {  	s12 =	sadd.s32 $0x40, s12;
	p1 =	por !p1, !p1;
	s24 =	sadd.s32 $0x200, s24;
	v6 =	vnsel vm2, $0x0, v6;
	[tilespmem:s1+$0x14000] =	vst v10  }
0x205: {  	[tilespmem:s0+$0x14180] =	vst v6  }
0x206: {  	[tilespmem:s0+$0x14100] =	vst v6  }
0x207: {  	[tilespmem:s14+$0x14000] =	vst v4  }
0x208: {  	[tilespmem:s3+$0x14000] =	vst v0  }
0x209: {  	[tilespmem:s9+$0x14000] =	vst v7  }
0x20a: {  	[tilespmem:s15+$0x14000] =	vst v0  }
0x20b: {  	[tilespmem:s16+$0x14000] =	vst v0  }
0x20c: {  	v4 =	vnsel vm4, $0x0, v9;
	[tilespmem:s6+$0x14000] =	vst v6  }
0x20d: {  	v2 =	vnsel vm0, $0x0, v2;
	[tilespmem:s28+$0x14000] =	vst v4  }
0x20e: {  	[tilespmem:s21+$0x14000] =	vst v2  }
0x20f: {  	[tilespmem:s11+$0x14000] =	vst v0  }
0x210: {  	[tilespmem:s26+$0x14000] =	vst v4  }
0x211: {  	[tilespmem:s13+$0x14000] =	vst v5  }
0x212: {  	[tilespmem:s2+$0x14000] =	vst v2  }
0x213: {  	v2 =	vnsel vm1, $0x0, v3;
	[tilespmem:s17+$0x14000] =	vst v5  }
0x214: {  	s1 =	simm.s32 $0x0;
	[tilespmem:s19+$0x14000] =	vst v2;
	s19 =	rddreg [dreg:$0x1]  }
0x215: {  	s20 =	simm.s32 $0xC000;
	s21 =	rddreg [dreg:$0x2];
	[tilespmem:s10+$0x14000] =	vst v2;
	s0 =	sadd.s32 s19, s31  }
0x216: {  	[hbm4b:s0+s1] =	stream.linear.scatter [tilespmem:s20], [sflag:$0x4], $0x4000, $0x38;
	[tilespmem:$0x1C000] =	vst v63  }
0x217: {  	s22 =	simm.s32 $0x14000;
	s0 =	sadd.s32 s21, s31;
	s23 =	rddreg [dreg:$0x12]  }
0x218: {  	[hbm4b:s0+s1] =	stream.linear.scatter [tilespmem:s22], [sflag:$0x4], $0x4000, $0x38;
	[tilespmem:$0x1C000] =	vst v63  }
0x219: {  	p1 =	seq.s32 s23, $0x2;
	s0 =	rddreg [dreg:$0xa]  }
0x21a: {  	s0 =	sadd.s32 @!p1 s8, s0  }
0x21b: {  	s24 =	simm.s32 $0x1;
	s1 =	rddreg [dreg:$0x0];
	s0 =	sshrl.u32 @!p1 s0, $0x3  }
0x21c: {  	s2 =	simm.s32 @!p1 $0x4000;
	s0 =	sadd.s32 @!p1 s1, s0;
	s1 =	simm.s32 @!p1 $0x0  }
0x21d: {  	[tilespmem:s2], [sflag:$0x2] =	stream.linear.gather @!p1 [hbm4b:s0+s1], $0x4000, $0x38;
	[tilespmem:$0x1C000] =	vst v63  }
0x21e: {  	_ =	swait.ge [sflag:s24], $0x4000  }
0x21f: {  	[sflag:s24] =	ssyncset.done $0x0  }
0x220: {  	s25 =	simm.s32 $0x5;
	[sflag:s24] =	ssyncadd.s32 $0xFFFFC000  }
0x221: {  	_ =	swait.ge [sflag:s25], $0x4000  }
0x222: {  	[sflag:s25] =	ssyncset.done $0x0  }
0x223: {  	s26 =	simm.s32 $0x0;
	[sflag:s25] =	ssyncadd.s32 $0xFFFFC000  }
0x224: {  	p2 =	por $0x0, $0x0;
	s29 =	sand.u32 $0x40, s26;
	_ =	swait.ge [sflag:s25], $0x4000  }
0x225: {  	s1 =	simm.s32 $0x1;
	s0 =	sand.u32 $0x3C00, s26;
	[sflag:s25] =	ssyncset.done $0x0  }
0x226: {  	s1 =	simm.s32 @!p2 $0x0;
	s0 =	sor.u32 s29, s0;
	[sflag:s25] =	ssyncadd.s32 $0xFFFFC000  }
0x227: {  	s1 =	sshll.u32 s1, $0x6;
	v3 =	vld [tilespmem:s0+$0x110]  }
0x228: {  	s1 =	sadd.s32 $0x0, s1;
	v4 =	vld [tilespmem:s0+$0x30]  }
0x229: {  	s30 =	sadd.s32 $0x10, s1;
	v6 =	vld [tilespmem:s0+$0x10]  }
0x22a: {  	s31 =	sadd.s32 $0x30, s1;
	s16 =	sor.u32 $0x280, s30;
	v5 =	vld [tilespmem:s0+$0x190]  }
0x22b: {  	s15 =	sor.u32 $0x280, s31;
	v7 =	vld [tilespmem:s16+$0x8000]  }
0x22c: {  	v8 =	vld [tilespmem:s15+$0x8000]  }
0x22d: {  	v2 =	vld [tilespmem:s16+$0x0]  }
0x22e: {  	v9 =	vld [tilespmem:s0+$0x90]  }
0x22f: {  	s21 =	sor.u32 $0x300, s30;
	v10 =	vld [tilespmem:s0+$0x130]  }
0x230: {  	s14 =	sor.u32 $0x200, s30;
	v11 =	vld [tilespmem:s21+$0x0]  }
0x231: {  	s9 =	sor.u32 $0x200, s31;
	v12 =	vld [tilespmem:s14+$0x0]  }
0x232: {  	s17 =	sor.u32 $0x380, s31;
	v14 =	vld [tilespmem:s9+$0x0];
	vm0 =	vlt.s32 v3, $0x2  }
0x233: {  	s2 =	sor.u32 $0x380, s30;
	v50 =	vld [tilespmem:s17+$0x0];
	vm1 =	vgt.s32 v9, $0x1;
	v13 =	vsel vm0, $0x0, v1  }
0x234: {  	v3 =	vld [tilespmem:s2+$0x0];
	vm2 =	vgt.s32 v6, $0x1;
	v15 =	vsel vm1, $0x1, v0;
	[tilespmem:s0+$0x10110] =	vst v13  }
0x235: {  	v52 =	vld [tilespmem:s0+$0x1B0];
	vm0 =	vgt.s32 v5, $0x1;
	v51 =	vsel vm2, $0x4, v0;
	[tilespmem:s0+$0x10090] =	vst v15  }
0x236: {  	v53 =	vld [tilespmem:s0+$0xB0];
	vm2 =	vlt.s32 v10, $0x2;
	v6 =	vsel vm0, $0x3, v0;
	[tilespmem:s0+$0x10010] =	vst v51  }
0x237: {  	s13 =	sor.u32 $0x300, s31;
	v5 =	vld [tilespmem:s15+$0x0];
	vm0 =	vgt.s32 v12, $0x1;
	v10 =	vsel vm2, $0x0, v1;
	[tilespmem:s0+$0x10190] =	vst v6  }
0x238: {  	vm2 =	vgt.s32 v4, $0x1;
	v6 =	vld [tilespmem:s13+$0x0];
	v12 =	vsel vm0, $0x4, v0;
	[tilespmem:s0+$0x10130] =	vst v10  }
0x239: {  	vm0 =	vgt.s32 v2, $0x1;
	v4 =	vsel vm2, $0x4, v0;
	[tilespmem:s14+$0x10000] =	vst v12  }
0x23a: {  	vm3 =	vlt.s32 v11, $0x2;
	v17 =	vsel vm0, $0x1, v0;
	[tilespmem:s0+$0x10030] =	vst v4;
	v4 =	vnsel vm1, $0x0, v9  }
0x23b: {  	s10 =	sor.u32 $0x380, s1;
	v16 =	vld [tilespmem:s0+$0x100];
	vm1 =	vgt.s32 v52, $0x1;
	[tilespmem:s16+$0x10000] =	vst v17;
	vm2 =	vgt.s32 v3, $0x1;
	v3 =	vsel vm3, $0x0, v1  }
0x23c: {  	v54 =	vld [tilespmem:s10+$0x0];
	v9 =	vsel vm1, $0x3, v0;
	[tilespmem:s21+$0x10000] =	vst v3  }
0x23d: {  	s19 =	sor.u32 $0x300, s1;
	v19 =	vld [tilespmem:s0+$0x0];
	vm1 =	vgt.s32 v53, $0x1;
	v18 =	vsel vm2, $0x3, v0;
	[tilespmem:s0+$0x101B0] =	vst v9  }
0x23e: {  	s11 =	sor.u32 $0x280, s1;
	v55 =	vld [tilespmem:s19+$0x0];
	v56 =	vsel vm1, $0x1, v0;
	[tilespmem:s2+$0x10000] =	vst v18  }
0x23f: {  	v57 =	vld [tilespmem:s11+$0x8000];
	[tilespmem:s0+$0x100B0] =	vst v56  }
0x240: {  	s6 =	sor.u32 $0x200, s1;
	v10 =	vld [tilespmem:s0+$0x80];
	vm2 =	vlt.s32 v16, $0x2;
	[tilespmem:s0+$0x18190] =	vst v4  }
0x241: {  	v58 =	vld [tilespmem:s6+$0x0];
	vm3 =	vgt.s32 v14, $0x1;
	v9 =	vsel vm2, $0x0, v1;
	[tilespmem:s0+$0x18090] =	vst v0  }
0x242: {  	v3 =	vld [tilespmem:s11+$0x0];
	v59 =	vsel vm3, $0x4, v0;
	[tilespmem:s0+$0x10100] =	vst v9  }
0x243: {  	vm2 =	vgt.s32 v5, $0x1;
	[tilespmem:s9+$0x10000] =	vst v59  }
0x244: {  	vm4 =	vlt.s32 v6, $0x2;
	v6 =	vsel vm2, $0x1, v0;
	[tilespmem:s0+$0x18110] =	vst v4  }
0x245: {  	v11 =	vld [tilespmem:s0+$0x180];
	vm3 =	vgt.s32 v10, $0x1;
	v9 =	vsel vm4, $0x0, v1;
	[tilespmem:s15+$0x10000] =	vst v6  }
0x246: {  	v6 =	vsel vm3, $0x1, v0;
	vm4 =	vgt.s32 v19, $0x1;
	[tilespmem:s13+$0x10000] =	vst v9  }
0x247: {  	s4 =	sadd.s32 $0x20, s1;
	vm5 =	vgt.s32 v50, $0x1;
	[tilespmem:s0+$0x10080] =	vst v6;
	v6 =	vsel vm4, $0x4, v0  }
0x248: {  	s1 =	sor.u32 $0x200, s4;
	vm4 =	vgt.s32 v8, $0x1;
	v9 =	vsel vm5, $0x3, v0;
	[tilespmem:s0+$0x10000] =	vst v6  }
0x249: {  	v60 =	vld [tilespmem:s1+$0x0];
	v6 =	vnsel vm4, $0x0, v8;
	[tilespmem:s17+$0x10000] =	vst v9  }
0x24a: {  	vm5 =	vgt.s32 v7, $0x1;
	vm4 =	vgt.s32 v11, $0x1;
	v11 =	vld [tilespmem:s0+$0x20];
	[tilespmem:s0+$0x18030] =	vst v6  }
0x24b: {  	v8 =	vld [tilespmem:s0+$0x120];
	v7 =	vnsel vm5, $0x0, v7;
	[tilespmem:s0+$0x180B0] =	vst v0  }
0x24c: {  	v6 =	vld [tilespmem:s0+$0x1A0];
	v9 =	vsel vm4, $0x3, v0;
	[tilespmem:s0+$0x18010] =	vst v7  }
0x24d: {  	s26 =	sor.u32 $0x380, s4;
	v61 =	vld [tilespmem:s0+$0xA0];
	vm4 =	vgt.s32 v58, $0x1;
	v7 =	vnsel vm1, $0x0, v53;
	[tilespmem:s0+$0x10180] =	vst v9  }
0x24e: {  	s3 =	sor.u32 $0x280, s4;
	v62 =	vld [tilespmem:s26+$0x0];
	v9 =	vsel vm4, $0x4, v0;
	[tilespmem:s0+$0x18130] =	vst v7  }
0x24f: {  	s28 =	sor.u32 $0x300, s4;
	[tilespmem:s6+$0x10000] =	vst v9;
	v9 =	vld [tilespmem:s3+$0x0];
	vm1 =	vgt.s32 v11, $0x1  }
0x250: {  	[tilespmem:s0+$0x181B0] =	vst v7;
	v11 =	vld [tilespmem:s28+$0x0];
	vm4 =	vlt.s32 v8, $0x2;
	v8 =	vsel vm1, $0x4, v0  }
0x251: {  	v63 =	vld [tilespmem:s3+$0x8000];
	vm1 =	vgt.s32 v6, $0x1;
	v6 =	vsel vm4, $0x0, v1;
	[tilespmem:s0+$0x10020] =	vst v8  }
0x252: {  	vm5 =	vgt.s32 v61, $0x1;
	v8 =	vsel vm1, $0x3, v0;
	[tilespmem:s0+$0x10120] =	vst v6  }
0x253: {  	vm1 =	vgt.s32 v60, $0x1;
	v6 =	vsel vm5, $0x1, v0;
	[tilespmem:s0+$0x101A0] =	vst v8  }
0x254: {  	v8 =	vsel vm1, $0x4, v0;
	vm4 =	vgt.s32 v9, $0x1;
	[tilespmem:s0+$0x100A0] =	vst v6  }
0x255: {  	v6 =	vsel vm4, $0x1, v0;
	[tilespmem:s1+$0x10000] =	vst v8;
	vm1 =	vlt.s32 v11, $0x2  }
0x256: {  	vm6 =	vgt.s32 v62, $0x1;
	[tilespmem:s3+$0x10000] =	vst v6;
	v8 =	vsel vm1, $0x0, v1  }
0x257: {  	v6 =	vsel vm6, $0x3, v0;
	vm1 =	vgt.s32 v63, $0x1;
	[tilespmem:s28+$0x10000] =	vst v8  }
0x258: {  	v8 =	vnsel vm1, $0x0, v63;
	[tilespmem:s26+$0x10000] =	vst v6  }
0x259: {  	vm1 =	vgt.s32 v3, $0x1;
	[tilespmem:s0+$0x18020] =	vst v8  }
0x25a: {  	v6 =	vsel vm1, $0x1, v0;
	[tilespmem:s0+$0x180A0] =	vst v0  }
0x25b: {  	v8 =	vnsel vm5, $0x0, v61;
	[tilespmem:s11+$0x10000] =	vst v6  }
0x25c: {  	vm5 =	vlt.s32 v55, $0x2;
	[tilespmem:s0+$0x181A0] =	vst v8  }
0x25d: {  	v6 =	vsel vm5, $0x0, v1;
	[tilespmem:s0+$0x18120] =	vst v8  }
0x25e: {  	vm5 =	vgt.s32 v54, $0x1;
	[tilespmem:s19+$0x10000] =	vst v6  }
0x25f: {  	v6 =	vsel vm5, $0x3, v0;
	[tilespmem:s1+$0x18000] =	vst v8  }
0x260: {  	vm5 =	vgt.s32 v57, $0x1;
	[tilespmem:s10+$0x10000] =	vst v6  }
0x261: {  	s12 =	simm.s32 $0x40;
	v6 =	vnsel vm5, $0x0, v57;
	[tilespmem:s0+$0x18080] =	vst v0  }
0x262: {  	s23 =	simm.s32 $0x0;
	p2 =	por !p2, !p2;
	s24 =	simm.s32 $0x200;
	v5 =	vnsel vm2, $0x0, v5;
	[tilespmem:s0+$0x18000] =	vst v6;
	v6 =	vnsel vm3, $0x0, v10  }
.LBB2_13:
0x263: {  	s1 =	simm.s32 $0x1  }
0x264: {  	s4 =	sand.u32 $0x40, s12;
	s5 =	sand.u32 $0x3C00, s24;
	[tilespmem:s0+$0x18180] =	vst v6;
	s1 =	simm.s32 @!p2 $0x0  }
0x265: {  	s23 =	sadd.s32 $0x4, s23;
	v9 =	vnsel vm4, $0x0, v9;
	s1 =	sshll.u32 s1, $0x6;
	[tilespmem:s0+$0x18100] =	vst v6;
	s0 =	sor.u32 s4, s5  }
0x266: {  	p3 =	slt.u32 s23, $0x7C;
	s5 =	sadd.s32 s1, s24;
	v8 =	vld [tilespmem:s0+$0x110];
	[tilespmem:s14+$0x18000] =	vst v4  }
0x267: {  	s7 =	sor.u32 $0x200, s5;
	s1 =	sor.u32 $0x300, s5;
	s20 =	sadd.s32 $0x10, s5;
	v10 =	vld [tilespmem:s0+$0x30];
	[tilespmem:s3+$0x18000] =	vst v0  }
0x268: {  	s22 =	sadd.s32 $0x30, s5;
	v4 =	vld [tilespmem:s0+$0x10];
	s14 =	sor.u32 $0x200, s20;
	s3 =	sor.u32 $0x280, s20;
	[tilespmem:s9+$0x18000] =	vst v7  }
0x269: {  	s4 =	sadd.s32 $0x20, s5;
	s25 =	sor.u32 $0x300, s20;
	v7 =	vld [tilespmem:s0+$0x190];
	[tilespmem:s15+$0x18000] =	vst v0;
	s15 =	sor.u32 $0x280, s22  }
0x26a: {  	v12 =	vnsel vm0, $0x0, v2;
	s20 =	sor.u32 $0x380, s20;
	s9 =	sor.u32 $0x200, s22;
	s29 =	sor.u32 $0x380, s22;
	v11 =	vld [tilespmem:s3+$0x8000];
	[tilespmem:s16+$0x18000] =	vst v0  }
0x26b: {  	s30 =	sor.u32 $0x280, s5;
	s5 =	sor.u32 $0x380, s5;
	s16 =	smov.u32 s3;
	v13 =	vld [tilespmem:s0+$0x100];
	vm0 =	vlt.s32 v8, $0x2;
	[tilespmem:s21+$0x18000] =	vst v12  }
0x26c: {  	s21 =	smov.u32 s25;
	v14 =	vld [tilespmem:s15+$0x8000];
	[tilespmem:s6+$0x18000] =	vst v6;
	s6 =	smov.u32 s7  }
0x26d: {  	s3 =	sor.u32 $0x300, s22;
	v2 =	vld [tilespmem:s16+$0x0];
	vm2 =	vgt.s32 v4, $0x1;
	[tilespmem:s2+$0x18000] =	vst v12;
	s2 =	smov.u32 s20  }
0x26e: {  	v12 =	vsel vm0, $0x0, v1;
	v4 =	vsel vm2, $0x4, v0;
	vm0 =	vgt.s32 v7, $0x1;
	v7 =	vld [tilespmem:s0+$0x130];
	[tilespmem:s28+$0x18000] =	vst v9  }
0x26f: {  	v15 =	vld [tilespmem:s0+$0x90];
	vm2 =	vgt.s32 v11, $0x1;
	v16 =	vsel vm0, $0x3, v0;
	[tilespmem:s11+$0x18000] =	vst v0;
	s11 =	smov.u32 s30  }
0x270: {  	v17 =	vld [tilespmem:s21+$0x0];
	v8 =	vnsel vm2, $0x0, v11;
	[tilespmem:s26+$0x18000] =	vst v9  }
0x271: {  	v3 =	vnsel vm1, $0x0, v3;
	v9 =	vld [tilespmem:s2+$0x0];
	[tilespmem:s13+$0x18000] =	vst v5;
	s13 =	smov.u32 s3  }
0x272: {  	v6 =	vld [tilespmem:s0+$0x80];
	vm0 =	vgt.s32 v2, $0x1;
	[tilespmem:s19+$0x18000] =	vst v3;
	s19 =	smov.u32 s1  }
0x273: {  	v11 =	vld [tilespmem:s9+$0x0];
	[tilespmem:s10+$0x18000] =	vst v3;
	s10 =	smov.u32 s5  }
0x274: {  	v3 =	vld [tilespmem:s14+$0x0];
	vm1 =	vgt.s32 v15, $0x1;
	[tilespmem:s17+$0x18000] =	vst v5;
	s17 =	smov.u32 s29  }
0x275: {  	v5 =	vsel vm1, $0x1, v0;
	[tilespmem:s0+$0x10110] =	vst v12;
	vm3 =	vlt.s32 v17, $0x2;
	v12 =	vld [tilespmem:s15+$0x0]  }
0x276: {  	v17 =	vld [tilespmem:s0+$0x180];
	[tilespmem:s0+$0x10090] =	vst v5;
	vm4 =	vgt.s32 v9, $0x1  }
0x277: {  	vm2 =	vgt.s32 v6, $0x1;
	[tilespmem:s0+$0x10190] =	vst v16;
	v5 =	vld [tilespmem:s17+$0x0]  }
0x278: {  	vm5 =	vlt.s32 v13, $0x2;
	s26 =	sor.u32 $0x380, s4;
	v9 =	vld [tilespmem:s10+$0x0];
	[tilespmem:s0+$0x10010] =	vst v4  }
0x279: {  	s28 =	sor.u32 $0x300, s4;
	v13 =	vsel vm5, $0x0, v1;
	s3 =	sor.u32 $0x280, s4;
	s1 =	sor.u32 $0x200, s4;
	v16 =	vsel vm0, $0x1, v0;
	vm5 =	vgt.s32 v3, $0x1;
	v18 =	vld [tilespmem:s13+$0x0]  }
0x27a: {  	v19 =	vsel vm2, $0x1, v0;
	v3 =	vsel vm5, $0x4, v0;
	v20 =	vld [tilespmem:s0+$0x1B0];
	vm5 =	vlt.s32 v7, $0x2  }
0x27b: {  	v4 =	vnsel vm1, $0x0, v15;
	v15 =	vsel vm4, $0x3, v0;
	v7 =	vld [tilespmem:s0+$0x0];
	[tilespmem:s14+$0x10000] =	vst v3;
	v3 =	vsel vm5, $0x0, v1  }
0x27c: {  	vm1 =	vgt.s32 v10, $0x1;
	vm4 =	vgt.s32 v17, $0x1;
	v17 =	vsel vm3, $0x0, v1;
	v21 =	vld [tilespmem:s0+$0xB0];
	[tilespmem:s0+$0x10130] =	vst v3  }
0x27d: {  	vm5 =	vgt.s32 v14, $0x1;
	v3 =	vld [tilespmem:s11+$0x0];
	vm3 =	vgt.s32 v9, $0x1;
	[tilespmem:s16+$0x10000] =	vst v16;
	v9 =	vsel vm1, $0x4, v0  }
0x27e: {  	v14 =	vnsel vm5, $0x0, v14;
	vm1 =	vgt.s32 v11, $0x1;
	v10 =	vld [tilespmem:s1+$0x0];
	[tilespmem:s0+$0x10030] =	vst v9;
	vm8 =	vlt.s32 v18, $0x2  }
0x27f: {  	vm5 =	vgt.s32 v12, $0x1;
	v9 =	vsel vm1, $0x4, v0;
	[tilespmem:s21+$0x10000] =	vst v17;
	vm6 =	vgt.s32 v20, $0x1  }
0x280: {  	vm7 =	vgt.s32 v7, $0x1;
	[tilespmem:s2+$0x10000] =	vst v15;
	v7 =	vld [tilespmem:s0+$0x120];
	v11 =	vsel vm6, $0x3, v0;
	v15 =	vsel vm5, $0x1, v0  }
0x281: {  	vm9 =	vgt.s32 v5, $0x1;
	[tilespmem:s0+$0x18190] =	vst v4;
	v16 =	vld [tilespmem:s0+$0x1A0];
	vm6 =	vgt.s32 v21, $0x1  }
0x282: {  	v18 =	vsel vm9, $0x3, v0;
	v17 =	vld [tilespmem:s19+$0x0];
	vm1 =	vgt.s32 v3, $0x1;
	[tilespmem:s0+$0x18090] =	vst v0;
	v5 =	vsel vm6, $0x1, v0  }
0x283: {  	v22 =	vsel vm7, $0x4, v0;
	v20 =	vld [tilespmem:s11+$0x8000];
	vm7 =	vgt.s32 v10, $0x1;
	[tilespmem:s0+$0x101B0] =	vst v11  }
0x284: {  	v10 =	vld [tilespmem:s6+$0x0];
	[tilespmem:s0+$0x100B0] =	vst v5  }
0x285: {  	v5 =	vsel vm8, $0x0, v1;
	[tilespmem:s0+$0x10100] =	vst v13;
	v11 =	vld [tilespmem:s0+$0xA0]  }
0x286: {  	v13 =	vld [tilespmem:s26+$0x0];
	[tilespmem:s9+$0x10000] =	vst v9  }
0x287: {  	v23 =	vld [tilespmem:s3+$0x8000];
	[tilespmem:s15+$0x10000] =	vst v15  }
0x288: {  	vm9 =	vgt.s32 v16, $0x1;
	vm8 =	vgt.s32 v20, $0x1;
	v15 =	vld [tilespmem:s28+$0x0];
	[tilespmem:s13+$0x10000] =	vst v5  }
0x289: {  	vm10 =	vlt.s32 v7, $0x2;
	v16 =	vsel vm9, $0x3, v0;
	v5 =	vnsel vm5, $0x0, v12;
	[tilespmem:s0+$0x10080] =	vst v19  }
0x28a: {  	v12 =	vsel vm4, $0x3, v0;
	v19 =	vsel vm10, $0x0, v1;
	[tilespmem:s0+$0x18110] =	vst v4;
	vm5 =	vgt.s32 v11, $0x1  }
0x28b: {  	vm4 =	vgt.s32 v10, $0x1;
	[tilespmem:s0+$0x10000] =	vst v22;
	v10 =	vsel vm5, $0x1, v0;
	vm9 =	vgt.s32 v13, $0x1  }
0x28c: {  	v13 =	vnsel vm8, $0x0, v20;
	v20 =	vsel vm4, $0x4, v0;
	v9 =	vld [tilespmem:s3+$0x0];
	vm4 =	vgt.s32 v23, $0x1;
	[tilespmem:s17+$0x10000] =	vst v18  }
0x28d: {  	v7 =	vnsel vm6, $0x0, v21;
	v18 =	vld [tilespmem:s0+$0x20];
	v22 =	vnsel vm4, $0x0, v23;
	vm4 =	vlt.s32 v15, $0x2;
	[tilespmem:s0+$0x18030] =	vst v14  }
0x28e: {  	v14 =	vsel vm4, $0x0, v1;
	[tilespmem:s0+$0x180B0] =	vst v0  }
0x28f: {  	[tilespmem:s0+$0x10180] =	vst v12  }
0x290: {  	v12 =	vsel vm9, $0x3, v0;
	[tilespmem:s0+$0x18010] =	vst v8;
	v8 =	vsel vm7, $0x4, v0  }
0x291: {  	[tilespmem:s6+$0x10000] =	vst v20;
	vm4 =	vgt.s32 v9, $0x1  }
0x292: {  	vm6 =	vgt.s32 v18, $0x1;
	v15 =	vsel vm4, $0x1, v0;
	[tilespmem:s0+$0x18130] =	vst v7  }
0x293: {  	v18 =	vsel vm6, $0x4, v0;
	[tilespmem:s0+$0x181B0] =	vst v7  }
0x294: {  	[tilespmem:s0+$0x10020] =	vst v18  }
0x295: {  	[tilespmem:s0+$0x10120] =	vst v19  }
0x296: {  	[tilespmem:s0+$0x101A0] =	vst v16  }
0x297: {  	[tilespmem:s0+$0x100A0] =	vst v10  }
0x298: {  	[tilespmem:s1+$0x10000] =	vst v8  }
0x299: {  	[tilespmem:s3+$0x10000] =	vst v15  }
0x29a: {  	[tilespmem:s28+$0x10000] =	vst v14  }
0x29b: {  	v8 =	vsel vm1, $0x1, v0;
	[tilespmem:s26+$0x10000] =	vst v12  }
0x29c: {  	[tilespmem:s0+$0x18020] =	vst v22  }
0x29d: {  	v10 =	vnsel vm5, $0x0, v11;
	[tilespmem:s0+$0x180A0] =	vst v0  }
0x29e: {  	vm5 =	vlt.s32 v17, $0x2;
	[tilespmem:s0+$0x181A0] =	vst v10  }
0x29f: {  	[tilespmem:s11+$0x10000] =	vst v8;
	v8 =	vsel vm5, $0x0, v1  }
0x2a0: {  	[tilespmem:s19+$0x10000] =	vst v8  }
.Ltmp7:
0x2a1: {  	v8 =	vsel vm3, $0x3, v0;
	[tilespmem:s0+$0x18120] =	vst v10;
	(pc) =	sbr.rel @p3 .LBB2_13-.Ltmp7, $4  }
0x2a2: {  	[tilespmem:s10+$0x10000] =	vst v8  }
0x2a3: {  	[tilespmem:s0+$0x18080] =	vst v0  }
0x2a4: {  	[tilespmem:s0+$0x18000] =	vst v13  }
0x2a5: {  	s12 =	sadd.s32 $0x40, s12;
	p2 =	por !p2, !p2;
	s24 =	sadd.s32 $0x200, s24;
	v6 =	vnsel vm2, $0x0, v6;
	[tilespmem:s1+$0x18000] =	vst v10  }
0x2a6: {  	[tilespmem:s0+$0x18180] =	vst v6  }
0x2a7: {  	[tilespmem:s0+$0x18100] =	vst v6  }
0x2a8: {  	[tilespmem:s14+$0x18000] =	vst v4  }
0x2a9: {  	[tilespmem:s3+$0x18000] =	vst v0  }
0x2aa: {  	[tilespmem:s9+$0x18000] =	vst v7  }
0x2ab: {  	[tilespmem:s15+$0x18000] =	vst v0  }
0x2ac: {  	[tilespmem:s16+$0x18000] =	vst v0  }
0x2ad: {  	v63 =	vnsel vm4, $0x0, v9;
	[tilespmem:s6+$0x18000] =	vst v6  }
0x2ae: {  	v2 =	vnsel vm0, $0x0, v2;
	[tilespmem:s28+$0x18000] =	vst v63  }
0x2af: {  	[tilespmem:s21+$0x18000] =	vst v2  }
0x2b0: {  	[tilespmem:s11+$0x18000] =	vst v0  }
0x2b1: {  	[tilespmem:s26+$0x18000] =	vst v63  }
0x2b2: {  	[tilespmem:s13+$0x18000] =	vst v5  }
0x2b3: {  	[tilespmem:s2+$0x18000] =	vst v2  }
0x2b4: {  	v2 =	vnsel vm1, $0x0, v3;
	[tilespmem:s17+$0x18000] =	vst v5  }
.Ltmp8:
0x2b5: {  	s30 =	simm.s32 $0x0;
	s28 =	rddreg [dreg:$0x1];
	[tilespmem:s19+$0x18000] =	vst v2;
	(pc) =	sbr.rel @p1 .LBB2_20-.Ltmp8, $4  }
0x2b6: {  	s1 =	simm.s32 $0x10000;
	s29 =	rddreg [dreg:$0x2];
	s0 =	sadd.s32 s28, s18;
	[tilespmem:s10+$0x18000] =	vst v2  }
0x2b7: {  	[hbm4b:s0+s30] =	stream.linear.scatter [tilespmem:s1], [sflag:$0x5], $0x4000, $0x38;
	[tilespmem:$0x1C000] =	vst v63  }
0x2b8: {  	s31 =	simm.s32 $0x18000;
	s0 =	sadd.s32 s29, s18  }
0x2b9: {  	[hbm4b:s0+s30] =	stream.linear.scatter [tilespmem:s31], [sflag:$0x5], $0x4000, $0x38;
	[tilespmem:$0x1C000] =	vst v63  }
0x2ba: {  	s0 =	rddreg [dreg:$0xb]  }
0x2bb: {  	s0 =	sadd.s32 s8, s0  }
0x2bc: {  	s23 =	rddreg [dreg:$0x0];
	s1 =	simm.s32 $0x0;
	s18 =	sshrl.u32 s0, $0x3  }
0x2bd: {  	s2 =	simm.s32 $0x8000;
	s24 =	simm.s32 $0x2;
	s0 =	sadd.s32 s23, s18  }
0x2be: {  	[tilespmem:s2], [sflag:$0x3] =	stream.linear.gather [hbm4b:s0+s1], $0x4000, $0x38;
	[tilespmem:$0x1C000] =	vst v63  }
0x2bf: {  	_ =	swait.ge [sflag:s24], $0x4000  }
0x2c0: {  	[sflag:s24] =	ssyncset.done $0x0  }
0x2c1: {  	s3 =	simm.s32 $0x4;
	[sflag:s24] =	ssyncadd.s32 $0xFFFFC000  }
0x2c2: {  	_ =	swait.ge [sflag:s3], $0x4000  }
0x2c3: {  	[sflag:s3] =	ssyncset.done $0x0  }
0x2c4: {  	[sflag:s3] =	ssyncadd.s32 $0xFFFFC000  }
0x2c5: {  	p1 =	por $0x0, $0x0;
	s25 =	sand.u32 $0x40, s1;
	_ =	swait.ge [sflag:s3], $0x4000  }
0x2c6: {  	s2 =	simm.s32 $0x1;
	s1 =	sand.u32 $0x3C00, s1;
	[sflag:s3] =	ssyncset.done $0x0  }
0x2c7: {  	s2 =	simm.s32 @!p1 $0x0;
	s0 =	sor.u32 s25, s1;
	[sflag:s3] =	ssyncadd.s32 $0xFFFFC000  }
0x2c8: {  	s26 =	sshll.u32 s2, $0x6;
	v3 =	vld [tilespmem:s0+$0x4110]  }
0x2c9: {  	s1 =	sadd.s32 $0x0, s26;
	v4 =	vld [tilespmem:s0+$0x4030]  }
0x2ca: {  	s28 =	sadd.s32 $0x10, s1;
	v6 =	vld [tilespmem:s0+$0x4010]  }
0x2cb: {  	s29 =	sadd.s32 $0x30, s1;
	s16 =	sor.u32 $0x280, s28;
	v5 =	vld [tilespmem:s0+$0x4190]  }
0x2cc: {  	s15 =	sor.u32 $0x280, s29;
	v7 =	vld [tilespmem:s16+$0x0]  }
0x2cd: {  	v8 =	vld [tilespmem:s15+$0x0]  }
0x2ce: {  	v2 =	vld [tilespmem:s16+$0x4000]  }
0x2cf: {  	v9 =	vld [tilespmem:s0+$0x4090]  }
0x2d0: {  	s17 =	sor.u32 $0x300, s28;
	v10 =	vld [tilespmem:s0+$0x4130]  }
0x2d1: {  	s14 =	sor.u32 $0x200, s28;
	v11 =	vld [tilespmem:s17+$0x4000]  }
0x2d2: {  	s9 =	sor.u32 $0x200, s29;
	v12 =	vld [tilespmem:s14+$0x4000]  }
0x2d3: {  	s31 =	sor.u32 $0x380, s29;
	v14 =	vld [tilespmem:s9+$0x4000];
	vm0 =	vlt.s32 v3, $0x2  }
0x2d4: {  	s2 =	sor.u32 $0x380, s28;
	v50 =	vld [tilespmem:s31+$0x4000];
	vm1 =	vgt.s32 v9, $0x1;
	v13 =	vsel vm0, $0x0, v1  }
0x2d5: {  	v3 =	vld [tilespmem:s2+$0x4000];
	vm2 =	vgt.s32 v6, $0x1;
	v15 =	vsel vm1, $0x1, v0;
	[tilespmem:s0+$0xC110] =	vst v13  }
0x2d6: {  	v52 =	vld [tilespmem:s0+$0x41B0];
	vm0 =	vgt.s32 v5, $0x1;
	v51 =	vsel vm2, $0x4, v0;
	[tilespmem:s0+$0xC090] =	vst v15  }
0x2d7: {  	v53 =	vld [tilespmem:s0+$0x40B0];
	vm2 =	vlt.s32 v10, $0x2;
	v6 =	vsel vm0, $0x3, v0;
	[tilespmem:s0+$0xC010] =	vst v51  }
0x2d8: {  	s13 =	sor.u32 $0x300, s29;
	v5 =	vld [tilespmem:s15+$0x4000];
	vm0 =	vgt.s32 v12, $0x1;
	v10 =	vsel vm2, $0x0, v1;
	[tilespmem:s0+$0xC190] =	vst v6  }
0x2d9: {  	vm2 =	vgt.s32 v4, $0x1;
	v6 =	vld [tilespmem:s13+$0x4000];
	v12 =	vsel vm0, $0x4, v0;
	[tilespmem:s0+$0xC130] =	vst v10  }
0x2da: {  	vm0 =	vgt.s32 v2, $0x1;
	v4 =	vsel vm2, $0x4, v0;
	[tilespmem:s14+$0xC000] =	vst v12  }
0x2db: {  	vm3 =	vlt.s32 v11, $0x2;
	v17 =	vsel vm0, $0x1, v0;
	[tilespmem:s0+$0xC030] =	vst v4;
	v4 =	vnsel vm1, $0x0, v9  }
0x2dc: {  	s21 =	sor.u32 $0x380, s1;
	v16 =	vld [tilespmem:s0+$0x4100];
	vm1 =	vgt.s32 v52, $0x1;
	[tilespmem:s16+$0xC000] =	vst v17;
	vm2 =	vgt.s32 v3, $0x1;
	v3 =	vsel vm3, $0x0, v1  }
0x2dd: {  	v54 =	vld [tilespmem:s21+$0x4000];
	v9 =	vsel vm1, $0x3, v0;
	[tilespmem:s17+$0xC000] =	vst v3  }
0x2de: {  	s11 =	sor.u32 $0x300, s1;
	v19 =	vld [tilespmem:s0+$0x4000];
	vm1 =	vgt.s32 v53, $0x1;
	v18 =	vsel vm2, $0x3, v0;
	[tilespmem:s0+$0xC1B0] =	vst v9  }
0x2df: {  	s10 =	sor.u32 $0x280, s1;
	v55 =	vld [tilespmem:s11+$0x4000];
	v56 =	vsel vm1, $0x1, v0;
	[tilespmem:s2+$0xC000] =	vst v18  }
0x2e0: {  	v57 =	vld [tilespmem:s10+$0x0];
	[tilespmem:s0+$0xC0B0] =	vst v56  }
0x2e1: {  	s6 =	sor.u32 $0x200, s1;
	v10 =	vld [tilespmem:s0+$0x4080];
	vm2 =	vlt.s32 v16, $0x2;
	[tilespmem:s0+$0x14190] =	vst v4  }
0x2e2: {  	v58 =	vld [tilespmem:s6+$0x4000];
	vm3 =	vgt.s32 v14, $0x1;
	v9 =	vsel vm2, $0x0, v1;
	[tilespmem:s0+$0x14090] =	vst v0  }
0x2e3: {  	v3 =	vld [tilespmem:s10+$0x4000];
	v59 =	vsel vm3, $0x4, v0;
	[tilespmem:s0+$0xC100] =	vst v9  }
0x2e4: {  	vm2 =	vgt.s32 v5, $0x1;
	[tilespmem:s9+$0xC000] =	vst v59  }
0x2e5: {  	vm4 =	vlt.s32 v6, $0x2;
	v6 =	vsel vm2, $0x1, v0;
	[tilespmem:s0+$0x14110] =	vst v4  }
0x2e6: {  	v11 =	vld [tilespmem:s0+$0x4180];
	vm3 =	vgt.s32 v10, $0x1;
	v9 =	vsel vm4, $0x0, v1;
	[tilespmem:s15+$0xC000] =	vst v6  }
0x2e7: {  	v6 =	vsel vm3, $0x1, v0;
	vm4 =	vgt.s32 v19, $0x1;
	[tilespmem:s13+$0xC000] =	vst v9  }
0x2e8: {  	s4 =	sadd.s32 $0x20, s1;
	vm5 =	vgt.s32 v50, $0x1;
	[tilespmem:s0+$0xC080] =	vst v6;
	v6 =	vsel vm4, $0x4, v0  }
0x2e9: {  	s1 =	sor.u32 $0x200, s4;
	vm4 =	vgt.s32 v8, $0x1;
	v9 =	vsel vm5, $0x3, v0;
	[tilespmem:s0+$0xC000] =	vst v6  }
0x2ea: {  	v60 =	vld [tilespmem:s1+$0x4000];
	v6 =	vnsel vm4, $0x0, v8;
	[tilespmem:s31+$0xC000] =	vst v9  }
0x2eb: {  	vm5 =	vgt.s32 v7, $0x1;
	vm4 =	vgt.s32 v11, $0x1;
	v11 =	vld [tilespmem:s0+$0x4020];
	[tilespmem:s0+$0x14030] =	vst v6  }
0x2ec: {  	v8 =	vld [tilespmem:s0+$0x4120];
	v7 =	vnsel vm5, $0x0, v7;
	[tilespmem:s0+$0x140B0] =	vst v0  }
0x2ed: {  	v6 =	vld [tilespmem:s0+$0x41A0];
	v9 =	vsel vm4, $0x3, v0;
	[tilespmem:s0+$0x14010] =	vst v7  }
0x2ee: {  	s19 =	sor.u32 $0x380, s4;
	v61 =	vld [tilespmem:s0+$0x40A0];
	vm4 =	vgt.s32 v58, $0x1;
	v7 =	vnsel vm1, $0x0, v53;
	[tilespmem:s0+$0xC180] =	vst v9  }
0x2ef: {  	s3 =	sor.u32 $0x280, s4;
	v62 =	vld [tilespmem:s19+$0x4000];
	v9 =	vsel vm4, $0x4, v0;
	[tilespmem:s0+$0x14130] =	vst v7  }
0x2f0: {  	s26 =	sor.u32 $0x300, s4;
	[tilespmem:s6+$0xC000] =	vst v9;
	v9 =	vld [tilespmem:s3+$0x4000];
	vm1 =	vgt.s32 v11, $0x1  }
0x2f1: {  	[tilespmem:s0+$0x141B0] =	vst v7;
	v11 =	vld [tilespmem:s26+$0x4000];
	vm4 =	vlt.s32 v8, $0x2;
	v8 =	vsel vm1, $0x4, v0  }
0x2f2: {  	v63 =	vld [tilespmem:s3+$0x0];
	vm1 =	vgt.s32 v6, $0x1;
	v6 =	vsel vm4, $0x0, v1;
	[tilespmem:s0+$0xC020] =	vst v8  }
0x2f3: {  	vm5 =	vgt.s32 v61, $0x1;
	v8 =	vsel vm1, $0x3, v0;
	[tilespmem:s0+$0xC120] =	vst v6  }
0x2f4: {  	vm1 =	vgt.s32 v60, $0x1;
	v6 =	vsel vm5, $0x1, v0;
	[tilespmem:s0+$0xC1A0] =	vst v8  }
0x2f5: {  	v8 =	vsel vm1, $0x4, v0;
	vm4 =	vgt.s32 v9, $0x1;
	[tilespmem:s0+$0xC0A0] =	vst v6  }
0x2f6: {  	v6 =	vsel vm4, $0x1, v0;
	[tilespmem:s1+$0xC000] =	vst v8;
	vm1 =	vlt.s32 v11, $0x2  }
0x2f7: {  	vm6 =	vgt.s32 v62, $0x1;
	[tilespmem:s3+$0xC000] =	vst v6;
	v8 =	vsel vm1, $0x0, v1  }
0x2f8: {  	v6 =	vsel vm6, $0x3, v0;
	vm1 =	vgt.s32 v63, $0x1;
	[tilespmem:s26+$0xC000] =	vst v8  }
0x2f9: {  	v8 =	vnsel vm1, $0x0, v63;
	[tilespmem:s19+$0xC000] =	vst v6  }
0x2fa: {  	vm1 =	vgt.s32 v3, $0x1;
	[tilespmem:s0+$0x14020] =	vst v8  }
0x2fb: {  	v6 =	vsel vm1, $0x1, v0;
	[tilespmem:s0+$0x140A0] =	vst v0  }
0x2fc: {  	v8 =	vnsel vm5, $0x0, v61;
	[tilespmem:s10+$0xC000] =	vst v6  }
0x2fd: {  	vm5 =	vlt.s32 v55, $0x2;
	[tilespmem:s0+$0x141A0] =	vst v8  }
0x2fe: {  	v6 =	vsel vm5, $0x0, v1;
	[tilespmem:s0+$0x14120] =	vst v8  }
0x2ff: {  	vm5 =	vgt.s32 v54, $0x1;
	[tilespmem:s11+$0xC000] =	vst v6  }
0x300: {  	v6 =	vsel vm5, $0x3, v0;
	[tilespmem:s1+$0x14000] =	vst v8  }
0x301: {  	vm5 =	vgt.s32 v57, $0x1;
	[tilespmem:s21+$0xC000] =	vst v6  }
0x302: {  	s12 =	simm.s32 $0x40;
	v6 =	vnsel vm5, $0x0, v57;
	[tilespmem:s0+$0x14080] =	vst v0  }
0x303: {  	s23 =	simm.s32 $0x0;
	p1 =	por !p1, !p1;
	s24 =	simm.s32 $0x200;
	v5 =	vnsel vm2, $0x0, v5;
	[tilespmem:s0+$0x14000] =	vst v6;
	v6 =	vnsel vm3, $0x0, v10  }
.LBB2_16:
0x304: {  	s1 =	simm.s32 $0x1  }
0x305: {  	s4 =	sand.u32 $0x40, s12;
	s5 =	sand.u32 $0x3C00, s24;
	[tilespmem:s0+$0x14180] =	vst v6;
	s1 =	simm.s32 @!p1 $0x0  }
0x306: {  	s23 =	sadd.s32 $0x4, s23;
	v9 =	vnsel vm4, $0x0, v9;
	s1 =	sshll.u32 s1, $0x6;
	[tilespmem:s0+$0x14100] =	vst v6;
	s0 =	sor.u32 s4, s5  }
0x307: {  	p2 =	slt.u32 s23, $0x7C;
	s5 =	sadd.s32 s1, s24;
	v8 =	vld [tilespmem:s0+$0x4110];
	[tilespmem:s14+$0x14000] =	vst v4  }
0x308: {  	s7 =	sor.u32 $0x200, s5;
	s1 =	sor.u32 $0x300, s5;
	s20 =	sadd.s32 $0x10, s5;
	v10 =	vld [tilespmem:s0+$0x4030];
	[tilespmem:s3+$0x14000] =	vst v0  }
0x309: {  	s22 =	sadd.s32 $0x30, s5;
	v4 =	vld [tilespmem:s0+$0x4010];
	s14 =	sor.u32 $0x200, s20;
	s3 =	sor.u32 $0x280, s20;
	[tilespmem:s9+$0x14000] =	vst v7  }
0x30a: {  	s4 =	sadd.s32 $0x20, s5;
	s25 =	sor.u32 $0x300, s20;
	v7 =	vld [tilespmem:s0+$0x4190];
	[tilespmem:s15+$0x14000] =	vst v0;
	s15 =	sor.u32 $0x280, s22  }
0x30b: {  	v12 =	vnsel vm0, $0x0, v2;
	s20 =	sor.u32 $0x380, s20;
	s9 =	sor.u32 $0x200, s22;
	s28 =	sor.u32 $0x380, s22;
	v11 =	vld [tilespmem:s3+$0x0];
	[tilespmem:s16+$0x14000] =	vst v0  }
0x30c: {  	s29 =	sor.u32 $0x280, s5;
	s5 =	sor.u32 $0x380, s5;
	s16 =	smov.u32 s3;
	v13 =	vld [tilespmem:s0+$0x4100];
	vm0 =	vlt.s32 v8, $0x2;
	[tilespmem:s17+$0x14000] =	vst v12  }
0x30d: {  	s17 =	smov.u32 s25;
	v14 =	vld [tilespmem:s15+$0x0];
	[tilespmem:s6+$0x14000] =	vst v6;
	s6 =	smov.u32 s7  }
0x30e: {  	s3 =	sor.u32 $0x300, s22;
	v2 =	vld [tilespmem:s16+$0x4000];
	vm2 =	vgt.s32 v4, $0x1;
	[tilespmem:s2+$0x14000] =	vst v12;
	s2 =	smov.u32 s20  }
0x30f: {  	v12 =	vsel vm0, $0x0, v1;
	v4 =	vsel vm2, $0x4, v0;
	vm0 =	vgt.s32 v7, $0x1;
	v7 =	vld [tilespmem:s0+$0x4130];
	[tilespmem:s26+$0x14000] =	vst v9  }
0x310: {  	v15 =	vld [tilespmem:s0+$0x4090];
	vm2 =	vgt.s32 v11, $0x1;
	v16 =	vsel vm0, $0x3, v0;
	[tilespmem:s10+$0x14000] =	vst v0;
	s10 =	smov.u32 s29  }
0x311: {  	v17 =	vld [tilespmem:s17+$0x4000];
	v8 =	vnsel vm2, $0x0, v11;
	[tilespmem:s19+$0x14000] =	vst v9  }
0x312: {  	v3 =	vnsel vm1, $0x0, v3;
	v9 =	vld [tilespmem:s2+$0x4000];
	[tilespmem:s13+$0x14000] =	vst v5;
	s13 =	smov.u32 s3  }
0x313: {  	v6 =	vld [tilespmem:s0+$0x4080];
	vm0 =	vgt.s32 v2, $0x1;
	[tilespmem:s11+$0x14000] =	vst v3;
	s11 =	smov.u32 s1  }
0x314: {  	v11 =	vld [tilespmem:s9+$0x4000];
	[tilespmem:s21+$0x14000] =	vst v3;
	s21 =	smov.u32 s5  }
0x315: {  	v3 =	vld [tilespmem:s14+$0x4000];
	vm1 =	vgt.s32 v15, $0x1;
	[tilespmem:s31+$0x14000] =	vst v5;
	s31 =	smov.u32 s28  }
0x316: {  	v5 =	vsel vm1, $0x1, v0;
	[tilespmem:s0+$0xC110] =	vst v12;
	vm3 =	vlt.s32 v17, $0x2;
	v12 =	vld [tilespmem:s15+$0x4000]  }
0x317: {  	v17 =	vld [tilespmem:s0+$0x4180];
	[tilespmem:s0+$0xC090] =	vst v5;
	vm4 =	vgt.s32 v9, $0x1  }
0x318: {  	vm2 =	vgt.s32 v6, $0x1;
	[tilespmem:s0+$0xC190] =	vst v16;
	v5 =	vld [tilespmem:s31+$0x4000]  }
0x319: {  	vm5 =	vlt.s32 v13, $0x2;
	s19 =	sor.u32 $0x380, s4;
	v9 =	vld [tilespmem:s21+$0x4000];
	[tilespmem:s0+$0xC010] =	vst v4  }
0x31a: {  	s26 =	sor.u32 $0x300, s4;
	v13 =	vsel vm5, $0x0, v1;
	s3 =	sor.u32 $0x280, s4;
	s1 =	sor.u32 $0x200, s4;
	v16 =	vsel vm0, $0x1, v0;
	vm5 =	vgt.s32 v3, $0x1;
	v18 =	vld [tilespmem:s13+$0x4000]  }
0x31b: {  	v19 =	vsel vm2, $0x1, v0;
	v3 =	vsel vm5, $0x4, v0;
	v20 =	vld [tilespmem:s0+$0x41B0];
	vm5 =	vlt.s32 v7, $0x2  }
0x31c: {  	v4 =	vnsel vm1, $0x0, v15;
	v15 =	vsel vm4, $0x3, v0;
	v7 =	vld [tilespmem:s0+$0x4000];
	[tilespmem:s14+$0xC000] =	vst v3;
	v3 =	vsel vm5, $0x0, v1  }
0x31d: {  	vm1 =	vgt.s32 v10, $0x1;
	vm4 =	vgt.s32 v17, $0x1;
	v17 =	vsel vm3, $0x0, v1;
	v21 =	vld [tilespmem:s0+$0x40B0];
	[tilespmem:s0+$0xC130] =	vst v3  }
0x31e: {  	vm5 =	vgt.s32 v14, $0x1;
	v3 =	vld [tilespmem:s10+$0x4000];
	vm3 =	vgt.s32 v9, $0x1;
	[tilespmem:s16+$0xC000] =	vst v16;
	v9 =	vsel vm1, $0x4, v0  }
0x31f: {  	v14 =	vnsel vm5, $0x0, v14;
	vm1 =	vgt.s32 v11, $0x1;
	v10 =	vld [tilespmem:s1+$0x4000];
	[tilespmem:s0+$0xC030] =	vst v9;
	vm8 =	vlt.s32 v18, $0x2  }
0x320: {  	vm5 =	vgt.s32 v12, $0x1;
	v9 =	vsel vm1, $0x4, v0;
	[tilespmem:s17+$0xC000] =	vst v17;
	vm6 =	vgt.s32 v20, $0x1  }
0x321: {  	vm7 =	vgt.s32 v7, $0x1;
	[tilespmem:s2+$0xC000] =	vst v15;
	v7 =	vld [tilespmem:s0+$0x4120];
	v11 =	vsel vm6, $0x3, v0;
	v15 =	vsel vm5, $0x1, v0  }
0x322: {  	vm9 =	vgt.s32 v5, $0x1;
	[tilespmem:s0+$0x14190] =	vst v4;
	v16 =	vld [tilespmem:s0+$0x41A0];
	vm6 =	vgt.s32 v21, $0x1  }
0x323: {  	v18 =	vsel vm9, $0x3, v0;
	v17 =	vld [tilespmem:s11+$0x4000];
	vm1 =	vgt.s32 v3, $0x1;
	[tilespmem:s0+$0x14090] =	vst v0;
	v5 =	vsel vm6, $0x1, v0  }
0x324: {  	v22 =	vsel vm7, $0x4, v0;
	v20 =	vld [tilespmem:s10+$0x0];
	vm7 =	vgt.s32 v10, $0x1;
	[tilespmem:s0+$0xC1B0] =	vst v11  }
0x325: {  	v10 =	vld [tilespmem:s6+$0x4000];
	[tilespmem:s0+$0xC0B0] =	vst v5  }
0x326: {  	v5 =	vsel vm8, $0x0, v1;
	[tilespmem:s0+$0xC100] =	vst v13;
	v11 =	vld [tilespmem:s0+$0x40A0]  }
0x327: {  	v13 =	vld [tilespmem:s19+$0x4000];
	[tilespmem:s9+$0xC000] =	vst v9  }
0x328: {  	v23 =	vld [tilespmem:s3+$0x0];
	[tilespmem:s15+$0xC000] =	vst v15  }
0x329: {  	vm9 =	vgt.s32 v16, $0x1;
	vm8 =	vgt.s32 v20, $0x1;
	v15 =	vld [tilespmem:s26+$0x4000];
	[tilespmem:s13+$0xC000] =	vst v5  }
0x32a: {  	vm10 =	vlt.s32 v7, $0x2;
	v16 =	vsel vm9, $0x3, v0;
	v5 =	vnsel vm5, $0x0, v12;
	[tilespmem:s0+$0xC080] =	vst v19  }
0x32b: {  	v12 =	vsel vm4, $0x3, v0;
	v19 =	vsel vm10, $0x0, v1;
	[tilespmem:s0+$0x14110] =	vst v4;
	vm5 =	vgt.s32 v11, $0x1  }
0x32c: {  	vm4 =	vgt.s32 v10, $0x1;
	[tilespmem:s0+$0xC000] =	vst v22;
	v10 =	vsel vm5, $0x1, v0;
	vm9 =	vgt.s32 v13, $0x1  }
0x32d: {  	v13 =	vnsel vm8, $0x0, v20;
	v20 =	vsel vm4, $0x4, v0;
	v9 =	vld [tilespmem:s3+$0x4000];
	vm4 =	vgt.s32 v23, $0x1;
	[tilespmem:s31+$0xC000] =	vst v18  }
0x32e: {  	v7 =	vnsel vm6, $0x0, v21;
	v18 =	vld [tilespmem:s0+$0x4020];
	v22 =	vnsel vm4, $0x0, v23;
	vm4 =	vlt.s32 v15, $0x2;
	[tilespmem:s0+$0x14030] =	vst v14  }
0x32f: {  	v14 =	vsel vm4, $0x0, v1;
	[tilespmem:s0+$0x140B0] =	vst v0  }
0x330: {  	[tilespmem:s0+$0xC180] =	vst v12  }
0x331: {  	v12 =	vsel vm9, $0x3, v0;
	[tilespmem:s0+$0x14010] =	vst v8;
	v8 =	vsel vm7, $0x4, v0  }
0x332: {  	[tilespmem:s6+$0xC000] =	vst v20;
	vm4 =	vgt.s32 v9, $0x1  }
0x333: {  	vm6 =	vgt.s32 v18, $0x1;
	v15 =	vsel vm4, $0x1, v0;
	[tilespmem:s0+$0x14130] =	vst v7  }
0x334: {  	v18 =	vsel vm6, $0x4, v0;
	[tilespmem:s0+$0x141B0] =	vst v7  }
0x335: {  	[tilespmem:s0+$0xC020] =	vst v18  }
0x336: {  	[tilespmem:s0+$0xC120] =	vst v19  }
0x337: {  	[tilespmem:s0+$0xC1A0] =	vst v16  }
0x338: {  	[tilespmem:s0+$0xC0A0] =	vst v10  }
0x339: {  	[tilespmem:s1+$0xC000] =	vst v8  }
0x33a: {  	[tilespmem:s3+$0xC000] =	vst v15  }
0x33b: {  	[tilespmem:s26+$0xC000] =	vst v14  }
0x33c: {  	v8 =	vsel vm1, $0x1, v0;
	[tilespmem:s19+$0xC000] =	vst v12  }
0x33d: {  	[tilespmem:s0+$0x14020] =	vst v22  }
0x33e: {  	v10 =	vnsel vm5, $0x0, v11;
	[tilespmem:s0+$0x140A0] =	vst v0  }
0x33f: {  	vm5 =	vlt.s32 v17, $0x2;
	[tilespmem:s0+$0x141A0] =	vst v10  }
0x340: {  	[tilespmem:s10+$0xC000] =	vst v8;
	v8 =	vsel vm5, $0x0, v1  }
0x341: {  	[tilespmem:s11+$0xC000] =	vst v8  }
.Ltmp9:
0x342: {  	v8 =	vsel vm3, $0x3, v0;
	[tilespmem:s0+$0x14120] =	vst v10;
	(pc) =	sbr.rel @p2 .LBB2_16-.Ltmp9, $4  }
0x343: {  	[tilespmem:s21+$0xC000] =	vst v8  }
0x344: {  	[tilespmem:s0+$0x14080] =	vst v0  }
0x345: {  	[tilespmem:s0+$0x14000] =	vst v13  }
0x346: {  	s12 =	sadd.s32 $0x40, s12;
	p1 =	por !p1, !p1;
	s24 =	sadd.s32 $0x200, s24;
	v6 =	vnsel vm2, $0x0, v6;
	[tilespmem:s1+$0x14000] =	vst v10  }
0x347: {  	[tilespmem:s0+$0x14180] =	vst v6  }
0x348: {  	[tilespmem:s0+$0x14100] =	vst v6  }
0x349: {  	[tilespmem:s14+$0x14000] =	vst v4  }
0x34a: {  	[tilespmem:s3+$0x14000] =	vst v0  }
0x34b: {  	[tilespmem:s9+$0x14000] =	vst v7  }
0x34c: {  	[tilespmem:s15+$0x14000] =	vst v0  }
0x34d: {  	[tilespmem:s16+$0x14000] =	vst v0  }
0x34e: {  	v4 =	vnsel vm4, $0x0, v9;
	[tilespmem:s6+$0x14000] =	vst v6  }
0x34f: {  	v2 =	vnsel vm0, $0x0, v2;
	[tilespmem:s26+$0x14000] =	vst v4  }
0x350: {  	[tilespmem:s17+$0x14000] =	vst v2  }
0x351: {  	[tilespmem:s10+$0x14000] =	vst v0  }
0x352: {  	[tilespmem:s19+$0x14000] =	vst v4  }
0x353: {  	[tilespmem:s13+$0x14000] =	vst v5  }
0x354: {  	[tilespmem:s2+$0x14000] =	vst v2;
	v2 =	vnsel vm1, $0x0, v3  }
0x355: {  	[tilespmem:s11+$0x14000] =	vst v2  }
0x356: {  	s0 =	rddreg [dreg:$0xa]  }
0x357: {  	s0 =	sadd.s32 s8, s0  }
0x358: {  	s1 =	rddreg [dreg:$0x1];
	s20 =	simm.s32 $0xC000;
	[tilespmem:s21+$0x14000] =	vst v2;
	s0 =	sshrl.u32 s0, $0x3  }
0x359: {  	s19 =	simm.s32 $0x0;
	[tilespmem:s31+$0x14000] =	vst v5;
	s21 =	rddreg [dreg:$0x2];
	s1 =	sadd.s32 s1, s0  }
0x35a: {  	[hbm4b:s1+s19] =	stream.linear.scatter [tilespmem:s20], [sflag:$0x4], $0x4000, $0x38;
	[tilespmem:$0x1C000] =	vst v63  }
0x35b: {  	s22 =	simm.s32 $0x14000;
	s23 =	rddreg [dreg:$0xc];
	s0 =	sadd.s32 s21, s0  }
0x35c: {  	[hbm4b:s0+s19] =	stream.linear.scatter [tilespmem:s22], [sflag:$0x4], $0x4000, $0x38;
	[tilespmem:$0x1C000] =	vst v63  }
0x35d: {  	s0 =	sadd.s32 s8, s23  }
0x35e: {  	s24 =	rddreg [dreg:$0x0];
	s0 =	sshrl.u32 s0, $0x3  }
0x35f: {  	s25 =	simm.s32 $0x3;
	s0 =	sadd.s32 s24, s0  }
0x360: {  	[tilespmem:s19], [sflag:$0x1] =	stream.linear.gather [hbm4b:s0+s19], $0x4000, $0x38;
	[tilespmem:$0x1C000] =	vst v63  }
0x361: {  	_ =	swait.ge [sflag:s25], $0x4000  }
0x362: {  	[sflag:s25] =	ssyncset.done $0x0  }
0x363: {  	s26 =	simm.s32 $0x5;
	[sflag:s25] =	ssyncadd.s32 $0xFFFFC000  }
0x364: {  	_ =	swait.ge [sflag:s26], $0x4000  }
0x365: {  	[sflag:s26] =	ssyncset.done $0x0  }
0x366: {  	[sflag:s26] =	ssyncadd.s32 $0xFFFFC000  }
0x367: {  	p1 =	por $0x0, $0x0;
	s28 =	sand.u32 $0x40, s19;
	_ =	swait.ge [sflag:s26], $0x4000  }
0x368: {  	s2 =	sand.u32 $0x3C00, s19;
	s1 =	simm.s32 $0x1;
	[sflag:s26] =	ssyncset.done $0x0  }
0x369: {  	s1 =	simm.s32 @!p1 $0x0;
	s0 =	sor.u32 s28, s2;
	[sflag:s26] =	ssyncadd.s32 $0xFFFFC000  }
0x36a: {  	s1 =	sshll.u32 s1, $0x6;
	v3 =	vld [tilespmem:s0+$0x8110]  }
0x36b: {  	s1 =	sadd.s32 $0x0, s1;
	v4 =	vld [tilespmem:s0+$0x8030]  }
0x36c: {  	s29 =	sadd.s32 $0x10, s1;
	v6 =	vld [tilespmem:s0+$0x8010]  }
0x36d: {  	s31 =	sadd.s32 $0x30, s1;
	s15 =	sor.u32 $0x280, s29;
	v5 =	vld [tilespmem:s0+$0x8190]  }
0x36e: {  	s8 =	sor.u32 $0x280, s31;
	v7 =	vld [tilespmem:s15+$0x4000]  }
0x36f: {  	v8 =	vld [tilespmem:s8+$0x4000]  }
0x370: {  	v2 =	vld [tilespmem:s15+$0x8000]  }
0x371: {  	v9 =	vld [tilespmem:s0+$0x8090]  }
0x372: {  	s17 =	sor.u32 $0x300, s29;
	v10 =	vld [tilespmem:s0+$0x8130]  }
0x373: {  	s14 =	sor.u32 $0x200, s29;
	v11 =	vld [tilespmem:s17+$0x8000]  }
0x374: {  	s9 =	sor.u32 $0x200, s31;
	v12 =	vld [tilespmem:s14+$0x8000]  }
0x375: {  	s16 =	sor.u32 $0x380, s31;
	v14 =	vld [tilespmem:s9+$0x8000];
	vm0 =	vlt.s32 v3, $0x2  }
0x376: {  	s2 =	sor.u32 $0x380, s29;
	v50 =	vld [tilespmem:s16+$0x8000];
	vm1 =	vgt.s32 v9, $0x1;
	v13 =	vsel vm0, $0x0, v1  }
0x377: {  	v3 =	vld [tilespmem:s2+$0x8000];
	vm2 =	vgt.s32 v6, $0x1;
	v15 =	vsel vm1, $0x1, v0;
	[tilespmem:s0+$0x10110] =	vst v13  }
0x378: {  	v52 =	vld [tilespmem:s0+$0x81B0];
	vm0 =	vgt.s32 v5, $0x1;
	v51 =	vsel vm2, $0x4, v0;
	[tilespmem:s0+$0x10090] =	vst v15  }
0x379: {  	v53 =	vld [tilespmem:s0+$0x80B0];
	vm2 =	vlt.s32 v10, $0x2;
	v6 =	vsel vm0, $0x3, v0;
	[tilespmem:s0+$0x10010] =	vst v51  }
0x37a: {  	s13 =	sor.u32 $0x300, s31;
	v5 =	vld [tilespmem:s8+$0x8000];
	vm0 =	vgt.s32 v12, $0x1;
	v10 =	vsel vm2, $0x0, v1;
	[tilespmem:s0+$0x10190] =	vst v6  }
0x37b: {  	vm2 =	vgt.s32 v4, $0x1;
	v6 =	vld [tilespmem:s13+$0x8000];
	v12 =	vsel vm0, $0x4, v0;
	[tilespmem:s0+$0x10130] =	vst v10  }
0x37c: {  	vm0 =	vgt.s32 v2, $0x1;
	v4 =	vsel vm2, $0x4, v0;
	[tilespmem:s14+$0x10000] =	vst v12  }
0x37d: {  	vm3 =	vlt.s32 v11, $0x2;
	v17 =	vsel vm0, $0x1, v0;
	[tilespmem:s0+$0x10030] =	vst v4;
	v4 =	vnsel vm1, $0x0, v9  }
0x37e: {  	s10 =	sor.u32 $0x380, s1;
	v16 =	vld [tilespmem:s0+$0x8100];
	vm1 =	vgt.s32 v52, $0x1;
	[tilespmem:s15+$0x10000] =	vst v17;
	vm2 =	vgt.s32 v3, $0x1;
	v3 =	vsel vm3, $0x0, v1  }
0x37f: {  	v54 =	vld [tilespmem:s10+$0x8000];
	v9 =	vsel vm1, $0x3, v0;
	[tilespmem:s17+$0x10000] =	vst v3  }
0x380: {  	s19 =	sor.u32 $0x300, s1;
	v19 =	vld [tilespmem:s0+$0x8000];
	vm1 =	vgt.s32 v53, $0x1;
	v18 =	vsel vm2, $0x3, v0;
	[tilespmem:s0+$0x101B0] =	vst v9  }
0x381: {  	s11 =	sor.u32 $0x280, s1;
	v55 =	vld [tilespmem:s19+$0x8000];
	v56 =	vsel vm1, $0x1, v0;
	[tilespmem:s2+$0x10000] =	vst v18  }
0x382: {  	v57 =	vld [tilespmem:s11+$0x4000];
	[tilespmem:s0+$0x100B0] =	vst v56  }
0x383: {  	s6 =	sor.u32 $0x200, s1;
	v10 =	vld [tilespmem:s0+$0x8080];
	vm2 =	vlt.s32 v16, $0x2;
	[tilespmem:s0+$0x18190] =	vst v4  }
0x384: {  	v58 =	vld [tilespmem:s6+$0x8000];
	vm3 =	vgt.s32 v14, $0x1;
	v9 =	vsel vm2, $0x0, v1;
	[tilespmem:s0+$0x18090] =	vst v0  }
0x385: {  	v3 =	vld [tilespmem:s11+$0x8000];
	v59 =	vsel vm3, $0x4, v0;
	[tilespmem:s0+$0x10100] =	vst v9  }
0x386: {  	vm2 =	vgt.s32 v5, $0x1;
	[tilespmem:s9+$0x10000] =	vst v59  }
0x387: {  	vm4 =	vlt.s32 v6, $0x2;
	v6 =	vsel vm2, $0x1, v0;
	[tilespmem:s0+$0x18110] =	vst v4  }
0x388: {  	v11 =	vld [tilespmem:s0+$0x8180];
	vm3 =	vgt.s32 v10, $0x1;
	v9 =	vsel vm4, $0x0, v1;
	[tilespmem:s8+$0x10000] =	vst v6  }
0x389: {  	v6 =	vsel vm3, $0x1, v0;
	vm4 =	vgt.s32 v19, $0x1;
	[tilespmem:s13+$0x10000] =	vst v9  }
0x38a: {  	s4 =	sadd.s32 $0x20, s1;
	vm5 =	vgt.s32 v50, $0x1;
	[tilespmem:s0+$0x10080] =	vst v6;
	v6 =	vsel vm4, $0x4, v0  }
0x38b: {  	s1 =	sor.u32 $0x200, s4;
	vm4 =	vgt.s32 v8, $0x1;
	v9 =	vsel vm5, $0x3, v0;
	[tilespmem:s0+$0x10000] =	vst v6  }
0x38c: {  	v60 =	vld [tilespmem:s1+$0x8000];
	v6 =	vnsel vm4, $0x0, v8;
	[tilespmem:s16+$0x10000] =	vst v9  }
0x38d: {  	vm5 =	vgt.s32 v7, $0x1;
	vm4 =	vgt.s32 v11, $0x1;
	v11 =	vld [tilespmem:s0+$0x8020];
	[tilespmem:s0+$0x18030] =	vst v6  }
0x38e: {  	v8 =	vld [tilespmem:s0+$0x8120];
	v7 =	vnsel vm5, $0x0, v7;
	[tilespmem:s0+$0x180B0] =	vst v0  }
0x38f: {  	v6 =	vld [tilespmem:s0+$0x81A0];
	v9 =	vsel vm4, $0x3, v0;
	[tilespmem:s0+$0x18010] =	vst v7  }
0x390: {  	s21 =	sor.u32 $0x380, s4;
	v61 =	vld [tilespmem:s0+$0x80A0];
	vm4 =	vgt.s32 v58, $0x1;
	v7 =	vnsel vm1, $0x0, v53;
	[tilespmem:s0+$0x10180] =	vst v9  }
0x391: {  	s3 =	sor.u32 $0x280, s4;
	v62 =	vld [tilespmem:s21+$0x8000];
	v9 =	vsel vm4, $0x4, v0;
	[tilespmem:s0+$0x18130] =	vst v7  }
0x392: {  	s26 =	sor.u32 $0x300, s4;
	[tilespmem:s6+$0x10000] =	vst v9;
	v9 =	vld [tilespmem:s3+$0x8000];
	vm1 =	vgt.s32 v11, $0x1  }
0x393: {  	[tilespmem:s0+$0x181B0] =	vst v7;
	v11 =	vld [tilespmem:s26+$0x8000];
	vm4 =	vlt.s32 v8, $0x2;
	v8 =	vsel vm1, $0x4, v0  }
0x394: {  	v63 =	vld [tilespmem:s3+$0x4000];
	vm1 =	vgt.s32 v6, $0x1;
	v6 =	vsel vm4, $0x0, v1;
	[tilespmem:s0+$0x10020] =	vst v8  }
0x395: {  	vm5 =	vgt.s32 v61, $0x1;
	v8 =	vsel vm1, $0x3, v0;
	[tilespmem:s0+$0x10120] =	vst v6  }
0x396: {  	vm1 =	vgt.s32 v60, $0x1;
	v6 =	vsel vm5, $0x1, v0;
	[tilespmem:s0+$0x101A0] =	vst v8  }
0x397: {  	v8 =	vsel vm1, $0x4, v0;
	vm4 =	vgt.s32 v9, $0x1;
	[tilespmem:s0+$0x100A0] =	vst v6  }
0x398: {  	v6 =	vsel vm4, $0x1, v0;
	[tilespmem:s1+$0x10000] =	vst v8;
	vm1 =	vlt.s32 v11, $0x2  }
0x399: {  	vm6 =	vgt.s32 v62, $0x1;
	[tilespmem:s3+$0x10000] =	vst v6;
	v8 =	vsel vm1, $0x0, v1  }
0x39a: {  	v6 =	vsel vm6, $0x3, v0;
	vm1 =	vgt.s32 v63, $0x1;
	[tilespmem:s26+$0x10000] =	vst v8  }
0x39b: {  	v8 =	vnsel vm1, $0x0, v63;
	[tilespmem:s21+$0x10000] =	vst v6  }
0x39c: {  	vm1 =	vgt.s32 v3, $0x1;
	[tilespmem:s0+$0x18020] =	vst v8  }
0x39d: {  	v6 =	vsel vm1, $0x1, v0;
	[tilespmem:s0+$0x180A0] =	vst v0  }
0x39e: {  	v8 =	vnsel vm5, $0x0, v61;
	[tilespmem:s11+$0x10000] =	vst v6  }
0x39f: {  	vm5 =	vlt.s32 v55, $0x2;
	[tilespmem:s0+$0x181A0] =	vst v8  }
0x3a0: {  	v6 =	vsel vm5, $0x0, v1;
	[tilespmem:s0+$0x18120] =	vst v8  }
0x3a1: {  	vm5 =	vgt.s32 v54, $0x1;
	[tilespmem:s19+$0x10000] =	vst v6  }
0x3a2: {  	v6 =	vsel vm5, $0x3, v0;
	[tilespmem:s1+$0x18000] =	vst v8  }
0x3a3: {  	vm5 =	vgt.s32 v57, $0x1;
	[tilespmem:s10+$0x10000] =	vst v6  }
0x3a4: {  	s12 =	simm.s32 $0x40;
	v6 =	vnsel vm5, $0x0, v57;
	[tilespmem:s0+$0x18080] =	vst v0  }
0x3a5: {  	p1 =	por !p1, !p1;
	s23 =	simm.s32 $0x0;
	s24 =	simm.s32 $0x200;
	v5 =	vnsel vm2, $0x0, v5;
	[tilespmem:s0+$0x18000] =	vst v6;
	v6 =	vnsel vm3, $0x0, v10  }
.LBB2_18:
0x3a6: {  	s1 =	simm.s32 $0x1  }
0x3a7: {  	s4 =	sand.u32 $0x40, s12;
	s5 =	sand.u32 $0x3C00, s24;
	[tilespmem:s0+$0x18180] =	vst v6;
	s1 =	simm.s32 @!p1 $0x0  }
0x3a8: {  	s23 =	sadd.s32 $0x4, s23;
	v9 =	vnsel vm4, $0x0, v9;
	s1 =	sshll.u32 s1, $0x6;
	[tilespmem:s0+$0x18100] =	vst v6;
	s0 =	sor.u32 s4, s5  }
0x3a9: {  	p2 =	slt.u32 s23, $0x7C;
	s5 =	sadd.s32 s1, s24;
	v8 =	vld [tilespmem:s0+$0x8110];
	[tilespmem:s14+$0x18000] =	vst v4  }
0x3aa: {  	s7 =	sor.u32 $0x200, s5;
	s1 =	sor.u32 $0x300, s5;
	s20 =	sadd.s32 $0x10, s5;
	v10 =	vld [tilespmem:s0+$0x8030];
	[tilespmem:s3+$0x18000] =	vst v0  }
0x3ab: {  	s22 =	sadd.s32 $0x30, s5;
	v4 =	vld [tilespmem:s0+$0x8010];
	s14 =	sor.u32 $0x200, s20;
	s3 =	sor.u32 $0x280, s20;
	[tilespmem:s9+$0x18000] =	vst v7  }
0x3ac: {  	s4 =	sadd.s32 $0x20, s5;
	s25 =	sor.u32 $0x300, s20;
	v7 =	vld [tilespmem:s0+$0x8190];
	[tilespmem:s8+$0x18000] =	vst v0;
	s8 =	sor.u32 $0x280, s22  }
0x3ad: {  	v12 =	vnsel vm0, $0x0, v2;
	s20 =	sor.u32 $0x380, s20;
	s9 =	sor.u32 $0x200, s22;
	s28 =	sor.u32 $0x380, s22;
	v11 =	vld [tilespmem:s3+$0x4000];
	[tilespmem:s15+$0x18000] =	vst v0  }
0x3ae: {  	s29 =	sor.u32 $0x280, s5;
	s5 =	sor.u32 $0x380, s5;
	s15 =	smov.u32 s3;
	v13 =	vld [tilespmem:s0+$0x8100];
	vm0 =	vlt.s32 v8, $0x2;
	[tilespmem:s17+$0x18000] =	vst v12  }
0x3af: {  	s17 =	smov.u32 s25;
	v14 =	vld [tilespmem:s8+$0x4000];
	[tilespmem:s6+$0x18000] =	vst v6;
	s6 =	smov.u32 s7  }
0x3b0: {  	s3 =	sor.u32 $0x300, s22;
	v2 =	vld [tilespmem:s15+$0x8000];
	vm2 =	vgt.s32 v4, $0x1;
	[tilespmem:s2+$0x18000] =	vst v12;
	s2 =	smov.u32 s20  }
0x3b1: {  	v12 =	vsel vm0, $0x0, v1;
	v4 =	vsel vm2, $0x4, v0;
	vm0 =	vgt.s32 v7, $0x1;
	v7 =	vld [tilespmem:s0+$0x8130];
	[tilespmem:s26+$0x18000] =	vst v9  }
0x3b2: {  	v15 =	vld [tilespmem:s0+$0x8090];
	vm2 =	vgt.s32 v11, $0x1;
	v16 =	vsel vm0, $0x3, v0;
	[tilespmem:s11+$0x18000] =	vst v0;
	s11 =	smov.u32 s29  }
0x3b3: {  	v17 =	vld [tilespmem:s17+$0x8000];
	v8 =	vnsel vm2, $0x0, v11;
	[tilespmem:s21+$0x18000] =	vst v9  }
0x3b4: {  	v3 =	vnsel vm1, $0x0, v3;
	v9 =	vld [tilespmem:s2+$0x8000];
	[tilespmem:s13+$0x18000] =	vst v5;
	s13 =	smov.u32 s3  }
0x3b5: {  	v6 =	vld [tilespmem:s0+$0x8080];
	vm0 =	vgt.s32 v2, $0x1;
	[tilespmem:s19+$0x18000] =	vst v3;
	s19 =	smov.u32 s1  }
0x3b6: {  	v11 =	vld [tilespmem:s9+$0x8000];
	[tilespmem:s10+$0x18000] =	vst v3;
	s10 =	smov.u32 s5  }
0x3b7: {  	v3 =	vld [tilespmem:s14+$0x8000];
	vm1 =	vgt.s32 v15, $0x1;
	[tilespmem:s16+$0x18000] =	vst v5;
	s16 =	smov.u32 s28  }
0x3b8: {  	v5 =	vsel vm1, $0x1, v0;
	[tilespmem:s0+$0x10110] =	vst v12;
	vm3 =	vlt.s32 v17, $0x2;
	v12 =	vld [tilespmem:s8+$0x8000]  }
0x3b9: {  	v17 =	vld [tilespmem:s0+$0x8180];
	[tilespmem:s0+$0x10090] =	vst v5;
	vm4 =	vgt.s32 v9, $0x1  }
0x3ba: {  	vm2 =	vgt.s32 v6, $0x1;
	[tilespmem:s0+$0x10190] =	vst v16;
	v5 =	vld [tilespmem:s16+$0x8000]  }
0x3bb: {  	vm5 =	vlt.s32 v13, $0x2;
	s21 =	sor.u32 $0x380, s4;
	v9 =	vld [tilespmem:s10+$0x8000];
	[tilespmem:s0+$0x10010] =	vst v4  }
0x3bc: {  	s26 =	sor.u32 $0x300, s4;
	v13 =	vsel vm5, $0x0, v1;
	s3 =	sor.u32 $0x280, s4;
	s1 =	sor.u32 $0x200, s4;
	v16 =	vsel vm0, $0x1, v0;
	vm5 =	vgt.s32 v3, $0x1;
	v18 =	vld [tilespmem:s13+$0x8000]  }
0x3bd: {  	v19 =	vsel vm2, $0x1, v0;
	v3 =	vsel vm5, $0x4, v0;
	v20 =	vld [tilespmem:s0+$0x81B0];
	vm5 =	vlt.s32 v7, $0x2  }
0x3be: {  	v4 =	vnsel vm1, $0x0, v15;
	v15 =	vsel vm4, $0x3, v0;
	v7 =	vld [tilespmem:s0+$0x8000];
	[tilespmem:s14+$0x10000] =	vst v3;
	v3 =	vsel vm5, $0x0, v1  }
0x3bf: {  	vm1 =	vgt.s32 v10, $0x1;
	vm4 =	vgt.s32 v17, $0x1;
	v17 =	vsel vm3, $0x0, v1;
	v21 =	vld [tilespmem:s0+$0x80B0];
	[tilespmem:s0+$0x10130] =	vst v3  }
0x3c0: {  	vm5 =	vgt.s32 v14, $0x1;
	v3 =	vld [tilespmem:s11+$0x8000];
	vm3 =	vgt.s32 v9, $0x1;
	[tilespmem:s15+$0x10000] =	vst v16;
	v9 =	vsel vm1, $0x4, v0  }
0x3c1: {  	v14 =	vnsel vm5, $0x0, v14;
	vm1 =	vgt.s32 v11, $0x1;
	v10 =	vld [tilespmem:s1+$0x8000];
	[tilespmem:s0+$0x10030] =	vst v9;
	vm8 =	vlt.s32 v18, $0x2  }
0x3c2: {  	vm5 =	vgt.s32 v12, $0x1;
	v9 =	vsel vm1, $0x4, v0;
	[tilespmem:s17+$0x10000] =	vst v17;
	vm6 =	vgt.s32 v20, $0x1  }
0x3c3: {  	vm7 =	vgt.s32 v7, $0x1;
	[tilespmem:s2+$0x10000] =	vst v15;
	v7 =	vld [tilespmem:s0+$0x8120];
	v11 =	vsel vm6, $0x3, v0;
	v15 =	vsel vm5, $0x1, v0  }
0x3c4: {  	vm9 =	vgt.s32 v5, $0x1;
	[tilespmem:s0+$0x18190] =	vst v4;
	v16 =	vld [tilespmem:s0+$0x81A0];
	vm6 =	vgt.s32 v21, $0x1  }
0x3c5: {  	v18 =	vsel vm9, $0x3, v0;
	v17 =	vld [tilespmem:s19+$0x8000];
	vm1 =	vgt.s32 v3, $0x1;
	[tilespmem:s0+$0x18090] =	vst v0;
	v5 =	vsel vm6, $0x1, v0  }
0x3c6: {  	v22 =	vsel vm7, $0x4, v0;
	v20 =	vld [tilespmem:s11+$0x4000];
	vm7 =	vgt.s32 v10, $0x1;
	[tilespmem:s0+$0x101B0] =	vst v11  }
0x3c7: {  	v10 =	vld [tilespmem:s6+$0x8000];
	[tilespmem:s0+$0x100B0] =	vst v5  }
0x3c8: {  	v5 =	vsel vm8, $0x0, v1;
	[tilespmem:s0+$0x10100] =	vst v13;
	v11 =	vld [tilespmem:s0+$0x80A0]  }
0x3c9: {  	v13 =	vld [tilespmem:s21+$0x8000];
	[tilespmem:s9+$0x10000] =	vst v9  }
0x3ca: {  	v23 =	vld [tilespmem:s3+$0x4000];
	[tilespmem:s8+$0x10000] =	vst v15  }
0x3cb: {  	vm9 =	vgt.s32 v16, $0x1;
	vm8 =	vgt.s32 v20, $0x1;
	v15 =	vld [tilespmem:s26+$0x8000];
	[tilespmem:s13+$0x10000] =	vst v5  }
0x3cc: {  	vm10 =	vlt.s32 v7, $0x2;
	v16 =	vsel vm9, $0x3, v0;
	v5 =	vnsel vm5, $0x0, v12;
	[tilespmem:s0+$0x10080] =	vst v19  }
0x3cd: {  	v12 =	vsel vm4, $0x3, v0;
	v19 =	vsel vm10, $0x0, v1;
	[tilespmem:s0+$0x18110] =	vst v4;
	vm5 =	vgt.s32 v11, $0x1  }
0x3ce: {  	vm4 =	vgt.s32 v10, $0x1;
	[tilespmem:s0+$0x10000] =	vst v22;
	v10 =	vsel vm5, $0x1, v0;
	vm9 =	vgt.s32 v13, $0x1  }
0x3cf: {  	v13 =	vnsel vm8, $0x0, v20;
	v20 =	vsel vm4, $0x4, v0;
	v9 =	vld [tilespmem:s3+$0x8000];
	vm4 =	vgt.s32 v23, $0x1;
	[tilespmem:s16+$0x10000] =	vst v18  }
0x3d0: {  	v7 =	vnsel vm6, $0x0, v21;
	v18 =	vld [tilespmem:s0+$0x8020];
	v22 =	vnsel vm4, $0x0, v23;
	vm4 =	vlt.s32 v15, $0x2;
	[tilespmem:s0+$0x18030] =	vst v14  }
0x3d1: {  	v14 =	vsel vm4, $0x0, v1;
	[tilespmem:s0+$0x180B0] =	vst v0  }
0x3d2: {  	[tilespmem:s0+$0x10180] =	vst v12  }
0x3d3: {  	v12 =	vsel vm9, $0x3, v0;
	[tilespmem:s0+$0x18010] =	vst v8;
	v8 =	vsel vm7, $0x4, v0  }
0x3d4: {  	[tilespmem:s6+$0x10000] =	vst v20;
	vm4 =	vgt.s32 v9, $0x1  }
0x3d5: {  	vm6 =	vgt.s32 v18, $0x1;
	v15 =	vsel vm4, $0x1, v0;
	[tilespmem:s0+$0x18130] =	vst v7  }
0x3d6: {  	v18 =	vsel vm6, $0x4, v0;
	[tilespmem:s0+$0x181B0] =	vst v7  }
0x3d7: {  	[tilespmem:s0+$0x10020] =	vst v18  }
0x3d8: {  	[tilespmem:s0+$0x10120] =	vst v19  }
0x3d9: {  	[tilespmem:s0+$0x101A0] =	vst v16  }
0x3da: {  	[tilespmem:s0+$0x100A0] =	vst v10  }
0x3db: {  	[tilespmem:s1+$0x10000] =	vst v8  }
0x3dc: {  	[tilespmem:s3+$0x10000] =	vst v15  }
0x3dd: {  	[tilespmem:s26+$0x10000] =	vst v14  }
0x3de: {  	v8 =	vsel vm1, $0x1, v0;
	[tilespmem:s21+$0x10000] =	vst v12  }
0x3df: {  	[tilespmem:s0+$0x18020] =	vst v22  }
0x3e0: {  	v10 =	vnsel vm5, $0x0, v11;
	[tilespmem:s0+$0x180A0] =	vst v0  }
0x3e1: {  	vm5 =	vlt.s32 v17, $0x2;
	[tilespmem:s0+$0x181A0] =	vst v10  }
0x3e2: {  	[tilespmem:s11+$0x10000] =	vst v8;
	v8 =	vsel vm5, $0x0, v1  }
0x3e3: {  	[tilespmem:s19+$0x10000] =	vst v8  }
.Ltmp10:
0x3e4: {  	v8 =	vsel vm3, $0x3, v0;
	[tilespmem:s0+$0x18120] =	vst v10;
	(pc) =	sbr.rel @p2 .LBB2_18-.Ltmp10, $4  }
0x3e5: {  	[tilespmem:s10+$0x10000] =	vst v8  }
0x3e6: {  	[tilespmem:s0+$0x18080] =	vst v0  }
0x3e7: {  	[tilespmem:s0+$0x18000] =	vst v13  }
0x3e8: {  	s12 =	sadd.s32 $0x40, s12;
	p1 =	por !p1, !p1;
	s24 =	sadd.s32 $0x200, s24;
	v6 =	vnsel vm2, $0x0, v6;
	[tilespmem:s1+$0x18000] =	vst v10  }
0x3e9: {  	[tilespmem:s0+$0x18180] =	vst v6  }
0x3ea: {  	[tilespmem:s0+$0x18100] =	vst v6  }
0x3eb: {  	[tilespmem:s14+$0x18000] =	vst v4  }
0x3ec: {  	[tilespmem:s3+$0x18000] =	vst v0  }
0x3ed: {  	[tilespmem:s9+$0x18000] =	vst v7  }
0x3ee: {  	[tilespmem:s8+$0x18000] =	vst v0  }
0x3ef: {  	[tilespmem:s15+$0x18000] =	vst v0  }
0x3f0: {  	v63 =	vnsel vm4, $0x0, v9;
	[tilespmem:s6+$0x18000] =	vst v6  }
0x3f1: {  	v2 =	vnsel vm0, $0x0, v2;
	[tilespmem:s26+$0x18000] =	vst v63  }
0x3f2: {  	[tilespmem:s17+$0x18000] =	vst v2  }
0x3f3: {  	[tilespmem:s11+$0x18000] =	vst v0  }
0x3f4: {  	[tilespmem:s21+$0x18000] =	vst v63  }
0x3f5: {  	[tilespmem:s13+$0x18000] =	vst v5  }
0x3f6: {  	[tilespmem:s2+$0x18000] =	vst v2  }
0x3f7: {  	v2 =	vnsel vm1, $0x0, v3;
	[tilespmem:s16+$0x18000] =	vst v5  }
0x3f8: {  	s28 =	rddreg [dreg:$0x1];
	s1 =	simm.s32 $0x10000;
	[tilespmem:s19+$0x18000] =	vst v2  }
.Ltmp11:
0x3f9: {  	s29 =	rddreg [dreg:$0x2];
	s0 =	sadd.s32 s28, s18;
	[tilespmem:s10+$0x18000] =	vst v2;
	(pc) =	sbr.rel .LBB2_2-.Ltmp11, $4  }
0x3fa: {  	[hbm4b:s0+s30] =	stream.linear.scatter [tilespmem:s1], [sflag:$0x5], $0x4000, $0x38;
	[tilespmem:$0x1C000] =	vst v63  }
0x3fb: {  	s5 =	rddreg [dreg:$0x12]  }
0x3fc: {  	s31 =	simm.s32 $0x18000;
	s0 =	sadd.s32 s29, s18;
	s5 =	sadd.s32 $0x1, s5  }
0x3fd: {  	[hbm4b:s0+s30] =	stream.linear.scatter [tilespmem:s31], [sflag:$0x5], $0x4000, $0x38;
	[tilespmem:$0x1C000] =	vst v63  }
.LBB2_20:
0x3fe: {  	s0 =	simm.s32 $0x4  }
0x3ff: {  	_ =	swait.ge [sflag:s0], $0x4000  }
0x400: {  	[sflag:s0] =	ssyncset.done $0x0  }
0x401: {  	[sflag:s0] =	ssyncadd.s32 $0xFFFFC000  }
0x402: {  	_ =	swait.ge [sflag:s0], $0x4000  }
0x403: {  	[sflag:s0] =	ssyncset.done $0x0  }
0x404: {  	s31 =	simm.s32 $0x5;
	[sflag:s0] =	ssyncadd.s32 $0xFFFFC000  }
0x405: {  	_ =	swait.ge [sflag:s31], $0x4000  }
.Ltmp12:
0x406: {  	[sflag:s31] =	ssyncset.done $0x0;
	(pc) =	sbr.rel @p0 .LBB2_24-.Ltmp12, $4  }
0x407: {  	[sflag:s31] =	ssyncadd.s32 $0xFFFFC000  }
0x408: {  	_ =	swait.ge [sflag:s31], $0x4000  }
0x409: {  	[sflag:s31] =	ssyncset.done $0x0  }
0x40a: {  	s1 =	rddreg [dreg:$0x11];
	[sflag:s31] =	ssyncadd.s32 $0xFFFFC000  }
0x40b: {  	s0 =	simm.s32 $0x0;
	s2 =	rddreg [dreg:$0xd];
	s1 =	simm.s32 $0x4000  }
0x40c: {  	[tilespmem:s1], [sflag:$0x2] =	stream.linear.gather [hbm4b:s2+s0], $0x100, $0x38;
	[tilespmem:$0x1C000] =	vst v63  }
0x40d: {  	s3 =	simm.s32 $0x4400;
	s21 =	sadd.s32 $0x80, s2  }
0x40e: {  	[tilespmem:s3], [sflag:$0x2] =	stream.linear.gather [hbm4b:s21+s0], $0x100, $0x38;
	[tilespmem:$0x1C000] =	vst v63  }
0x40f: {  	s23 =	simm.s32 $0x4800;
	s22 =	sadd.s32 $0x100, s2  }
0x410: {  	[tilespmem:s23], [sflag:$0x2] =	stream.linear.gather [hbm4b:s22+s0], $0x100, $0x38;
	[tilespmem:$0x1C000] =	vst v63  }
0x411: {  	s25 =	simm.s32 $0x4C00;
	s24 =	sadd.s32 $0x180, s2  }
0x412: {  	[tilespmem:s25], [sflag:$0x2] =	stream.linear.gather [hbm4b:s24+s0], $0x100, $0x38;
	[tilespmem:$0x1C000] =	vst v63  }
0x413: {  	s28 =	simm.s32 $0x5000;
	s26 =	sadd.s32 $0x200, s2  }
0x414: {  	[tilespmem:s28], [sflag:$0x2] =	stream.linear.gather [hbm4b:s26+s0], $0x100, $0x38;
	[tilespmem:$0x1C000] =	vst v63  }
0x415: {  	s31 =	simm.s32 $0x5400;
	s29 =	sadd.s32 $0x280, s2  }
0x416: {  	[tilespmem:s31], [sflag:$0x2] =	stream.linear.gather [hbm4b:s29+s0], $0x100, $0x38;
	[tilespmem:$0x1C000] =	vst v63  }
0x417: {  	s5 =	simm.s32 $0x5800;
	s4 =	sadd.s32 $0x300, s2  }
0x418: {  	[tilespmem:s5], [sflag:$0x2] =	stream.linear.gather [hbm4b:s4+s0], $0x100, $0x38;
	[tilespmem:$0x1C000] =	vst v63  }
0x419: {  	s7 =	simm.s32 $0x5C00;
	s6 =	sadd.s32 $0x380, s2  }
0x41a: {  	[tilespmem:s7], [sflag:$0x2] =	stream.linear.gather [hbm4b:s6+s0], $0x100, $0x38;
	[tilespmem:$0x1C000] =	vst v63  }
0x41b: {  	s9 =	simm.s32 $0x6000;
	s8 =	sadd.s32 $0x400, s2  }
0x41c: {  	[tilespmem:s9], [sflag:$0x2] =	stream.linear.gather [hbm4b:s8+s0], $0x100, $0x38;
	[tilespmem:$0x1C000] =	vst v63  }
0x41d: {  	s11 =	simm.s32 $0x6400;
	s10 =	sadd.s32 $0x480, s2  }
0x41e: {  	[tilespmem:s11], [sflag:$0x2] =	stream.linear.gather [hbm4b:s10+s0], $0x100, $0x38;
	[tilespmem:$0x1C000] =	vst v63  }
0x41f: {  	s13 =	simm.s32 $0x6800;
	s12 =	sadd.s32 $0x500, s2  }
0x420: {  	[tilespmem:s13], [sflag:$0x2] =	stream.linear.gather [hbm4b:s12+s0], $0x100, $0x38;
	[tilespmem:$0x1C000] =	vst v63  }
0x421: {  	s15 =	simm.s32 $0x6C00;
	s17 =	simm.s32 $0x7000;
	s14 =	sadd.s32 $0x580, s2  }
0x422: {  	[tilespmem:s15], [sflag:$0x2] =	stream.linear.gather [hbm4b:s14+s0], $0x100, $0x38;
	[tilespmem:$0x1C000] =	vst v63  }
0x423: {  	p1 =	por $0x0, $0x0;
	s16 =	sadd.s32 $0x600, s2;
	s1 =	simm.s32 $0x1  }
0x424: {  	[tilespmem:s17], [sflag:$0x2] =	stream.linear.gather [hbm4b:s16+s0], $0x100, $0x38;
	[tilespmem:$0x1C000] =	vst v63  }
0x425: {  	s19 =	simm.s32 $0x7400;
	s18 =	sadd.s32 $0x680, s2;
	s1 =	simm.s32 @!p1 $0x0  }
0x426: {  	[tilespmem:s19], [sflag:$0x2] =	stream.linear.gather [hbm4b:s18+s0], $0x100, $0x38;
	[tilespmem:$0x1C000] =	vst v63  }
0x427: {  	s20 =	sadd.s32 $0x700, s2;
	s21 =	simm.s32 $0x7800;
	s1 =	sshll.u32 s1, $0x6  }
0x428: {  	[tilespmem:s21], [sflag:$0x2] =	stream.linear.gather [hbm4b:s20+s0], $0x100, $0x38;
	[tilespmem:$0x1C000] =	vst v63  }
0x429: {  	s22 =	sadd.s32 $0x780, s2;
	s23 =	simm.s32 $0x7C00;
	s24 =	simm.s32 $0x2  }
0x42a: {  	[tilespmem:s23], [sflag:$0x2] =	stream.linear.gather [hbm4b:s22+s0], $0x100, $0x38;
	[tilespmem:$0x1C000] =	vst v63  }
0x42b: {  	s1 =	sadd.s32 $0x0, s1;
	_ =	swait.ge [sflag:s24], $0x1000  }
0x42c: {  	s25 =	sadd.s32 $0x30, s1;
	[sflag:s24] =	ssyncset.done $0x0  }
0x42d: {  	s2 =	sor.u32 $0x280, s25;
	s26 =	sadd.s32 $0x10, s1;
	[sflag:s24] =	ssyncadd.s32 $0xFFFFF000  }
0x42e: {  	s3 =	sor.u32 $0x280, s26;
	s4 =	sadd.s32 $0x20, s1;
	v2 =	vld [tilespmem:s2+$0x0]  }
0x42f: {  	s28 =	sor.u32 $0x280, s4;
	v3 =	vld [tilespmem:s3+$0x0]  }
0x430: {  	s1 =	sor.u32 $0x280, s1;
	v5 =	vld [tilespmem:s28+$0x0]  }
0x431: {  	v6 =	vld [tilespmem:s1+$0x0];
	_ =	sdelay $0x2  }
0x432: {  	s29 =	sand.u32 $0x40, s0;
	s31 =	sand.u32 $0x3C00, s0;
	vm0 =	vgt.s32 v2, $0x1  }
0x433: {  	s1 =	sor.u32 s29, s31;
	vm1 =	vgt.s32 v3, $0x1;
	v2 =	vnsel vm0, $0x0, v2  }
0x434: {  	v4 =	vld [tilespmem:s1+$0x4010];
	vm14 =	vgt.s32 v5, $0x1;
	vm15 =	vgt.s32 v6, $0x1;
	v3 =	vnsel vm1, $0x0, v3;
	[tilespmem:s1+$0x14030] =	vst v2  }
0x435: {  	v6 =	vnsel vm15, $0x0, v6;
	[tilespmem:s1+$0x14010] =	vst v3;
	v3 =	vnsel vm14, $0x0, v5;
	v5 =	vld [tilespmem:s1+$0x4000]  }
0x436: {  	v2 =	vld [tilespmem:s1+$0x4020];
	[tilespmem:s1+$0x14000] =	vst v6  }
0x437: {  	p1 =	por !p1, !p1;
	s2 =	simm.s32 $0x0;
	s3 =	simm.s32 $0x0;
	[tilespmem:s1+$0x14020] =	vst v3;
	v3 =	vld [tilespmem:s1+$0x4030]  }
.LBB2_22:
0x438: {  	s4 =	simm.s32 $0x1  }
0x439: {  	s2 =	sadd.s32 $0x4, s2;
	[tilespmem:s1+$0xC090] =	vst v0;
	s4 =	simm.s32 @!p1 $0x0  }
0x43a: {  	s0 =	sadd.s32 $0x200, s0;
	p2 =	slt.u32 s2, $0x7C;
	vm0 =	vgt.s32 v5, $0x1;
	s4 =	sshll.u32 s4, $0x6;
	[tilespmem:s1+$0x14090] =	vst v0  }
0x43b: {  	v5 =	vsel vm0, $0x4, v0;
	vm0 =	vgt.s32 v4, $0x1;
	s4 =	sadd.s32 s4, s0;
	[tilespmem:s1+$0xC0A0] =	vst v0  }
0x43c: {  	v4 =	vsel vm0, $0x4, v0;
	vm0 =	vgt.s32 v2, $0x1;
	s5 =	sadd.s32 $0x10, s4;
	s6 =	sadd.s32 $0x20, s4;
	s7 =	sadd.s32 $0x30, s4;
	[tilespmem:s1+$0xC000] =	vst v5  }
0x43d: {  	v2 =	vsel vm0, $0x4, v0;
	vm0 =	vgt.s32 v3, $0x1;
	s5 =	sor.u32 $0x280, s5;
	s6 =	sor.u32 $0x280, s6;
	s7 =	sor.u32 $0x280, s7;
	[tilespmem:s1+$0xC010] =	vst v4  }
0x43e: {  	s4 =	sor.u32 $0x280, s4;
	v3 =	vld [tilespmem:s7+$0x0];
	[tilespmem:s1+$0xC020] =	vst v2;
	v2 =	vsel vm0, $0x4, v0  }
0x43f: {  	v4 =	vld [tilespmem:s5+$0x0];
	[tilespmem:s1+$0xC030] =	vst v2  }
0x440: {  	v2 =	vld [tilespmem:s6+$0x0];
	[tilespmem:s1+$0x140A0] =	vst v0  }
0x441: {  	v6 =	vld [tilespmem:s4+$0x0];
	[tilespmem:s1+$0xC0B0] =	vst v0  }
0x442: {  	s3 =	sadd.s32 $0x40, s3;
	[tilespmem:s1+$0x140B0] =	vst v0  }
0x443: {  	s5 =	sand.u32 $0x3C00, s0;
	s4 =	sand.u32 $0x40, s3;
	vm0 =	vgt.s32 v3, $0x1;
	[tilespmem:s1+$0xC080] =	vst v0  }
.Ltmp13:
0x444: {  	vm1 =	vgt.s32 v4, $0x1;
	v3 =	vnsel vm0, $0x0, v3;
	[tilespmem:s1+$0x14080] =	vst v0;
	s1 =	sor.u32 s4, s5;
	(pc) =	sbr.rel @p2 .LBB2_22-.Ltmp13, $4  }
0x445: {  	v5 =	vld [tilespmem:s1+$0x4000];
	v7 =	vnsel vm1, $0x0, v4;
	vm0 =	vgt.s32 v2, $0x1;
	[tilespmem:s1+$0x14030] =	vst v3  }
0x446: {  	vm1 =	vgt.s32 v6, $0x1;
	v4 =	vld [tilespmem:s1+$0x4010];
	[tilespmem:s1+$0x14010] =	vst v7;
	v3 =	vnsel vm0, $0x0, v2  }
0x447: {  	v6 =	vnsel vm1, $0x0, v6;
	v2 =	vld [tilespmem:s1+$0x4020];
	[tilespmem:s1+$0x14020] =	vst v3  }
0x448: {  	p1 =	por !p1, !p1;
	[tilespmem:s1+$0x14000] =	vst v6;
	v3 =	vld [tilespmem:s1+$0x4030]  }
0x449: {  	[tilespmem:s1+$0xC090] =	vst v0  }
0x44a: {  	[tilespmem:s1+$0x14090] =	vst v0  }
0x44b: {  	[tilespmem:s1+$0xC0A0] =	vst v0  }
0x44c: {  	[tilespmem:s1+$0x140A0] =	vst v0  }
0x44d: {  	[tilespmem:s1+$0xC0B0] =	vst v0  }
0x44e: {  	[tilespmem:s1+$0x140B0] =	vst v0  }
0x44f: {  	[tilespmem:s1+$0xC080] =	vst v0;
	vm0 =	vgt.s32 v5, $0x1  }
0x450: {  	[tilespmem:s1+$0x14080] =	vst v0;
	v5 =	vsel vm0, $0x4, v0;
	vm13 =	vgt.s32 v4, $0x1  }
0x451: {  	[tilespmem:s1+$0xC000] =	vst v5;
	v4 =	vsel vm13, $0x4, v0;
	vm14 =	vgt.s32 v2, $0x1  }
0x452: {  	[tilespmem:s1+$0xC010] =	vst v4;
	v2 =	vsel vm14, $0x4, v0;
	vm15 =	vgt.s32 v3, $0x1  }
0x453: {  	[tilespmem:s1+$0xC020] =	vst v2;
	v2 =	vsel vm15, $0x4, v0  }
0x454: {  	[tilespmem:s1+$0xC030] =	vst v2  }
0x455: {  	s0 =	simm.s32 $0xC000;
	s1 =	rddreg [dreg:$0xe]  }
0x456: {  	[hbm4b:s1+s30] =	stream.linear.scatter [tilespmem:s0], [sflag:$0x6], $0x100, $0x38;
	[tilespmem:$0x1C000] =	vst v63  }
0x457: {  	s2 =	simm.s32 $0xC400;
	s25 =	sadd.s32 $0x80, s1  }
0x458: {  	[hbm4b:s25+s30] =	stream.linear.scatter [tilespmem:s2], [sflag:$0x6], $0x100, $0x38;
	[tilespmem:$0x1C000] =	vst v63  }
0x459: {  	s28 =	simm.s32 $0xC800;
	s26 =	sadd.s32 $0x100, s1  }
0x45a: {  	[hbm4b:s26+s30] =	stream.linear.scatter [tilespmem:s28], [sflag:$0x6], $0x100, $0x38;
	[tilespmem:$0x1C000] =	vst v63  }
0x45b: {  	s31 =	simm.s32 $0xCC00;
	s29 =	sadd.s32 $0x180, s1  }
0x45c: {  	[hbm4b:s29+s30] =	stream.linear.scatter [tilespmem:s31], [sflag:$0x6], $0x100, $0x38;
	[tilespmem:$0x1C000] =	vst v63  }
0x45d: {  	s3 =	simm.s32 $0xD000;
	s2 =	sadd.s32 $0x200, s1  }
0x45e: {  	[hbm4b:s2+s30] =	stream.linear.scatter [tilespmem:s3], [sflag:$0x6], $0x100, $0x38;
	[tilespmem:$0x1C000] =	vst v63  }
0x45f: {  	s5 =	simm.s32 $0xD400;
	s4 =	sadd.s32 $0x280, s1  }
0x460: {  	[hbm4b:s4+s30] =	stream.linear.scatter [tilespmem:s5], [sflag:$0x6], $0x100, $0x38;
	[tilespmem:$0x1C000] =	vst v63  }
0x461: {  	s7 =	simm.s32 $0xD800;
	s6 =	sadd.s32 $0x300, s1  }
0x462: {  	[hbm4b:s6+s30] =	stream.linear.scatter [tilespmem:s7], [sflag:$0x6], $0x100, $0x38;
	[tilespmem:$0x1C000] =	vst v63  }
0x463: {  	s9 =	simm.s32 $0xDC00;
	s8 =	sadd.s32 $0x380, s1  }
0x464: {  	[hbm4b:s8+s30] =	stream.linear.scatter [tilespmem:s9], [sflag:$0x6], $0x100, $0x38;
	[tilespmem:$0x1C000] =	vst v63  }
0x465: {  	s11 =	simm.s32 $0xE000;
	s10 =	sadd.s32 $0x400, s1  }
0x466: {  	[hbm4b:s10+s30] =	stream.linear.scatter [tilespmem:s11], [sflag:$0x6], $0x100, $0x38;
	[tilespmem:$0x1C000] =	vst v63  }
0x467: {  	s13 =	simm.s32 $0xE400;
	s12 =	sadd.s32 $0x480, s1  }
0x468: {  	[hbm4b:s12+s30] =	stream.linear.scatter [tilespmem:s13], [sflag:$0x6], $0x100, $0x38;
	[tilespmem:$0x1C000] =	vst v63  }
0x469: {  	s15 =	simm.s32 $0xE800;
	s14 =	sadd.s32 $0x500, s1  }
0x46a: {  	[hbm4b:s14+s30] =	stream.linear.scatter [tilespmem:s15], [sflag:$0x6], $0x100, $0x38;
	[tilespmem:$0x1C000] =	vst v63  }
0x46b: {  	s17 =	simm.s32 $0xEC00;
	s16 =	sadd.s32 $0x580, s1  }
0x46c: {  	[hbm4b:s16+s30] =	stream.linear.scatter [tilespmem:s17], [sflag:$0x6], $0x100, $0x38;
	[tilespmem:$0x1C000] =	vst v63  }
0x46d: {  	s19 =	simm.s32 $0xF000;
	s18 =	sadd.s32 $0x600, s1  }
0x46e: {  	[hbm4b:s18+s30] =	stream.linear.scatter [tilespmem:s19], [sflag:$0x6], $0x100, $0x38;
	[tilespmem:$0x1C000] =	vst v63  }
0x46f: {  	s21 =	simm.s32 $0xF400;
	s20 =	sadd.s32 $0x680, s1  }
0x470: {  	[hbm4b:s20+s30] =	stream.linear.scatter [tilespmem:s21], [sflag:$0x6], $0x100, $0x38;
	[tilespmem:$0x1C000] =	vst v63  }
0x471: {  	s23 =	simm.s32 $0xF800;
	s22 =	sadd.s32 $0x700, s1  }
0x472: {  	[hbm4b:s22+s30] =	stream.linear.scatter [tilespmem:s23], [sflag:$0x6], $0x100, $0x38;
	[tilespmem:$0x1C000] =	vst v63  }
0x473: {  	s24 =	sadd.s32 $0x780, s1;
	s25 =	simm.s32 $0xFC00;
	s2 =	simm.s32 $0x6  }
0x474: {  	[hbm4b:s24+s30] =	stream.linear.scatter [tilespmem:s25], [sflag:$0x6], $0x100, $0x38;
	[tilespmem:$0x1C000] =	vst v63  }
0x475: {  	_ =	swait.ge [sflag:s2], $0x1000  }
0x476: {  	[sflag:s2] =	ssyncset.done $0x0  }
0x477: {  	s26 =	simm.s32 $0x14000;
	s1 =	rddreg [dreg:$0xf];
	[sflag:s2] =	ssyncadd.s32 $0xFFFFF000  }
0x478: {  	[hbm4b:s1+s30] =	stream.linear.scatter [tilespmem:s26], [sflag:$0x6], $0x100, $0x38;
	[tilespmem:$0x1C000] =	vst v63  }
0x479: {  	s3 =	simm.s32 $0x14400;
	s28 =	sadd.s32 $0x80, s1  }
0x47a: {  	[hbm4b:s28+s30] =	stream.linear.scatter [tilespmem:s3], [sflag:$0x6], $0x100, $0x38;
	[tilespmem:$0x1C000] =	vst v63  }
0x47b: {  	s31 =	simm.s32 $0x14800;
	s29 =	sadd.s32 $0x100, s1  }
0x47c: {  	[hbm4b:s29+s30] =	stream.linear.scatter [tilespmem:s31], [sflag:$0x6], $0x100, $0x38;
	[tilespmem:$0x1C000] =	vst v63  }
0x47d: {  	s5 =	simm.s32 $0x14C00;
	s4 =	sadd.s32 $0x180, s1  }
0x47e: {  	[hbm4b:s4+s30] =	stream.linear.scatter [tilespmem:s5], [sflag:$0x6], $0x100, $0x38;
	[tilespmem:$0x1C000] =	vst v63  }
0x47f: {  	s7 =	simm.s32 $0x15000;
	s6 =	sadd.s32 $0x200, s1  }
0x480: {  	[hbm4b:s6+s30] =	stream.linear.scatter [tilespmem:s7], [sflag:$0x6], $0x100, $0x38;
	[tilespmem:$0x1C000] =	vst v63  }
0x481: {  	s9 =	simm.s32 $0x15400;
	s8 =	sadd.s32 $0x280, s1  }
0x482: {  	[hbm4b:s8+s30] =	stream.linear.scatter [tilespmem:s9], [sflag:$0x6], $0x100, $0x38;
	[tilespmem:$0x1C000] =	vst v63  }
0x483: {  	s11 =	simm.s32 $0x15800;
	s10 =	sadd.s32 $0x300, s1  }
0x484: {  	[hbm4b:s10+s30] =	stream.linear.scatter [tilespmem:s11], [sflag:$0x6], $0x100, $0x38;
	[tilespmem:$0x1C000] =	vst v63  }
0x485: {  	s13 =	simm.s32 $0x15C00;
	s12 =	sadd.s32 $0x380, s1  }
0x486: {  	[hbm4b:s12+s30] =	stream.linear.scatter [tilespmem:s13], [sflag:$0x6], $0x100, $0x38;
	[tilespmem:$0x1C000] =	vst v63  }
0x487: {  	s15 =	simm.s32 $0x16000;
	s14 =	sadd.s32 $0x400, s1  }
0x488: {  	[hbm4b:s14+s30] =	stream.linear.scatter [tilespmem:s15], [sflag:$0x6], $0x100, $0x38;
	[tilespmem:$0x1C000] =	vst v63  }
0x489: {  	s17 =	simm.s32 $0x16400;
	s16 =	sadd.s32 $0x480, s1  }
0x48a: {  	[hbm4b:s16+s30] =	stream.linear.scatter [tilespmem:s17], [sflag:$0x6], $0x100, $0x38;
	[tilespmem:$0x1C000] =	vst v63  }
0x48b: {  	s19 =	simm.s32 $0x16800;
	s18 =	sadd.s32 $0x500, s1  }
0x48c: {  	[hbm4b:s18+s30] =	stream.linear.scatter [tilespmem:s19], [sflag:$0x6], $0x100, $0x38;
	[tilespmem:$0x1C000] =	vst v63  }
0x48d: {  	s21 =	simm.s32 $0x16C00;
	s20 =	sadd.s32 $0x580, s1  }
0x48e: {  	[hbm4b:s20+s30] =	stream.linear.scatter [tilespmem:s21], [sflag:$0x6], $0x100, $0x38;
	[tilespmem:$0x1C000] =	vst v63  }
0x48f: {  	s23 =	simm.s32 $0x17000;
	s22 =	sadd.s32 $0x600, s1  }
0x490: {  	[hbm4b:s22+s30] =	stream.linear.scatter [tilespmem:s23], [sflag:$0x6], $0x100, $0x38;
	[tilespmem:$0x1C000] =	vst v63  }
0x491: {  	s25 =	simm.s32 $0x17400;
	s24 =	sadd.s32 $0x680, s1  }
0x492: {  	[hbm4b:s24+s30] =	stream.linear.scatter [tilespmem:s25], [sflag:$0x6], $0x100, $0x38;
	[tilespmem:$0x1C000] =	vst v63  }
0x493: {  	s26 =	sadd.s32 $0x700, s1;
	s28 =	simm.s32 $0x17800  }
0x494: {  	[hbm4b:s26+s30] =	stream.linear.scatter [tilespmem:s28], [sflag:$0x6], $0x100, $0x38;
	[tilespmem:$0x1C000] =	vst v63  }
.Ltmp14:
0x495: {  	s29 =	sadd.s32 $0x780, s1;
	s31 =	simm.s32 $0x17C00;
	(pc) =	sbr.rel .LBB2_24-.Ltmp14, $4  }
0x496: {  	[hbm4b:s29+s30] =	stream.linear.scatter [tilespmem:s31], [sflag:$0x6], $0x100, $0x38;
	[tilespmem:$0x1C000] =	vst v63  }
0x497: {  	_ =	swait.ge [sflag:s2], $0x1000  }
0x498: {  	[sflag:s2] =	ssyncset.done $0x0  }
0x499: {  	s1 =	rddreg [dreg:$0x11];
	[sflag:s2] =	ssyncadd.s32 $0xFFFFF000  }
.LBB2_25:
0x49a: {  	_ =	sfence.sel $0x180000  }
0x49b: {  	[bflag:$0x0] =	sbarrier.arrive $0xFFFF  }
0x49c: {  	_ =	strace $0x90000047  }
0x49d: {  	s0 =	stileid.u32;
	[bflag:$0x2] =	sbarrier.arrive $0xFFFF  }
0x49e: {  	p0 =	sne.s32 s0, $0x0;
	s0 =	rddreg [dreg:$0x3]  }
0x49f: {  	s0 =	sadd.s32 @!p0 $0x100000, s0  }
0x4a0: {  	[sflag:s0] =	ssyncadd.tile.s32 @!p0 $0x1;
	_ =	shalt  }
.Lfunc_end2:
_tile_overlayer_lowered:
.L_overlay_start_2:
0x4a1: {  	(tag) =	ssettag $0x2  }
0x4a2: {  	s0 =	rddreg [dreg:$0x0];
	s2 =	stileid.u32  }
0x4a3: {  	s1 =	rddreg [dreg:$0x1];
	p0 =	sne.s32 s2, $0x0  }
0x4a4: {  	s3 =	rddreg [dreg:$0x2];
	[bflag:$0x3] =	sbarrier.arrive $0xFFFF;
	s2 =	simm.s32 @!p0 $0x1C06  }
0x4a5: {  	[timem:s3], [sflag:s2] =	dma.local @!p0 [hbm:s0], s1  }
0x4a6: {  	s0 =	simm.s32 @!p0 $0x6  }
0x4a7: {  	_ =	swait.ge @!p0 [sflag:s0], s1  }
0x4a8: {  	s1 =	ssub.s32 @!p0 $0x0, s1;
	[sflag:s0] =	ssyncset.done @!p0 $0x0  }
0x4a9: {  	[sflag:s0] =	ssyncadd.s32 @!p0 s1  }
0x4aa: {  	[bflag:$0x3] =	sbarrier.arrive $0xFFFF  }
0x4ab: {  	_ =	shalt  }

</sc_bundles>
